<compile_context>
chip_gen: v7x
topology: tpu7x:2x2x1
jax: 0.10.2.dev20260603
libtpu: 0.0.44.dev20260713+nightly
codegen_flags: <defaults>
</compile_context>

<pallas_src>
import functools

import jax
import jax.numpy as jnp
from jax import lax
from jax.experimental import pallas as pl
from jax.experimental.pallas import tpu as pltpu
from jax.experimental.pallas import tpu_sc as plsc

N = 4096
L = 16
NC = 2
NS = 16
NW = NC * NS
ROWS_PER_TILE = N // NW
GROUPS = ROWS_PER_TILE // L
INF = float("inf")
WB_OFF = 8
CH = 8


def _nn_pool_body(x2_h, y2_h, x1_h, y1_h, wb_h, out_h,
                  x2, y2, vx, vy, wb, out_v):
    cid = lax.axis_index("c")
    sid = lax.axis_index("s")
    wid = sid * NC + cid
    row_base = wid * ROWS_PER_TILE

    pltpu.sync_copy(x2_h, x2)
    pltpu.sync_copy(y2_h, y2)
    pltpu.sync_copy(x1_h, vx)
    pltpu.sync_copy(y1_h, vy)
    pltpu.sync_copy(wb_h, wb)

    lanes = lax.broadcasted_iota(jnp.int32, (L,), 0)

    def vel_body(k, _):
        s = pl.ds(k * L, L)
        vx[s] = x2[s] - vx[s]
        vy[s] = y2[s] - vy[s]
        return 0

    lax.fori_loop(0, N // L, vel_body, 0)

    def splat(ref, idx):
        return plsc.load_gather(ref, [jnp.full((L,), idx, jnp.int32)])

    def insert_one(carry, d, jv):
        v1, v2, v3, v4, a1, a2, a3, a4 = carry
        c1, c2, c3, c4 = d < v1, d < v2, d < v3, d < v4
        nv4 = jnp.where(c4, jnp.where(c3, v3, d), v4)
        na4 = jnp.where(c4, jnp.where(c3, a3, jv), a4)
        nv3 = jnp.where(c3, jnp.where(c2, v2, d), v3)
        na3 = jnp.where(c3, jnp.where(c2, a2, jv), a3)
        nv2 = jnp.where(c2, jnp.where(c1, v1, d), v2)
        na2 = jnp.where(c2, jnp.where(c1, a1, jv), a2)
        nv1 = jnp.where(c1, d, v1)
        na1 = jnp.where(c1, jv, a1)
        return nv1, nv2, nv3, nv4, na1, na2, na3, na4

    def do_group(g, _):
        i0 = row_base + g * L
        ivec = i0 + lanes
        xi = x2[pl.ds(i0, L)]
        yi = y2[pl.ds(i0, L)]

        def chunk_dists(j0):
            xc = x2[pl.ds(j0, L)]
            yc = y2[pl.ds(j0, L)]
            out = []
            for k in range(L):
                jv = jnp.full((L,), j0 + k, jnp.int32)
                dx = xc[k] - xi
                dy = yc[k] - yi
                out.append((dx * dx + dy * dy, jv))
            return out

        def chunk_body(jc, carry):
            for d, jv in chunk_dists(jc * L):
                carry = insert_one(carry, d, jv)
            return carry

        def self_chunk(carry):
            for d, jv in chunk_dists(i0):
                d = jnp.where(jv == ivec, INF, d)
                carry = insert_one(carry, d, jv)
            return carry

        inf_v = jnp.full((L,), INF)
        zer = jnp.zeros((L,), jnp.int32)
        carry = (inf_v, inf_v, inf_v, inf_v, zer, zer, zer, zer)
        carry = plsc.parallel_loop(0, i0 // L, 1, unroll=2, carry=carry)(chunk_body)
        carry = self_chunk(carry)
        carry = plsc.parallel_loop(i0 // L + 1, N // L, 1, unroll=2, carry=carry)(chunk_body)
        _, _, _, _, a1, a2, a3, a4 = carry

        vxi = vx[pl.ds(i0, L)]
        vyi = vy[pl.ds(i0, L)]
        rvec = g * L + lanes
        feats = []
        for an in (a1, a2, a3, a4):
            feats.append((plsc.load_gather(x2, [an]) - xi,
                          plsc.load_gather(y2, [an]) - yi,
                          plsc.load_gather(vx, [an]) - vxi,
                          plsc.load_gather(vy, [an]) - vyi))
        for o in range(8):
            w0 = splat(wb, WB_OFF + 0 * 8 + o)
            w1 = splat(wb, WB_OFF + 1 * 8 + o)
            w2 = splat(wb, WB_OFF + 2 * 8 + o)
            w3 = splat(wb, WB_OFF + 3 * 8 + o)
            bo = splat(wb, WB_OFF + 32 + o)
            for n, (fx, fy, fvx, fvy) in enumerate(feats):
                acc = fx * w0 + fy * w1 + fvx * w2 + fvy * w3 + bo
                acc = jnp.maximum(acc, 0.0)
                plsc.store_scatter(out_v, [rvec, jnp.full((L,), n * 8 + o, jnp.int32)], acc)
        return 0

    lax.fori_loop(0, GROUPS, do_group, 0)
    pltpu.sync_copy(out_v, out_h.at[pl.ds(row_base, ROWS_PER_TILE)])


@jax.jit
def _nn_pool(x2, y2, x1, y1, wb):
    mesh = plsc.VectorSubcoreMesh(core_axis_name="c", subcore_axis_name="s",
                                  num_cores=NC)
    f = functools.partial(
        pl.kernel,
        mesh=mesh,
        compiler_params=pltpu.CompilerParams(needs_layout_passes=False),
        out_type=jax.ShapeDtypeStruct((N, 32), jnp.float32),
        scratch_types=[
            pltpu.VMEM((N,), jnp.float32),
            pltpu.VMEM((N,), jnp.float32),
            pltpu.VMEM((N,), jnp.float32),
            pltpu.VMEM((N,), jnp.float32),
            pltpu.VMEM((48,), jnp.float32),
            pltpu.VMEM((ROWS_PER_TILE, 32), jnp.float32),
        ],
    )(_nn_pool_body)
    return f(x2, y2, x1, y1, wb)


def kernel(_, obs1, obs2, W, b):
    x2 = obs2[:, 0]
    y2 = obs2[:, 1]
    x1 = obs1[:, 0]
    y1 = obs1[:, 1]
    wb = jnp.concatenate([jnp.zeros((WB_OFF,), jnp.float32), W.reshape(32), b])
    return _nn_pool(x2, y2, x1, y1, wb)

# --- scband reference (transcript-rebuilt; emitter-appended) ---
"""Pipeline reference for scband-nn-pooling-63410897158182 (READ-ONLY COPY).

The authoritative reference and input builder live on the scoring server;
editing this copy changes nothing except your own understanding.
"""

import jax, jax.numpy as jnp
import numpy as np

N = 4096
NEIGH = 4
OUT_DIM = 32
INPUT_DIM = 4  # no_vel=False -> rel position (2) + rel velocity (2)
EMB_DIM = OUT_DIM // NEIGH  # 8


def setup_inputs(seed: int = 0) -> dict:
    key = jax.random.key(seed)
    k1, k2, k3, k4 = jax.random.split(key, 4)
    obs1 = jax.random.normal(k1, (N, 2), dtype=jnp.float32)
    obs2 = jax.random.normal(k2, (N, 2), dtype=jnp.float32)
    # torch.nn.Linear(4, 8) params; stored as [in, out] so forward is x @ W + b
    W = jax.random.normal(k3, (INPUT_DIM, EMB_DIM), dtype=jnp.float32) * 0.1
    b = jax.random.normal(k4, (EMB_DIM,), dtype=jnp.float32) * 0.1
    return {"_": 0, "obs1": obs1, "obs2": obs2, "W": W, "b": b}


def reference(_, obs1, obs2, W, b):
    num_tracks = obs2.shape[0]
    offdiag = ~np.eye(num_tracks, dtype=bool)

    # rel_obs: relative positions of all pairs, diagonal (self) removed
    rel_position = obs2[None, :, :] - obs2[:, None, :]          # [N, N, 2]
    rel_position = rel_position[offdiag].reshape(num_tracks, num_tracks - 1, 2)

    # rel_directional: relative velocities of all pairs, diagonal removed
    vel = obs2 - obs1
    rel_direction = vel[None, :, :] - vel[:, None, :]           # [N, N, 2]
    rel_direction = rel_direction[offdiag].reshape(num_tracks, num_tracks - 1, 2)

    overall_grid = jnp.concatenate([rel_position, rel_direction], axis=2)  # [N, N-1, 4]

    # num_tracks - 1 >= NEIGH, so take the top-n nearest neighbours
    rel_distance = jnp.linalg.norm(rel_position, axis=2)        # [N, N-1]
    _vals, dist_index = jax.lax.top_k(-rel_distance, NEIGH)     # [N, n]
    idx = jnp.broadcast_to(dist_index[:, :, None], (num_tracks, NEIGH, INPUT_DIM))
    nearest_grid = jnp.take_along_axis(overall_grid, idx, axis=1)  # [N, n, 4]

    # embedding: Linear(4, 8) + ReLU
    nearest_grid = jax.nn.relu(nearest_grid @ W + b)            # [N, n, 8]
    return nearest_grid.reshape(num_tracks, -1)                 # [N, 32]

if __name__ == "__main__":
    import jax
    _d = setup_inputs()
    print(jax.jit(kernel)(*tuple(_d.values())))

</pallas_src>

<mosaic_0001>
#map = affine_map<(d0, d1) -> (0)>
#map1 = affine_map<(d0, d1) -> (0, 0)>
module attributes {stable_mosaic.version = 14 : i64} {
  func.func @_nn_pool_body(%arg0: i32, %arg1: i32, %arg2: memref<4096xf32, #tpu.memory_space<hbm>>, %arg3: memref<4096xf32, #tpu.memory_space<hbm>>, %arg4: memref<4096xf32, #tpu.memory_space<hbm>>, %arg5: memref<4096xf32, #tpu.memory_space<hbm>>, %arg6: memref<48xf32, #tpu.memory_space<hbm>>, %arg7: memref<4096x32xf32, #tpu.memory_space<hbm>>, %arg8: memref<4096xf32, #tpu.memory_space<vmem>>, %arg9: memref<4096xf32, #tpu.memory_space<vmem>>, %arg10: memref<4096xf32, #tpu.memory_space<vmem>>, %arg11: memref<4096xf32, #tpu.memory_space<vmem>>, %arg12: memref<48xf32, #tpu.memory_space<vmem>>, %arg13: memref<128x32xf32, #tpu.memory_space<vmem>>) attributes {dimension_semantics = [#tpu.dimension_semantics<core_parallel>, #tpu.dimension_semantics<subcore_parallel>], iteration_bounds = array<i64: 2, 16>, scalar_prefetch = 0 : i64, scratch_operands = 6 : i64, tpu.core_type = #tpu.core_type<sc_vector_subcore>, window_params = [{transform_indices = #map}, {transform_indices = #map}, {transform_indices = #map}, {transform_indices = #map}, {transform_indices = #map}, {transform_indices = #map1}]} {
    %mul3A = arith.constant 2 : i32
    %mul3A_0 = arith.muli %arg1, %mul3A : i32
    %add3A = arith.addi %mul3A_0, %arg0 : i32
    %mul3A_1 = arith.constant 128 : i32
    %mul3A_2 = arith.muli %add3A, %mul3A_1 : i32
    "tpu.region"() ({
      %run_scoped3A = tpu.sem_alloc : memref<!tpu.dma_semaphore, #tpu.memory_space<semaphore_mem>>
      tpu.enqueue_dma source(%arg2 : memref<4096xf32, #tpu.memory_space<hbm>>) target(%arg8 : memref<4096xf32, #tpu.memory_space<vmem>>) target_semaphore(%run_scoped3A : memref<!tpu.dma_semaphore, #tpu.memory_space<semaphore_mem>>)
      tpu.wait_dma2 semaphore(%run_scoped3A : memref<!tpu.dma_semaphore, #tpu.memory_space<semaphore_mem>>) src(%arg2 : memref<4096xf32, #tpu.memory_space<hbm>>) dst(%arg8 : memref<4096xf32, #tpu.memory_space<vmem>>)
      tpu.yield
    }) : () -> ()
    "tpu.region"() ({
      %run_scoped3A = tpu.sem_alloc : memref<!tpu.dma_semaphore, #tpu.memory_space<semaphore_mem>>
      tpu.enqueue_dma source(%arg3 : memref<4096xf32, #tpu.memory_space<hbm>>) target(%arg9 : memref<4096xf32, #tpu.memory_space<vmem>>) target_semaphore(%run_scoped3A : memref<!tpu.dma_semaphore, #tpu.memory_space<semaphore_mem>>)
      tpu.wait_dma2 semaphore(%run_scoped3A : memref<!tpu.dma_semaphore, #tpu.memory_space<semaphore_mem>>) src(%arg3 : memref<4096xf32, #tpu.memory_space<hbm>>) dst(%arg9 : memref<4096xf32, #tpu.memory_space<vmem>>)
      tpu.yield
    }) : () -> ()
    "tpu.region"() ({
      %run_scoped3A = tpu.sem_alloc : memref<!tpu.dma_semaphore, #tpu.memory_space<semaphore_mem>>
      tpu.enqueue_dma source(%arg4 : memref<4096xf32, #tpu.memory_space<hbm>>) target(%arg10 : memref<4096xf32, #tpu.memory_space<vmem>>) target_semaphore(%run_scoped3A : memref<!tpu.dma_semaphore, #tpu.memory_space<semaphore_mem>>)
      tpu.wait_dma2 semaphore(%run_scoped3A : memref<!tpu.dma_semaphore, #tpu.memory_space<semaphore_mem>>) src(%arg4 : memref<4096xf32, #tpu.memory_space<hbm>>) dst(%arg10 : memref<4096xf32, #tpu.memory_space<vmem>>)
      tpu.yield
    }) : () -> ()
    "tpu.region"() ({
      %run_scoped3A = tpu.sem_alloc : memref<!tpu.dma_semaphore, #tpu.memory_space<semaphore_mem>>
      tpu.enqueue_dma source(%arg5 : memref<4096xf32, #tpu.memory_space<hbm>>) target(%arg11 : memref<4096xf32, #tpu.memory_space<vmem>>) target_semaphore(%run_scoped3A : memref<!tpu.dma_semaphore, #tpu.memory_space<semaphore_mem>>)
      tpu.wait_dma2 semaphore(%run_scoped3A : memref<!tpu.dma_semaphore, #tpu.memory_space<semaphore_mem>>) src(%arg5 : memref<4096xf32, #tpu.memory_space<hbm>>) dst(%arg11 : memref<4096xf32, #tpu.memory_space<vmem>>)
      tpu.yield
    }) : () -> ()
    "tpu.region"() ({
      %run_scoped3A = tpu.sem_alloc : memref<!tpu.dma_semaphore, #tpu.memory_space<semaphore_mem>>
      tpu.enqueue_dma source(%arg6 : memref<48xf32, #tpu.memory_space<hbm>>) target(%arg12 : memref<48xf32, #tpu.memory_space<vmem>>) target_semaphore(%run_scoped3A : memref<!tpu.dma_semaphore, #tpu.memory_space<semaphore_mem>>)
      tpu.wait_dma2 semaphore(%run_scoped3A : memref<!tpu.dma_semaphore, #tpu.memory_space<semaphore_mem>>) src(%arg6 : memref<48xf32, #tpu.memory_space<hbm>>) dst(%arg12 : memref<48xf32, #tpu.memory_space<vmem>>)
      tpu.yield
    }) : () -> ()
    %iota3A = tpu.iota {dimensions = array<i32: 0>} : vector<16xi32>
    %scan3A = arith.constant 0 : i32
    %scan3A_3 = arith.constant 0 : i32
    %scan3A_4 = arith.constant 256 : i32
    %scan3A_5 = arith.addi %scan3A_3, %scan3A_4 : i32
    %scan3A_6 = arith.constant 1 : i32
    %scan3A_7 = scf.for %scan3A_16 = %scan3A_3 to %scan3A_5 step %scan3A_6 iter_args(%scan3A_17 = %scan3A) -> (i32)  : i32 {
      %mul3A_18 = arith.constant 16 : i32
      %mul3A_19 = arith.muli %scan3A_16, %mul3A_18 : i32
      %get3A = arith.index_cast %mul3A_19 : i32 to index
      %get3A_20 = tpu.vector_load %arg8[%get3A] {strides = array<i32>} : memref<4096xf32, #tpu.memory_space<vmem>>, vector<16xf32>,
      %get3A_21 = arith.index_cast %mul3A_19 : i32 to index
      %get3A_22 = tpu.vector_load %arg10[%get3A_21] {strides = array<i32>} : memref<4096xf32, #tpu.memory_space<vmem>>, vector<16xf32>,
      %sub3A = arith.subf %get3A_20, %get3A_22 : vector<16xf32>
      %swap3A = arith.index_cast %mul3A_19 : i32 to index
      %swap3A_23 = tpu.vector_load %arg10[%swap3A] {strides = array<i32>} : memref<4096xf32, #tpu.memory_space<vmem>>, vector<16xf32>,
      tpu.vector_store %arg10[%swap3A], %sub3A {strides = array<i32>} : memref<4096xf32, #tpu.memory_space<vmem>>, vector<16xf32>,
      %get3A_24 = arith.index_cast %mul3A_19 : i32 to index
      %get3A_25 = tpu.vector_load %arg9[%get3A_24] {strides = array<i32>} : memref<4096xf32, #tpu.memory_space<vmem>>, vector<16xf32>,
      %get3A_26 = arith.index_cast %mul3A_19 : i32 to index
      %get3A_27 = tpu.vector_load %arg11[%get3A_26] {strides = array<i32>} : memref<4096xf32, #tpu.memory_space<vmem>>, vector<16xf32>,
      %sub3A_28 = arith.subf %get3A_25, %get3A_27 : vector<16xf32>
      %swap3A_29 = arith.index_cast %mul3A_19 : i32 to index
      %swap3A_30 = tpu.vector_load %arg11[%swap3A_29] {strides = array<i32>} : memref<4096xf32, #tpu.memory_space<vmem>>, vector<16xf32>,
      tpu.vector_store %arg11[%swap3A_29], %sub3A_28 {strides = array<i32>} : memref<4096xf32, #tpu.memory_space<vmem>>, vector<16xf32>,
      %scan3A_31 = arith.constant 0 : i32
      scf.yield %scan3A_31 : i32
    }
    %scan3A_8 = arith.constant 256 : i32
    %scan3A_9 = arith.constant 0 : i32
    %scan3A_10 = arith.constant 0 : i32
    %scan3A_11 = arith.constant 8 : i32
    %scan3A_12 = arith.addi %scan3A_10, %scan3A_11 : i32
    %scan3A_13 = arith.constant 1 : i32
    %scan3A_14 = scf.for %scan3A_16 = %scan3A_10 to %scan3A_12 step %scan3A_13 iter_args(%scan3A_17 = %scan3A_9) -> (i32)  : i32 {
      %mul3A_18 = arith.constant 16 : i32
      %mul3A_19 = arith.muli %scan3A_16, %mul3A_18 : i32
      %add3A_20 = arith.addi %mul3A_2, %mul3A_19 : i32
      %add3A_21 = vector.broadcast %add3A_20 : i32 to vector<16xi32>
      %add3A_22 = arith.addi %add3A_21, %iota3A : vector<16xi32>
      %get3A = arith.index_cast %add3A_20 : i32 to index
      %get3A_23 = tpu.vector_load %arg8[%get3A] {strides = array<i32>} : memref<4096xf32, #tpu.memory_space<vmem>>, vector<16xf32>,
      %get3A_24 = arith.index_cast %add3A_20 : i32 to index
      %get3A_25 = tpu.vector_load %arg9[%get3A_24] {strides = array<i32>} : memref<4096xf32, #tpu.memory_space<vmem>>, vector<16xf32>,
      %broadcast_in_dim3A = arith.constant 0x7F800000 : f32
      %broadcast_in_dim3A_26 = vector.broadcast %broadcast_in_dim3A : f32 to vector<16xf32>
      %broadcast_in_dim3A_27 = arith.constant 0 : i32
      %broadcast_in_dim3A_28 = vector.broadcast %broadcast_in_dim3A_27 : i32 to vector<16xi32>
      %jit3A = arith.constant 16 : i32
      %div3A = arith.divsi %add3A_20, %jit3A : i32
      %sign3A = arith.constant 0 : i32
      %sign3A_29 = arith.cmpi sgt, %add3A_20, %sign3A : i32
      %sign3A_30 = arith.extui %sign3A_29 : i1 to i32
      %sign3A_31 = arith.constant 0 : i32
      %sign3A_32 = arith.cmpi slt, %add3A_20, %sign3A_31 : i32
      %sign3A_33 = arith.extui %sign3A_32 : i1 to i32
      %sign3A_34 = arith.subi %sign3A_30, %sign3A_33 : i32
      %sign3A_35 = arith.constant 0 : i32
      %sign3A_36 = arith.cmpi sgt, %jit3A, %sign3A_35 : i32
      %sign3A_37 = arith.extui %sign3A_36 : i1 to i32
      %sign3A_38 = arith.constant 0 : i32
      %sign3A_39 = arith.cmpi slt, %jit3A, %sign3A_38 : i32
      %sign3A_40 = arith.extui %sign3A_39 : i1 to i32
      %sign3A_41 = arith.subi %sign3A_37, %sign3A_40 : i32
      %ne3A = arith.cmpi ne, %sign3A_34, %sign3A_41 : i32
      %rem3A = arith.remsi %add3A_20, %jit3A : i32
      %ne3A_42 = arith.constant 0 : i32
      %ne3A_43 = arith.cmpi ne, %rem3A, %ne3A_42 : i32
      %and3A = arith.andi %ne3A, %ne3A_43 : i1
      %sub3A = arith.constant 1 : i32
      %sub3A_44 = arith.subi %div3A, %sub3A : i32
      %select_n3A = arith.select %and3A, %sub3A_44, %div3A : i32
      %parallel_loop3A = arith.constant 0 : i32
      %parallel_loop3A_45 = arith.constant 1 : i32
      %parallel_loop3A_46:8 = scf.for %parallel_loop3A_1227 = %parallel_loop3A to %select_n3A step %parallel_loop3A_45 iter_args(%parallel_loop3A_1228 = %broadcast_in_dim3A_26, %parallel_loop3A_1229 = %broadcast_in_dim3A_26, %parallel_loop3A_1230 = %broadcast_in_dim3A_26, %parallel_loop3A_1231 = %broadcast_in_dim3A_26, %parallel_loop3A_1232 = %broadcast_in_dim3A_28, %parallel_loop3A_1233 = %broadcast_in_dim3A_28, %parallel_loop3A_1234 = %broadcast_in_dim3A_28, %parallel_loop3A_1235 = %broadcast_in_dim3A_28) -> (vector<16xf32>, vector<16xf32>, vector<16xf32>, vector<16xf32>, vector<16xi32>, vector<16xi32>, vector<16xi32>, vector<16xi32>)  : i32 {
        %parallel_loop3A_1236 = arith.constant 16 : i32
        %parallel_loop3A_1237 = arith.muli %parallel_loop3A_1227, %parallel_loop3A_1236 : i32
        %parallel_loop3A_1238 = arith.index_cast %parallel_loop3A_1237 : i32 to index
        %parallel_loop3A_1239 = tpu.vector_load %arg8[%parallel_loop3A_1238] {strides = array<i32>} : memref<4096xf32, #tpu.memory_space<vmem>>, vector<16xf32>,
        %parallel_loop3A_1240 = arith.index_cast %parallel_loop3A_1237 : i32 to index
        %parallel_loop3A_1241 = tpu.vector_load %arg9[%parallel_loop3A_1240] {strides = array<i32>} : memref<4096xf32, #tpu.memory_space<vmem>>, vector<16xf32>,
        %parallel_loop3A_1242 = arith.constant 0 : i32
        %parallel_loop3A_1243 = arith.addi %parallel_loop3A_1237, %parallel_loop3A_1242 : i32
        %parallel_loop3A_1244 = vector.broadcast %parallel_loop3A_1243 : i32 to vector<16xi32>
        %parallel_loop3A_1245 = vector.extract_strided_slice %parallel_loop3A_1239 {offsets = [0], sizes = [1], strides = [1]} : vector<16xf32> to vector<1xf32>
        %parallel_loop3A_1246 = vector.extract %parallel_loop3A_1245[0] : f32 from vector<1xf32>
        %parallel_loop3A_1247 = vector.broadcast %parallel_loop3A_1246 : f32 to vector<16xf32>
        %parallel_loop3A_1248 = arith.subf %parallel_loop3A_1247, %get3A_23 : vector<16xf32>
        %parallel_loop3A_1249 = vector.extract_strided_slice %parallel_loop3A_1241 {offsets = [0], sizes = [1], strides = [1]} : vector<16xf32> to vector<1xf32>
        %parallel_loop3A_1250 = vector.extract %parallel_loop3A_1249[0] : f32 from vector<1xf32>
        %parallel_loop3A_1251 = vector.broadcast %parallel_loop3A_1250 : f32 to vector<16xf32>
        %parallel_loop3A_1252 = arith.subf %parallel_loop3A_1251, %get3A_25 : vector<16xf32>
        %parallel_loop3A_1253 = arith.mulf %parallel_loop3A_1248, %parallel_loop3A_1248 : vector<16xf32>
        %parallel_loop3A_1254 = arith.mulf %parallel_loop3A_1252, %parallel_loop3A_1252 : vector<16xf32>
        %parallel_loop3A_1255 = arith.addf %parallel_loop3A_1253, %parallel_loop3A_1254 : vector<16xf32>
        %parallel_loop3A_1256 = arith.constant 1 : i32
        %parallel_loop3A_1257 = arith.addi %parallel_loop3A_1237, %parallel_loop3A_1256 : i32
        %parallel_loop3A_1258 = vector.broadcast %parallel_loop3A_1257 : i32 to vector<16xi32>
        %parallel_loop3A_1259 = vector.extract_strided_slice %parallel_loop3A_1239 {offsets = [1], sizes = [1], strides = [1]} : vector<16xf32> to vector<1xf32>
        %parallel_loop3A_1260 = vector.extract %parallel_loop3A_1259[0] : f32 from vector<1xf32>
        %parallel_loop3A_1261 = vector.broadcast %parallel_loop3A_1260 : f32 to vector<16xf32>
        %parallel_loop3A_1262 = arith.subf %parallel_loop3A_1261, %get3A_23 : vector<16xf32>
        %parallel_loop3A_1263 = vector.extract_strided_slice %parallel_loop3A_1241 {offsets = [1], sizes = [1], strides = [1]} : vector<16xf32> to vector<1xf32>
        %parallel_loop3A_1264 = vector.extract %parallel_loop3A_1263[0] : f32 from vector<1xf32>
        %parallel_loop3A_1265 = vector.broadcast %parallel_loop3A_1264 : f32 to vector<16xf32>
        %parallel_loop3A_1266 = arith.subf %parallel_loop3A_1265, %get3A_25 : vector<16xf32>
        %parallel_loop3A_1267 = arith.mulf %parallel_loop3A_1262, %parallel_loop3A_1262 : vector<16xf32>
        %parallel_loop3A_1268 = arith.mulf %parallel_loop3A_1266, %parallel_loop3A_1266 : vector<16xf32>
        %parallel_loop3A_1269 = arith.addf %parallel_loop3A_1267, %parallel_loop3A_1268 : vector<16xf32>
        %parallel_loop3A_1270 = arith.constant 2 : i32
        %parallel_loop3A_1271 = arith.addi %parallel_loop3A_1237, %parallel_loop3A_1270 : i32
        %parallel_loop3A_1272 = vector.broadcast %parallel_loop3A_1271 : i32 to vector<16xi32>
        %parallel_loop3A_1273 = vector.extract_strided_slice %parallel_loop3A_1239 {offsets = [2], sizes = [1], strides = [1]} : vector<16xf32> to vector<1xf32>
        %parallel_loop3A_1274 = vector.extract %parallel_loop3A_1273[0] : f32 from vector<1xf32>
        %parallel_loop3A_1275 = vector.broadcast %parallel_loop3A_1274 : f32 to vector<16xf32>
        %parallel_loop3A_1276 = arith.subf %parallel_loop3A_1275, %get3A_23 : vector<16xf32>
        %parallel_loop3A_1277 = vector.extract_strided_slice %parallel_loop3A_1241 {offsets = [2], sizes = [1], strides = [1]} : vector<16xf32> to vector<1xf32>
        %parallel_loop3A_1278 = vector.extract %parallel_loop3A_1277[0] : f32 from vector<1xf32>
        %parallel_loop3A_1279 = vector.broadcast %parallel_loop3A_1278 : f32 to vector<16xf32>
        %parallel_loop3A_1280 = arith.subf %parallel_loop3A_1279, %get3A_25 : vector<16xf32>
        %parallel_loop3A_1281 = arith.mulf %parallel_loop3A_1276, %parallel_loop3A_1276 : vector<16xf32>
        %parallel_loop3A_1282 = arith.mulf %parallel_loop3A_1280, %parallel_loop3A_1280 : vector<16xf32>
        %parallel_loop3A_1283 = arith.addf %parallel_loop3A_1281, %parallel_loop3A_1282 : vector<16xf32>
        %parallel_loop3A_1284 = arith.constant 3 : i32
        %parallel_loop3A_1285 = arith.addi %parallel_loop3A_1237, %parallel_loop3A_1284 : i32
        %parallel_loop3A_1286 = vector.broadcast %parallel_loop3A_1285 : i32 to vector<16xi32>
        %parallel_loop3A_1287 = vector.extract_strided_slice %parallel_loop3A_1239 {offsets = [3], sizes = [1], strides = [1]} : vector<16xf32> to vector<1xf32>
        %parallel_loop3A_1288 = vector.extract %parallel_loop3A_1287[0] : f32 from vector<1xf32>
        %parallel_loop3A_1289 = vector.broadcast %parallel_loop3A_1288 : f32 to vector<16xf32>
        %parallel_loop3A_1290 = arith.subf %parallel_loop3A_1289, %get3A_23 : vector<16xf32>
        %parallel_loop3A_1291 = vector.extract_strided_slice %parallel_loop3A_1241 {offsets = [3], sizes = [1], strides = [1]} : vector<16xf32> to vector<1xf32>
        %parallel_loop3A_1292 = vector.extract %parallel_loop3A_1291[0] : f32 from vector<1xf32>
        %parallel_loop3A_1293 = vector.broadcast %parallel_loop3A_1292 : f32 to vector<16xf32>
        %parallel_loop3A_1294 = arith.subf %parallel_loop3A_1293, %get3A_25 : vector<16xf32>
        %parallel_loop3A_1295 = arith.mulf %parallel_loop3A_1290, %parallel_loop3A_1290 : vector<16xf32>
        %parallel_loop3A_1296 = arith.mulf %parallel_loop3A_1294, %parallel_loop3A_1294 : vector<16xf32>
        %parallel_loop3A_1297 = arith.addf %parallel_loop3A_1295, %parallel_loop3A_1296 : vector<16xf32>
        %parallel_loop3A_1298 = arith.constant 4 : i32
        %parallel_loop3A_1299 = arith.addi %parallel_loop3A_1237, %parallel_loop3A_1298 : i32
        %parallel_loop3A_1300 = vector.broadcast %parallel_loop3A_1299 : i32 to vector<16xi32>
        %parallel_loop3A_1301 = vector.extract_strided_slice %parallel_loop3A_1239 {offsets = [4], sizes = [1], strides = [1]} : vector<16xf32> to vector<1xf32>
        %parallel_loop3A_1302 = vector.extract %parallel_loop3A_1301[0] : f32 from vector<1xf32>
        %parallel_loop3A_1303 = vector.broadcast %parallel_loop3A_1302 : f32 to vector<16xf32>
        %parallel_loop3A_1304 = arith.subf %parallel_loop3A_1303, %get3A_23 : vector<16xf32>
        %parallel_loop3A_1305 = vector.extract_strided_slice %parallel_loop3A_1241 {offsets = [4], sizes = [1], strides = [1]} : vector<16xf32> to vector<1xf32>
        %parallel_loop3A_1306 = vector.extract %parallel_loop3A_1305[0] : f32 from vector<1xf32>
        %parallel_loop3A_1307 = vector.broadcast %parallel_loop3A_1306 : f32 to vector<16xf32>
        %parallel_loop3A_1308 = arith.subf %parallel_loop3A_1307, %get3A_25 : vector<16xf32>
        %parallel_loop3A_1309 = arith.mulf %parallel_loop3A_1304, %parallel_loop3A_1304 : vector<16xf32>
        %parallel_loop3A_1310 = arith.mulf %parallel_loop3A_1308, %parallel_loop3A_1308 : vector<16xf32>
        %parallel_loop3A_1311 = arith.addf %parallel_loop3A_1309, %parallel_loop3A_1310 : vector<16xf32>
        %parallel_loop3A_1312 = arith.constant 5 : i32
        %parallel_loop3A_1313 = arith.addi %parallel_loop3A_1237, %parallel_loop3A_1312 : i32
        %parallel_loop3A_1314 = vector.broadcast %parallel_loop3A_1313 : i32 to vector<16xi32>
        %parallel_loop3A_1315 = vector.extract_strided_slice %parallel_loop3A_1239 {offsets = [5], sizes = [1], strides = [1]} : vector<16xf32> to vector<1xf32>
        %parallel_loop3A_1316 = vector.extract %parallel_loop3A_1315[0] : f32 from vector<1xf32>
        %parallel_loop3A_1317 = vector.broadcast %parallel_loop3A_1316 : f32 to vector<16xf32>
        %parallel_loop3A_1318 = arith.subf %parallel_loop3A_1317, %get3A_23 : vector<16xf32>
        %parallel_loop3A_1319 = vector.extract_strided_slice %parallel_loop3A_1241 {offsets = [5], sizes = [1], strides = [1]} : vector<16xf32> to vector<1xf32>
        %parallel_loop3A_1320 = vector.extract %parallel_loop3A_1319[0] : f32 from vector<1xf32>
        %parallel_loop3A_1321 = vector.broadcast %parallel_loop3A_1320 : f32 to vector<16xf32>
        %parallel_loop3A_1322 = arith.subf %parallel_loop3A_1321, %get3A_25 : vector<16xf32>
        %parallel_loop3A_1323 = arith.mulf %parallel_loop3A_1318, %parallel_loop3A_1318 : vector<16xf32>
        %parallel_loop3A_1324 = arith.mulf %parallel_loop3A_1322, %parallel_loop3A_1322 : vector<16xf32>
        %parallel_loop3A_1325 = arith.addf %parallel_loop3A_1323, %parallel_loop3A_1324 : vector<16xf32>
        %parallel_loop3A_1326 = arith.constant 6 : i32
        %parallel_loop3A_1327 = arith.addi %parallel_loop3A_1237, %parallel_loop3A_1326 : i32
        %parallel_loop3A_1328 = vector.broadcast %parallel_loop3A_1327 : i32 to vector<16xi32>
        %parallel_loop3A_1329 = vector.extract_strided_slice %parallel_loop3A_1239 {offsets = [6], sizes = [1], strides = [1]} : vector<16xf32> to vector<1xf32>
        %parallel_loop3A_1330 = vector.extract %parallel_loop3A_1329[0] : f32 from vector<1xf32>
        %parallel_loop3A_1331 = vector.broadcast %parallel_loop3A_1330 : f32 to vector<16xf32>
        %parallel_loop3A_1332 = arith.subf %parallel_loop3A_1331, %get3A_23 : vector<16xf32>
        %parallel_loop3A_1333 = vector.extract_strided_slice %parallel_loop3A_1241 {offsets = [6], sizes = [1], strides = [1]} : vector<16xf32> to vector<1xf32>
        %parallel_loop3A_1334 = vector.extract %parallel_loop3A_1333[0] : f32 from vector<1xf32>
        %parallel_loop3A_1335 = vector.broadcast %parallel_loop3A_1334 : f32 to vector<16xf32>
        %parallel_loop3A_1336 = arith.subf %parallel_loop3A_1335, %get3A_25 : vector<16xf32>
        %parallel_loop3A_1337 = arith.mulf %parallel_loop3A_1332, %parallel_loop3A_1332 : vector<16xf32>
        %parallel_loop3A_1338 = arith.mulf %parallel_loop3A_1336, %parallel_loop3A_1336 : vector<16xf32>
        %parallel_loop3A_1339 = arith.addf %parallel_loop3A_1337, %parallel_loop3A_1338 : vector<16xf32>
        %parallel_loop3A_1340 = arith.constant 7 : i32
        %parallel_loop3A_1341 = arith.addi %parallel_loop3A_1237, %parallel_loop3A_1340 : i32
        %parallel_loop3A_1342 = vector.broadcast %parallel_loop3A_1341 : i32 to vector<16xi32>
        %parallel_loop3A_1343 = vector.extract_strided_slice %parallel_loop3A_1239 {offsets = [7], sizes = [1], strides = [1]} : vector<16xf32> to vector<1xf32>
        %parallel_loop3A_1344 = vector.extract %parallel_loop3A_1343[0] : f32 from vector<1xf32>
        %parallel_loop3A_1345 = vector.broadcast %parallel_loop3A_1344 : f32 to vector<16xf32>
        %parallel_loop3A_1346 = arith.subf %parallel_loop3A_1345, %get3A_23 : vector<16xf32>
        %parallel_loop3A_1347 = vector.extract_strided_slice %parallel_loop3A_1241 {offsets = [7], sizes = [1], strides = [1]} : vector<16xf32> to vector<1xf32>
        %parallel_loop3A_1348 = vector.extract %parallel_loop3A_1347[0] : f32 from vector<1xf32>
        %parallel_loop3A_1349 = vector.broadcast %parallel_loop3A_1348 : f32 to vector<16xf32>
        %parallel_loop3A_1350 = arith.subf %parallel_loop3A_1349, %get3A_25 : vector<16xf32>
        %parallel_loop3A_1351 = arith.mulf %parallel_loop3A_1346, %parallel_loop3A_1346 : vector<16xf32>
        %parallel_loop3A_1352 = arith.mulf %parallel_loop3A_1350, %parallel_loop3A_1350 : vector<16xf32>
        %parallel_loop3A_1353 = arith.addf %parallel_loop3A_1351, %parallel_loop3A_1352 : vector<16xf32>
        %parallel_loop3A_1354 = arith.constant 8 : i32
        %parallel_loop3A_1355 = arith.addi %parallel_loop3A_1237, %parallel_loop3A_1354 : i32
        %parallel_loop3A_1356 = vector.broadcast %parallel_loop3A_1355 : i32 to vector<16xi32>
        %parallel_loop3A_1357 = vector.extract_strided_slice %parallel_loop3A_1239 {offsets = [8], sizes = [1], strides = [1]} : vector<16xf32> to vector<1xf32>
        %parallel_loop3A_1358 = vector.extract %parallel_loop3A_1357[0] : f32 from vector<1xf32>
        %parallel_loop3A_1359 = vector.broadcast %parallel_loop3A_1358 : f32 to vector<16xf32>
        %parallel_loop3A_1360 = arith.subf %parallel_loop3A_1359, %get3A_23 : vector<16xf32>
        %parallel_loop3A_1361 = vector.extract_strided_slice %parallel_loop3A_1241 {offsets = [8], sizes = [1], strides = [1]} : vector<16xf32> to vector<1xf32>
        %parallel_loop3A_1362 = vector.extract %parallel_loop3A_1361[0] : f32 from vector<1xf32>
        %parallel_loop3A_1363 = vector.broadcast %parallel_loop3A_1362 : f32 to vector<16xf32>
        %parallel_loop3A_1364 = arith.subf %parallel_loop3A_1363, %get3A_25 : vector<16xf32>
        %parallel_loop3A_1365 = arith.mulf %parallel_loop3A_1360, %parallel_loop3A_1360 : vector<16xf32>
        %parallel_loop3A_1366 = arith.mulf %parallel_loop3A_1364, %parallel_loop3A_1364 : vector<16xf32>
        %parallel_loop3A_1367 = arith.addf %parallel_loop3A_1365, %parallel_loop3A_1366 : vector<16xf32>
        %parallel_loop3A_1368 = arith.constant 9 : i32
        %parallel_loop3A_1369 = arith.addi %parallel_loop3A_1237, %parallel_loop3A_1368 : i32
        %parallel_loop3A_1370 = vector.broadcast %parallel_loop3A_1369 : i32 to vector<16xi32>
        %parallel_loop3A_1371 = vector.extract_strided_slice %parallel_loop3A_1239 {offsets = [9], sizes = [1], strides = [1]} : vector<16xf32> to vector<1xf32>
        %parallel_loop3A_1372 = vector.extract %parallel_loop3A_1371[0] : f32 from vector<1xf32>
        %parallel_loop3A_1373 = vector.broadcast %parallel_loop3A_1372 : f32 to vector<16xf32>
        %parallel_loop3A_1374 = arith.subf %parallel_loop3A_1373, %get3A_23 : vector<16xf32>
        %parallel_loop3A_1375 = vector.extract_strided_slice %parallel_loop3A_1241 {offsets = [9], sizes = [1], strides = [1]} : vector<16xf32> to vector<1xf32>
        %parallel_loop3A_1376 = vector.extract %parallel_loop3A_1375[0] : f32 from vector<1xf32>
        %parallel_loop3A_1377 = vector.broadcast %parallel_loop3A_1376 : f32 to vector<16xf32>
        %parallel_loop3A_1378 = arith.subf %parallel_loop3A_1377, %get3A_25 : vector<16xf32>
        %parallel_loop3A_1379 = arith.mulf %parallel_loop3A_1374, %parallel_loop3A_1374 : vector<16xf32>
        %parallel_loop3A_1380 = arith.mulf %parallel_loop3A_1378, %parallel_loop3A_1378 : vector<16xf32>
        %parallel_loop3A_1381 = arith.addf %parallel_loop3A_1379, %parallel_loop3A_1380 : vector<16xf32>
        %parallel_loop3A_1382 = arith.constant 10 : i32
        %parallel_loop3A_1383 = arith.addi %parallel_loop3A_1237, %parallel_loop3A_1382 : i32
        %parallel_loop3A_1384 = vector.broadcast %parallel_loop3A_1383 : i32 to vector<16xi32>
        %parallel_loop3A_1385 = vector.extract_strided_slice %parallel_loop3A_1239 {offsets = [10], sizes = [1], strides = [1]} : vector<16xf32> to vector<1xf32>
        %parallel_loop3A_1386 = vector.extract %parallel_loop3A_1385[0] : f32 from vector<1xf32>
        %parallel_loop3A_1387 = vector.broadcast %parallel_loop3A_1386 : f32 to vector<16xf32>
        %parallel_loop3A_1388 = arith.subf %parallel_loop3A_1387, %get3A_23 : vector<16xf32>
        %parallel_loop3A_1389 = vector.extract_strided_slice %parallel_loop3A_1241 {offsets = [10], sizes = [1], strides = [1]} : vector<16xf32> to vector<1xf32>
        %parallel_loop3A_1390 = vector.extract %parallel_loop3A_1389[0] : f32 from vector<1xf32>
        %parallel_loop3A_1391 = vector.broadcast %parallel_loop3A_1390 : f32 to vector<16xf32>
        %parallel_loop3A_1392 = arith.subf %parallel_loop3A_1391, %get3A_25 : vector<16xf32>
        %parallel_loop3A_1393 = arith.mulf %parallel_loop3A_1388, %parallel_loop3A_1388 : vector<16xf32>
        %parallel_loop3A_1394 = arith.mulf %parallel_loop3A_1392, %parallel_loop3A_1392 : vector<16xf32>
        %parallel_loop3A_1395 = arith.addf %parallel_loop3A_1393, %parallel_loop3A_1394 : vector<16xf32>
        %parallel_loop3A_1396 = arith.constant 11 : i32
        %parallel_loop3A_1397 = arith.addi %parallel_loop3A_1237, %parallel_loop3A_1396 : i32
        %parallel_loop3A_1398 = vector.broadcast %parallel_loop3A_1397 : i32 to vector<16xi32>
        %parallel_loop3A_1399 = vector.extract_strided_slice %parallel_loop3A_1239 {offsets = [11], sizes = [1], strides = [1]} : vector<16xf32> to vector<1xf32>
        %parallel_loop3A_1400 = vector.extract %parallel_loop3A_1399[0] : f32 from vector<1xf32>
        %parallel_loop3A_1401 = vector.broadcast %parallel_loop3A_1400 : f32 to vector<16xf32>
        %parallel_loop3A_1402 = arith.subf %parallel_loop3A_1401, %get3A_23 : vector<16xf32>
        %parallel_loop3A_1403 = vector.extract_strided_slice %parallel_loop3A_1241 {offsets = [11], sizes = [1], strides = [1]} : vector<16xf32> to vector<1xf32>
        %parallel_loop3A_1404 = vector.extract %parallel_loop3A_1403[0] : f32 from vector<1xf32>
        %parallel_loop3A_1405 = vector.broadcast %parallel_loop3A_1404 : f32 to vector<16xf32>
        %parallel_loop3A_1406 = arith.subf %parallel_loop3A_1405, %get3A_25 : vector<16xf32>
        %parallel_loop3A_1407 = arith.mulf %parallel_loop3A_1402, %parallel_loop3A_1402 : vector<16xf32>
        %parallel_loop3A_1408 = arith.mulf %parallel_loop3A_1406, %parallel_loop3A_1406 : vector<16xf32>
        %parallel_loop3A_1409 = arith.addf %parallel_loop3A_1407, %parallel_loop3A_1408 : vector<16xf32>
        %parallel_loop3A_1410 = arith.constant 12 : i32
        %parallel_loop3A_1411 = arith.addi %parallel_loop3A_1237, %parallel_loop3A_1410 : i32
        %parallel_loop3A_1412 = vector.broadcast %parallel_loop3A_1411 : i32 to vector<16xi32>
        %parallel_loop3A_1413 = vector.extract_strided_slice %parallel_loop3A_1239 {offsets = [12], sizes = [1], strides = [1]} : vector<16xf32> to vector<1xf32>
        %parallel_loop3A_1414 = vector.extract %parallel_loop3A_1413[0] : f32 from vector<1xf32>
        %parallel_loop3A_1415 = vector.broadcast %parallel_loop3A_1414 : f32 to vector<16xf32>
        %parallel_loop3A_1416 = arith.subf %parallel_loop3A_1415, %get3A_23 : vector<16xf32>
        %parallel_loop3A_1417 = vector.extract_strided_slice %parallel_loop3A_1241 {offsets = [12], sizes = [1], strides = [1]} : vector<16xf32> to vector<1xf32>
        %parallel_loop3A_1418 = vector.extract %parallel_loop3A_1417[0] : f32 from vector<1xf32>
        %parallel_loop3A_1419 = vector.broadcast %parallel_loop3A_1418 : f32 to vector<16xf32>
        %parallel_loop3A_1420 = arith.subf %parallel_loop3A_1419, %get3A_25 : vector<16xf32>
        %parallel_loop3A_1421 = arith.mulf %parallel_loop3A_1416, %parallel_loop3A_1416 : vector<16xf32>
        %parallel_loop3A_1422 = arith.mulf %parallel_loop3A_1420, %parallel_loop3A_1420 : vector<16xf32>
        %parallel_loop3A_1423 = arith.addf %parallel_loop3A_1421, %parallel_loop3A_1422 : vector<16xf32>
        %parallel_loop3A_1424 = arith.constant 13 : i32
        %parallel_loop3A_1425 = arith.addi %parallel_loop3A_1237, %parallel_loop3A_1424 : i32
        %parallel_loop3A_1426 = vector.broadcast %parallel_loop3A_1425 : i32 to vector<16xi32>
        %parallel_loop3A_1427 = vector.extract_strided_slice %parallel_loop3A_1239 {offsets = [13], sizes = [1], strides = [1]} : vector<16xf32> to vector<1xf32>
        %parallel_loop3A_1428 = vector.extract %parallel_loop3A_1427[0] : f32 from vector<1xf32>
        %parallel_loop3A_1429 = vector.broadcast %parallel_loop3A_1428 : f32 to vector<16xf32>
        %parallel_loop3A_1430 = arith.subf %parallel_loop3A_1429, %get3A_23 : vector<16xf32>
        %parallel_loop3A_1431 = vector.extract_strided_slice %parallel_loop3A_1241 {offsets = [13], sizes = [1], strides = [1]} : vector<16xf32> to vector<1xf32>
        %parallel_loop3A_1432 = vector.extract %parallel_loop3A_1431[0] : f32 from vector<1xf32>
        %parallel_loop3A_1433 = vector.broadcast %parallel_loop3A_1432 : f32 to vector<16xf32>
        %parallel_loop3A_1434 = arith.subf %parallel_loop3A_1433, %get3A_25 : vector<16xf32>
        %parallel_loop3A_1435 = arith.mulf %parallel_loop3A_1430, %parallel_loop3A_1430 : vector<16xf32>
        %parallel_loop3A_1436 = arith.mulf %parallel_loop3A_1434, %parallel_loop3A_1434 : vector<16xf32>
        %parallel_loop3A_1437 = arith.addf %parallel_loop3A_1435, %parallel_loop3A_1436 : vector<16xf32>
        %parallel_loop3A_1438 = arith.constant 14 : i32
        %parallel_loop3A_1439 = arith.addi %parallel_loop3A_1237, %parallel_loop3A_1438 : i32
        %parallel_loop3A_1440 = vector.broadcast %parallel_loop3A_1439 : i32 to vector<16xi32>
        %parallel_loop3A_1441 = vector.extract_strided_slice %parallel_loop3A_1239 {offsets = [14], sizes = [1], strides = [1]} : vector<16xf32> to vector<1xf32>
        %parallel_loop3A_1442 = vector.extract %parallel_loop3A_1441[0] : f32 from vector<1xf32>
        %parallel_loop3A_1443 = vector.broadcast %parallel_loop3A_1442 : f32 to vector<16xf32>
        %parallel_loop3A_1444 = arith.subf %parallel_loop3A_1443, %get3A_23 : vector<16xf32>
        %parallel_loop3A_1445 = vector.extract_strided_slice %parallel_loop3A_1241 {offsets = [14], sizes = [1], strides = [1]} : vector<16xf32> to vector<1xf32>
        %parallel_loop3A_1446 = vector.extract %parallel_loop3A_1445[0] : f32 from vector<1xf32>
        %parallel_loop3A_1447 = vector.broadcast %parallel_loop3A_1446 : f32 to vector<16xf32>
        %parallel_loop3A_1448 = arith.subf %parallel_loop3A_1447, %get3A_25 : vector<16xf32>
        %parallel_loop3A_1449 = arith.mulf %parallel_loop3A_1444, %parallel_loop3A_1444 : vector<16xf32>
        %parallel_loop3A_1450 = arith.mulf %parallel_loop3A_1448, %parallel_loop3A_1448 : vector<16xf32>
        %parallel_loop3A_1451 = arith.addf %parallel_loop3A_1449, %parallel_loop3A_1450 : vector<16xf32>
        %parallel_loop3A_1452 = arith.constant 15 : i32
        %parallel_loop3A_1453 = arith.addi %parallel_loop3A_1237, %parallel_loop3A_1452 : i32
        %parallel_loop3A_1454 = vector.broadcast %parallel_loop3A_1453 : i32 to vector<16xi32>
        %parallel_loop3A_1455 = vector.extract_strided_slice %parallel_loop3A_1239 {offsets = [15], sizes = [1], strides = [1]} : vector<16xf32> to vector<1xf32>
        %parallel_loop3A_1456 = vector.extract %parallel_loop3A_1455[0] : f32 from vector<1xf32>
        %parallel_loop3A_1457 = vector.broadcast %parallel_loop3A_1456 : f32 to vector<16xf32>
        %parallel_loop3A_1458 = arith.subf %parallel_loop3A_1457, %get3A_23 : vector<16xf32>
        %parallel_loop3A_1459 = vector.extract_strided_slice %parallel_loop3A_1241 {offsets = [15], sizes = [1], strides = [1]} : vector<16xf32> to vector<1xf32>
        %parallel_loop3A_1460 = vector.extract %parallel_loop3A_1459[0] : f32 from vector<1xf32>
        %parallel_loop3A_1461 = vector.broadcast %parallel_loop3A_1460 : f32 to vector<16xf32>
        %parallel_loop3A_1462 = arith.subf %parallel_loop3A_1461, %get3A_25 : vector<16xf32>
        %parallel_loop3A_1463 = arith.mulf %parallel_loop3A_1458, %parallel_loop3A_1458 : vector<16xf32>
        %parallel_loop3A_1464 = arith.mulf %parallel_loop3A_1462, %parallel_loop3A_1462 : vector<16xf32>
        %parallel_loop3A_1465 = arith.addf %parallel_loop3A_1463, %parallel_loop3A_1464 : vector<16xf32>
        %parallel_loop3A_1466 = arith.cmpf olt, %parallel_loop3A_1255, %parallel_loop3A_1228 : vector<16xf32>
        %parallel_loop3A_1467 = arith.cmpf olt, %parallel_loop3A_1255, %parallel_loop3A_1229 : vector<16xf32>
        %parallel_loop3A_1468 = arith.cmpf olt, %parallel_loop3A_1255, %parallel_loop3A_1230 : vector<16xf32>
        %parallel_loop3A_1469 = arith.cmpf olt, %parallel_loop3A_1255, %parallel_loop3A_1231 : vector<16xf32>
        %parallel_loop3A_1470 = arith.select %parallel_loop3A_1468, %parallel_loop3A_1230, %parallel_loop3A_1255 : vector<16xi1>, vector<16xf32>
        %parallel_loop3A_1471 = arith.select %parallel_loop3A_1469, %parallel_loop3A_1470, %parallel_loop3A_1231 : vector<16xi1>, vector<16xf32>
        %parallel_loop3A_1472 = arith.select %parallel_loop3A_1468, %parallel_loop3A_1234, %parallel_loop3A_1244 : vector<16xi1>, vector<16xi32>
        %parallel_loop3A_1473 = arith.select %parallel_loop3A_1469, %parallel_loop3A_1472, %parallel_loop3A_1235 : vector<16xi1>, vector<16xi32>
        %parallel_loop3A_1474 = arith.select %parallel_loop3A_1467, %parallel_loop3A_1229, %parallel_loop3A_1255 : vector<16xi1>, vector<16xf32>
        %parallel_loop3A_1475 = arith.select %parallel_loop3A_1468, %parallel_loop3A_1474, %parallel_loop3A_1230 : vector<16xi1>, vector<16xf32>
        %parallel_loop3A_1476 = arith.select %parallel_loop3A_1467, %parallel_loop3A_1233, %parallel_loop3A_1244 : vector<16xi1>, vector<16xi32>
        %parallel_loop3A_1477 = arith.select %parallel_loop3A_1468, %parallel_loop3A_1476, %parallel_loop3A_1234 : vector<16xi1>, vector<16xi32>
        %parallel_loop3A_1478 = arith.select %parallel_loop3A_1466, %parallel_loop3A_1228, %parallel_loop3A_1255 : vector<16xi1>, vector<16xf32>
        %parallel_loop3A_1479 = arith.select %parallel_loop3A_1467, %parallel_loop3A_1478, %parallel_loop3A_1229 : vector<16xi1>, vector<16xf32>
        %parallel_loop3A_1480 = arith.select %parallel_loop3A_1466, %parallel_loop3A_1232, %parallel_loop3A_1244 : vector<16xi1>, vector<16xi32>
        %parallel_loop3A_1481 = arith.select %parallel_loop3A_1467, %parallel_loop3A_1480, %parallel_loop3A_1233 : vector<16xi1>, vector<16xi32>
        %parallel_loop3A_1482 = arith.select %parallel_loop3A_1466, %parallel_loop3A_1255, %parallel_loop3A_1228 : vector<16xi1>, vector<16xf32>
        %parallel_loop3A_1483 = arith.select %parallel_loop3A_1466, %parallel_loop3A_1244, %parallel_loop3A_1232 : vector<16xi1>, vector<16xi32>
        %parallel_loop3A_1484 = arith.cmpf olt, %parallel_loop3A_1269, %parallel_loop3A_1482 : vector<16xf32>
        %parallel_loop3A_1485 = arith.cmpf olt, %parallel_loop3A_1269, %parallel_loop3A_1479 : vector<16xf32>
        %parallel_loop3A_1486 = arith.cmpf olt, %parallel_loop3A_1269, %parallel_loop3A_1475 : vector<16xf32>
        %parallel_loop3A_1487 = arith.cmpf olt, %parallel_loop3A_1269, %parallel_loop3A_1471 : vector<16xf32>
        %parallel_loop3A_1488 = arith.select %parallel_loop3A_1486, %parallel_loop3A_1475, %parallel_loop3A_1269 : vector<16xi1>, vector<16xf32>
        %parallel_loop3A_1489 = arith.select %parallel_loop3A_1487, %parallel_loop3A_1488, %parallel_loop3A_1471 : vector<16xi1>, vector<16xf32>
        %parallel_loop3A_1490 = arith.select %parallel_loop3A_1486, %parallel_loop3A_1477, %parallel_loop3A_1258 : vector<16xi1>, vector<16xi32>
        %parallel_loop3A_1491 = arith.select %parallel_loop3A_1487, %parallel_loop3A_1490, %parallel_loop3A_1473 : vector<16xi1>, vector<16xi32>
        %parallel_loop3A_1492 = arith.select %parallel_loop3A_1485, %parallel_loop3A_1479, %parallel_loop3A_1269 : vector<16xi1>, vector<16xf32>
        %parallel_loop3A_1493 = arith.select %parallel_loop3A_1486, %parallel_loop3A_1492, %parallel_loop3A_1475 : vector<16xi1>, vector<16xf32>
        %parallel_loop3A_1494 = arith.select %parallel_loop3A_1485, %parallel_loop3A_1481, %parallel_loop3A_1258 : vector<16xi1>, vector<16xi32>
        %parallel_loop3A_1495 = arith.select %parallel_loop3A_1486, %parallel_loop3A_1494, %parallel_loop3A_1477 : vector<16xi1>, vector<16xi32>
        %parallel_loop3A_1496 = arith.select %parallel_loop3A_1484, %parallel_loop3A_1482, %parallel_loop3A_1269 : vector<16xi1>, vector<16xf32>
        %parallel_loop3A_1497 = arith.select %parallel_loop3A_1485, %parallel_loop3A_1496, %parallel_loop3A_1479 : vector<16xi1>, vector<16xf32>
        %parallel_loop3A_1498 = arith.select %parallel_loop3A_1484, %parallel_loop3A_1483, %parallel_loop3A_1258 : vector<16xi1>, vector<16xi32>
        %parallel_loop3A_1499 = arith.select %parallel_loop3A_1485, %parallel_loop3A_1498, %parallel_loop3A_1481 : vector<16xi1>, vector<16xi32>
        %parallel_loop3A_1500 = arith.select %parallel_loop3A_1484, %parallel_loop3A_1269, %parallel_loop3A_1482 : vector<16xi1>, vector<16xf32>
        %parallel_loop3A_1501 = arith.select %parallel_loop3A_1484, %parallel_loop3A_1258, %parallel_loop3A_1483 : vector<16xi1>, vector<16xi32>
        %parallel_loop3A_1502 = arith.cmpf olt, %parallel_loop3A_1283, %parallel_loop3A_1500 : vector<16xf32>
        %parallel_loop3A_1503 = arith.cmpf olt, %parallel_loop3A_1283, %parallel_loop3A_1497 : vector<16xf32>
        %parallel_loop3A_1504 = arith.cmpf olt, %parallel_loop3A_1283, %parallel_loop3A_1493 : vector<16xf32>
        %parallel_loop3A_1505 = arith.cmpf olt, %parallel_loop3A_1283, %parallel_loop3A_1489 : vector<16xf32>
        %parallel_loop3A_1506 = arith.select %parallel_loop3A_1504, %parallel_loop3A_1493, %parallel_loop3A_1283 : vector<16xi1>, vector<16xf32>
        %parallel_loop3A_1507 = arith.select %parallel_loop3A_1505, %parallel_loop3A_1506, %parallel_loop3A_1489 : vector<16xi1>, vector<16xf32>
        %parallel_loop3A_1508 = arith.select %parallel_loop3A_1504, %parallel_loop3A_1495, %parallel_loop3A_1272 : vector<16xi1>, vector<16xi32>
        %parallel_loop3A_1509 = arith.select %parallel_loop3A_1505, %parallel_loop3A_1508, %parallel_loop3A_1491 : vector<16xi1>, vector<16xi32>
        %parallel_loop3A_1510 = arith.select %parallel_loop3A_1503, %parallel_loop3A_1497, %parallel_loop3A_1283 : vector<16xi1>, vector<16xf32>
        %parallel_loop3A_1511 = arith.select %parallel_loop3A_1504, %parallel_loop3A_1510, %parallel_loop3A_1493 : vector<16xi1>, vector<16xf32>
        %parallel_loop3A_1512 = arith.select %parallel_loop3A_1503, %parallel_loop3A_1499, %parallel_loop3A_1272 : vector<16xi1>, vector<16xi32>
        %parallel_loop3A_1513 = arith.select %parallel_loop3A_1504, %parallel_loop3A_1512, %parallel_loop3A_1495 : vector<16xi1>, vector<16xi32>
        %parallel_loop3A_1514 = arith.select %parallel_loop3A_1502, %parallel_loop3A_1500, %parallel_loop3A_1283 : vector<16xi1>, vector<16xf32>
        %parallel_loop3A_1515 = arith.select %parallel_loop3A_1503, %parallel_loop3A_1514, %parallel_loop3A_1497 : vector<16xi1>, vector<16xf32>
        %parallel_loop3A_1516 = arith.select %parallel_loop3A_1502, %parallel_loop3A_1501, %parallel_loop3A_1272 : vector<16xi1>, vector<16xi32>
        %parallel_loop3A_1517 = arith.select %parallel_loop3A_1503, %parallel_loop3A_1516, %parallel_loop3A_1499 : vector<16xi1>, vector<16xi32>
        %parallel_loop3A_1518 = arith.select %parallel_loop3A_1502, %parallel_loop3A_1283, %parallel_loop3A_1500 : vector<16xi1>, vector<16xf32>
        %parallel_loop3A_1519 = arith.select %parallel_loop3A_1502, %parallel_loop3A_1272, %parallel_loop3A_1501 : vector<16xi1>, vector<16xi32>
        %parallel_loop3A_1520 = arith.cmpf olt, %parallel_loop3A_1297, %parallel_loop3A_1518 : vector<16xf32>
        %parallel_loop3A_1521 = arith.cmpf olt, %parallel_loop3A_1297, %parallel_loop3A_1515 : vector<16xf32>
        %parallel_loop3A_1522 = arith.cmpf olt, %parallel_loop3A_1297, %parallel_loop3A_1511 : vector<16xf32>
        %parallel_loop3A_1523 = arith.cmpf olt, %parallel_loop3A_1297, %parallel_loop3A_1507 : vector<16xf32>
        %parallel_loop3A_1524 = arith.select %parallel_loop3A_1522, %parallel_loop3A_1511, %parallel_loop3A_1297 : vector<16xi1>, vector<16xf32>
        %parallel_loop3A_1525 = arith.select %parallel_loop3A_1523, %parallel_loop3A_1524, %parallel_loop3A_1507 : vector<16xi1>, vector<16xf32>
        %parallel_loop3A_1526 = arith.select %parallel_loop3A_1522, %parallel_loop3A_1513, %parallel_loop3A_1286 : vector<16xi1>, vector<16xi32>
        %parallel_loop3A_1527 = arith.select %parallel_loop3A_1523, %parallel_loop3A_1526, %parallel_loop3A_1509 : vector<16xi1>, vector<16xi32>
        %parallel_loop3A_1528 = arith.select %parallel_loop3A_1521, %parallel_loop3A_1515, %parallel_loop3A_1297 : vector<16xi1>, vector<16xf32>
        %parallel_loop3A_1529 = arith.select %parallel_loop3A_1522, %parallel_loop3A_1528, %parallel_loop3A_1511 : vector<16xi1>, vector<16xf32>
        %parallel_loop3A_1530 = arith.select %parallel_loop3A_1521, %parallel_loop3A_1517, %parallel_loop3A_1286 : vector<16xi1>, vector<16xi32>
        %parallel_loop3A_1531 = arith.select %parallel_loop3A_1522, %parallel_loop3A_1530, %parallel_loop3A_1513 : vector<16xi1>, vector<16xi32>
        %parallel_loop3A_1532 = arith.select %parallel_loop3A_1520, %parallel_loop3A_1518, %parallel_loop3A_1297 : vector<16xi1>, vector<16xf32>
        %parallel_loop3A_1533 = arith.select %parallel_loop3A_1521, %parallel_loop3A_1532, %parallel_loop3A_1515 : vector<16xi1>, vector<16xf32>
        %parallel_loop3A_1534 = arith.select %parallel_loop3A_1520, %parallel_loop3A_1519, %parallel_loop3A_1286 : vector<16xi1>, vector<16xi32>
        %parallel_loop3A_1535 = arith.select %parallel_loop3A_1521, %parallel_loop3A_1534, %parallel_loop3A_1517 : vector<16xi1>, vector<16xi32>
        %parallel_loop3A_1536 = arith.select %parallel_loop3A_1520, %parallel_loop3A_1297, %parallel_loop3A_1518 : vector<16xi1>, vector<16xf32>
        %parallel_loop3A_1537 = arith.select %parallel_loop3A_1520, %parallel_loop3A_1286, %parallel_loop3A_1519 : vector<16xi1>, vector<16xi32>
        %parallel_loop3A_1538 = arith.cmpf olt, %parallel_loop3A_1311, %parallel_loop3A_1536 : vector<16xf32>
        %parallel_loop3A_1539 = arith.cmpf olt, %parallel_loop3A_1311, %parallel_loop3A_1533 : vector<16xf32>
        %parallel_loop3A_1540 = arith.cmpf olt, %parallel_loop3A_1311, %parallel_loop3A_1529 : vector<16xf32>
        %parallel_loop3A_1541 = arith.cmpf olt, %parallel_loop3A_1311, %parallel_loop3A_1525 : vector<16xf32>
        %parallel_loop3A_1542 = arith.select %parallel_loop3A_1540, %parallel_loop3A_1529, %parallel_loop3A_1311 : vector<16xi1>, vector<16xf32>
        %parallel_loop3A_1543 = arith.select %parallel_loop3A_1541, %parallel_loop3A_1542, %parallel_loop3A_1525 : vector<16xi1>, vector<16xf32>
        %parallel_loop3A_1544 = arith.select %parallel_loop3A_1540, %parallel_loop3A_1531, %parallel_loop3A_1300 : vector<16xi1>, vector<16xi32>
        %parallel_loop3A_1545 = arith.select %parallel_loop3A_1541, %parallel_loop3A_1544, %parallel_loop3A_1527 : vector<16xi1>, vector<16xi32>
        %parallel_loop3A_1546 = arith.select %parallel_loop3A_1539, %parallel_loop3A_1533, %parallel_loop3A_1311 : vector<16xi1>, vector<16xf32>
        %parallel_loop3A_1547 = arith.select %parallel_loop3A_1540, %parallel_loop3A_1546, %parallel_loop3A_1529 : vector<16xi1>, vector<16xf32>
        %parallel_loop3A_1548 = arith.select %parallel_loop3A_1539, %parallel_loop3A_1535, %parallel_loop3A_1300 : vector<16xi1>, vector<16xi32>
        %parallel_loop3A_1549 = arith.select %parallel_loop3A_1540, %parallel_loop3A_1548, %parallel_loop3A_1531 : vector<16xi1>, vector<16xi32>
        %parallel_loop3A_1550 = arith.select %parallel_loop3A_1538, %parallel_loop3A_1536, %parallel_loop3A_1311 : vector<16xi1>, vector<16xf32>
        %parallel_loop3A_1551 = arith.select %parallel_loop3A_1539, %parallel_loop3A_1550, %parallel_loop3A_1533 : vector<16xi1>, vector<16xf32>
        %parallel_loop3A_1552 = arith.select %parallel_loop3A_1538, %parallel_loop3A_1537, %parallel_loop3A_1300 : vector<16xi1>, vector<16xi32>
        %parallel_loop3A_1553 = arith.select %parallel_loop3A_1539, %parallel_loop3A_1552, %parallel_loop3A_1535 : vector<16xi1>, vector<16xi32>
        %parallel_loop3A_1554 = arith.select %parallel_loop3A_1538, %parallel_loop3A_1311, %parallel_loop3A_1536 : vector<16xi1>, vector<16xf32>
        %parallel_loop3A_1555 = arith.select %parallel_loop3A_1538, %parallel_loop3A_1300, %parallel_loop3A_1537 : vector<16xi1>, vector<16xi32>
        %parallel_loop3A_1556 = arith.cmpf olt, %parallel_loop3A_1325, %parallel_loop3A_1554 : vector<16xf32>
        %parallel_loop3A_1557 = arith.cmpf olt, %parallel_loop3A_1325, %parallel_loop3A_1551 : vector<16xf32>
        %parallel_loop3A_1558 = arith.cmpf olt, %parallel_loop3A_1325, %parallel_loop3A_1547 : vector<16xf32>
        %parallel_loop3A_1559 = arith.cmpf olt, %parallel_loop3A_1325, %parallel_loop3A_1543 : vector<16xf32>
        %parallel_loop3A_1560 = arith.select %parallel_loop3A_1558, %parallel_loop3A_1547, %parallel_loop3A_1325 : vector<16xi1>, vector<16xf32>
        %parallel_loop3A_1561 = arith.select %parallel_loop3A_1559, %parallel_loop3A_1560, %parallel_loop3A_1543 : vector<16xi1>, vector<16xf32>
        %parallel_loop3A_1562 = arith.select %parallel_loop3A_1558, %parallel_loop3A_1549, %parallel_loop3A_1314 : vector<16xi1>, vector<16xi32>
        %parallel_loop3A_1563 = arith.select %parallel_loop3A_1559, %parallel_loop3A_1562, %parallel_loop3A_1545 : vector<16xi1>, vector<16xi32>
        %parallel_loop3A_1564 = arith.select %parallel_loop3A_1557, %parallel_loop3A_1551, %parallel_loop3A_1325 : vector<16xi1>, vector<16xf32>
        %parallel_loop3A_1565 = arith.select %parallel_loop3A_1558, %parallel_loop3A_1564, %parallel_loop3A_1547 : vector<16xi1>, vector<16xf32>
        %parallel_loop3A_1566 = arith.select %parallel_loop3A_1557, %parallel_loop3A_1553, %parallel_loop3A_1314 : vector<16xi1>, vector<16xi32>
        %parallel_loop3A_1567 = arith.select %parallel_loop3A_1558, %parallel_loop3A_1566, %parallel_loop3A_1549 : vector<16xi1>, vector<16xi32>
        %parallel_loop3A_1568 = arith.select %parallel_loop3A_1556, %parallel_loop3A_1554, %parallel_loop3A_1325 : vector<16xi1>, vector<16xf32>
        %parallel_loop3A_1569 = arith.select %parallel_loop3A_1557, %parallel_loop3A_1568, %parallel_loop3A_1551 : vector<16xi1>, vector<16xf32>
        %parallel_loop3A_1570 = arith.select %parallel_loop3A_1556, %parallel_loop3A_1555, %parallel_loop3A_1314 : vector<16xi1>, vector<16xi32>
        %parallel_loop3A_1571 = arith.select %parallel_loop3A_1557, %parallel_loop3A_1570, %parallel_loop3A_1553 : vector<16xi1>, vector<16xi32>
        %parallel_loop3A_1572 = arith.select %parallel_loop3A_1556, %parallel_loop3A_1325, %parallel_loop3A_1554 : vector<16xi1>, vector<16xf32>
        %parallel_loop3A_1573 = arith.select %parallel_loop3A_1556, %parallel_loop3A_1314, %parallel_loop3A_1555 : vector<16xi1>, vector<16xi32>
        %parallel_loop3A_1574 = arith.cmpf olt, %parallel_loop3A_1339, %parallel_loop3A_1572 : vector<16xf32>
        %parallel_loop3A_1575 = arith.cmpf olt, %parallel_loop3A_1339, %parallel_loop3A_1569 : vector<16xf32>
        %parallel_loop3A_1576 = arith.cmpf olt, %parallel_loop3A_1339, %parallel_loop3A_1565 : vector<16xf32>
        %parallel_loop3A_1577 = arith.cmpf olt, %parallel_loop3A_1339, %parallel_loop3A_1561 : vector<16xf32>
        %parallel_loop3A_1578 = arith.select %parallel_loop3A_1576, %parallel_loop3A_1565, %parallel_loop3A_1339 : vector<16xi1>, vector<16xf32>
        %parallel_loop3A_1579 = arith.select %parallel_loop3A_1577, %parallel_loop3A_1578, %parallel_loop3A_1561 : vector<16xi1>, vector<16xf32>
        %parallel_loop3A_1580 = arith.select %parallel_loop3A_1576, %parallel_loop3A_1567, %parallel_loop3A_1328 : vector<16xi1>, vector<16xi32>
        %parallel_loop3A_1581 = arith.select %parallel_loop3A_1577, %parallel_loop3A_1580, %parallel_loop3A_1563 : vector<16xi1>, vector<16xi32>
        %parallel_loop3A_1582 = arith.select %parallel_loop3A_1575, %parallel_loop3A_1569, %parallel_loop3A_1339 : vector<16xi1>, vector<16xf32>
        %parallel_loop3A_1583 = arith.select %parallel_loop3A_1576, %parallel_loop3A_1582, %parallel_loop3A_1565 : vector<16xi1>, vector<16xf32>
        %parallel_loop3A_1584 = arith.select %parallel_loop3A_1575, %parallel_loop3A_1571, %parallel_loop3A_1328 : vector<16xi1>, vector<16xi32>
        %parallel_loop3A_1585 = arith.select %parallel_loop3A_1576, %parallel_loop3A_1584, %parallel_loop3A_1567 : vector<16xi1>, vector<16xi32>
        %parallel_loop3A_1586 = arith.select %parallel_loop3A_1574, %parallel_loop3A_1572, %parallel_loop3A_1339 : vector<16xi1>, vector<16xf32>
        %parallel_loop3A_1587 = arith.select %parallel_loop3A_1575, %parallel_loop3A_1586, %parallel_loop3A_1569 : vector<16xi1>, vector<16xf32>
        %parallel_loop3A_1588 = arith.select %parallel_loop3A_1574, %parallel_loop3A_1573, %parallel_loop3A_1328 : vector<16xi1>, vector<16xi32>
        %parallel_loop3A_1589 = arith.select %parallel_loop3A_1575, %parallel_loop3A_1588, %parallel_loop3A_1571 : vector<16xi1>, vector<16xi32>
        %parallel_loop3A_1590 = arith.select %parallel_loop3A_1574, %parallel_loop3A_1339, %parallel_loop3A_1572 : vector<16xi1>, vector<16xf32>
        %parallel_loop3A_1591 = arith.select %parallel_loop3A_1574, %parallel_loop3A_1328, %parallel_loop3A_1573 : vector<16xi1>, vector<16xi32>
        %parallel_loop3A_1592 = arith.cmpf olt, %parallel_loop3A_1353, %parallel_loop3A_1590 : vector<16xf32>
        %parallel_loop3A_1593 = arith.cmpf olt, %parallel_loop3A_1353, %parallel_loop3A_1587 : vector<16xf32>
        %parallel_loop3A_1594 = arith.cmpf olt, %parallel_loop3A_1353, %parallel_loop3A_1583 : vector<16xf32>
        %parallel_loop3A_1595 = arith.cmpf olt, %parallel_loop3A_1353, %parallel_loop3A_1579 : vector<16xf32>
        %parallel_loop3A_1596 = arith.select %parallel_loop3A_1594, %parallel_loop3A_1583, %parallel_loop3A_1353 : vector<16xi1>, vector<16xf32>
        %parallel_loop3A_1597 = arith.select %parallel_loop3A_1595, %parallel_loop3A_1596, %parallel_loop3A_1579 : vector<16xi1>, vector<16xf32>
        %parallel_loop3A_1598 = arith.select %parallel_loop3A_1594, %parallel_loop3A_1585, %parallel_loop3A_1342 : vector<16xi1>, vector<16xi32>
        %parallel_loop3A_1599 = arith.select %parallel_loop3A_1595, %parallel_loop3A_1598, %parallel_loop3A_1581 : vector<16xi1>, vector<16xi32>
        %parallel_loop3A_1600 = arith.select %parallel_loop3A_1593, %parallel_loop3A_1587, %parallel_loop3A_1353 : vector<16xi1>, vector<16xf32>
        %parallel_loop3A_1601 = arith.select %parallel_loop3A_1594, %parallel_loop3A_1600, %parallel_loop3A_1583 : vector<16xi1>, vector<16xf32>
        %parallel_loop3A_1602 = arith.select %parallel_loop3A_1593, %parallel_loop3A_1589, %parallel_loop3A_1342 : vector<16xi1>, vector<16xi32>
        %parallel_loop3A_1603 = arith.select %parallel_loop3A_1594, %parallel_loop3A_1602, %parallel_loop3A_1585 : vector<16xi1>, vector<16xi32>
        %parallel_loop3A_1604 = arith.select %parallel_loop3A_1592, %parallel_loop3A_1590, %parallel_loop3A_1353 : vector<16xi1>, vector<16xf32>
        %parallel_loop3A_1605 = arith.select %parallel_loop3A_1593, %parallel_loop3A_1604, %parallel_loop3A_1587 : vector<16xi1>, vector<16xf32>
        %parallel_loop3A_1606 = arith.select %parallel_loop3A_1592, %parallel_loop3A_1591, %parallel_loop3A_1342 : vector<16xi1>, vector<16xi32>
        %parallel_loop3A_1607 = arith.select %parallel_loop3A_1593, %parallel_loop3A_1606, %parallel_loop3A_1589 : vector<16xi1>, vector<16xi32>
        %parallel_loop3A_1608 = arith.select %parallel_loop3A_1592, %parallel_loop3A_1353, %parallel_loop3A_1590 : vector<16xi1>, vector<16xf32>
        %parallel_loop3A_1609 = arith.select %parallel_loop3A_1592, %parallel_loop3A_1342, %parallel_loop3A_1591 : vector<16xi1>, vector<16xi32>
        %parallel_loop3A_1610 = arith.cmpf olt, %parallel_loop3A_1367, %parallel_loop3A_1608 : vector<16xf32>
        %parallel_loop3A_1611 = arith.cmpf olt, %parallel_loop3A_1367, %parallel_loop3A_1605 : vector<16xf32>
        %parallel_loop3A_1612 = arith.cmpf olt, %parallel_loop3A_1367, %parallel_loop3A_1601 : vector<16xf32>
        %parallel_loop3A_1613 = arith.cmpf olt, %parallel_loop3A_1367, %parallel_loop3A_1597 : vector<16xf32>
        %parallel_loop3A_1614 = arith.select %parallel_loop3A_1612, %parallel_loop3A_1601, %parallel_loop3A_1367 : vector<16xi1>, vector<16xf32>
        %parallel_loop3A_1615 = arith.select %parallel_loop3A_1613, %parallel_loop3A_1614, %parallel_loop3A_1597 : vector<16xi1>, vector<16xf32>
        %parallel_loop3A_1616 = arith.select %parallel_loop3A_1612, %parallel_loop3A_1603, %parallel_loop3A_1356 : vector<16xi1>, vector<16xi32>
        %parallel_loop3A_1617 = arith.select %parallel_loop3A_1613, %parallel_loop3A_1616, %parallel_loop3A_1599 : vector<16xi1>, vector<16xi32>
        %parallel_loop3A_1618 = arith.select %parallel_loop3A_1611, %parallel_loop3A_1605, %parallel_loop3A_1367 : vector<16xi1>, vector<16xf32>
        %parallel_loop3A_1619 = arith.select %parallel_loop3A_1612, %parallel_loop3A_1618, %parallel_loop3A_1601 : vector<16xi1>, vector<16xf32>
        %parallel_loop3A_1620 = arith.select %parallel_loop3A_1611, %parallel_loop3A_1607, %parallel_loop3A_1356 : vector<16xi1>, vector<16xi32>
        %parallel_loop3A_1621 = arith.select %parallel_loop3A_1612, %parallel_loop3A_1620, %parallel_loop3A_1603 : vector<16xi1>, vector<16xi32>
        %parallel_loop3A_1622 = arith.select %parallel_loop3A_1610, %parallel_loop3A_1608, %parallel_loop3A_1367 : vector<16xi1>, vector<16xf32>
        %parallel_loop3A_1623 = arith.select %parallel_loop3A_1611, %parallel_loop3A_1622, %parallel_loop3A_1605 : vector<16xi1>, vector<16xf32>
        %parallel_loop3A_1624 = arith.select %parallel_loop3A_1610, %parallel_loop3A_1609, %parallel_loop3A_1356 : vector<16xi1>, vector<16xi32>
        %parallel_loop3A_1625 = arith.select %parallel_loop3A_1611, %parallel_loop3A_1624, %parallel_loop3A_1607 : vector<16xi1>, vector<16xi32>
        %parallel_loop3A_1626 = arith.select %parallel_loop3A_1610, %parallel_loop3A_1367, %parallel_loop3A_1608 : vector<16xi1>, vector<16xf32>
        %parallel_loop3A_1627 = arith.select %parallel_loop3A_1610, %parallel_loop3A_1356, %parallel_loop3A_1609 : vector<16xi1>, vector<16xi32>
        %parallel_loop3A_1628 = arith.cmpf olt, %parallel_loop3A_1381, %parallel_loop3A_1626 : vector<16xf32>
        %parallel_loop3A_1629 = arith.cmpf olt, %parallel_loop3A_1381, %parallel_loop3A_1623 : vector<16xf32>
        %parallel_loop3A_1630 = arith.cmpf olt, %parallel_loop3A_1381, %parallel_loop3A_1619 : vector<16xf32>
        %parallel_loop3A_1631 = arith.cmpf olt, %parallel_loop3A_1381, %parallel_loop3A_1615 : vector<16xf32>
        %parallel_loop3A_1632 = arith.select %parallel_loop3A_1630, %parallel_loop3A_1619, %parallel_loop3A_1381 : vector<16xi1>, vector<16xf32>
        %parallel_loop3A_1633 = arith.select %parallel_loop3A_1631, %parallel_loop3A_1632, %parallel_loop3A_1615 : vector<16xi1>, vector<16xf32>
        %parallel_loop3A_1634 = arith.select %parallel_loop3A_1630, %parallel_loop3A_1621, %parallel_loop3A_1370 : vector<16xi1>, vector<16xi32>
        %parallel_loop3A_1635 = arith.select %parallel_loop3A_1631, %parallel_loop3A_1634, %parallel_loop3A_1617 : vector<16xi1>, vector<16xi32>
        %parallel_loop3A_1636 = arith.select %parallel_loop3A_1629, %parallel_loop3A_1623, %parallel_loop3A_1381 : vector<16xi1>, vector<16xf32>
        %parallel_loop3A_1637 = arith.select %parallel_loop3A_1630, %parallel_loop3A_1636, %parallel_loop3A_1619 : vector<16xi1>, vector<16xf32>
        %parallel_loop3A_1638 = arith.select %parallel_loop3A_1629, %parallel_loop3A_1625, %parallel_loop3A_1370 : vector<16xi1>, vector<16xi32>
        %parallel_loop3A_1639 = arith.select %parallel_loop3A_1630, %parallel_loop3A_1638, %parallel_loop3A_1621 : vector<16xi1>, vector<16xi32>
        %parallel_loop3A_1640 = arith.select %parallel_loop3A_1628, %parallel_loop3A_1626, %parallel_loop3A_1381 : vector<16xi1>, vector<16xf32>
        %parallel_loop3A_1641 = arith.select %parallel_loop3A_1629, %parallel_loop3A_1640, %parallel_loop3A_1623 : vector<16xi1>, vector<16xf32>
        %parallel_loop3A_1642 = arith.select %parallel_loop3A_1628, %parallel_loop3A_1627, %parallel_loop3A_1370 : vector<16xi1>, vector<16xi32>
        %parallel_loop3A_1643 = arith.select %parallel_loop3A_1629, %parallel_loop3A_1642, %parallel_loop3A_1625 : vector<16xi1>, vector<16xi32>
        %parallel_loop3A_1644 = arith.select %parallel_loop3A_1628, %parallel_loop3A_1381, %parallel_loop3A_1626 : vector<16xi1>, vector<16xf32>
        %parallel_loop3A_1645 = arith.select %parallel_loop3A_1628, %parallel_loop3A_1370, %parallel_loop3A_1627 : vector<16xi1>, vector<16xi32>
        %parallel_loop3A_1646 = arith.cmpf olt, %parallel_loop3A_1395, %parallel_loop3A_1644 : vector<16xf32>
        %parallel_loop3A_1647 = arith.cmpf olt, %parallel_loop3A_1395, %parallel_loop3A_1641 : vector<16xf32>
        %parallel_loop3A_1648 = arith.cmpf olt, %parallel_loop3A_1395, %parallel_loop3A_1637 : vector<16xf32>
        %parallel_loop3A_1649 = arith.cmpf olt, %parallel_loop3A_1395, %parallel_loop3A_1633 : vector<16xf32>
        %parallel_loop3A_1650 = arith.select %parallel_loop3A_1648, %parallel_loop3A_1637, %parallel_loop3A_1395 : vector<16xi1>, vector<16xf32>
        %parallel_loop3A_1651 = arith.select %parallel_loop3A_1649, %parallel_loop3A_1650, %parallel_loop3A_1633 : vector<16xi1>, vector<16xf32>
        %parallel_loop3A_1652 = arith.select %parallel_loop3A_1648, %parallel_loop3A_1639, %parallel_loop3A_1384 : vector<16xi1>, vector<16xi32>
        %parallel_loop3A_1653 = arith.select %parallel_loop3A_1649, %parallel_loop3A_1652, %parallel_loop3A_1635 : vector<16xi1>, vector<16xi32>
        %parallel_loop3A_1654 = arith.select %parallel_loop3A_1647, %parallel_loop3A_1641, %parallel_loop3A_1395 : vector<16xi1>, vector<16xf32>
        %parallel_loop3A_1655 = arith.select %parallel_loop3A_1648, %parallel_loop3A_1654, %parallel_loop3A_1637 : vector<16xi1>, vector<16xf32>
        %parallel_loop3A_1656 = arith.select %parallel_loop3A_1647, %parallel_loop3A_1643, %parallel_loop3A_1384 : vector<16xi1>, vector<16xi32>
        %parallel_loop3A_1657 = arith.select %parallel_loop3A_1648, %parallel_loop3A_1656, %parallel_loop3A_1639 : vector<16xi1>, vector<16xi32>
        %parallel_loop3A_1658 = arith.select %parallel_loop3A_1646, %parallel_loop3A_1644, %parallel_loop3A_1395 : vector<16xi1>, vector<16xf32>
        %parallel_loop3A_1659 = arith.select %parallel_loop3A_1647, %parallel_loop3A_1658, %parallel_loop3A_1641 : vector<16xi1>, vector<16xf32>
        %parallel_loop3A_1660 = arith.select %parallel_loop3A_1646, %parallel_loop3A_1645, %parallel_loop3A_1384 : vector<16xi1>, vector<16xi32>
        %parallel_loop3A_1661 = arith.select %parallel_loop3A_1647, %parallel_loop3A_1660, %parallel_loop3A_1643 : vector<16xi1>, vector<16xi32>
        %parallel_loop3A_1662 = arith.select %parallel_loop3A_1646, %parallel_loop3A_1395, %parallel_loop3A_1644 : vector<16xi1>, vector<16xf32>
        %parallel_loop3A_1663 = arith.select %parallel_loop3A_1646, %parallel_loop3A_1384, %parallel_loop3A_1645 : vector<16xi1>, vector<16xi32>
        %parallel_loop3A_1664 = arith.cmpf olt, %parallel_loop3A_1409, %parallel_loop3A_1662 : vector<16xf32>
        %parallel_loop3A_1665 = arith.cmpf olt, %parallel_loop3A_1409, %parallel_loop3A_1659 : vector<16xf32>
        %parallel_loop3A_1666 = arith.cmpf olt, %parallel_loop3A_1409, %parallel_loop3A_1655 : vector<16xf32>
        %parallel_loop3A_1667 = arith.cmpf olt, %parallel_loop3A_1409, %parallel_loop3A_1651 : vector<16xf32>
        %parallel_loop3A_1668 = arith.select %parallel_loop3A_1666, %parallel_loop3A_1655, %parallel_loop3A_1409 : vector<16xi1>, vector<16xf32>
        %parallel_loop3A_1669 = arith.select %parallel_loop3A_1667, %parallel_loop3A_1668, %parallel_loop3A_1651 : vector<16xi1>, vector<16xf32>
        %parallel_loop3A_1670 = arith.select %parallel_loop3A_1666, %parallel_loop3A_1657, %parallel_loop3A_1398 : vector<16xi1>, vector<16xi32>
        %parallel_loop3A_1671 = arith.select %parallel_loop3A_1667, %parallel_loop3A_1670, %parallel_loop3A_1653 : vector<16xi1>, vector<16xi32>
        %parallel_loop3A_1672 = arith.select %parallel_loop3A_1665, %parallel_loop3A_1659, %parallel_loop3A_1409 : vector<16xi1>, vector<16xf32>
        %parallel_loop3A_1673 = arith.select %parallel_loop3A_1666, %parallel_loop3A_1672, %parallel_loop3A_1655 : vector<16xi1>, vector<16xf32>
        %parallel_loop3A_1674 = arith.select %parallel_loop3A_1665, %parallel_loop3A_1661, %parallel_loop3A_1398 : vector<16xi1>, vector<16xi32>
        %parallel_loop3A_1675 = arith.select %parallel_loop3A_1666, %parallel_loop3A_1674, %parallel_loop3A_1657 : vector<16xi1>, vector<16xi32>
        %parallel_loop3A_1676 = arith.select %parallel_loop3A_1664, %parallel_loop3A_1662, %parallel_loop3A_1409 : vector<16xi1>, vector<16xf32>
        %parallel_loop3A_1677 = arith.select %parallel_loop3A_1665, %parallel_loop3A_1676, %parallel_loop3A_1659 : vector<16xi1>, vector<16xf32>
        %parallel_loop3A_1678 = arith.select %parallel_loop3A_1664, %parallel_loop3A_1663, %parallel_loop3A_1398 : vector<16xi1>, vector<16xi32>
        %parallel_loop3A_1679 = arith.select %parallel_loop3A_1665, %parallel_loop3A_1678, %parallel_loop3A_1661 : vector<16xi1>, vector<16xi32>
        %parallel_loop3A_1680 = arith.select %parallel_loop3A_1664, %parallel_loop3A_1409, %parallel_loop3A_1662 : vector<16xi1>, vector<16xf32>
        %parallel_loop3A_1681 = arith.select %parallel_loop3A_1664, %parallel_loop3A_1398, %parallel_loop3A_1663 : vector<16xi1>, vector<16xi32>
        %parallel_loop3A_1682 = arith.cmpf olt, %parallel_loop3A_1423, %parallel_loop3A_1680 : vector<16xf32>
        %parallel_loop3A_1683 = arith.cmpf olt, %parallel_loop3A_1423, %parallel_loop3A_1677 : vector<16xf32>
        %parallel_loop3A_1684 = arith.cmpf olt, %parallel_loop3A_1423, %parallel_loop3A_1673 : vector<16xf32>
        %parallel_loop3A_1685 = arith.cmpf olt, %parallel_loop3A_1423, %parallel_loop3A_1669 : vector<16xf32>
        %parallel_loop3A_1686 = arith.select %parallel_loop3A_1684, %parallel_loop3A_1673, %parallel_loop3A_1423 : vector<16xi1>, vector<16xf32>
        %parallel_loop3A_1687 = arith.select %parallel_loop3A_1685, %parallel_loop3A_1686, %parallel_loop3A_1669 : vector<16xi1>, vector<16xf32>
        %parallel_loop3A_1688 = arith.select %parallel_loop3A_1684, %parallel_loop3A_1675, %parallel_loop3A_1412 : vector<16xi1>, vector<16xi32>
        %parallel_loop3A_1689 = arith.select %parallel_loop3A_1685, %parallel_loop3A_1688, %parallel_loop3A_1671 : vector<16xi1>, vector<16xi32>
        %parallel_loop3A_1690 = arith.select %parallel_loop3A_1683, %parallel_loop3A_1677, %parallel_loop3A_1423 : vector<16xi1>, vector<16xf32>
        %parallel_loop3A_1691 = arith.select %parallel_loop3A_1684, %parallel_loop3A_1690, %parallel_loop3A_1673 : vector<16xi1>, vector<16xf32>
        %parallel_loop3A_1692 = arith.select %parallel_loop3A_1683, %parallel_loop3A_1679, %parallel_loop3A_1412 : vector<16xi1>, vector<16xi32>
        %parallel_loop3A_1693 = arith.select %parallel_loop3A_1684, %parallel_loop3A_1692, %parallel_loop3A_1675 : vector<16xi1>, vector<16xi32>
        %parallel_loop3A_1694 = arith.select %parallel_loop3A_1682, %parallel_loop3A_1680, %parallel_loop3A_1423 : vector<16xi1>, vector<16xf32>
        %parallel_loop3A_1695 = arith.select %parallel_loop3A_1683, %parallel_loop3A_1694, %parallel_loop3A_1677 : vector<16xi1>, vector<16xf32>
        %parallel_loop3A_1696 = arith.select %parallel_loop3A_1682, %parallel_loop3A_1681, %parallel_loop3A_1412 : vector<16xi1>, vector<16xi32>
        %parallel_loop3A_1697 = arith.select %parallel_loop3A_1683, %parallel_loop3A_1696, %parallel_loop3A_1679 : vector<16xi1>, vector<16xi32>
        %parallel_loop3A_1698 = arith.select %parallel_loop3A_1682, %parallel_loop3A_1423, %parallel_loop3A_1680 : vector<16xi1>, vector<16xf32>
        %parallel_loop3A_1699 = arith.select %parallel_loop3A_1682, %parallel_loop3A_1412, %parallel_loop3A_1681 : vector<16xi1>, vector<16xi32>
        %parallel_loop3A_1700 = arith.cmpf olt, %parallel_loop3A_1437, %parallel_loop3A_1698 : vector<16xf32>
        %parallel_loop3A_1701 = arith.cmpf olt, %parallel_loop3A_1437, %parallel_loop3A_1695 : vector<16xf32>
        %parallel_loop3A_1702 = arith.cmpf olt, %parallel_loop3A_1437, %parallel_loop3A_1691 : vector<16xf32>
        %parallel_loop3A_1703 = arith.cmpf olt, %parallel_loop3A_1437, %parallel_loop3A_1687 : vector<16xf32>
        %parallel_loop3A_1704 = arith.select %parallel_loop3A_1702, %parallel_loop3A_1691, %parallel_loop3A_1437 : vector<16xi1>, vector<16xf32>
        %parallel_loop3A_1705 = arith.select %parallel_loop3A_1703, %parallel_loop3A_1704, %parallel_loop3A_1687 : vector<16xi1>, vector<16xf32>
        %parallel_loop3A_1706 = arith.select %parallel_loop3A_1702, %parallel_loop3A_1693, %parallel_loop3A_1426 : vector<16xi1>, vector<16xi32>
        %parallel_loop3A_1707 = arith.select %parallel_loop3A_1703, %parallel_loop3A_1706, %parallel_loop3A_1689 : vector<16xi1>, vector<16xi32>
        %parallel_loop3A_1708 = arith.select %parallel_loop3A_1701, %parallel_loop3A_1695, %parallel_loop3A_1437 : vector<16xi1>, vector<16xf32>
        %parallel_loop3A_1709 = arith.select %parallel_loop3A_1702, %parallel_loop3A_1708, %parallel_loop3A_1691 : vector<16xi1>, vector<16xf32>
        %parallel_loop3A_1710 = arith.select %parallel_loop3A_1701, %parallel_loop3A_1697, %parallel_loop3A_1426 : vector<16xi1>, vector<16xi32>
        %parallel_loop3A_1711 = arith.select %parallel_loop3A_1702, %parallel_loop3A_1710, %parallel_loop3A_1693 : vector<16xi1>, vector<16xi32>
        %parallel_loop3A_1712 = arith.select %parallel_loop3A_1700, %parallel_loop3A_1698, %parallel_loop3A_1437 : vector<16xi1>, vector<16xf32>
        %parallel_loop3A_1713 = arith.select %parallel_loop3A_1701, %parallel_loop3A_1712, %parallel_loop3A_1695 : vector<16xi1>, vector<16xf32>
        %parallel_loop3A_1714 = arith.select %parallel_loop3A_1700, %parallel_loop3A_1699, %parallel_loop3A_1426 : vector<16xi1>, vector<16xi32>
        %parallel_loop3A_1715 = arith.select %parallel_loop3A_1701, %parallel_loop3A_1714, %parallel_loop3A_1697 : vector<16xi1>, vector<16xi32>
        %parallel_loop3A_1716 = arith.select %parallel_loop3A_1700, %parallel_loop3A_1437, %parallel_loop3A_1698 : vector<16xi1>, vector<16xf32>
        %parallel_loop3A_1717 = arith.select %parallel_loop3A_1700, %parallel_loop3A_1426, %parallel_loop3A_1699 : vector<16xi1>, vector<16xi32>
        %parallel_loop3A_1718 = arith.cmpf olt, %parallel_loop3A_1451, %parallel_loop3A_1716 : vector<16xf32>
        %parallel_loop3A_1719 = arith.cmpf olt, %parallel_loop3A_1451, %parallel_loop3A_1713 : vector<16xf32>
        %parallel_loop3A_1720 = arith.cmpf olt, %parallel_loop3A_1451, %parallel_loop3A_1709 : vector<16xf32>
        %parallel_loop3A_1721 = arith.cmpf olt, %parallel_loop3A_1451, %parallel_loop3A_1705 : vector<16xf32>
        %parallel_loop3A_1722 = arith.select %parallel_loop3A_1720, %parallel_loop3A_1709, %parallel_loop3A_1451 : vector<16xi1>, vector<16xf32>
        %parallel_loop3A_1723 = arith.select %parallel_loop3A_1721, %parallel_loop3A_1722, %parallel_loop3A_1705 : vector<16xi1>, vector<16xf32>
        %parallel_loop3A_1724 = arith.select %parallel_loop3A_1720, %parallel_loop3A_1711, %parallel_loop3A_1440 : vector<16xi1>, vector<16xi32>
        %parallel_loop3A_1725 = arith.select %parallel_loop3A_1721, %parallel_loop3A_1724, %parallel_loop3A_1707 : vector<16xi1>, vector<16xi32>
        %parallel_loop3A_1726 = arith.select %parallel_loop3A_1719, %parallel_loop3A_1713, %parallel_loop3A_1451 : vector<16xi1>, vector<16xf32>
        %parallel_loop3A_1727 = arith.select %parallel_loop3A_1720, %parallel_loop3A_1726, %parallel_loop3A_1709 : vector<16xi1>, vector<16xf32>
        %parallel_loop3A_1728 = arith.select %parallel_loop3A_1719, %parallel_loop3A_1715, %parallel_loop3A_1440 : vector<16xi1>, vector<16xi32>
        %parallel_loop3A_1729 = arith.select %parallel_loop3A_1720, %parallel_loop3A_1728, %parallel_loop3A_1711 : vector<16xi1>, vector<16xi32>
        %parallel_loop3A_1730 = arith.select %parallel_loop3A_1718, %parallel_loop3A_1716, %parallel_loop3A_1451 : vector<16xi1>, vector<16xf32>
        %parallel_loop3A_1731 = arith.select %parallel_loop3A_1719, %parallel_loop3A_1730, %parallel_loop3A_1713 : vector<16xi1>, vector<16xf32>
        %parallel_loop3A_1732 = arith.select %parallel_loop3A_1718, %parallel_loop3A_1717, %parallel_loop3A_1440 : vector<16xi1>, vector<16xi32>
        %parallel_loop3A_1733 = arith.select %parallel_loop3A_1719, %parallel_loop3A_1732, %parallel_loop3A_1715 : vector<16xi1>, vector<16xi32>
        %parallel_loop3A_1734 = arith.select %parallel_loop3A_1718, %parallel_loop3A_1451, %parallel_loop3A_1716 : vector<16xi1>, vector<16xf32>
        %parallel_loop3A_1735 = arith.select %parallel_loop3A_1718, %parallel_loop3A_1440, %parallel_loop3A_1717 : vector<16xi1>, vector<16xi32>
        %parallel_loop3A_1736 = arith.cmpf olt, %parallel_loop3A_1465, %parallel_loop3A_1734 : vector<16xf32>
        %parallel_loop3A_1737 = arith.cmpf olt, %parallel_loop3A_1465, %parallel_loop3A_1731 : vector<16xf32>
        %parallel_loop3A_1738 = arith.cmpf olt, %parallel_loop3A_1465, %parallel_loop3A_1727 : vector<16xf32>
        %parallel_loop3A_1739 = arith.cmpf olt, %parallel_loop3A_1465, %parallel_loop3A_1723 : vector<16xf32>
        %parallel_loop3A_1740 = arith.select %parallel_loop3A_1738, %parallel_loop3A_1727, %parallel_loop3A_1465 : vector<16xi1>, vector<16xf32>
        %parallel_loop3A_1741 = arith.select %parallel_loop3A_1739, %parallel_loop3A_1740, %parallel_loop3A_1723 : vector<16xi1>, vector<16xf32>
        %parallel_loop3A_1742 = arith.select %parallel_loop3A_1738, %parallel_loop3A_1729, %parallel_loop3A_1454 : vector<16xi1>, vector<16xi32>
        %parallel_loop3A_1743 = arith.select %parallel_loop3A_1739, %parallel_loop3A_1742, %parallel_loop3A_1725 : vector<16xi1>, vector<16xi32>
        %parallel_loop3A_1744 = arith.select %parallel_loop3A_1737, %parallel_loop3A_1731, %parallel_loop3A_1465 : vector<16xi1>, vector<16xf32>
        %parallel_loop3A_1745 = arith.select %parallel_loop3A_1738, %parallel_loop3A_1744, %parallel_loop3A_1727 : vector<16xi1>, vector<16xf32>
        %parallel_loop3A_1746 = arith.select %parallel_loop3A_1737, %parallel_loop3A_1733, %parallel_loop3A_1454 : vector<16xi1>, vector<16xi32>
        %parallel_loop3A_1747 = arith.select %parallel_loop3A_1738, %parallel_loop3A_1746, %parallel_loop3A_1729 : vector<16xi1>, vector<16xi32>
        %parallel_loop3A_1748 = arith.select %parallel_loop3A_1736, %parallel_loop3A_1734, %parallel_loop3A_1465 : vector<16xi1>, vector<16xf32>
        %parallel_loop3A_1749 = arith.select %parallel_loop3A_1737, %parallel_loop3A_1748, %parallel_loop3A_1731 : vector<16xi1>, vector<16xf32>
        %parallel_loop3A_1750 = arith.select %parallel_loop3A_1736, %parallel_loop3A_1735, %parallel_loop3A_1454 : vector<16xi1>, vector<16xi32>
        %parallel_loop3A_1751 = arith.select %parallel_loop3A_1737, %parallel_loop3A_1750, %parallel_loop3A_1733 : vector<16xi1>, vector<16xi32>
        %parallel_loop3A_1752 = arith.select %parallel_loop3A_1736, %parallel_loop3A_1465, %parallel_loop3A_1734 : vector<16xi1>, vector<16xf32>
        %parallel_loop3A_1753 = arith.select %parallel_loop3A_1736, %parallel_loop3A_1454, %parallel_loop3A_1735 : vector<16xi1>, vector<16xi32>
        scf.yield %parallel_loop3A_1752, %parallel_loop3A_1749, %parallel_loop3A_1745, %parallel_loop3A_1741, %parallel_loop3A_1753, %parallel_loop3A_1751, %parallel_loop3A_1747, %parallel_loop3A_1743 : vector<16xf32>, vector<16xf32>, vector<16xf32>, vector<16xf32>, vector<16xi32>, vector<16xi32>, vector<16xi32>, vector<16xi32>
      } {sc.loop_unroll_factor = 2 : i64, sc.parallel_access}
      %get3A_47 = arith.index_cast %add3A_20 : i32 to index
      %get3A_48 = tpu.vector_load %arg8[%get3A_47] {strides = array<i32>} : memref<4096xf32, #tpu.memory_space<vmem>>, vector<16xf32>,
      %get3A_49 = arith.index_cast %add3A_20 : i32 to index
      %get3A_50 = tpu.vector_load %arg9[%get3A_49] {strides = array<i32>} : memref<4096xf32, #tpu.memory_space<vmem>>, vector<16xf32>,
      %add3A_51 = arith.constant 0 : i32
      %add3A_52 = arith.addi %add3A_20, %add3A_51 : i32
      %broadcast_in_dim3A_53 = vector.broadcast %add3A_52 : i32 to vector<16xi32>
      %slice3A = vector.extract_strided_slice %get3A_48 {offsets = [0], sizes = [1], strides = [1]} : vector<16xf32> to vector<1xf32>
      %squeeze3A = vector.extract %slice3A[0] : f32 from vector<1xf32>
      %sub3A_54 = vector.broadcast %squeeze3A : f32 to vector<16xf32>
      %sub3A_55 = arith.subf %sub3A_54, %get3A_23 : vector<16xf32>
      %slice3A_56 = vector.extract_strided_slice %get3A_50 {offsets = [0], sizes = [1], strides = [1]} : vector<16xf32> to vector<1xf32>
      %squeeze3A_57 = vector.extract %slice3A_56[0] : f32 from vector<1xf32>
      %sub3A_58 = vector.broadcast %squeeze3A_57 : f32 to vector<16xf32>
      %sub3A_59 = arith.subf %sub3A_58, %get3A_25 : vector<16xf32>
      %mul3A_60 = arith.mulf %sub3A_55, %sub3A_55 : vector<16xf32>
      %mul3A_61 = arith.mulf %sub3A_59, %sub3A_59 : vector<16xf32>
      %add3A_62 = arith.addf %mul3A_60, %mul3A_61 : vector<16xf32>
      %add3A_63 = arith.constant 1 : i32
      %add3A_64 = arith.addi %add3A_20, %add3A_63 : i32
      %broadcast_in_dim3A_65 = vector.broadcast %add3A_64 : i32 to vector<16xi32>
      %slice3A_66 = vector.extract_strided_slice %get3A_48 {offsets = [1], sizes = [1], strides = [1]} : vector<16xf32> to vector<1xf32>
      %squeeze3A_67 = vector.extract %slice3A_66[0] : f32 from vector<1xf32>
      %sub3A_68 = vector.broadcast %squeeze3A_67 : f32 to vector<16xf32>
      %sub3A_69 = arith.subf %sub3A_68, %get3A_23 : vector<16xf32>
      %slice3A_70 = vector.extract_strided_slice %get3A_50 {offsets = [1], sizes = [1], strides = [1]} : vector<16xf32> to vector<1xf32>
      %squeeze3A_71 = vector.extract %slice3A_70[0] : f32 from vector<1xf32>
      %sub3A_72 = vector.broadcast %squeeze3A_71 : f32 to vector<16xf32>
      %sub3A_73 = arith.subf %sub3A_72, %get3A_25 : vector<16xf32>
      %mul3A_74 = arith.mulf %sub3A_69, %sub3A_69 : vector<16xf32>
      %mul3A_75 = arith.mulf %sub3A_73, %sub3A_73 : vector<16xf32>
      %add3A_76 = arith.addf %mul3A_74, %mul3A_75 : vector<16xf32>
      %add3A_77 = arith.constant 2 : i32
      %add3A_78 = arith.addi %add3A_20, %add3A_77 : i32
      %broadcast_in_dim3A_79 = vector.broadcast %add3A_78 : i32 to vector<16xi32>
      %slice3A_80 = vector.extract_strided_slice %get3A_48 {offsets = [2], sizes = [1], strides = [1]} : vector<16xf32> to vector<1xf32>
      %squeeze3A_81 = vector.extract %slice3A_80[0] : f32 from vector<1xf32>
      %sub3A_82 = vector.broadcast %squeeze3A_81 : f32 to vector<16xf32>
      %sub3A_83 = arith.subf %sub3A_82, %get3A_23 : vector<16xf32>
      %slice3A_84 = vector.extract_strided_slice %get3A_50 {offsets = [2], sizes = [1], strides = [1]} : vector<16xf32> to vector<1xf32>
      %squeeze3A_85 = vector.extract %slice3A_84[0] : f32 from vector<1xf32>
      %sub3A_86 = vector.broadcast %squeeze3A_85 : f32 to vector<16xf32>
      %sub3A_87 = arith.subf %sub3A_86, %get3A_25 : vector<16xf32>
      %mul3A_88 = arith.mulf %sub3A_83, %sub3A_83 : vector<16xf32>
      %mul3A_89 = arith.mulf %sub3A_87, %sub3A_87 : vector<16xf32>
      %add3A_90 = arith.addf %mul3A_88, %mul3A_89 : vector<16xf32>
      %add3A_91 = arith.constant 3 : i32
      %add3A_92 = arith.addi %add3A_20, %add3A_91 : i32
      %broadcast_in_dim3A_93 = vector.broadcast %add3A_92 : i32 to vector<16xi32>
      %slice3A_94 = vector.extract_strided_slice %get3A_48 {offsets = [3], sizes = [1], strides = [1]} : vector<16xf32> to vector<1xf32>
      %squeeze3A_95 = vector.extract %slice3A_94[0] : f32 from vector<1xf32>
      %sub3A_96 = vector.broadcast %squeeze3A_95 : f32 to vector<16xf32>
      %sub3A_97 = arith.subf %sub3A_96, %get3A_23 : vector<16xf32>
      %slice3A_98 = vector.extract_strided_slice %get3A_50 {offsets = [3], sizes = [1], strides = [1]} : vector<16xf32> to vector<1xf32>
      %squeeze3A_99 = vector.extract %slice3A_98[0] : f32 from vector<1xf32>
      %sub3A_100 = vector.broadcast %squeeze3A_99 : f32 to vector<16xf32>
      %sub3A_101 = arith.subf %sub3A_100, %get3A_25 : vector<16xf32>
      %mul3A_102 = arith.mulf %sub3A_97, %sub3A_97 : vector<16xf32>
      %mul3A_103 = arith.mulf %sub3A_101, %sub3A_101 : vector<16xf32>
      %add3A_104 = arith.addf %mul3A_102, %mul3A_103 : vector<16xf32>
      %add3A_105 = arith.constant 4 : i32
      %add3A_106 = arith.addi %add3A_20, %add3A_105 : i32
      %broadcast_in_dim3A_107 = vector.broadcast %add3A_106 : i32 to vector<16xi32>
      %slice3A_108 = vector.extract_strided_slice %get3A_48 {offsets = [4], sizes = [1], strides = [1]} : vector<16xf32> to vector<1xf32>
      %squeeze3A_109 = vector.extract %slice3A_108[0] : f32 from vector<1xf32>
      %sub3A_110 = vector.broadcast %squeeze3A_109 : f32 to vector<16xf32>
      %sub3A_111 = arith.subf %sub3A_110, %get3A_23 : vector<16xf32>
      %slice3A_112 = vector.extract_strided_slice %get3A_50 {offsets = [4], sizes = [1], strides = [1]} : vector<16xf32> to vector<1xf32>
      %squeeze3A_113 = vector.extract %slice3A_112[0] : f32 from vector<1xf32>
      %sub3A_114 = vector.broadcast %squeeze3A_113 : f32 to vector<16xf32>
      %sub3A_115 = arith.subf %sub3A_114, %get3A_25 : vector<16xf32>
      %mul3A_116 = arith.mulf %sub3A_111, %sub3A_111 : vector<16xf32>
      %mul3A_117 = arith.mulf %sub3A_115, %sub3A_115 : vector<16xf32>
      %add3A_118 = arith.addf %mul3A_116, %mul3A_117 : vector<16xf32>
      %add3A_119 = arith.constant 5 : i32
      %add3A_120 = arith.addi %add3A_20, %add3A_119 : i32
      %broadcast_in_dim3A_121 = vector.broadcast %add3A_120 : i32 to vector<16xi32>
      %slice3A_122 = vector.extract_strided_slice %get3A_48 {offsets = [5], sizes = [1], strides = [1]} : vector<16xf32> to vector<1xf32>
      %squeeze3A_123 = vector.extract %slice3A_122[0] : f32 from vector<1xf32>
      %sub3A_124 = vector.broadcast %squeeze3A_123 : f32 to vector<16xf32>
      %sub3A_125 = arith.subf %sub3A_124, %get3A_23 : vector<16xf32>
      %slice3A_126 = vector.extract_strided_slice %get3A_50 {offsets = [5], sizes = [1], strides = [1]} : vector<16xf32> to vector<1xf32>
      %squeeze3A_127 = vector.extract %slice3A_126[0] : f32 from vector<1xf32>
      %sub3A_128 = vector.broadcast %squeeze3A_127 : f32 to vector<16xf32>
      %sub3A_129 = arith.subf %sub3A_128, %get3A_25 : vector<16xf32>
      %mul3A_130 = arith.mulf %sub3A_125, %sub3A_125 : vector<16xf32>
      %mul3A_131 = arith.mulf %sub3A_129, %sub3A_129 : vector<16xf32>
      %add3A_132 = arith.addf %mul3A_130, %mul3A_131 : vector<16xf32>
      %add3A_133 = arith.constant 6 : i32
      %add3A_134 = arith.addi %add3A_20, %add3A_133 : i32
      %broadcast_in_dim3A_135 = vector.broadcast %add3A_134 : i32 to vector<16xi32>
      %slice3A_136 = vector.extract_strided_slice %get3A_48 {offsets = [6], sizes = [1], strides = [1]} : vector<16xf32> to vector<1xf32>
      %squeeze3A_137 = vector.extract %slice3A_136[0] : f32 from vector<1xf32>
      %sub3A_138 = vector.broadcast %squeeze3A_137 : f32 to vector<16xf32>
      %sub3A_139 = arith.subf %sub3A_138, %get3A_23 : vector<16xf32>
      %slice3A_140 = vector.extract_strided_slice %get3A_50 {offsets = [6], sizes = [1], strides = [1]} : vector<16xf32> to vector<1xf32>
      %squeeze3A_141 = vector.extract %slice3A_140[0] : f32 from vector<1xf32>
      %sub3A_142 = vector.broadcast %squeeze3A_141 : f32 to vector<16xf32>
      %sub3A_143 = arith.subf %sub3A_142, %get3A_25 : vector<16xf32>
      %mul3A_144 = arith.mulf %sub3A_139, %sub3A_139 : vector<16xf32>
      %mul3A_145 = arith.mulf %sub3A_143, %sub3A_143 : vector<16xf32>
      %add3A_146 = arith.addf %mul3A_144, %mul3A_145 : vector<16xf32>
      %add3A_147 = arith.constant 7 : i32
      %add3A_148 = arith.addi %add3A_20, %add3A_147 : i32
      %broadcast_in_dim3A_149 = vector.broadcast %add3A_148 : i32 to vector<16xi32>
      %slice3A_150 = vector.extract_strided_slice %get3A_48 {offsets = [7], sizes = [1], strides = [1]} : vector<16xf32> to vector<1xf32>
      %squeeze3A_151 = vector.extract %slice3A_150[0] : f32 from vector<1xf32>
      %sub3A_152 = vector.broadcast %squeeze3A_151 : f32 to vector<16xf32>
      %sub3A_153 = arith.subf %sub3A_152, %get3A_23 : vector<16xf32>
      %slice3A_154 = vector.extract_strided_slice %get3A_50 {offsets = [7], sizes = [1], strides = [1]} : vector<16xf32> to vector<1xf32>
      %squeeze3A_155 = vector.extract %slice3A_154[0] : f32 from vector<1xf32>
      %sub3A_156 = vector.broadcast %squeeze3A_155 : f32 to vector<16xf32>
      %sub3A_157 = arith.subf %sub3A_156, %get3A_25 : vector<16xf32>
      %mul3A_158 = arith.mulf %sub3A_153, %sub3A_153 : vector<16xf32>
      %mul3A_159 = arith.mulf %sub3A_157, %sub3A_157 : vector<16xf32>
      %add3A_160 = arith.addf %mul3A_158, %mul3A_159 : vector<16xf32>
      %add3A_161 = arith.constant 8 : i32
      %add3A_162 = arith.addi %add3A_20, %add3A_161 : i32
      %broadcast_in_dim3A_163 = vector.broadcast %add3A_162 : i32 to vector<16xi32>
      %slice3A_164 = vector.extract_strided_slice %get3A_48 {offsets = [8], sizes = [1], strides = [1]} : vector<16xf32> to vector<1xf32>
      %squeeze3A_165 = vector.extract %slice3A_164[0] : f32 from vector<1xf32>
      %sub3A_166 = vector.broadcast %squeeze3A_165 : f32 to vector<16xf32>
      %sub3A_167 = arith.subf %sub3A_166, %get3A_23 : vector<16xf32>
      %slice3A_168 = vector.extract_strided_slice %get3A_50 {offsets = [8], sizes = [1], strides = [1]} : vector<16xf32> to vector<1xf32>
      %squeeze3A_169 = vector.extract %slice3A_168[0] : f32 from vector<1xf32>
      %sub3A_170 = vector.broadcast %squeeze3A_169 : f32 to vector<16xf32>
      %sub3A_171 = arith.subf %sub3A_170, %get3A_25 : vector<16xf32>
      %mul3A_172 = arith.mulf %sub3A_167, %sub3A_167 : vector<16xf32>
      %mul3A_173 = arith.mulf %sub3A_171, %sub3A_171 : vector<16xf32>
      %add3A_174 = arith.addf %mul3A_172, %mul3A_173 : vector<16xf32>
      %add3A_175 = arith.constant 9 : i32
      %add3A_176 = arith.addi %add3A_20, %add3A_175 : i32
      %broadcast_in_dim3A_177 = vector.broadcast %add3A_176 : i32 to vector<16xi32>
      %slice3A_178 = vector.extract_strided_slice %get3A_48 {offsets = [9], sizes = [1], strides = [1]} : vector<16xf32> to vector<1xf32>
      %squeeze3A_179 = vector.extract %slice3A_178[0] : f32 from vector<1xf32>
      %sub3A_180 = vector.broadcast %squeeze3A_179 : f32 to vector<16xf32>
      %sub3A_181 = arith.subf %sub3A_180, %get3A_23 : vector<16xf32>
      %slice3A_182 = vector.extract_strided_slice %get3A_50 {offsets = [9], sizes = [1], strides = [1]} : vector<16xf32> to vector<1xf32>
      %squeeze3A_183 = vector.extract %slice3A_182[0] : f32 from vector<1xf32>
      %sub3A_184 = vector.broadcast %squeeze3A_183 : f32 to vector<16xf32>
      %sub3A_185 = arith.subf %sub3A_184, %get3A_25 : vector<16xf32>
      %mul3A_186 = arith.mulf %sub3A_181, %sub3A_181 : vector<16xf32>
      %mul3A_187 = arith.mulf %sub3A_185, %sub3A_185 : vector<16xf32>
      %add3A_188 = arith.addf %mul3A_186, %mul3A_187 : vector<16xf32>
      %add3A_189 = arith.constant 10 : i32
      %add3A_190 = arith.addi %add3A_20, %add3A_189 : i32
      %broadcast_in_dim3A_191 = vector.broadcast %add3A_190 : i32 to vector<16xi32>
      %slice3A_192 = vector.extract_strided_slice %get3A_48 {offsets = [10], sizes = [1], strides = [1]} : vector<16xf32> to vector<1xf32>
      %squeeze3A_193 = vector.extract %slice3A_192[0] : f32 from vector<1xf32>
      %sub3A_194 = vector.broadcast %squeeze3A_193 : f32 to vector<16xf32>
      %sub3A_195 = arith.subf %sub3A_194, %get3A_23 : vector<16xf32>
      %slice3A_196 = vector.extract_strided_slice %get3A_50 {offsets = [10], sizes = [1], strides = [1]} : vector<16xf32> to vector<1xf32>
      %squeeze3A_197 = vector.extract %slice3A_196[0] : f32 from vector<1xf32>
      %sub3A_198 = vector.broadcast %squeeze3A_197 : f32 to vector<16xf32>
      %sub3A_199 = arith.subf %sub3A_198, %get3A_25 : vector<16xf32>
      %mul3A_200 = arith.mulf %sub3A_195, %sub3A_195 : vector<16xf32>
      %mul3A_201 = arith.mulf %sub3A_199, %sub3A_199 : vector<16xf32>
      %add3A_202 = arith.addf %mul3A_200, %mul3A_201 : vector<16xf32>
      %add3A_203 = arith.constant 11 : i32
      %add3A_204 = arith.addi %add3A_20, %add3A_203 : i32
      %broadcast_in_dim3A_205 = vector.broadcast %add3A_204 : i32 to vector<16xi32>
      %slice3A_206 = vector.extract_strided_slice %get3A_48 {offsets = [11], sizes = [1], strides = [1]} : vector<16xf32> to vector<1xf32>
      %squeeze3A_207 = vector.extract %slice3A_206[0] : f32 from vector<1xf32>
      %sub3A_208 = vector.broadcast %squeeze3A_207 : f32 to vector<16xf32>
      %sub3A_209 = arith.subf %sub3A_208, %get3A_23 : vector<16xf32>
      %slice3A_210 = vector.extract_strided_slice %get3A_50 {offsets = [11], sizes = [1], strides = [1]} : vector<16xf32> to vector<1xf32>
      %squeeze3A_211 = vector.extract %slice3A_210[0] : f32 from vector<1xf32>
      %sub3A_212 = vector.broadcast %squeeze3A_211 : f32 to vector<16xf32>
      %sub3A_213 = arith.subf %sub3A_212, %get3A_25 : vector<16xf32>
      %mul3A_214 = arith.mulf %sub3A_209, %sub3A_209 : vector<16xf32>
      %mul3A_215 = arith.mulf %sub3A_213, %sub3A_213 : vector<16xf32>
      %add3A_216 = arith.addf %mul3A_214, %mul3A_215 : vector<16xf32>
      %add3A_217 = arith.constant 12 : i32
      %add3A_218 = arith.addi %add3A_20, %add3A_217 : i32
      %broadcast_in_dim3A_219 = vector.broadcast %add3A_218 : i32 to vector<16xi32>
      %slice3A_220 = vector.extract_strided_slice %get3A_48 {offsets = [12], sizes = [1], strides = [1]} : vector<16xf32> to vector<1xf32>
      %squeeze3A_221 = vector.extract %slice3A_220[0] : f32 from vector<1xf32>
      %sub3A_222 = vector.broadcast %squeeze3A_221 : f32 to vector<16xf32>
      %sub3A_223 = arith.subf %sub3A_222, %get3A_23 : vector<16xf32>
      %slice3A_224 = vector.extract_strided_slice %get3A_50 {offsets = [12], sizes = [1], strides = [1]} : vector<16xf32> to vector<1xf32>
      %squeeze3A_225 = vector.extract %slice3A_224[0] : f32 from vector<1xf32>
      %sub3A_226 = vector.broadcast %squeeze3A_225 : f32 to vector<16xf32>
      %sub3A_227 = arith.subf %sub3A_226, %get3A_25 : vector<16xf32>
      %mul3A_228 = arith.mulf %sub3A_223, %sub3A_223 : vector<16xf32>
      %mul3A_229 = arith.mulf %sub3A_227, %sub3A_227 : vector<16xf32>
      %add3A_230 = arith.addf %mul3A_228, %mul3A_229 : vector<16xf32>
      %add3A_231 = arith.constant 13 : i32
      %add3A_232 = arith.addi %add3A_20, %add3A_231 : i32
      %broadcast_in_dim3A_233 = vector.broadcast %add3A_232 : i32 to vector<16xi32>
      %slice3A_234 = vector.extract_strided_slice %get3A_48 {offsets = [13], sizes = [1], strides = [1]} : vector<16xf32> to vector<1xf32>
      %squeeze3A_235 = vector.extract %slice3A_234[0] : f32 from vector<1xf32>
      %sub3A_236 = vector.broadcast %squeeze3A_235 : f32 to vector<16xf32>
      %sub3A_237 = arith.subf %sub3A_236, %get3A_23 : vector<16xf32>
      %slice3A_238 = vector.extract_strided_slice %get3A_50 {offsets = [13], sizes = [1], strides = [1]} : vector<16xf32> to vector<1xf32>
      %squeeze3A_239 = vector.extract %slice3A_238[0] : f32 from vector<1xf32>
      %sub3A_240 = vector.broadcast %squeeze3A_239 : f32 to vector<16xf32>
      %sub3A_241 = arith.subf %sub3A_240, %get3A_25 : vector<16xf32>
      %mul3A_242 = arith.mulf %sub3A_237, %sub3A_237 : vector<16xf32>
      %mul3A_243 = arith.mulf %sub3A_241, %sub3A_241 : vector<16xf32>
      %add3A_244 = arith.addf %mul3A_242, %mul3A_243 : vector<16xf32>
      %add3A_245 = arith.constant 14 : i32
      %add3A_246 = arith.addi %add3A_20, %add3A_245 : i32
      %broadcast_in_dim3A_247 = vector.broadcast %add3A_246 : i32 to vector<16xi32>
      %slice3A_248 = vector.extract_strided_slice %get3A_48 {offsets = [14], sizes = [1], strides = [1]} : vector<16xf32> to vector<1xf32>
      %squeeze3A_249 = vector.extract %slice3A_248[0] : f32 from vector<1xf32>
      %sub3A_250 = vector.broadcast %squeeze3A_249 : f32 to vector<16xf32>
      %sub3A_251 = arith.subf %sub3A_250, %get3A_23 : vector<16xf32>
      %slice3A_252 = vector.extract_strided_slice %get3A_50 {offsets = [14], sizes = [1], strides = [1]} : vector<16xf32> to vector<1xf32>
      %squeeze3A_253 = vector.extract %slice3A_252[0] : f32 from vector<1xf32>
      %sub3A_254 = vector.broadcast %squeeze3A_253 : f32 to vector<16xf32>
      %sub3A_255 = arith.subf %sub3A_254, %get3A_25 : vector<16xf32>
      %mul3A_256 = arith.mulf %sub3A_251, %sub3A_251 : vector<16xf32>
      %mul3A_257 = arith.mulf %sub3A_255, %sub3A_255 : vector<16xf32>
      %add3A_258 = arith.addf %mul3A_256, %mul3A_257 : vector<16xf32>
      %add3A_259 = arith.constant 15 : i32
      %add3A_260 = arith.addi %add3A_20, %add3A_259 : i32
      %broadcast_in_dim3A_261 = vector.broadcast %add3A_260 : i32 to vector<16xi32>
      %slice3A_262 = vector.extract_strided_slice %get3A_48 {offsets = [15], sizes = [1], strides = [1]} : vector<16xf32> to vector<1xf32>
      %squeeze3A_263 = vector.extract %slice3A_262[0] : f32 from vector<1xf32>
      %sub3A_264 = vector.broadcast %squeeze3A_263 : f32 to vector<16xf32>
      %sub3A_265 = arith.subf %sub3A_264, %get3A_23 : vector<16xf32>
      %slice3A_266 = vector.extract_strided_slice %get3A_50 {offsets = [15], sizes = [1], strides = [1]} : vector<16xf32> to vector<1xf32>
      %squeeze3A_267 = vector.extract %slice3A_266[0] : f32 from vector<1xf32>
      %sub3A_268 = vector.broadcast %squeeze3A_267 : f32 to vector<16xf32>
      %sub3A_269 = arith.subf %sub3A_268, %get3A_25 : vector<16xf32>
      %mul3A_270 = arith.mulf %sub3A_265, %sub3A_265 : vector<16xf32>
      %mul3A_271 = arith.mulf %sub3A_269, %sub3A_269 : vector<16xf32>
      %add3A_272 = arith.addf %mul3A_270, %mul3A_271 : vector<16xf32>
      %eq3A = arith.cmpi eq, %broadcast_in_dim3A_53, %add3A_22 : vector<16xi32>
      %jit3A_273 = arith.constant 0x7F800000 : f32
      %broadcast_in_dim3A_274 = vector.broadcast %jit3A_273 : f32 to vector<16xf32>
      %select_n3A_275 = arith.select %eq3A, %broadcast_in_dim3A_274, %add3A_62 : vector<16xi1>, vector<16xf32>
      %lt3A = arith.cmpf olt, %select_n3A_275, %parallel_loop3A_46#0 : vector<16xf32>
      %lt3A_276 = arith.cmpf olt, %select_n3A_275, %parallel_loop3A_46#1 : vector<16xf32>
      %lt3A_277 = arith.cmpf olt, %select_n3A_275, %parallel_loop3A_46#2 : vector<16xf32>
      %lt3A_278 = arith.cmpf olt, %select_n3A_275, %parallel_loop3A_46#3 : vector<16xf32>
      %select_n3A_279 = arith.select %lt3A_277, %parallel_loop3A_46#2, %select_n3A_275 : vector<16xi1>, vector<16xf32>
      %select_n3A_280 = arith.select %lt3A_278, %select_n3A_279, %parallel_loop3A_46#3 : vector<16xi1>, vector<16xf32>
      %select_n3A_281 = arith.select %lt3A_277, %parallel_loop3A_46#6, %broadcast_in_dim3A_53 : vector<16xi1>, vector<16xi32>
      %select_n3A_282 = arith.select %lt3A_278, %select_n3A_281, %parallel_loop3A_46#7 : vector<16xi1>, vector<16xi32>
      %select_n3A_283 = arith.select %lt3A_276, %parallel_loop3A_46#1, %select_n3A_275 : vector<16xi1>, vector<16xf32>
      %select_n3A_284 = arith.select %lt3A_277, %select_n3A_283, %parallel_loop3A_46#2 : vector<16xi1>, vector<16xf32>
      %select_n3A_285 = arith.select %lt3A_276, %parallel_loop3A_46#5, %broadcast_in_dim3A_53 : vector<16xi1>, vector<16xi32>
      %select_n3A_286 = arith.select %lt3A_277, %select_n3A_285, %parallel_loop3A_46#6 : vector<16xi1>, vector<16xi32>
      %select_n3A_287 = arith.select %lt3A, %parallel_loop3A_46#0, %select_n3A_275 : vector<16xi1>, vector<16xf32>
      %select_n3A_288 = arith.select %lt3A_276, %select_n3A_287, %parallel_loop3A_46#1 : vector<16xi1>, vector<16xf32>
      %select_n3A_289 = arith.select %lt3A, %parallel_loop3A_46#4, %broadcast_in_dim3A_53 : vector<16xi1>, vector<16xi32>
      %select_n3A_290 = arith.select %lt3A_276, %select_n3A_289, %parallel_loop3A_46#5 : vector<16xi1>, vector<16xi32>
      %select_n3A_291 = arith.select %lt3A, %select_n3A_275, %parallel_loop3A_46#0 : vector<16xi1>, vector<16xf32>
      %select_n3A_292 = arith.select %lt3A, %broadcast_in_dim3A_53, %parallel_loop3A_46#4 : vector<16xi1>, vector<16xi32>
      %eq3A_293 = arith.cmpi eq, %broadcast_in_dim3A_65, %add3A_22 : vector<16xi32>
      %jit3A_294 = arith.constant 0x7F800000 : f32
      %broadcast_in_dim3A_295 = vector.broadcast %jit3A_294 : f32 to vector<16xf32>
      %select_n3A_296 = arith.select %eq3A_293, %broadcast_in_dim3A_295, %add3A_76 : vector<16xi1>, vector<16xf32>
      %lt3A_297 = arith.cmpf olt, %select_n3A_296, %select_n3A_291 : vector<16xf32>
      %lt3A_298 = arith.cmpf olt, %select_n3A_296, %select_n3A_288 : vector<16xf32>
      %lt3A_299 = arith.cmpf olt, %select_n3A_296, %select_n3A_284 : vector<16xf32>
      %lt3A_300 = arith.cmpf olt, %select_n3A_296, %select_n3A_280 : vector<16xf32>
      %select_n3A_301 = arith.select %lt3A_299, %select_n3A_284, %select_n3A_296 : vector<16xi1>, vector<16xf32>
      %select_n3A_302 = arith.select %lt3A_300, %select_n3A_301, %select_n3A_280 : vector<16xi1>, vector<16xf32>
      %select_n3A_303 = arith.select %lt3A_299, %select_n3A_286, %broadcast_in_dim3A_65 : vector<16xi1>, vector<16xi32>
      %select_n3A_304 = arith.select %lt3A_300, %select_n3A_303, %select_n3A_282 : vector<16xi1>, vector<16xi32>
      %select_n3A_305 = arith.select %lt3A_298, %select_n3A_288, %select_n3A_296 : vector<16xi1>, vector<16xf32>
      %select_n3A_306 = arith.select %lt3A_299, %select_n3A_305, %select_n3A_284 : vector<16xi1>, vector<16xf32>
      %select_n3A_307 = arith.select %lt3A_298, %select_n3A_290, %broadcast_in_dim3A_65 : vector<16xi1>, vector<16xi32>
      %select_n3A_308 = arith.select %lt3A_299, %select_n3A_307, %select_n3A_286 : vector<16xi1>, vector<16xi32>
      %select_n3A_309 = arith.select %lt3A_297, %select_n3A_291, %select_n3A_296 : vector<16xi1>, vector<16xf32>
      %select_n3A_310 = arith.select %lt3A_298, %select_n3A_309, %select_n3A_288 : vector<16xi1>, vector<16xf32>
      %select_n3A_311 = arith.select %lt3A_297, %select_n3A_292, %broadcast_in_dim3A_65 : vector<16xi1>, vector<16xi32>
      %select_n3A_312 = arith.select %lt3A_298, %select_n3A_311, %select_n3A_290 : vector<16xi1>, vector<16xi32>
      %select_n3A_313 = arith.select %lt3A_297, %select_n3A_296, %select_n3A_291 : vector<16xi1>, vector<16xf32>
      %select_n3A_314 = arith.select %lt3A_297, %broadcast_in_dim3A_65, %select_n3A_292 : vector<16xi1>, vector<16xi32>
      %eq3A_315 = arith.cmpi eq, %broadcast_in_dim3A_79, %add3A_22 : vector<16xi32>
      %jit3A_316 = arith.constant 0x7F800000 : f32
      %broadcast_in_dim3A_317 = vector.broadcast %jit3A_316 : f32 to vector<16xf32>
      %select_n3A_318 = arith.select %eq3A_315, %broadcast_in_dim3A_317, %add3A_90 : vector<16xi1>, vector<16xf32>
      %lt3A_319 = arith.cmpf olt, %select_n3A_318, %select_n3A_313 : vector<16xf32>
      %lt3A_320 = arith.cmpf olt, %select_n3A_318, %select_n3A_310 : vector<16xf32>
      %lt3A_321 = arith.cmpf olt, %select_n3A_318, %select_n3A_306 : vector<16xf32>
      %lt3A_322 = arith.cmpf olt, %select_n3A_318, %select_n3A_302 : vector<16xf32>
      %select_n3A_323 = arith.select %lt3A_321, %select_n3A_306, %select_n3A_318 : vector<16xi1>, vector<16xf32>
      %select_n3A_324 = arith.select %lt3A_322, %select_n3A_323, %select_n3A_302 : vector<16xi1>, vector<16xf32>
      %select_n3A_325 = arith.select %lt3A_321, %select_n3A_308, %broadcast_in_dim3A_79 : vector<16xi1>, vector<16xi32>
      %select_n3A_326 = arith.select %lt3A_322, %select_n3A_325, %select_n3A_304 : vector<16xi1>, vector<16xi32>
      %select_n3A_327 = arith.select %lt3A_320, %select_n3A_310, %select_n3A_318 : vector<16xi1>, vector<16xf32>
      %select_n3A_328 = arith.select %lt3A_321, %select_n3A_327, %select_n3A_306 : vector<16xi1>, vector<16xf32>
      %select_n3A_329 = arith.select %lt3A_320, %select_n3A_312, %broadcast_in_dim3A_79 : vector<16xi1>, vector<16xi32>
      %select_n3A_330 = arith.select %lt3A_321, %select_n3A_329, %select_n3A_308 : vector<16xi1>, vector<16xi32>
      %select_n3A_331 = arith.select %lt3A_319, %select_n3A_313, %select_n3A_318 : vector<16xi1>, vector<16xf32>
      %select_n3A_332 = arith.select %lt3A_320, %select_n3A_331, %select_n3A_310 : vector<16xi1>, vector<16xf32>
      %select_n3A_333 = arith.select %lt3A_319, %select_n3A_314, %broadcast_in_dim3A_79 : vector<16xi1>, vector<16xi32>
      %select_n3A_334 = arith.select %lt3A_320, %select_n3A_333, %select_n3A_312 : vector<16xi1>, vector<16xi32>
      %select_n3A_335 = arith.select %lt3A_319, %select_n3A_318, %select_n3A_313 : vector<16xi1>, vector<16xf32>
      %select_n3A_336 = arith.select %lt3A_319, %broadcast_in_dim3A_79, %select_n3A_314 : vector<16xi1>, vector<16xi32>
      %eq3A_337 = arith.cmpi eq, %broadcast_in_dim3A_93, %add3A_22 : vector<16xi32>
      %jit3A_338 = arith.constant 0x7F800000 : f32
      %broadcast_in_dim3A_339 = vector.broadcast %jit3A_338 : f32 to vector<16xf32>
      %select_n3A_340 = arith.select %eq3A_337, %broadcast_in_dim3A_339, %add3A_104 : vector<16xi1>, vector<16xf32>
      %lt3A_341 = arith.cmpf olt, %select_n3A_340, %select_n3A_335 : vector<16xf32>
      %lt3A_342 = arith.cmpf olt, %select_n3A_340, %select_n3A_332 : vector<16xf32>
      %lt3A_343 = arith.cmpf olt, %select_n3A_340, %select_n3A_328 : vector<16xf32>
      %lt3A_344 = arith.cmpf olt, %select_n3A_340, %select_n3A_324 : vector<16xf32>
      %select_n3A_345 = arith.select %lt3A_343, %select_n3A_328, %select_n3A_340 : vector<16xi1>, vector<16xf32>
      %select_n3A_346 = arith.select %lt3A_344, %select_n3A_345, %select_n3A_324 : vector<16xi1>, vector<16xf32>
      %select_n3A_347 = arith.select %lt3A_343, %select_n3A_330, %broadcast_in_dim3A_93 : vector<16xi1>, vector<16xi32>
      %select_n3A_348 = arith.select %lt3A_344, %select_n3A_347, %select_n3A_326 : vector<16xi1>, vector<16xi32>
      %select_n3A_349 = arith.select %lt3A_342, %select_n3A_332, %select_n3A_340 : vector<16xi1>, vector<16xf32>
      %select_n3A_350 = arith.select %lt3A_343, %select_n3A_349, %select_n3A_328 : vector<16xi1>, vector<16xf32>
      %select_n3A_351 = arith.select %lt3A_342, %select_n3A_334, %broadcast_in_dim3A_93 : vector<16xi1>, vector<16xi32>
      %select_n3A_352 = arith.select %lt3A_343, %select_n3A_351, %select_n3A_330 : vector<16xi1>, vector<16xi32>
      %select_n3A_353 = arith.select %lt3A_341, %select_n3A_335, %select_n3A_340 : vector<16xi1>, vector<16xf32>
      %select_n3A_354 = arith.select %lt3A_342, %select_n3A_353, %select_n3A_332 : vector<16xi1>, vector<16xf32>
      %select_n3A_355 = arith.select %lt3A_341, %select_n3A_336, %broadcast_in_dim3A_93 : vector<16xi1>, vector<16xi32>
      %select_n3A_356 = arith.select %lt3A_342, %select_n3A_355, %select_n3A_334 : vector<16xi1>, vector<16xi32>
      %select_n3A_357 = arith.select %lt3A_341, %select_n3A_340, %select_n3A_335 : vector<16xi1>, vector<16xf32>
      %select_n3A_358 = arith.select %lt3A_341, %broadcast_in_dim3A_93, %select_n3A_336 : vector<16xi1>, vector<16xi32>
      %eq3A_359 = arith.cmpi eq, %broadcast_in_dim3A_107, %add3A_22 : vector<16xi32>
      %jit3A_360 = arith.constant 0x7F800000 : f32
      %broadcast_in_dim3A_361 = vector.broadcast %jit3A_360 : f32 to vector<16xf32>
      %select_n3A_362 = arith.select %eq3A_359, %broadcast_in_dim3A_361, %add3A_118 : vector<16xi1>, vector<16xf32>
      %lt3A_363 = arith.cmpf olt, %select_n3A_362, %select_n3A_357 : vector<16xf32>
      %lt3A_364 = arith.cmpf olt, %select_n3A_362, %select_n3A_354 : vector<16xf32>
      %lt3A_365 = arith.cmpf olt, %select_n3A_362, %select_n3A_350 : vector<16xf32>
      %lt3A_366 = arith.cmpf olt, %select_n3A_362, %select_n3A_346 : vector<16xf32>
      %select_n3A_367 = arith.select %lt3A_365, %select_n3A_350, %select_n3A_362 : vector<16xi1>, vector<16xf32>
      %select_n3A_368 = arith.select %lt3A_366, %select_n3A_367, %select_n3A_346 : vector<16xi1>, vector<16xf32>
      %select_n3A_369 = arith.select %lt3A_365, %select_n3A_352, %broadcast_in_dim3A_107 : vector<16xi1>, vector<16xi32>
      %select_n3A_370 = arith.select %lt3A_366, %select_n3A_369, %select_n3A_348 : vector<16xi1>, vector<16xi32>
      %select_n3A_371 = arith.select %lt3A_364, %select_n3A_354, %select_n3A_362 : vector<16xi1>, vector<16xf32>
      %select_n3A_372 = arith.select %lt3A_365, %select_n3A_371, %select_n3A_350 : vector<16xi1>, vector<16xf32>
      %select_n3A_373 = arith.select %lt3A_364, %select_n3A_356, %broadcast_in_dim3A_107 : vector<16xi1>, vector<16xi32>
      %select_n3A_374 = arith.select %lt3A_365, %select_n3A_373, %select_n3A_352 : vector<16xi1>, vector<16xi32>
      %select_n3A_375 = arith.select %lt3A_363, %select_n3A_357, %select_n3A_362 : vector<16xi1>, vector<16xf32>
      %select_n3A_376 = arith.select %lt3A_364, %select_n3A_375, %select_n3A_354 : vector<16xi1>, vector<16xf32>
      %select_n3A_377 = arith.select %lt3A_363, %select_n3A_358, %broadcast_in_dim3A_107 : vector<16xi1>, vector<16xi32>
      %select_n3A_378 = arith.select %lt3A_364, %select_n3A_377, %select_n3A_356 : vector<16xi1>, vector<16xi32>
      %select_n3A_379 = arith.select %lt3A_363, %select_n3A_362, %select_n3A_357 : vector<16xi1>, vector<16xf32>
      %select_n3A_380 = arith.select %lt3A_363, %broadcast_in_dim3A_107, %select_n3A_358 : vector<16xi1>, vector<16xi32>
      %eq3A_381 = arith.cmpi eq, %broadcast_in_dim3A_121, %add3A_22 : vector<16xi32>
      %jit3A_382 = arith.constant 0x7F800000 : f32
      %broadcast_in_dim3A_383 = vector.broadcast %jit3A_382 : f32 to vector<16xf32>
      %select_n3A_384 = arith.select %eq3A_381, %broadcast_in_dim3A_383, %add3A_132 : vector<16xi1>, vector<16xf32>
      %lt3A_385 = arith.cmpf olt, %select_n3A_384, %select_n3A_379 : vector<16xf32>
      %lt3A_386 = arith.cmpf olt, %select_n3A_384, %select_n3A_376 : vector<16xf32>
      %lt3A_387 = arith.cmpf olt, %select_n3A_384, %select_n3A_372 : vector<16xf32>
      %lt3A_388 = arith.cmpf olt, %select_n3A_384, %select_n3A_368 : vector<16xf32>
      %select_n3A_389 = arith.select %lt3A_387, %select_n3A_372, %select_n3A_384 : vector<16xi1>, vector<16xf32>
      %select_n3A_390 = arith.select %lt3A_388, %select_n3A_389, %select_n3A_368 : vector<16xi1>, vector<16xf32>
      %select_n3A_391 = arith.select %lt3A_387, %select_n3A_374, %broadcast_in_dim3A_121 : vector<16xi1>, vector<16xi32>
      %select_n3A_392 = arith.select %lt3A_388, %select_n3A_391, %select_n3A_370 : vector<16xi1>, vector<16xi32>
      %select_n3A_393 = arith.select %lt3A_386, %select_n3A_376, %select_n3A_384 : vector<16xi1>, vector<16xf32>
      %select_n3A_394 = arith.select %lt3A_387, %select_n3A_393, %select_n3A_372 : vector<16xi1>, vector<16xf32>
      %select_n3A_395 = arith.select %lt3A_386, %select_n3A_378, %broadcast_in_dim3A_121 : vector<16xi1>, vector<16xi32>
      %select_n3A_396 = arith.select %lt3A_387, %select_n3A_395, %select_n3A_374 : vector<16xi1>, vector<16xi32>
      %select_n3A_397 = arith.select %lt3A_385, %select_n3A_379, %select_n3A_384 : vector<16xi1>, vector<16xf32>
      %select_n3A_398 = arith.select %lt3A_386, %select_n3A_397, %select_n3A_376 : vector<16xi1>, vector<16xf32>
      %select_n3A_399 = arith.select %lt3A_385, %select_n3A_380, %broadcast_in_dim3A_121 : vector<16xi1>, vector<16xi32>
      %select_n3A_400 = arith.select %lt3A_386, %select_n3A_399, %select_n3A_378 : vector<16xi1>, vector<16xi32>
      %select_n3A_401 = arith.select %lt3A_385, %select_n3A_384, %select_n3A_379 : vector<16xi1>, vector<16xf32>
      %select_n3A_402 = arith.select %lt3A_385, %broadcast_in_dim3A_121, %select_n3A_380 : vector<16xi1>, vector<16xi32>
      %eq3A_403 = arith.cmpi eq, %broadcast_in_dim3A_135, %add3A_22 : vector<16xi32>
      %jit3A_404 = arith.constant 0x7F800000 : f32
      %broadcast_in_dim3A_405 = vector.broadcast %jit3A_404 : f32 to vector<16xf32>
      %select_n3A_406 = arith.select %eq3A_403, %broadcast_in_dim3A_405, %add3A_146 : vector<16xi1>, vector<16xf32>
      %lt3A_407 = arith.cmpf olt, %select_n3A_406, %select_n3A_401 : vector<16xf32>
      %lt3A_408 = arith.cmpf olt, %select_n3A_406, %select_n3A_398 : vector<16xf32>
      %lt3A_409 = arith.cmpf olt, %select_n3A_406, %select_n3A_394 : vector<16xf32>
      %lt3A_410 = arith.cmpf olt, %select_n3A_406, %select_n3A_390 : vector<16xf32>
      %select_n3A_411 = arith.select %lt3A_409, %select_n3A_394, %select_n3A_406 : vector<16xi1>, vector<16xf32>
      %select_n3A_412 = arith.select %lt3A_410, %select_n3A_411, %select_n3A_390 : vector<16xi1>, vector<16xf32>
      %select_n3A_413 = arith.select %lt3A_409, %select_n3A_396, %broadcast_in_dim3A_135 : vector<16xi1>, vector<16xi32>
      %select_n3A_414 = arith.select %lt3A_410, %select_n3A_413, %select_n3A_392 : vector<16xi1>, vector<16xi32>
      %select_n3A_415 = arith.select %lt3A_408, %select_n3A_398, %select_n3A_406 : vector<16xi1>, vector<16xf32>
      %select_n3A_416 = arith.select %lt3A_409, %select_n3A_415, %select_n3A_394 : vector<16xi1>, vector<16xf32>
      %select_n3A_417 = arith.select %lt3A_408, %select_n3A_400, %broadcast_in_dim3A_135 : vector<16xi1>, vector<16xi32>
      %select_n3A_418 = arith.select %lt3A_409, %select_n3A_417, %select_n3A_396 : vector<16xi1>, vector<16xi32>
      %select_n3A_419 = arith.select %lt3A_407, %select_n3A_401, %select_n3A_406 : vector<16xi1>, vector<16xf32>
      %select_n3A_420 = arith.select %lt3A_408, %select_n3A_419, %select_n3A_398 : vector<16xi1>, vector<16xf32>
      %select_n3A_421 = arith.select %lt3A_407, %select_n3A_402, %broadcast_in_dim3A_135 : vector<16xi1>, vector<16xi32>
      %select_n3A_422 = arith.select %lt3A_408, %select_n3A_421, %select_n3A_400 : vector<16xi1>, vector<16xi32>
      %select_n3A_423 = arith.select %lt3A_407, %select_n3A_406, %select_n3A_401 : vector<16xi1>, vector<16xf32>
      %select_n3A_424 = arith.select %lt3A_407, %broadcast_in_dim3A_135, %select_n3A_402 : vector<16xi1>, vector<16xi32>
      %eq3A_425 = arith.cmpi eq, %broadcast_in_dim3A_149, %add3A_22 : vector<16xi32>
      %jit3A_426 = arith.constant 0x7F800000 : f32
      %broadcast_in_dim3A_427 = vector.broadcast %jit3A_426 : f32 to vector<16xf32>
      %select_n3A_428 = arith.select %eq3A_425, %broadcast_in_dim3A_427, %add3A_160 : vector<16xi1>, vector<16xf32>
      %lt3A_429 = arith.cmpf olt, %select_n3A_428, %select_n3A_423 : vector<16xf32>
      %lt3A_430 = arith.cmpf olt, %select_n3A_428, %select_n3A_420 : vector<16xf32>
      %lt3A_431 = arith.cmpf olt, %select_n3A_428, %select_n3A_416 : vector<16xf32>
      %lt3A_432 = arith.cmpf olt, %select_n3A_428, %select_n3A_412 : vector<16xf32>
      %select_n3A_433 = arith.select %lt3A_431, %select_n3A_416, %select_n3A_428 : vector<16xi1>, vector<16xf32>
      %select_n3A_434 = arith.select %lt3A_432, %select_n3A_433, %select_n3A_412 : vector<16xi1>, vector<16xf32>
      %select_n3A_435 = arith.select %lt3A_431, %select_n3A_418, %broadcast_in_dim3A_149 : vector<16xi1>, vector<16xi32>
      %select_n3A_436 = arith.select %lt3A_432, %select_n3A_435, %select_n3A_414 : vector<16xi1>, vector<16xi32>
      %select_n3A_437 = arith.select %lt3A_430, %select_n3A_420, %select_n3A_428 : vector<16xi1>, vector<16xf32>
      %select_n3A_438 = arith.select %lt3A_431, %select_n3A_437, %select_n3A_416 : vector<16xi1>, vector<16xf32>
      %select_n3A_439 = arith.select %lt3A_430, %select_n3A_422, %broadcast_in_dim3A_149 : vector<16xi1>, vector<16xi32>
      %select_n3A_440 = arith.select %lt3A_431, %select_n3A_439, %select_n3A_418 : vector<16xi1>, vector<16xi32>
      %select_n3A_441 = arith.select %lt3A_429, %select_n3A_423, %select_n3A_428 : vector<16xi1>, vector<16xf32>
      %select_n3A_442 = arith.select %lt3A_430, %select_n3A_441, %select_n3A_420 : vector<16xi1>, vector<16xf32>
      %select_n3A_443 = arith.select %lt3A_429, %select_n3A_424, %broadcast_in_dim3A_149 : vector<16xi1>, vector<16xi32>
      %select_n3A_444 = arith.select %lt3A_430, %select_n3A_443, %select_n3A_422 : vector<16xi1>, vector<16xi32>
      %select_n3A_445 = arith.select %lt3A_429, %select_n3A_428, %select_n3A_423 : vector<16xi1>, vector<16xf32>
      %select_n3A_446 = arith.select %lt3A_429, %broadcast_in_dim3A_149, %select_n3A_424 : vector<16xi1>, vector<16xi32>
      %eq3A_447 = arith.cmpi eq, %broadcast_in_dim3A_163, %add3A_22 : vector<16xi32>
      %jit3A_448 = arith.constant 0x7F800000 : f32
      %broadcast_in_dim3A_449 = vector.broadcast %jit3A_448 : f32 to vector<16xf32>
      %select_n3A_450 = arith.select %eq3A_447, %broadcast_in_dim3A_449, %add3A_174 : vector<16xi1>, vector<16xf32>
      %lt3A_451 = arith.cmpf olt, %select_n3A_450, %select_n3A_445 : vector<16xf32>
      %lt3A_452 = arith.cmpf olt, %select_n3A_450, %select_n3A_442 : vector<16xf32>
      %lt3A_453 = arith.cmpf olt, %select_n3A_450, %select_n3A_438 : vector<16xf32>
      %lt3A_454 = arith.cmpf olt, %select_n3A_450, %select_n3A_434 : vector<16xf32>
      %select_n3A_455 = arith.select %lt3A_453, %select_n3A_438, %select_n3A_450 : vector<16xi1>, vector<16xf32>
      %select_n3A_456 = arith.select %lt3A_454, %select_n3A_455, %select_n3A_434 : vector<16xi1>, vector<16xf32>
      %select_n3A_457 = arith.select %lt3A_453, %select_n3A_440, %broadcast_in_dim3A_163 : vector<16xi1>, vector<16xi32>
      %select_n3A_458 = arith.select %lt3A_454, %select_n3A_457, %select_n3A_436 : vector<16xi1>, vector<16xi32>
      %select_n3A_459 = arith.select %lt3A_452, %select_n3A_442, %select_n3A_450 : vector<16xi1>, vector<16xf32>
      %select_n3A_460 = arith.select %lt3A_453, %select_n3A_459, %select_n3A_438 : vector<16xi1>, vector<16xf32>
      %select_n3A_461 = arith.select %lt3A_452, %select_n3A_444, %broadcast_in_dim3A_163 : vector<16xi1>, vector<16xi32>
      %select_n3A_462 = arith.select %lt3A_453, %select_n3A_461, %select_n3A_440 : vector<16xi1>, vector<16xi32>
      %select_n3A_463 = arith.select %lt3A_451, %select_n3A_445, %select_n3A_450 : vector<16xi1>, vector<16xf32>
      %select_n3A_464 = arith.select %lt3A_452, %select_n3A_463, %select_n3A_442 : vector<16xi1>, vector<16xf32>
      %select_n3A_465 = arith.select %lt3A_451, %select_n3A_446, %broadcast_in_dim3A_163 : vector<16xi1>, vector<16xi32>
      %select_n3A_466 = arith.select %lt3A_452, %select_n3A_465, %select_n3A_444 : vector<16xi1>, vector<16xi32>
      %select_n3A_467 = arith.select %lt3A_451, %select_n3A_450, %select_n3A_445 : vector<16xi1>, vector<16xf32>
      %select_n3A_468 = arith.select %lt3A_451, %broadcast_in_dim3A_163, %select_n3A_446 : vector<16xi1>, vector<16xi32>
      %eq3A_469 = arith.cmpi eq, %broadcast_in_dim3A_177, %add3A_22 : vector<16xi32>
      %jit3A_470 = arith.constant 0x7F800000 : f32
      %broadcast_in_dim3A_471 = vector.broadcast %jit3A_470 : f32 to vector<16xf32>
      %select_n3A_472 = arith.select %eq3A_469, %broadcast_in_dim3A_471, %add3A_188 : vector<16xi1>, vector<16xf32>
      %lt3A_473 = arith.cmpf olt, %select_n3A_472, %select_n3A_467 : vector<16xf32>
      %lt3A_474 = arith.cmpf olt, %select_n3A_472, %select_n3A_464 : vector<16xf32>
      %lt3A_475 = arith.cmpf olt, %select_n3A_472, %select_n3A_460 : vector<16xf32>
      %lt3A_476 = arith.cmpf olt, %select_n3A_472, %select_n3A_456 : vector<16xf32>
      %select_n3A_477 = arith.select %lt3A_475, %select_n3A_460, %select_n3A_472 : vector<16xi1>, vector<16xf32>
      %select_n3A_478 = arith.select %lt3A_476, %select_n3A_477, %select_n3A_456 : vector<16xi1>, vector<16xf32>
      %select_n3A_479 = arith.select %lt3A_475, %select_n3A_462, %broadcast_in_dim3A_177 : vector<16xi1>, vector<16xi32>
      %select_n3A_480 = arith.select %lt3A_476, %select_n3A_479, %select_n3A_458 : vector<16xi1>, vector<16xi32>
      %select_n3A_481 = arith.select %lt3A_474, %select_n3A_464, %select_n3A_472 : vector<16xi1>, vector<16xf32>
      %select_n3A_482 = arith.select %lt3A_475, %select_n3A_481, %select_n3A_460 : vector<16xi1>, vector<16xf32>
      %select_n3A_483 = arith.select %lt3A_474, %select_n3A_466, %broadcast_in_dim3A_177 : vector<16xi1>, vector<16xi32>
      %select_n3A_484 = arith.select %lt3A_475, %select_n3A_483, %select_n3A_462 : vector<16xi1>, vector<16xi32>
      %select_n3A_485 = arith.select %lt3A_473, %select_n3A_467, %select_n3A_472 : vector<16xi1>, vector<16xf32>
      %select_n3A_486 = arith.select %lt3A_474, %select_n3A_485, %select_n3A_464 : vector<16xi1>, vector<16xf32>
      %select_n3A_487 = arith.select %lt3A_473, %select_n3A_468, %broadcast_in_dim3A_177 : vector<16xi1>, vector<16xi32>
      %select_n3A_488 = arith.select %lt3A_474, %select_n3A_487, %select_n3A_466 : vector<16xi1>, vector<16xi32>
      %select_n3A_489 = arith.select %lt3A_473, %select_n3A_472, %select_n3A_467 : vector<16xi1>, vector<16xf32>
      %select_n3A_490 = arith.select %lt3A_473, %broadcast_in_dim3A_177, %select_n3A_468 : vector<16xi1>, vector<16xi32>
      %eq3A_491 = arith.cmpi eq, %broadcast_in_dim3A_191, %add3A_22 : vector<16xi32>
      %jit3A_492 = arith.constant 0x7F800000 : f32
      %broadcast_in_dim3A_493 = vector.broadcast %jit3A_492 : f32 to vector<16xf32>
      %select_n3A_494 = arith.select %eq3A_491, %broadcast_in_dim3A_493, %add3A_202 : vector<16xi1>, vector<16xf32>
      %lt3A_495 = arith.cmpf olt, %select_n3A_494, %select_n3A_489 : vector<16xf32>
      %lt3A_496 = arith.cmpf olt, %select_n3A_494, %select_n3A_486 : vector<16xf32>
      %lt3A_497 = arith.cmpf olt, %select_n3A_494, %select_n3A_482 : vector<16xf32>
      %lt3A_498 = arith.cmpf olt, %select_n3A_494, %select_n3A_478 : vector<16xf32>
      %select_n3A_499 = arith.select %lt3A_497, %select_n3A_482, %select_n3A_494 : vector<16xi1>, vector<16xf32>
      %select_n3A_500 = arith.select %lt3A_498, %select_n3A_499, %select_n3A_478 : vector<16xi1>, vector<16xf32>
      %select_n3A_501 = arith.select %lt3A_497, %select_n3A_484, %broadcast_in_dim3A_191 : vector<16xi1>, vector<16xi32>
      %select_n3A_502 = arith.select %lt3A_498, %select_n3A_501, %select_n3A_480 : vector<16xi1>, vector<16xi32>
      %select_n3A_503 = arith.select %lt3A_496, %select_n3A_486, %select_n3A_494 : vector<16xi1>, vector<16xf32>
      %select_n3A_504 = arith.select %lt3A_497, %select_n3A_503, %select_n3A_482 : vector<16xi1>, vector<16xf32>
      %select_n3A_505 = arith.select %lt3A_496, %select_n3A_488, %broadcast_in_dim3A_191 : vector<16xi1>, vector<16xi32>
      %select_n3A_506 = arith.select %lt3A_497, %select_n3A_505, %select_n3A_484 : vector<16xi1>, vector<16xi32>
      %select_n3A_507 = arith.select %lt3A_495, %select_n3A_489, %select_n3A_494 : vector<16xi1>, vector<16xf32>
      %select_n3A_508 = arith.select %lt3A_496, %select_n3A_507, %select_n3A_486 : vector<16xi1>, vector<16xf32>
      %select_n3A_509 = arith.select %lt3A_495, %select_n3A_490, %broadcast_in_dim3A_191 : vector<16xi1>, vector<16xi32>
      %select_n3A_510 = arith.select %lt3A_496, %select_n3A_509, %select_n3A_488 : vector<16xi1>, vector<16xi32>
      %select_n3A_511 = arith.select %lt3A_495, %select_n3A_494, %select_n3A_489 : vector<16xi1>, vector<16xf32>
      %select_n3A_512 = arith.select %lt3A_495, %broadcast_in_dim3A_191, %select_n3A_490 : vector<16xi1>, vector<16xi32>
      %eq3A_513 = arith.cmpi eq, %broadcast_in_dim3A_205, %add3A_22 : vector<16xi32>
      %jit3A_514 = arith.constant 0x7F800000 : f32
      %broadcast_in_dim3A_515 = vector.broadcast %jit3A_514 : f32 to vector<16xf32>
      %select_n3A_516 = arith.select %eq3A_513, %broadcast_in_dim3A_515, %add3A_216 : vector<16xi1>, vector<16xf32>
      %lt3A_517 = arith.cmpf olt, %select_n3A_516, %select_n3A_511 : vector<16xf32>
      %lt3A_518 = arith.cmpf olt, %select_n3A_516, %select_n3A_508 : vector<16xf32>
      %lt3A_519 = arith.cmpf olt, %select_n3A_516, %select_n3A_504 : vector<16xf32>
      %lt3A_520 = arith.cmpf olt, %select_n3A_516, %select_n3A_500 : vector<16xf32>
      %select_n3A_521 = arith.select %lt3A_519, %select_n3A_504, %select_n3A_516 : vector<16xi1>, vector<16xf32>
      %select_n3A_522 = arith.select %lt3A_520, %select_n3A_521, %select_n3A_500 : vector<16xi1>, vector<16xf32>
      %select_n3A_523 = arith.select %lt3A_519, %select_n3A_506, %broadcast_in_dim3A_205 : vector<16xi1>, vector<16xi32>
      %select_n3A_524 = arith.select %lt3A_520, %select_n3A_523, %select_n3A_502 : vector<16xi1>, vector<16xi32>
      %select_n3A_525 = arith.select %lt3A_518, %select_n3A_508, %select_n3A_516 : vector<16xi1>, vector<16xf32>
      %select_n3A_526 = arith.select %lt3A_519, %select_n3A_525, %select_n3A_504 : vector<16xi1>, vector<16xf32>
      %select_n3A_527 = arith.select %lt3A_518, %select_n3A_510, %broadcast_in_dim3A_205 : vector<16xi1>, vector<16xi32>
      %select_n3A_528 = arith.select %lt3A_519, %select_n3A_527, %select_n3A_506 : vector<16xi1>, vector<16xi32>
      %select_n3A_529 = arith.select %lt3A_517, %select_n3A_511, %select_n3A_516 : vector<16xi1>, vector<16xf32>
      %select_n3A_530 = arith.select %lt3A_518, %select_n3A_529, %select_n3A_508 : vector<16xi1>, vector<16xf32>
      %select_n3A_531 = arith.select %lt3A_517, %select_n3A_512, %broadcast_in_dim3A_205 : vector<16xi1>, vector<16xi32>
      %select_n3A_532 = arith.select %lt3A_518, %select_n3A_531, %select_n3A_510 : vector<16xi1>, vector<16xi32>
      %select_n3A_533 = arith.select %lt3A_517, %select_n3A_516, %select_n3A_511 : vector<16xi1>, vector<16xf32>
      %select_n3A_534 = arith.select %lt3A_517, %broadcast_in_dim3A_205, %select_n3A_512 : vector<16xi1>, vector<16xi32>
      %eq3A_535 = arith.cmpi eq, %broadcast_in_dim3A_219, %add3A_22 : vector<16xi32>
      %jit3A_536 = arith.constant 0x7F800000 : f32
      %broadcast_in_dim3A_537 = vector.broadcast %jit3A_536 : f32 to vector<16xf32>
      %select_n3A_538 = arith.select %eq3A_535, %broadcast_in_dim3A_537, %add3A_230 : vector<16xi1>, vector<16xf32>
      %lt3A_539 = arith.cmpf olt, %select_n3A_538, %select_n3A_533 : vector<16xf32>
      %lt3A_540 = arith.cmpf olt, %select_n3A_538, %select_n3A_530 : vector<16xf32>
      %lt3A_541 = arith.cmpf olt, %select_n3A_538, %select_n3A_526 : vector<16xf32>
      %lt3A_542 = arith.cmpf olt, %select_n3A_538, %select_n3A_522 : vector<16xf32>
      %select_n3A_543 = arith.select %lt3A_541, %select_n3A_526, %select_n3A_538 : vector<16xi1>, vector<16xf32>
      %select_n3A_544 = arith.select %lt3A_542, %select_n3A_543, %select_n3A_522 : vector<16xi1>, vector<16xf32>
      %select_n3A_545 = arith.select %lt3A_541, %select_n3A_528, %broadcast_in_dim3A_219 : vector<16xi1>, vector<16xi32>
      %select_n3A_546 = arith.select %lt3A_542, %select_n3A_545, %select_n3A_524 : vector<16xi1>, vector<16xi32>
      %select_n3A_547 = arith.select %lt3A_540, %select_n3A_530, %select_n3A_538 : vector<16xi1>, vector<16xf32>
      %select_n3A_548 = arith.select %lt3A_541, %select_n3A_547, %select_n3A_526 : vector<16xi1>, vector<16xf32>
      %select_n3A_549 = arith.select %lt3A_540, %select_n3A_532, %broadcast_in_dim3A_219 : vector<16xi1>, vector<16xi32>
      %select_n3A_550 = arith.select %lt3A_541, %select_n3A_549, %select_n3A_528 : vector<16xi1>, vector<16xi32>
      %select_n3A_551 = arith.select %lt3A_539, %select_n3A_533, %select_n3A_538 : vector<16xi1>, vector<16xf32>
      %select_n3A_552 = arith.select %lt3A_540, %select_n3A_551, %select_n3A_530 : vector<16xi1>, vector<16xf32>
      %select_n3A_553 = arith.select %lt3A_539, %select_n3A_534, %broadcast_in_dim3A_219 : vector<16xi1>, vector<16xi32>
      %select_n3A_554 = arith.select %lt3A_540, %select_n3A_553, %select_n3A_532 : vector<16xi1>, vector<16xi32>
      %select_n3A_555 = arith.select %lt3A_539, %select_n3A_538, %select_n3A_533 : vector<16xi1>, vector<16xf32>
      %select_n3A_556 = arith.select %lt3A_539, %broadcast_in_dim3A_219, %select_n3A_534 : vector<16xi1>, vector<16xi32>
      %eq3A_557 = arith.cmpi eq, %broadcast_in_dim3A_233, %add3A_22 : vector<16xi32>
      %jit3A_558 = arith.constant 0x7F800000 : f32
      %broadcast_in_dim3A_559 = vector.broadcast %jit3A_558 : f32 to vector<16xf32>
      %select_n3A_560 = arith.select %eq3A_557, %broadcast_in_dim3A_559, %add3A_244 : vector<16xi1>, vector<16xf32>
      %lt3A_561 = arith.cmpf olt, %select_n3A_560, %select_n3A_555 : vector<16xf32>
      %lt3A_562 = arith.cmpf olt, %select_n3A_560, %select_n3A_552 : vector<16xf32>
      %lt3A_563 = arith.cmpf olt, %select_n3A_560, %select_n3A_548 : vector<16xf32>
      %lt3A_564 = arith.cmpf olt, %select_n3A_560, %select_n3A_544 : vector<16xf32>
      %select_n3A_565 = arith.select %lt3A_563, %select_n3A_548, %select_n3A_560 : vector<16xi1>, vector<16xf32>
      %select_n3A_566 = arith.select %lt3A_564, %select_n3A_565, %select_n3A_544 : vector<16xi1>, vector<16xf32>
      %select_n3A_567 = arith.select %lt3A_563, %select_n3A_550, %broadcast_in_dim3A_233 : vector<16xi1>, vector<16xi32>
      %select_n3A_568 = arith.select %lt3A_564, %select_n3A_567, %select_n3A_546 : vector<16xi1>, vector<16xi32>
      %select_n3A_569 = arith.select %lt3A_562, %select_n3A_552, %select_n3A_560 : vector<16xi1>, vector<16xf32>
      %select_n3A_570 = arith.select %lt3A_563, %select_n3A_569, %select_n3A_548 : vector<16xi1>, vector<16xf32>
      %select_n3A_571 = arith.select %lt3A_562, %select_n3A_554, %broadcast_in_dim3A_233 : vector<16xi1>, vector<16xi32>
      %select_n3A_572 = arith.select %lt3A_563, %select_n3A_571, %select_n3A_550 : vector<16xi1>, vector<16xi32>
      %select_n3A_573 = arith.select %lt3A_561, %select_n3A_555, %select_n3A_560 : vector<16xi1>, vector<16xf32>
      %select_n3A_574 = arith.select %lt3A_562, %select_n3A_573, %select_n3A_552 : vector<16xi1>, vector<16xf32>
      %select_n3A_575 = arith.select %lt3A_561, %select_n3A_556, %broadcast_in_dim3A_233 : vector<16xi1>, vector<16xi32>
      %select_n3A_576 = arith.select %lt3A_562, %select_n3A_575, %select_n3A_554 : vector<16xi1>, vector<16xi32>
      %select_n3A_577 = arith.select %lt3A_561, %select_n3A_560, %select_n3A_555 : vector<16xi1>, vector<16xf32>
      %select_n3A_578 = arith.select %lt3A_561, %broadcast_in_dim3A_233, %select_n3A_556 : vector<16xi1>, vector<16xi32>
      %eq3A_579 = arith.cmpi eq, %broadcast_in_dim3A_247, %add3A_22 : vector<16xi32>
      %jit3A_580 = arith.constant 0x7F800000 : f32
      %broadcast_in_dim3A_581 = vector.broadcast %jit3A_580 : f32 to vector<16xf32>
      %select_n3A_582 = arith.select %eq3A_579, %broadcast_in_dim3A_581, %add3A_258 : vector<16xi1>, vector<16xf32>
      %lt3A_583 = arith.cmpf olt, %select_n3A_582, %select_n3A_577 : vector<16xf32>
      %lt3A_584 = arith.cmpf olt, %select_n3A_582, %select_n3A_574 : vector<16xf32>
      %lt3A_585 = arith.cmpf olt, %select_n3A_582, %select_n3A_570 : vector<16xf32>
      %lt3A_586 = arith.cmpf olt, %select_n3A_582, %select_n3A_566 : vector<16xf32>
      %select_n3A_587 = arith.select %lt3A_585, %select_n3A_570, %select_n3A_582 : vector<16xi1>, vector<16xf32>
      %select_n3A_588 = arith.select %lt3A_586, %select_n3A_587, %select_n3A_566 : vector<16xi1>, vector<16xf32>
      %select_n3A_589 = arith.select %lt3A_585, %select_n3A_572, %broadcast_in_dim3A_247 : vector<16xi1>, vector<16xi32>
      %select_n3A_590 = arith.select %lt3A_586, %select_n3A_589, %select_n3A_568 : vector<16xi1>, vector<16xi32>
      %select_n3A_591 = arith.select %lt3A_584, %select_n3A_574, %select_n3A_582 : vector<16xi1>, vector<16xf32>
      %select_n3A_592 = arith.select %lt3A_585, %select_n3A_591, %select_n3A_570 : vector<16xi1>, vector<16xf32>
      %select_n3A_593 = arith.select %lt3A_584, %select_n3A_576, %broadcast_in_dim3A_247 : vector<16xi1>, vector<16xi32>
      %select_n3A_594 = arith.select %lt3A_585, %select_n3A_593, %select_n3A_572 : vector<16xi1>, vector<16xi32>
      %select_n3A_595 = arith.select %lt3A_583, %select_n3A_577, %select_n3A_582 : vector<16xi1>, vector<16xf32>
      %select_n3A_596 = arith.select %lt3A_584, %select_n3A_595, %select_n3A_574 : vector<16xi1>, vector<16xf32>
      %select_n3A_597 = arith.select %lt3A_583, %select_n3A_578, %broadcast_in_dim3A_247 : vector<16xi1>, vector<16xi32>
      %select_n3A_598 = arith.select %lt3A_584, %select_n3A_597, %select_n3A_576 : vector<16xi1>, vector<16xi32>
      %select_n3A_599 = arith.select %lt3A_583, %select_n3A_582, %select_n3A_577 : vector<16xi1>, vector<16xf32>
      %select_n3A_600 = arith.select %lt3A_583, %broadcast_in_dim3A_247, %select_n3A_578 : vector<16xi1>, vector<16xi32>
      %eq3A_601 = arith.cmpi eq, %broadcast_in_dim3A_261, %add3A_22 : vector<16xi32>
      %jit3A_602 = arith.constant 0x7F800000 : f32
      %broadcast_in_dim3A_603 = vector.broadcast %jit3A_602 : f32 to vector<16xf32>
      %select_n3A_604 = arith.select %eq3A_601, %broadcast_in_dim3A_603, %add3A_272 : vector<16xi1>, vector<16xf32>
      %lt3A_605 = arith.cmpf olt, %select_n3A_604, %select_n3A_599 : vector<16xf32>
      %lt3A_606 = arith.cmpf olt, %select_n3A_604, %select_n3A_596 : vector<16xf32>
      %lt3A_607 = arith.cmpf olt, %select_n3A_604, %select_n3A_592 : vector<16xf32>
      %lt3A_608 = arith.cmpf olt, %select_n3A_604, %select_n3A_588 : vector<16xf32>
      %select_n3A_609 = arith.select %lt3A_607, %select_n3A_592, %select_n3A_604 : vector<16xi1>, vector<16xf32>
      %select_n3A_610 = arith.select %lt3A_608, %select_n3A_609, %select_n3A_588 : vector<16xi1>, vector<16xf32>
      %select_n3A_611 = arith.select %lt3A_607, %select_n3A_594, %broadcast_in_dim3A_261 : vector<16xi1>, vector<16xi32>
      %select_n3A_612 = arith.select %lt3A_608, %select_n3A_611, %select_n3A_590 : vector<16xi1>, vector<16xi32>
      %select_n3A_613 = arith.select %lt3A_606, %select_n3A_596, %select_n3A_604 : vector<16xi1>, vector<16xf32>
      %select_n3A_614 = arith.select %lt3A_607, %select_n3A_613, %select_n3A_592 : vector<16xi1>, vector<16xf32>
      %select_n3A_615 = arith.select %lt3A_606, %select_n3A_598, %broadcast_in_dim3A_261 : vector<16xi1>, vector<16xi32>
      %select_n3A_616 = arith.select %lt3A_607, %select_n3A_615, %select_n3A_594 : vector<16xi1>, vector<16xi32>
      %select_n3A_617 = arith.select %lt3A_605, %select_n3A_599, %select_n3A_604 : vector<16xi1>, vector<16xf32>
      %select_n3A_618 = arith.select %lt3A_606, %select_n3A_617, %select_n3A_596 : vector<16xi1>, vector<16xf32>
      %select_n3A_619 = arith.select %lt3A_605, %select_n3A_600, %broadcast_in_dim3A_261 : vector<16xi1>, vector<16xi32>
      %select_n3A_620 = arith.select %lt3A_606, %select_n3A_619, %select_n3A_598 : vector<16xi1>, vector<16xi32>
      %select_n3A_621 = arith.select %lt3A_605, %select_n3A_604, %select_n3A_599 : vector<16xi1>, vector<16xf32>
      %select_n3A_622 = arith.select %lt3A_605, %broadcast_in_dim3A_261, %select_n3A_600 : vector<16xi1>, vector<16xi32>
      %jit3A_623 = arith.constant 16 : i32
      %div3A_624 = arith.divsi %add3A_20, %jit3A_623 : i32
      %sign3A_625 = arith.constant 0 : i32
      %sign3A_626 = arith.cmpi sgt, %add3A_20, %sign3A_625 : i32
      %sign3A_627 = arith.extui %sign3A_626 : i1 to i32
      %sign3A_628 = arith.constant 0 : i32
      %sign3A_629 = arith.cmpi slt, %add3A_20, %sign3A_628 : i32
      %sign3A_630 = arith.extui %sign3A_629 : i1 to i32
      %sign3A_631 = arith.subi %sign3A_627, %sign3A_630 : i32
      %sign3A_632 = arith.constant 0 : i32
      %sign3A_633 = arith.cmpi sgt, %jit3A_623, %sign3A_632 : i32
      %sign3A_634 = arith.extui %sign3A_633 : i1 to i32
      %sign3A_635 = arith.constant 0 : i32
      %sign3A_636 = arith.cmpi slt, %jit3A_623, %sign3A_635 : i32
      %sign3A_637 = arith.extui %sign3A_636 : i1 to i32
      %sign3A_638 = arith.subi %sign3A_634, %sign3A_637 : i32
      %ne3A_639 = arith.cmpi ne, %sign3A_631, %sign3A_638 : i32
      %rem3A_640 = arith.remsi %add3A_20, %jit3A_623 : i32
      %ne3A_641 = arith.constant 0 : i32
      %ne3A_642 = arith.cmpi ne, %rem3A_640, %ne3A_641 : i32
      %and3A_643 = arith.andi %ne3A_639, %ne3A_642 : i1
      %sub3A_644 = arith.constant 1 : i32
      %sub3A_645 = arith.subi %div3A_624, %sub3A_644 : i32
      %select_n3A_646 = arith.select %and3A_643, %sub3A_645, %div3A_624 : i32
      %add3A_647 = arith.constant 1 : i32
      %add3A_648 = arith.addi %select_n3A_646, %add3A_647 : i32
      %parallel_loop3A_649 = arith.constant 256 : i32
      %parallel_loop3A_650 = arith.constant 1 : i32
      %parallel_loop3A_651:8 = scf.for %parallel_loop3A_1227 = %add3A_648 to %parallel_loop3A_649 step %parallel_loop3A_650 iter_args(%parallel_loop3A_1228 = %select_n3A_621, %parallel_loop3A_1229 = %select_n3A_618, %parallel_loop3A_1230 = %select_n3A_614, %parallel_loop3A_1231 = %select_n3A_610, %parallel_loop3A_1232 = %select_n3A_622, %parallel_loop3A_1233 = %select_n3A_620, %parallel_loop3A_1234 = %select_n3A_616, %parallel_loop3A_1235 = %select_n3A_612) -> (vector<16xf32>, vector<16xf32>, vector<16xf32>, vector<16xf32>, vector<16xi32>, vector<16xi32>, vector<16xi32>, vector<16xi32>)  : i32 {
        %parallel_loop3A_1236 = arith.constant 16 : i32
        %parallel_loop3A_1237 = arith.muli %parallel_loop3A_1227, %parallel_loop3A_1236 : i32
        %parallel_loop3A_1238 = arith.index_cast %parallel_loop3A_1237 : i32 to index
        %parallel_loop3A_1239 = tpu.vector_load %arg8[%parallel_loop3A_1238] {strides = array<i32>} : memref<4096xf32, #tpu.memory_space<vmem>>, vector<16xf32>,
        %parallel_loop3A_1240 = arith.index_cast %parallel_loop3A_1237 : i32 to index
        %parallel_loop3A_1241 = tpu.vector_load %arg9[%parallel_loop3A_1240] {strides = array<i32>} : memref<4096xf32, #tpu.memory_space<vmem>>, vector<16xf32>,
        %parallel_loop3A_1242 = arith.constant 0 : i32
        %parallel_loop3A_1243 = arith.addi %parallel_loop3A_1237, %parallel_loop3A_1242 : i32
        %parallel_loop3A_1244 = vector.broadcast %parallel_loop3A_1243 : i32 to vector<16xi32>
        %parallel_loop3A_1245 = vector.extract_strided_slice %parallel_loop3A_1239 {offsets = [0], sizes = [1], strides = [1]} : vector<16xf32> to vector<1xf32>
        %parallel_loop3A_1246 = vector.extract %parallel_loop3A_1245[0] : f32 from vector<1xf32>
        %parallel_loop3A_1247 = vector.broadcast %parallel_loop3A_1246 : f32 to vector<16xf32>
        %parallel_loop3A_1248 = arith.subf %parallel_loop3A_1247, %get3A_23 : vector<16xf32>
        %parallel_loop3A_1249 = vector.extract_strided_slice %parallel_loop3A_1241 {offsets = [0], sizes = [1], strides = [1]} : vector<16xf32> to vector<1xf32>
        %parallel_loop3A_1250 = vector.extract %parallel_loop3A_1249[0] : f32 from vector<1xf32>
        %parallel_loop3A_1251 = vector.broadcast %parallel_loop3A_1250 : f32 to vector<16xf32>
        %parallel_loop3A_1252 = arith.subf %parallel_loop3A_1251, %get3A_25 : vector<16xf32>
        %parallel_loop3A_1253 = arith.mulf %parallel_loop3A_1248, %parallel_loop3A_1248 : vector<16xf32>
        %parallel_loop3A_1254 = arith.mulf %parallel_loop3A_1252, %parallel_loop3A_1252 : vector<16xf32>
        %parallel_loop3A_1255 = arith.addf %parallel_loop3A_1253, %parallel_loop3A_1254 : vector<16xf32>
        %parallel_loop3A_1256 = arith.constant 1 : i32
        %parallel_loop3A_1257 = arith.addi %parallel_loop3A_1237, %parallel_loop3A_1256 : i32
        %parallel_loop3A_1258 = vector.broadcast %parallel_loop3A_1257 : i32 to vector<16xi32>
        %parallel_loop3A_1259 = vector.extract_strided_slice %parallel_loop3A_1239 {offsets = [1], sizes = [1], strides = [1]} : vector<16xf32> to vector<1xf32>
        %parallel_loop3A_1260 = vector.extract %parallel_loop3A_1259[0] : f32 from vector<1xf32>
        %parallel_loop3A_1261 = vector.broadcast %parallel_loop3A_1260 : f32 to vector<16xf32>
        %parallel_loop3A_1262 = arith.subf %parallel_loop3A_1261, %get3A_23 : vector<16xf32>
        %parallel_loop3A_1263 = vector.extract_strided_slice %parallel_loop3A_1241 {offsets = [1], sizes = [1], strides = [1]} : vector<16xf32> to vector<1xf32>
        %parallel_loop3A_1264 = vector.extract %parallel_loop3A_1263[0] : f32 from vector<1xf32>
        %parallel_loop3A_1265 = vector.broadcast %parallel_loop3A_1264 : f32 to vector<16xf32>
        %parallel_loop3A_1266 = arith.subf %parallel_loop3A_1265, %get3A_25 : vector<16xf32>
        %parallel_loop3A_1267 = arith.mulf %parallel_loop3A_1262, %parallel_loop3A_1262 : vector<16xf32>
        %parallel_loop3A_1268 = arith.mulf %parallel_loop3A_1266, %parallel_loop3A_1266 : vector<16xf32>
        %parallel_loop3A_1269 = arith.addf %parallel_loop3A_1267, %parallel_loop3A_1268 : vector<16xf32>
        %parallel_loop3A_1270 = arith.constant 2 : i32
        %parallel_loop3A_1271 = arith.addi %parallel_loop3A_1237, %parallel_loop3A_1270 : i32
        %parallel_loop3A_1272 = vector.broadcast %parallel_loop3A_1271 : i32 to vector<16xi32>
        %parallel_loop3A_1273 = vector.extract_strided_slice %parallel_loop3A_1239 {offsets = [2], sizes = [1], strides = [1]} : vector<16xf32> to vector<1xf32>
        %parallel_loop3A_1274 = vector.extract %parallel_loop3A_1273[0] : f32 from vector<1xf32>
        %parallel_loop3A_1275 = vector.broadcast %parallel_loop3A_1274 : f32 to vector<16xf32>
        %parallel_loop3A_1276 = arith.subf %parallel_loop3A_1275, %get3A_23 : vector<16xf32>
        %parallel_loop3A_1277 = vector.extract_strided_slice %parallel_loop3A_1241 {offsets = [2], sizes = [1], strides = [1]} : vector<16xf32> to vector<1xf32>
        %parallel_loop3A_1278 = vector.extract %parallel_loop3A_1277[0] : f32 from vector<1xf32>
        %parallel_loop3A_1279 = vector.broadcast %parallel_loop3A_1278 : f32 to vector<16xf32>
        %parallel_loop3A_1280 = arith.subf %parallel_loop3A_1279, %get3A_25 : vector<16xf32>
        %parallel_loop3A_1281 = arith.mulf %parallel_loop3A_1276, %parallel_loop3A_1276 : vector<16xf32>
        %parallel_loop3A_1282 = arith.mulf %parallel_loop3A_1280, %parallel_loop3A_1280 : vector<16xf32>
        %parallel_loop3A_1283 = arith.addf %parallel_loop3A_1281, %parallel_loop3A_1282 : vector<16xf32>
        %parallel_loop3A_1284 = arith.constant 3 : i32
        %parallel_loop3A_1285 = arith.addi %parallel_loop3A_1237, %parallel_loop3A_1284 : i32
        %parallel_loop3A_1286 = vector.broadcast %parallel_loop3A_1285 : i32 to vector<16xi32>
        %parallel_loop3A_1287 = vector.extract_strided_slice %parallel_loop3A_1239 {offsets = [3], sizes = [1], strides = [1]} : vector<16xf32> to vector<1xf32>
        %parallel_loop3A_1288 = vector.extract %parallel_loop3A_1287[0] : f32 from vector<1xf32>
        %parallel_loop3A_1289 = vector.broadcast %parallel_loop3A_1288 : f32 to vector<16xf32>
        %parallel_loop3A_1290 = arith.subf %parallel_loop3A_1289, %get3A_23 : vector<16xf32>
        %parallel_loop3A_1291 = vector.extract_strided_slice %parallel_loop3A_1241 {offsets = [3], sizes = [1], strides = [1]} : vector<16xf32> to vector<1xf32>
        %parallel_loop3A_1292 = vector.extract %parallel_loop3A_1291[0] : f32 from vector<1xf32>
        %parallel_loop3A_1293 = vector.broadcast %parallel_loop3A_1292 : f32 to vector<16xf32>
        %parallel_loop3A_1294 = arith.subf %parallel_loop3A_1293, %get3A_25 : vector<16xf32>
        %parallel_loop3A_1295 = arith.mulf %parallel_loop3A_1290, %parallel_loop3A_1290 : vector<16xf32>
        %parallel_loop3A_1296 = arith.mulf %parallel_loop3A_1294, %parallel_loop3A_1294 : vector<16xf32>
        %parallel_loop3A_1297 = arith.addf %parallel_loop3A_1295, %parallel_loop3A_1296 : vector<16xf32>
        %parallel_loop3A_1298 = arith.constant 4 : i32
        %parallel_loop3A_1299 = arith.addi %parallel_loop3A_1237, %parallel_loop3A_1298 : i32
        %parallel_loop3A_1300 = vector.broadcast %parallel_loop3A_1299 : i32 to vector<16xi32>
        %parallel_loop3A_1301 = vector.extract_strided_slice %parallel_loop3A_1239 {offsets = [4], sizes = [1], strides = [1]} : vector<16xf32> to vector<1xf32>
        %parallel_loop3A_1302 = vector.extract %parallel_loop3A_1301[0] : f32 from vector<1xf32>
        %parallel_loop3A_1303 = vector.broadcast %parallel_loop3A_1302 : f32 to vector<16xf32>
        %parallel_loop3A_1304 = arith.subf %parallel_loop3A_1303, %get3A_23 : vector<16xf32>
        %parallel_loop3A_1305 = vector.extract_strided_slice %parallel_loop3A_1241 {offsets = [4], sizes = [1], strides = [1]} : vector<16xf32> to vector<1xf32>
        %parallel_loop3A_1306 = vector.extract %parallel_loop3A_1305[0] : f32 from vector<1xf32>
        %parallel_loop3A_1307 = vector.broadcast %parallel_loop3A_1306 : f32 to vector<16xf32>
        %parallel_loop3A_1308 = arith.subf %parallel_loop3A_1307, %get3A_25 : vector<16xf32>
        %parallel_loop3A_1309 = arith.mulf %parallel_loop3A_1304, %parallel_loop3A_1304 : vector<16xf32>
        %parallel_loop3A_1310 = arith.mulf %parallel_loop3A_1308, %parallel_loop3A_1308 : vector<16xf32>
        %parallel_loop3A_1311 = arith.addf %parallel_loop3A_1309, %parallel_loop3A_1310 : vector<16xf32>
        %parallel_loop3A_1312 = arith.constant 5 : i32
        %parallel_loop3A_1313 = arith.addi %parallel_loop3A_1237, %parallel_loop3A_1312 : i32
        %parallel_loop3A_1314 = vector.broadcast %parallel_loop3A_1313 : i32 to vector<16xi32>
        %parallel_loop3A_1315 = vector.extract_strided_slice %parallel_loop3A_1239 {offsets = [5], sizes = [1], strides = [1]} : vector<16xf32> to vector<1xf32>
        %parallel_loop3A_1316 = vector.extract %parallel_loop3A_1315[0] : f32 from vector<1xf32>
        %parallel_loop3A_1317 = vector.broadcast %parallel_loop3A_1316 : f32 to vector<16xf32>
        %parallel_loop3A_1318 = arith.subf %parallel_loop3A_1317, %get3A_23 : vector<16xf32>
        %parallel_loop3A_1319 = vector.extract_strided_slice %parallel_loop3A_1241 {offsets = [5], sizes = [1], strides = [1]} : vector<16xf32> to vector<1xf32>
        %parallel_loop3A_1320 = vector.extract %parallel_loop3A_1319[0] : f32 from vector<1xf32>
        %parallel_loop3A_1321 = vector.broadcast %parallel_loop3A_1320 : f32 to vector<16xf32>
        %parallel_loop3A_1322 = arith.subf %parallel_loop3A_1321, %get3A_25 : vector<16xf32>
        %parallel_loop3A_1323 = arith.mulf %parallel_loop3A_1318, %parallel_loop3A_1318 : vector<16xf32>
        %parallel_loop3A_1324 = arith.mulf %parallel_loop3A_1322, %parallel_loop3A_1322 : vector<16xf32>
        %parallel_loop3A_1325 = arith.addf %parallel_loop3A_1323, %parallel_loop3A_1324 : vector<16xf32>
        %parallel_loop3A_1326 = arith.constant 6 : i32
        %parallel_loop3A_1327 = arith.addi %parallel_loop3A_1237, %parallel_loop3A_1326 : i32
        %parallel_loop3A_1328 = vector.broadcast %parallel_loop3A_1327 : i32 to vector<16xi32>
        %parallel_loop3A_1329 = vector.extract_strided_slice %parallel_loop3A_1239 {offsets = [6], sizes = [1], strides = [1]} : vector<16xf32> to vector<1xf32>
        %parallel_loop3A_1330 = vector.extract %parallel_loop3A_1329[0] : f32 from vector<1xf32>
        %parallel_loop3A_1331 = vector.broadcast %parallel_loop3A_1330 : f32 to vector<16xf32>
        %parallel_loop3A_1332 = arith.subf %parallel_loop3A_1331, %get3A_23 : vector<16xf32>
        %parallel_loop3A_1333 = vector.extract_strided_slice %parallel_loop3A_1241 {offsets = [6], sizes = [1], strides = [1]} : vector<16xf32> to vector<1xf32>
        %parallel_loop3A_1334 = vector.extract %parallel_loop3A_1333[0] : f32 from vector<1xf32>
        %parallel_loop3A_1335 = vector.broadcast %parallel_loop3A_1334 : f32 to vector<16xf32>
        %parallel_loop3A_1336 = arith.subf %parallel_loop3A_1335, %get3A_25 : vector<16xf32>
        %parallel_loop3A_1337 = arith.mulf %parallel_loop3A_1332, %parallel_loop3A_1332 : vector<16xf32>
        %parallel_loop3A_1338 = arith.mulf %parallel_loop3A_1336, %parallel_loop3A_1336 : vector<16xf32>
        %parallel_loop3A_1339 = arith.addf %parallel_loop3A_1337, %parallel_loop3A_1338 : vector<16xf32>
        %parallel_loop3A_1340 = arith.constant 7 : i32
        %parallel_loop3A_1341 = arith.addi %parallel_loop3A_1237, %parallel_loop3A_1340 : i32
        %parallel_loop3A_1342 = vector.broadcast %parallel_loop3A_1341 : i32 to vector<16xi32>
        %parallel_loop3A_1343 = vector.extract_strided_slice %parallel_loop3A_1239 {offsets = [7], sizes = [1], strides = [1]} : vector<16xf32> to vector<1xf32>
        %parallel_loop3A_1344 = vector.extract %parallel_loop3A_1343[0] : f32 from vector<1xf32>
        %parallel_loop3A_1345 = vector.broadcast %parallel_loop3A_1344 : f32 to vector<16xf32>
        %parallel_loop3A_1346 = arith.subf %parallel_loop3A_1345, %get3A_23 : vector<16xf32>
        %parallel_loop3A_1347 = vector.extract_strided_slice %parallel_loop3A_1241 {offsets = [7], sizes = [1], strides = [1]} : vector<16xf32> to vector<1xf32>
        %parallel_loop3A_1348 = vector.extract %parallel_loop3A_1347[0] : f32 from vector<1xf32>
        %parallel_loop3A_1349 = vector.broadcast %parallel_loop3A_1348 : f32 to vector<16xf32>
        %parallel_loop3A_1350 = arith.subf %parallel_loop3A_1349, %get3A_25 : vector<16xf32>
        %parallel_loop3A_1351 = arith.mulf %parallel_loop3A_1346, %parallel_loop3A_1346 : vector<16xf32>
        %parallel_loop3A_1352 = arith.mulf %parallel_loop3A_1350, %parallel_loop3A_1350 : vector<16xf32>
        %parallel_loop3A_1353 = arith.addf %parallel_loop3A_1351, %parallel_loop3A_1352 : vector<16xf32>
        %parallel_loop3A_1354 = arith.constant 8 : i32
        %parallel_loop3A_1355 = arith.addi %parallel_loop3A_1237, %parallel_loop3A_1354 : i32
        %parallel_loop3A_1356 = vector.broadcast %parallel_loop3A_1355 : i32 to vector<16xi32>
        %parallel_loop3A_1357 = vector.extract_strided_slice %parallel_loop3A_1239 {offsets = [8], sizes = [1], strides = [1]} : vector<16xf32> to vector<1xf32>
        %parallel_loop3A_1358 = vector.extract %parallel_loop3A_1357[0] : f32 from vector<1xf32>
        %parallel_loop3A_1359 = vector.broadcast %parallel_loop3A_1358 : f32 to vector<16xf32>
        %parallel_loop3A_1360 = arith.subf %parallel_loop3A_1359, %get3A_23 : vector<16xf32>
        %parallel_loop3A_1361 = vector.extract_strided_slice %parallel_loop3A_1241 {offsets = [8], sizes = [1], strides = [1]} : vector<16xf32> to vector<1xf32>
        %parallel_loop3A_1362 = vector.extract %parallel_loop3A_1361[0] : f32 from vector<1xf32>
        %parallel_loop3A_1363 = vector.broadcast %parallel_loop3A_1362 : f32 to vector<16xf32>
        %parallel_loop3A_1364 = arith.subf %parallel_loop3A_1363, %get3A_25 : vector<16xf32>
        %parallel_loop3A_1365 = arith.mulf %parallel_loop3A_1360, %parallel_loop3A_1360 : vector<16xf32>
        %parallel_loop3A_1366 = arith.mulf %parallel_loop3A_1364, %parallel_loop3A_1364 : vector<16xf32>
        %parallel_loop3A_1367 = arith.addf %parallel_loop3A_1365, %parallel_loop3A_1366 : vector<16xf32>
        %parallel_loop3A_1368 = arith.constant 9 : i32
        %parallel_loop3A_1369 = arith.addi %parallel_loop3A_1237, %parallel_loop3A_1368 : i32
        %parallel_loop3A_1370 = vector.broadcast %parallel_loop3A_1369 : i32 to vector<16xi32>
        %parallel_loop3A_1371 = vector.extract_strided_slice %parallel_loop3A_1239 {offsets = [9], sizes = [1], strides = [1]} : vector<16xf32> to vector<1xf32>
        %parallel_loop3A_1372 = vector.extract %parallel_loop3A_1371[0] : f32 from vector<1xf32>
        %parallel_loop3A_1373 = vector.broadcast %parallel_loop3A_1372 : f32 to vector<16xf32>
        %parallel_loop3A_1374 = arith.subf %parallel_loop3A_1373, %get3A_23 : vector<16xf32>
        %parallel_loop3A_1375 = vector.extract_strided_slice %parallel_loop3A_1241 {offsets = [9], sizes = [1], strides = [1]} : vector<16xf32> to vector<1xf32>
        %parallel_loop3A_1376 = vector.extract %parallel_loop3A_1375[0] : f32 from vector<1xf32>
        %parallel_loop3A_1377 = vector.broadcast %parallel_loop3A_1376 : f32 to vector<16xf32>
        %parallel_loop3A_1378 = arith.subf %parallel_loop3A_1377, %get3A_25 : vector<16xf32>
        %parallel_loop3A_1379 = arith.mulf %parallel_loop3A_1374, %parallel_loop3A_1374 : vector<16xf32>
        %parallel_loop3A_1380 = arith.mulf %parallel_loop3A_1378, %parallel_loop3A_1378 : vector<16xf32>
        %parallel_loop3A_1381 = arith.addf %parallel_loop3A_1379, %parallel_loop3A_1380 : vector<16xf32>
        %parallel_loop3A_1382 = arith.constant 10 : i32
        %parallel_loop3A_1383 = arith.addi %parallel_loop3A_1237, %parallel_loop3A_1382 : i32
        %parallel_loop3A_1384 = vector.broadcast %parallel_loop3A_1383 : i32 to vector<16xi32>
        %parallel_loop3A_1385 = vector.extract_strided_slice %parallel_loop3A_1239 {offsets = [10], sizes = [1], strides = [1]} : vector<16xf32> to vector<1xf32>
        %parallel_loop3A_1386 = vector.extract %parallel_loop3A_1385[0] : f32 from vector<1xf32>
        %parallel_loop3A_1387 = vector.broadcast %parallel_loop3A_1386 : f32 to vector<16xf32>
        %parallel_loop3A_1388 = arith.subf %parallel_loop3A_1387, %get3A_23 : vector<16xf32>
        %parallel_loop3A_1389 = vector.extract_strided_slice %parallel_loop3A_1241 {offsets = [10], sizes = [1], strides = [1]} : vector<16xf32> to vector<1xf32>
        %parallel_loop3A_1390 = vector.extract %parallel_loop3A_1389[0] : f32 from vector<1xf32>
        %parallel_loop3A_1391 = vector.broadcast %parallel_loop3A_1390 : f32 to vector<16xf32>
        %parallel_loop3A_1392 = arith.subf %parallel_loop3A_1391, %get3A_25 : vector<16xf32>
        %parallel_loop3A_1393 = arith.mulf %parallel_loop3A_1388, %parallel_loop3A_1388 : vector<16xf32>
        %parallel_loop3A_1394 = arith.mulf %parallel_loop3A_1392, %parallel_loop3A_1392 : vector<16xf32>
        %parallel_loop3A_1395 = arith.addf %parallel_loop3A_1393, %parallel_loop3A_1394 : vector<16xf32>
        %parallel_loop3A_1396 = arith.constant 11 : i32
        %parallel_loop3A_1397 = arith.addi %parallel_loop3A_1237, %parallel_loop3A_1396 : i32
        %parallel_loop3A_1398 = vector.broadcast %parallel_loop3A_1397 : i32 to vector<16xi32>
        %parallel_loop3A_1399 = vector.extract_strided_slice %parallel_loop3A_1239 {offsets = [11], sizes = [1], strides = [1]} : vector<16xf32> to vector<1xf32>
        %parallel_loop3A_1400 = vector.extract %parallel_loop3A_1399[0] : f32 from vector<1xf32>
        %parallel_loop3A_1401 = vector.broadcast %parallel_loop3A_1400 : f32 to vector<16xf32>
        %parallel_loop3A_1402 = arith.subf %parallel_loop3A_1401, %get3A_23 : vector<16xf32>
        %parallel_loop3A_1403 = vector.extract_strided_slice %parallel_loop3A_1241 {offsets = [11], sizes = [1], strides = [1]} : vector<16xf32> to vector<1xf32>
        %parallel_loop3A_1404 = vector.extract %parallel_loop3A_1403[0] : f32 from vector<1xf32>
        %parallel_loop3A_1405 = vector.broadcast %parallel_loop3A_1404 : f32 to vector<16xf32>
        %parallel_loop3A_1406 = arith.subf %parallel_loop3A_1405, %get3A_25 : vector<16xf32>
        %parallel_loop3A_1407 = arith.mulf %parallel_loop3A_1402, %parallel_loop3A_1402 : vector<16xf32>
        %parallel_loop3A_1408 = arith.mulf %parallel_loop3A_1406, %parallel_loop3A_1406 : vector<16xf32>
        %parallel_loop3A_1409 = arith.addf %parallel_loop3A_1407, %parallel_loop3A_1408 : vector<16xf32>
        %parallel_loop3A_1410 = arith.constant 12 : i32
        %parallel_loop3A_1411 = arith.addi %parallel_loop3A_1237, %parallel_loop3A_1410 : i32
        %parallel_loop3A_1412 = vector.broadcast %parallel_loop3A_1411 : i32 to vector<16xi32>
        %parallel_loop3A_1413 = vector.extract_strided_slice %parallel_loop3A_1239 {offsets = [12], sizes = [1], strides = [1]} : vector<16xf32> to vector<1xf32>
        %parallel_loop3A_1414 = vector.extract %parallel_loop3A_1413[0] : f32 from vector<1xf32>
        %parallel_loop3A_1415 = vector.broadcast %parallel_loop3A_1414 : f32 to vector<16xf32>
        %parallel_loop3A_1416 = arith.subf %parallel_loop3A_1415, %get3A_23 : vector<16xf32>
        %parallel_loop3A_1417 = vector.extract_strided_slice %parallel_loop3A_1241 {offsets = [12], sizes = [1], strides = [1]} : vector<16xf32> to vector<1xf32>
        %parallel_loop3A_1418 = vector.extract %parallel_loop3A_1417[0] : f32 from vector<1xf32>
        %parallel_loop3A_1419 = vector.broadcast %parallel_loop3A_1418 : f32 to vector<16xf32>
        %parallel_loop3A_1420 = arith.subf %parallel_loop3A_1419, %get3A_25 : vector<16xf32>
        %parallel_loop3A_1421 = arith.mulf %parallel_loop3A_1416, %parallel_loop3A_1416 : vector<16xf32>
        %parallel_loop3A_1422 = arith.mulf %parallel_loop3A_1420, %parallel_loop3A_1420 : vector<16xf32>
        %parallel_loop3A_1423 = arith.addf %parallel_loop3A_1421, %parallel_loop3A_1422 : vector<16xf32>
        %parallel_loop3A_1424 = arith.constant 13 : i32
        %parallel_loop3A_1425 = arith.addi %parallel_loop3A_1237, %parallel_loop3A_1424 : i32
        %parallel_loop3A_1426 = vector.broadcast %parallel_loop3A_1425 : i32 to vector<16xi32>
        %parallel_loop3A_1427 = vector.extract_strided_slice %parallel_loop3A_1239 {offsets = [13], sizes = [1], strides = [1]} : vector<16xf32> to vector<1xf32>
        %parallel_loop3A_1428 = vector.extract %parallel_loop3A_1427[0] : f32 from vector<1xf32>
        %parallel_loop3A_1429 = vector.broadcast %parallel_loop3A_1428 : f32 to vector<16xf32>
        %parallel_loop3A_1430 = arith.subf %parallel_loop3A_1429, %get3A_23 : vector<16xf32>
        %parallel_loop3A_1431 = vector.extract_strided_slice %parallel_loop3A_1241 {offsets = [13], sizes = [1], strides = [1]} : vector<16xf32> to vector<1xf32>
        %parallel_loop3A_1432 = vector.extract %parallel_loop3A_1431[0] : f32 from vector<1xf32>
        %parallel_loop3A_1433 = vector.broadcast %parallel_loop3A_1432 : f32 to vector<16xf32>
        %parallel_loop3A_1434 = arith.subf %parallel_loop3A_1433, %get3A_25 : vector<16xf32>
        %parallel_loop3A_1435 = arith.mulf %parallel_loop3A_1430, %parallel_loop3A_1430 : vector<16xf32>
        %parallel_loop3A_1436 = arith.mulf %parallel_loop3A_1434, %parallel_loop3A_1434 : vector<16xf32>
        %parallel_loop3A_1437 = arith.addf %parallel_loop3A_1435, %parallel_loop3A_1436 : vector<16xf32>
        %parallel_loop3A_1438 = arith.constant 14 : i32
        %parallel_loop3A_1439 = arith.addi %parallel_loop3A_1237, %parallel_loop3A_1438 : i32
        %parallel_loop3A_1440 = vector.broadcast %parallel_loop3A_1439 : i32 to vector<16xi32>
        %parallel_loop3A_1441 = vector.extract_strided_slice %parallel_loop3A_1239 {offsets = [14], sizes = [1], strides = [1]} : vector<16xf32> to vector<1xf32>
        %parallel_loop3A_1442 = vector.extract %parallel_loop3A_1441[0] : f32 from vector<1xf32>
        %parallel_loop3A_1443 = vector.broadcast %parallel_loop3A_1442 : f32 to vector<16xf32>
        %parallel_loop3A_1444 = arith.subf %parallel_loop3A_1443, %get3A_23 : vector<16xf32>
        %parallel_loop3A_1445 = vector.extract_strided_slice %parallel_loop3A_1241 {offsets = [14], sizes = [1], strides = [1]} : vector<16xf32> to vector<1xf32>
        %parallel_loop3A_1446 = vector.extract %parallel_loop3A_1445[0] : f32 from vector<1xf32>
        %parallel_loop3A_1447 = vector.broadcast %parallel_loop3A_1446 : f32 to vector<16xf32>
        %parallel_loop3A_1448 = arith.subf %parallel_loop3A_1447, %get3A_25 : vector<16xf32>
        %parallel_loop3A_1449 = arith.mulf %parallel_loop3A_1444, %parallel_loop3A_1444 : vector<16xf32>
        %parallel_loop3A_1450 = arith.mulf %parallel_loop3A_1448, %parallel_loop3A_1448 : vector<16xf32>
        %parallel_loop3A_1451 = arith.addf %parallel_loop3A_1449, %parallel_loop3A_1450 : vector<16xf32>
        %parallel_loop3A_1452 = arith.constant 15 : i32
        %parallel_loop3A_1453 = arith.addi %parallel_loop3A_1237, %parallel_loop3A_1452 : i32
        %parallel_loop3A_1454 = vector.broadcast %parallel_loop3A_1453 : i32 to vector<16xi32>
        %parallel_loop3A_1455 = vector.extract_strided_slice %parallel_loop3A_1239 {offsets = [15], sizes = [1], strides = [1]} : vector<16xf32> to vector<1xf32>
        %parallel_loop3A_1456 = vector.extract %parallel_loop3A_1455[0] : f32 from vector<1xf32>
        %parallel_loop3A_1457 = vector.broadcast %parallel_loop3A_1456 : f32 to vector<16xf32>
        %parallel_loop3A_1458 = arith.subf %parallel_loop3A_1457, %get3A_23 : vector<16xf32>
        %parallel_loop3A_1459 = vector.extract_strided_slice %parallel_loop3A_1241 {offsets = [15], sizes = [1], strides = [1]} : vector<16xf32> to vector<1xf32>
        %parallel_loop3A_1460 = vector.extract %parallel_loop3A_1459[0] : f32 from vector<1xf32>
        %parallel_loop3A_1461 = vector.broadcast %parallel_loop3A_1460 : f32 to vector<16xf32>
        %parallel_loop3A_1462 = arith.subf %parallel_loop3A_1461, %get3A_25 : vector<16xf32>
        %parallel_loop3A_1463 = arith.mulf %parallel_loop3A_1458, %parallel_loop3A_1458 : vector<16xf32>
        %parallel_loop3A_1464 = arith.mulf %parallel_loop3A_1462, %parallel_loop3A_1462 : vector<16xf32>
        %parallel_loop3A_1465 = arith.addf %parallel_loop3A_1463, %parallel_loop3A_1464 : vector<16xf32>
        %parallel_loop3A_1466 = arith.cmpf olt, %parallel_loop3A_1255, %parallel_loop3A_1228 : vector<16xf32>
        %parallel_loop3A_1467 = arith.cmpf olt, %parallel_loop3A_1255, %parallel_loop3A_1229 : vector<16xf32>
        %parallel_loop3A_1468 = arith.cmpf olt, %parallel_loop3A_1255, %parallel_loop3A_1230 : vector<16xf32>
        %parallel_loop3A_1469 = arith.cmpf olt, %parallel_loop3A_1255, %parallel_loop3A_1231 : vector<16xf32>
        %parallel_loop3A_1470 = arith.select %parallel_loop3A_1468, %parallel_loop3A_1230, %parallel_loop3A_1255 : vector<16xi1>, vector<16xf32>
        %parallel_loop3A_1471 = arith.select %parallel_loop3A_1469, %parallel_loop3A_1470, %parallel_loop3A_1231 : vector<16xi1>, vector<16xf32>
        %parallel_loop3A_1472 = arith.select %parallel_loop3A_1468, %parallel_loop3A_1234, %parallel_loop3A_1244 : vector<16xi1>, vector<16xi32>
        %parallel_loop3A_1473 = arith.select %parallel_loop3A_1469, %parallel_loop3A_1472, %parallel_loop3A_1235 : vector<16xi1>, vector<16xi32>
        %parallel_loop3A_1474 = arith.select %parallel_loop3A_1467, %parallel_loop3A_1229, %parallel_loop3A_1255 : vector<16xi1>, vector<16xf32>
        %parallel_loop3A_1475 = arith.select %parallel_loop3A_1468, %parallel_loop3A_1474, %parallel_loop3A_1230 : vector<16xi1>, vector<16xf32>
        %parallel_loop3A_1476 = arith.select %parallel_loop3A_1467, %parallel_loop3A_1233, %parallel_loop3A_1244 : vector<16xi1>, vector<16xi32>
        %parallel_loop3A_1477 = arith.select %parallel_loop3A_1468, %parallel_loop3A_1476, %parallel_loop3A_1234 : vector<16xi1>, vector<16xi32>
        %parallel_loop3A_1478 = arith.select %parallel_loop3A_1466, %parallel_loop3A_1228, %parallel_loop3A_1255 : vector<16xi1>, vector<16xf32>
        %parallel_loop3A_1479 = arith.select %parallel_loop3A_1467, %parallel_loop3A_1478, %parallel_loop3A_1229 : vector<16xi1>, vector<16xf32>
        %parallel_loop3A_1480 = arith.select %parallel_loop3A_1466, %parallel_loop3A_1232, %parallel_loop3A_1244 : vector<16xi1>, vector<16xi32>
        %parallel_loop3A_1481 = arith.select %parallel_loop3A_1467, %parallel_loop3A_1480, %parallel_loop3A_1233 : vector<16xi1>, vector<16xi32>
        %parallel_loop3A_1482 = arith.select %parallel_loop3A_1466, %parallel_loop3A_1255, %parallel_loop3A_1228 : vector<16xi1>, vector<16xf32>
        %parallel_loop3A_1483 = arith.select %parallel_loop3A_1466, %parallel_loop3A_1244, %parallel_loop3A_1232 : vector<16xi1>, vector<16xi32>
        %parallel_loop3A_1484 = arith.cmpf olt, %parallel_loop3A_1269, %parallel_loop3A_1482 : vector<16xf32>
        %parallel_loop3A_1485 = arith.cmpf olt, %parallel_loop3A_1269, %parallel_loop3A_1479 : vector<16xf32>
        %parallel_loop3A_1486 = arith.cmpf olt, %parallel_loop3A_1269, %parallel_loop3A_1475 : vector<16xf32>
        %parallel_loop3A_1487 = arith.cmpf olt, %parallel_loop3A_1269, %parallel_loop3A_1471 : vector<16xf32>
        %parallel_loop3A_1488 = arith.select %parallel_loop3A_1486, %parallel_loop3A_1475, %parallel_loop3A_1269 : vector<16xi1>, vector<16xf32>
        %parallel_loop3A_1489 = arith.select %parallel_loop3A_1487, %parallel_loop3A_1488, %parallel_loop3A_1471 : vector<16xi1>, vector<16xf32>
        %parallel_loop3A_1490 = arith.select %parallel_loop3A_1486, %parallel_loop3A_1477, %parallel_loop3A_1258 : vector<16xi1>, vector<16xi32>
        %parallel_loop3A_1491 = arith.select %parallel_loop3A_1487, %parallel_loop3A_1490, %parallel_loop3A_1473 : vector<16xi1>, vector<16xi32>
        %parallel_loop3A_1492 = arith.select %parallel_loop3A_1485, %parallel_loop3A_1479, %parallel_loop3A_1269 : vector<16xi1>, vector<16xf32>
        %parallel_loop3A_1493 = arith.select %parallel_loop3A_1486, %parallel_loop3A_1492, %parallel_loop3A_1475 : vector<16xi1>, vector<16xf32>
        %parallel_loop3A_1494 = arith.select %parallel_loop3A_1485, %parallel_loop3A_1481, %parallel_loop3A_1258 : vector<16xi1>, vector<16xi32>
        %parallel_loop3A_1495 = arith.select %parallel_loop3A_1486, %parallel_loop3A_1494, %parallel_loop3A_1477 : vector<16xi1>, vector<16xi32>
        %parallel_loop3A_1496 = arith.select %parallel_loop3A_1484, %parallel_loop3A_1482, %parallel_loop3A_1269 : vector<16xi1>, vector<16xf32>
        %parallel_loop3A_1497 = arith.select %parallel_loop3A_1485, %parallel_loop3A_1496, %parallel_loop3A_1479 : vector<16xi1>, vector<16xf32>
        %parallel_loop3A_1498 = arith.select %parallel_loop3A_1484, %parallel_loop3A_1483, %parallel_loop3A_1258 : vector<16xi1>, vector<16xi32>
        %parallel_loop3A_1499 = arith.select %parallel_loop3A_1485, %parallel_loop3A_1498, %parallel_loop3A_1481 : vector<16xi1>, vector<16xi32>
        %parallel_loop3A_1500 = arith.select %parallel_loop3A_1484, %parallel_loop3A_1269, %parallel_loop3A_1482 : vector<16xi1>, vector<16xf32>
        %parallel_loop3A_1501 = arith.select %parallel_loop3A_1484, %parallel_loop3A_1258, %parallel_loop3A_1483 : vector<16xi1>, vector<16xi32>
        %parallel_loop3A_1502 = arith.cmpf olt, %parallel_loop3A_1283, %parallel_loop3A_1500 : vector<16xf32>
        %parallel_loop3A_1503 = arith.cmpf olt, %parallel_loop3A_1283, %parallel_loop3A_1497 : vector<16xf32>
        %parallel_loop3A_1504 = arith.cmpf olt, %parallel_loop3A_1283, %parallel_loop3A_1493 : vector<16xf32>
        %parallel_loop3A_1505 = arith.cmpf olt, %parallel_loop3A_1283, %parallel_loop3A_1489 : vector<16xf32>
        %parallel_loop3A_1506 = arith.select %parallel_loop3A_1504, %parallel_loop3A_1493, %parallel_loop3A_1283 : vector<16xi1>, vector<16xf32>
        %parallel_loop3A_1507 = arith.select %parallel_loop3A_1505, %parallel_loop3A_1506, %parallel_loop3A_1489 : vector<16xi1>, vector<16xf32>
        %parallel_loop3A_1508 = arith.select %parallel_loop3A_1504, %parallel_loop3A_1495, %parallel_loop3A_1272 : vector<16xi1>, vector<16xi32>
        %parallel_loop3A_1509 = arith.select %parallel_loop3A_1505, %parallel_loop3A_1508, %parallel_loop3A_1491 : vector<16xi1>, vector<16xi32>
        %parallel_loop3A_1510 = arith.select %parallel_loop3A_1503, %parallel_loop3A_1497, %parallel_loop3A_1283 : vector<16xi1>, vector<16xf32>
        %parallel_loop3A_1511 = arith.select %parallel_loop3A_1504, %parallel_loop3A_1510, %parallel_loop3A_1493 : vector<16xi1>, vector<16xf32>
        %parallel_loop3A_1512 = arith.select %parallel_loop3A_1503, %parallel_loop3A_1499, %parallel_loop3A_1272 : vector<16xi1>, vector<16xi32>
        %parallel_loop3A_1513 = arith.select %parallel_loop3A_1504, %parallel_loop3A_1512, %parallel_loop3A_1495 : vector<16xi1>, vector<16xi32>
        %parallel_loop3A_1514 = arith.select %parallel_loop3A_1502, %parallel_loop3A_1500, %parallel_loop3A_1283 : vector<16xi1>, vector<16xf32>
        %parallel_loop3A_1515 = arith.select %parallel_loop3A_1503, %parallel_loop3A_1514, %parallel_loop3A_1497 : vector<16xi1>, vector<16xf32>
        %parallel_loop3A_1516 = arith.select %parallel_loop3A_1502, %parallel_loop3A_1501, %parallel_loop3A_1272 : vector<16xi1>, vector<16xi32>
        %parallel_loop3A_1517 = arith.select %parallel_loop3A_1503, %parallel_loop3A_1516, %parallel_loop3A_1499 : vector<16xi1>, vector<16xi32>
        %parallel_loop3A_1518 = arith.select %parallel_loop3A_1502, %parallel_loop3A_1283, %parallel_loop3A_1500 : vector<16xi1>, vector<16xf32>
        %parallel_loop3A_1519 = arith.select %parallel_loop3A_1502, %parallel_loop3A_1272, %parallel_loop3A_1501 : vector<16xi1>, vector<16xi32>
        %parallel_loop3A_1520 = arith.cmpf olt, %parallel_loop3A_1297, %parallel_loop3A_1518 : vector<16xf32>
        %parallel_loop3A_1521 = arith.cmpf olt, %parallel_loop3A_1297, %parallel_loop3A_1515 : vector<16xf32>
        %parallel_loop3A_1522 = arith.cmpf olt, %parallel_loop3A_1297, %parallel_loop3A_1511 : vector<16xf32>
        %parallel_loop3A_1523 = arith.cmpf olt, %parallel_loop3A_1297, %parallel_loop3A_1507 : vector<16xf32>
        %parallel_loop3A_1524 = arith.select %parallel_loop3A_1522, %parallel_loop3A_1511, %parallel_loop3A_1297 : vector<16xi1>, vector<16xf32>
        %parallel_loop3A_1525 = arith.select %parallel_loop3A_1523, %parallel_loop3A_1524, %parallel_loop3A_1507 : vector<16xi1>, vector<16xf32>
        %parallel_loop3A_1526 = arith.select %parallel_loop3A_1522, %parallel_loop3A_1513, %parallel_loop3A_1286 : vector<16xi1>, vector<16xi32>
        %parallel_loop3A_1527 = arith.select %parallel_loop3A_1523, %parallel_loop3A_1526, %parallel_loop3A_1509 : vector<16xi1>, vector<16xi32>
        %parallel_loop3A_1528 = arith.select %parallel_loop3A_1521, %parallel_loop3A_1515, %parallel_loop3A_1297 : vector<16xi1>, vector<16xf32>
        %parallel_loop3A_1529 = arith.select %parallel_loop3A_1522, %parallel_loop3A_1528, %parallel_loop3A_1511 : vector<16xi1>, vector<16xf32>
        %parallel_loop3A_1530 = arith.select %parallel_loop3A_1521, %parallel_loop3A_1517, %parallel_loop3A_1286 : vector<16xi1>, vector<16xi32>
        %parallel_loop3A_1531 = arith.select %parallel_loop3A_1522, %parallel_loop3A_1530, %parallel_loop3A_1513 : vector<16xi1>, vector<16xi32>
        %parallel_loop3A_1532 = arith.select %parallel_loop3A_1520, %parallel_loop3A_1518, %parallel_loop3A_1297 : vector<16xi1>, vector<16xf32>
        %parallel_loop3A_1533 = arith.select %parallel_loop3A_1521, %parallel_loop3A_1532, %parallel_loop3A_1515 : vector<16xi1>, vector<16xf32>
        %parallel_loop3A_1534 = arith.select %parallel_loop3A_1520, %parallel_loop3A_1519, %parallel_loop3A_1286 : vector<16xi1>, vector<16xi32>
        %parallel_loop3A_1535 = arith.select %parallel_loop3A_1521, %parallel_loop3A_1534, %parallel_loop3A_1517 : vector<16xi1>, vector<16xi32>
        %parallel_loop3A_1536 = arith.select %parallel_loop3A_1520, %parallel_loop3A_1297, %parallel_loop3A_1518 : vector<16xi1>, vector<16xf32>
        %parallel_loop3A_1537 = arith.select %parallel_loop3A_1520, %parallel_loop3A_1286, %parallel_loop3A_1519 : vector<16xi1>, vector<16xi32>
        %parallel_loop3A_1538 = arith.cmpf olt, %parallel_loop3A_1311, %parallel_loop3A_1536 : vector<16xf32>
        %parallel_loop3A_1539 = arith.cmpf olt, %parallel_loop3A_1311, %parallel_loop3A_1533 : vector<16xf32>
        %parallel_loop3A_1540 = arith.cmpf olt, %parallel_loop3A_1311, %parallel_loop3A_1529 : vector<16xf32>
        %parallel_loop3A_1541 = arith.cmpf olt, %parallel_loop3A_1311, %parallel_loop3A_1525 : vector<16xf32>
        %parallel_loop3A_1542 = arith.select %parallel_loop3A_1540, %parallel_loop3A_1529, %parallel_loop3A_1311 : vector<16xi1>, vector<16xf32>
        %parallel_loop3A_1543 = arith.select %parallel_loop3A_1541, %parallel_loop3A_1542, %parallel_loop3A_1525 : vector<16xi1>, vector<16xf32>
        %parallel_loop3A_1544 = arith.select %parallel_loop3A_1540, %parallel_loop3A_1531, %parallel_loop3A_1300 : vector<16xi1>, vector<16xi32>
        %parallel_loop3A_1545 = arith.select %parallel_loop3A_1541, %parallel_loop3A_1544, %parallel_loop3A_1527 : vector<16xi1>, vector<16xi32>
        %parallel_loop3A_1546 = arith.select %parallel_loop3A_1539, %parallel_loop3A_1533, %parallel_loop3A_1311 : vector<16xi1>, vector<16xf32>
        %parallel_loop3A_1547 = arith.select %parallel_loop3A_1540, %parallel_loop3A_1546, %parallel_loop3A_1529 : vector<16xi1>, vector<16xf32>
        %parallel_loop3A_1548 = arith.select %parallel_loop3A_1539, %parallel_loop3A_1535, %parallel_loop3A_1300 : vector<16xi1>, vector<16xi32>
        %parallel_loop3A_1549 = arith.select %parallel_loop3A_1540, %parallel_loop3A_1548, %parallel_loop3A_1531 : vector<16xi1>, vector<16xi32>
        %parallel_loop3A_1550 = arith.select %parallel_loop3A_1538, %parallel_loop3A_1536, %parallel_loop3A_1311 : vector<16xi1>, vector<16xf32>
        %parallel_loop3A_1551 = arith.select %parallel_loop3A_1539, %parallel_loop3A_1550, %parallel_loop3A_1533 : vector<16xi1>, vector<16xf32>
        %parallel_loop3A_1552 = arith.select %parallel_loop3A_1538, %parallel_loop3A_1537, %parallel_loop3A_1300 : vector<16xi1>, vector<16xi32>
        %parallel_loop3A_1553 = arith.select %parallel_loop3A_1539, %parallel_loop3A_1552, %parallel_loop3A_1535 : vector<16xi1>, vector<16xi32>
        %parallel_loop3A_1554 = arith.select %parallel_loop3A_1538, %parallel_loop3A_1311, %parallel_loop3A_1536 : vector<16xi1>, vector<16xf32>
        %parallel_loop3A_1555 = arith.select %parallel_loop3A_1538, %parallel_loop3A_1300, %parallel_loop3A_1537 : vector<16xi1>, vector<16xi32>
        %parallel_loop3A_1556 = arith.cmpf olt, %parallel_loop3A_1325, %parallel_loop3A_1554 : vector<16xf32>
        %parallel_loop3A_1557 = arith.cmpf olt, %parallel_loop3A_1325, %parallel_loop3A_1551 : vector<16xf32>
        %parallel_loop3A_1558 = arith.cmpf olt, %parallel_loop3A_1325, %parallel_loop3A_1547 : vector<16xf32>
        %parallel_loop3A_1559 = arith.cmpf olt, %parallel_loop3A_1325, %parallel_loop3A_1543 : vector<16xf32>
        %parallel_loop3A_1560 = arith.select %parallel_loop3A_1558, %parallel_loop3A_1547, %parallel_loop3A_1325 : vector<16xi1>, vector<16xf32>
        %parallel_loop3A_1561 = arith.select %parallel_loop3A_1559, %parallel_loop3A_1560, %parallel_loop3A_1543 : vector<16xi1>, vector<16xf32>
        %parallel_loop3A_1562 = arith.select %parallel_loop3A_1558, %parallel_loop3A_1549, %parallel_loop3A_1314 : vector<16xi1>, vector<16xi32>
        %parallel_loop3A_1563 = arith.select %parallel_loop3A_1559, %parallel_loop3A_1562, %parallel_loop3A_1545 : vector<16xi1>, vector<16xi32>
        %parallel_loop3A_1564 = arith.select %parallel_loop3A_1557, %parallel_loop3A_1551, %parallel_loop3A_1325 : vector<16xi1>, vector<16xf32>
        %parallel_loop3A_1565 = arith.select %parallel_loop3A_1558, %parallel_loop3A_1564, %parallel_loop3A_1547 : vector<16xi1>, vector<16xf32>
        %parallel_loop3A_1566 = arith.select %parallel_loop3A_1557, %parallel_loop3A_1553, %parallel_loop3A_1314 : vector<16xi1>, vector<16xi32>
        %parallel_loop3A_1567 = arith.select %parallel_loop3A_1558, %parallel_loop3A_1566, %parallel_loop3A_1549 : vector<16xi1>, vector<16xi32>
        %parallel_loop3A_1568 = arith.select %parallel_loop3A_1556, %parallel_loop3A_1554, %parallel_loop3A_1325 : vector<16xi1>, vector<16xf32>
        %parallel_loop3A_1569 = arith.select %parallel_loop3A_1557, %parallel_loop3A_1568, %parallel_loop3A_1551 : vector<16xi1>, vector<16xf32>
        %parallel_loop3A_1570 = arith.select %parallel_loop3A_1556, %parallel_loop3A_1555, %parallel_loop3A_1314 : vector<16xi1>, vector<16xi32>
        %parallel_loop3A_1571 = arith.select %parallel_loop3A_1557, %parallel_loop3A_1570, %parallel_loop3A_1553 : vector<16xi1>, vector<16xi32>
        %parallel_loop3A_1572 = arith.select %parallel_loop3A_1556, %parallel_loop3A_1325, %parallel_loop3A_1554 : vector<16xi1>, vector<16xf32>
        %parallel_loop3A_1573 = arith.select %parallel_loop3A_1556, %parallel_loop3A_1314, %parallel_loop3A_1555 : vector<16xi1>, vector<16xi32>
        %parallel_loop3A_1574 = arith.cmpf olt, %parallel_loop3A_1339, %parallel_loop3A_1572 : vector<16xf32>
        %parallel_loop3A_1575 = arith.cmpf olt, %parallel_loop3A_1339, %parallel_loop3A_1569 : vector<16xf32>
        %parallel_loop3A_1576 = arith.cmpf olt, %parallel_loop3A_1339, %parallel_loop3A_1565 : vector<16xf32>
        %parallel_loop3A_1577 = arith.cmpf olt, %parallel_loop3A_1339, %parallel_loop3A_1561 : vector<16xf32>
        %parallel_loop3A_1578 = arith.select %parallel_loop3A_1576, %parallel_loop3A_1565, %parallel_loop3A_1339 : vector<16xi1>, vector<16xf32>
        %parallel_loop3A_1579 = arith.select %parallel_loop3A_1577, %parallel_loop3A_1578, %parallel_loop3A_1561 : vector<16xi1>, vector<16xf32>
        %parallel_loop3A_1580 = arith.select %parallel_loop3A_1576, %parallel_loop3A_1567, %parallel_loop3A_1328 : vector<16xi1>, vector<16xi32>
        %parallel_loop3A_1581 = arith.select %parallel_loop3A_1577, %parallel_loop3A_1580, %parallel_loop3A_1563 : vector<16xi1>, vector<16xi32>
        %parallel_loop3A_1582 = arith.select %parallel_loop3A_1575, %parallel_loop3A_1569, %parallel_loop3A_1339 : vector<16xi1>, vector<16xf32>
        %parallel_loop3A_1583 = arith.select %parallel_loop3A_1576, %parallel_loop3A_1582, %parallel_loop3A_1565 : vector<16xi1>, vector<16xf32>
        %parallel_loop3A_1584 = arith.select %parallel_loop3A_1575, %parallel_loop3A_1571, %parallel_loop3A_1328 : vector<16xi1>, vector<16xi32>
        %parallel_loop3A_1585 = arith.select %parallel_loop3A_1576, %parallel_loop3A_1584, %parallel_loop3A_1567 : vector<16xi1>, vector<16xi32>
        %parallel_loop3A_1586 = arith.select %parallel_loop3A_1574, %parallel_loop3A_1572, %parallel_loop3A_1339 : vector<16xi1>, vector<16xf32>
        %parallel_loop3A_1587 = arith.select %parallel_loop3A_1575, %parallel_loop3A_1586, %parallel_loop3A_1569 : vector<16xi1>, vector<16xf32>
        %parallel_loop3A_1588 = arith.select %parallel_loop3A_1574, %parallel_loop3A_1573, %parallel_loop3A_1328 : vector<16xi1>, vector<16xi32>
        %parallel_loop3A_1589 = arith.select %parallel_loop3A_1575, %parallel_loop3A_1588, %parallel_loop3A_1571 : vector<16xi1>, vector<16xi32>
        %parallel_loop3A_1590 = arith.select %parallel_loop3A_1574, %parallel_loop3A_1339, %parallel_loop3A_1572 : vector<16xi1>, vector<16xf32>
        %parallel_loop3A_1591 = arith.select %parallel_loop3A_1574, %parallel_loop3A_1328, %parallel_loop3A_1573 : vector<16xi1>, vector<16xi32>
        %parallel_loop3A_1592 = arith.cmpf olt, %parallel_loop3A_1353, %parallel_loop3A_1590 : vector<16xf32>
        %parallel_loop3A_1593 = arith.cmpf olt, %parallel_loop3A_1353, %parallel_loop3A_1587 : vector<16xf32>
        %parallel_loop3A_1594 = arith.cmpf olt, %parallel_loop3A_1353, %parallel_loop3A_1583 : vector<16xf32>
        %parallel_loop3A_1595 = arith.cmpf olt, %parallel_loop3A_1353, %parallel_loop3A_1579 : vector<16xf32>
        %parallel_loop3A_1596 = arith.select %parallel_loop3A_1594, %parallel_loop3A_1583, %parallel_loop3A_1353 : vector<16xi1>, vector<16xf32>
        %parallel_loop3A_1597 = arith.select %parallel_loop3A_1595, %parallel_loop3A_1596, %parallel_loop3A_1579 : vector<16xi1>, vector<16xf32>
        %parallel_loop3A_1598 = arith.select %parallel_loop3A_1594, %parallel_loop3A_1585, %parallel_loop3A_1342 : vector<16xi1>, vector<16xi32>
        %parallel_loop3A_1599 = arith.select %parallel_loop3A_1595, %parallel_loop3A_1598, %parallel_loop3A_1581 : vector<16xi1>, vector<16xi32>
        %parallel_loop3A_1600 = arith.select %parallel_loop3A_1593, %parallel_loop3A_1587, %parallel_loop3A_1353 : vector<16xi1>, vector<16xf32>
        %parallel_loop3A_1601 = arith.select %parallel_loop3A_1594, %parallel_loop3A_1600, %parallel_loop3A_1583 : vector<16xi1>, vector<16xf32>
        %parallel_loop3A_1602 = arith.select %parallel_loop3A_1593, %parallel_loop3A_1589, %parallel_loop3A_1342 : vector<16xi1>, vector<16xi32>
        %parallel_loop3A_1603 = arith.select %parallel_loop3A_1594, %parallel_loop3A_1602, %parallel_loop3A_1585 : vector<16xi1>, vector<16xi32>
        %parallel_loop3A_1604 = arith.select %parallel_loop3A_1592, %parallel_loop3A_1590, %parallel_loop3A_1353 : vector<16xi1>, vector<16xf32>
        %parallel_loop3A_1605 = arith.select %parallel_loop3A_1593, %parallel_loop3A_1604, %parallel_loop3A_1587 : vector<16xi1>, vector<16xf32>
        %parallel_loop3A_1606 = arith.select %parallel_loop3A_1592, %parallel_loop3A_1591, %parallel_loop3A_1342 : vector<16xi1>, vector<16xi32>
        %parallel_loop3A_1607 = arith.select %parallel_loop3A_1593, %parallel_loop3A_1606, %parallel_loop3A_1589 : vector<16xi1>, vector<16xi32>
        %parallel_loop3A_1608 = arith.select %parallel_loop3A_1592, %parallel_loop3A_1353, %parallel_loop3A_1590 : vector<16xi1>, vector<16xf32>
        %parallel_loop3A_1609 = arith.select %parallel_loop3A_1592, %parallel_loop3A_1342, %parallel_loop3A_1591 : vector<16xi1>, vector<16xi32>
        %parallel_loop3A_1610 = arith.cmpf olt, %parallel_loop3A_1367, %parallel_loop3A_1608 : vector<16xf32>
        %parallel_loop3A_1611 = arith.cmpf olt, %parallel_loop3A_1367, %parallel_loop3A_1605 : vector<16xf32>
        %parallel_loop3A_1612 = arith.cmpf olt, %parallel_loop3A_1367, %parallel_loop3A_1601 : vector<16xf32>
        %parallel_loop3A_1613 = arith.cmpf olt, %parallel_loop3A_1367, %parallel_loop3A_1597 : vector<16xf32>
        %parallel_loop3A_1614 = arith.select %parallel_loop3A_1612, %parallel_loop3A_1601, %parallel_loop3A_1367 : vector<16xi1>, vector<16xf32>
        %parallel_loop3A_1615 = arith.select %parallel_loop3A_1613, %parallel_loop3A_1614, %parallel_loop3A_1597 : vector<16xi1>, vector<16xf32>
        %parallel_loop3A_1616 = arith.select %parallel_loop3A_1612, %parallel_loop3A_1603, %parallel_loop3A_1356 : vector<16xi1>, vector<16xi32>
        %parallel_loop3A_1617 = arith.select %parallel_loop3A_1613, %parallel_loop3A_1616, %parallel_loop3A_1599 : vector<16xi1>, vector<16xi32>
        %parallel_loop3A_1618 = arith.select %parallel_loop3A_1611, %parallel_loop3A_1605, %parallel_loop3A_1367 : vector<16xi1>, vector<16xf32>
        %parallel_loop3A_1619 = arith.select %parallel_loop3A_1612, %parallel_loop3A_1618, %parallel_loop3A_1601 : vector<16xi1>, vector<16xf32>
        %parallel_loop3A_1620 = arith.select %parallel_loop3A_1611, %parallel_loop3A_1607, %parallel_loop3A_1356 : vector<16xi1>, vector<16xi32>
        %parallel_loop3A_1621 = arith.select %parallel_loop3A_1612, %parallel_loop3A_1620, %parallel_loop3A_1603 : vector<16xi1>, vector<16xi32>
        %parallel_loop3A_1622 = arith.select %parallel_loop3A_1610, %parallel_loop3A_1608, %parallel_loop3A_1367 : vector<16xi1>, vector<16xf32>
        %parallel_loop3A_1623 = arith.select %parallel_loop3A_1611, %parallel_loop3A_1622, %parallel_loop3A_1605 : vector<16xi1>, vector<16xf32>
        %parallel_loop3A_1624 = arith.select %parallel_loop3A_1610, %parallel_loop3A_1609, %parallel_loop3A_1356 : vector<16xi1>, vector<16xi32>
        %parallel_loop3A_1625 = arith.select %parallel_loop3A_1611, %parallel_loop3A_1624, %parallel_loop3A_1607 : vector<16xi1>, vector<16xi32>
        %parallel_loop3A_1626 = arith.select %parallel_loop3A_1610, %parallel_loop3A_1367, %parallel_loop3A_1608 : vector<16xi1>, vector<16xf32>
        %parallel_loop3A_1627 = arith.select %parallel_loop3A_1610, %parallel_loop3A_1356, %parallel_loop3A_1609 : vector<16xi1>, vector<16xi32>
        %parallel_loop3A_1628 = arith.cmpf olt, %parallel_loop3A_1381, %parallel_loop3A_1626 : vector<16xf32>
        %parallel_loop3A_1629 = arith.cmpf olt, %parallel_loop3A_1381, %parallel_loop3A_1623 : vector<16xf32>
        %parallel_loop3A_1630 = arith.cmpf olt, %parallel_loop3A_1381, %parallel_loop3A_1619 : vector<16xf32>
        %parallel_loop3A_1631 = arith.cmpf olt, %parallel_loop3A_1381, %parallel_loop3A_1615 : vector<16xf32>
        %parallel_loop3A_1632 = arith.select %parallel_loop3A_1630, %parallel_loop3A_1619, %parallel_loop3A_1381 : vector<16xi1>, vector<16xf32>
        %parallel_loop3A_1633 = arith.select %parallel_loop3A_1631, %parallel_loop3A_1632, %parallel_loop3A_1615 : vector<16xi1>, vector<16xf32>
        %parallel_loop3A_1634 = arith.select %parallel_loop3A_1630, %parallel_loop3A_1621, %parallel_loop3A_1370 : vector<16xi1>, vector<16xi32>
        %parallel_loop3A_1635 = arith.select %parallel_loop3A_1631, %parallel_loop3A_1634, %parallel_loop3A_1617 : vector<16xi1>, vector<16xi32>
        %parallel_loop3A_1636 = arith.select %parallel_loop3A_1629, %parallel_loop3A_1623, %parallel_loop3A_1381 : vector<16xi1>, vector<16xf32>
        %parallel_loop3A_1637 = arith.select %parallel_loop3A_1630, %parallel_loop3A_1636, %parallel_loop3A_1619 : vector<16xi1>, vector<16xf32>
        %parallel_loop3A_1638 = arith.select %parallel_loop3A_1629, %parallel_loop3A_1625, %parallel_loop3A_1370 : vector<16xi1>, vector<16xi32>
        %parallel_loop3A_1639 = arith.select %parallel_loop3A_1630, %parallel_loop3A_1638, %parallel_loop3A_1621 : vector<16xi1>, vector<16xi32>
        %parallel_loop3A_1640 = arith.select %parallel_loop3A_1628, %parallel_loop3A_1626, %parallel_loop3A_1381 : vector<16xi1>, vector<16xf32>
        %parallel_loop3A_1641 = arith.select %parallel_loop3A_1629, %parallel_loop3A_1640, %parallel_loop3A_1623 : vector<16xi1>, vector<16xf32>
        %parallel_loop3A_1642 = arith.select %parallel_loop3A_1628, %parallel_loop3A_1627, %parallel_loop3A_1370 : vector<16xi1>, vector<16xi32>
        %parallel_loop3A_1643 = arith.select %parallel_loop3A_1629, %parallel_loop3A_1642, %parallel_loop3A_1625 : vector<16xi1>, vector<16xi32>
        %parallel_loop3A_1644 = arith.select %parallel_loop3A_1628, %parallel_loop3A_1381, %parallel_loop3A_1626 : vector<16xi1>, vector<16xf32>
        %parallel_loop3A_1645 = arith.select %parallel_loop3A_1628, %parallel_loop3A_1370, %parallel_loop3A_1627 : vector<16xi1>, vector<16xi32>
        %parallel_loop3A_1646 = arith.cmpf olt, %parallel_loop3A_1395, %parallel_loop3A_1644 : vector<16xf32>
        %parallel_loop3A_1647 = arith.cmpf olt, %parallel_loop3A_1395, %parallel_loop3A_1641 : vector<16xf32>
        %parallel_loop3A_1648 = arith.cmpf olt, %parallel_loop3A_1395, %parallel_loop3A_1637 : vector<16xf32>
        %parallel_loop3A_1649 = arith.cmpf olt, %parallel_loop3A_1395, %parallel_loop3A_1633 : vector<16xf32>
        %parallel_loop3A_1650 = arith.select %parallel_loop3A_1648, %parallel_loop3A_1637, %parallel_loop3A_1395 : vector<16xi1>, vector<16xf32>
        %parallel_loop3A_1651 = arith.select %parallel_loop3A_1649, %parallel_loop3A_1650, %parallel_loop3A_1633 : vector<16xi1>, vector<16xf32>
        %parallel_loop3A_1652 = arith.select %parallel_loop3A_1648, %parallel_loop3A_1639, %parallel_loop3A_1384 : vector<16xi1>, vector<16xi32>
        %parallel_loop3A_1653 = arith.select %parallel_loop3A_1649, %parallel_loop3A_1652, %parallel_loop3A_1635 : vector<16xi1>, vector<16xi32>
        %parallel_loop3A_1654 = arith.select %parallel_loop3A_1647, %parallel_loop3A_1641, %parallel_loop3A_1395 : vector<16xi1>, vector<16xf32>
        %parallel_loop3A_1655 = arith.select %parallel_loop3A_1648, %parallel_loop3A_1654, %parallel_loop3A_1637 : vector<16xi1>, vector<16xf32>
        %parallel_loop3A_1656 = arith.select %parallel_loop3A_1647, %parallel_loop3A_1643, %parallel_loop3A_1384 : vector<16xi1>, vector<16xi32>
        %parallel_loop3A_1657 = arith.select %parallel_loop3A_1648, %parallel_loop3A_1656, %parallel_loop3A_1639 : vector<16xi1>, vector<16xi32>
        %parallel_loop3A_1658 = arith.select %parallel_loop3A_1646, %parallel_loop3A_1644, %parallel_loop3A_1395 : vector<16xi1>, vector<16xf32>
        %parallel_loop3A_1659 = arith.select %parallel_loop3A_1647, %parallel_loop3A_1658, %parallel_loop3A_1641 : vector<16xi1>, vector<16xf32>
        %parallel_loop3A_1660 = arith.select %parallel_loop3A_1646, %parallel_loop3A_1645, %parallel_loop3A_1384 : vector<16xi1>, vector<16xi32>
        %parallel_loop3A_1661 = arith.select %parallel_loop3A_1647, %parallel_loop3A_1660, %parallel_loop3A_1643 : vector<16xi1>, vector<16xi32>
        %parallel_loop3A_1662 = arith.select %parallel_loop3A_1646, %parallel_loop3A_1395, %parallel_loop3A_1644 : vector<16xi1>, vector<16xf32>
        %parallel_loop3A_1663 = arith.select %parallel_loop3A_1646, %parallel_loop3A_1384, %parallel_loop3A_1645 : vector<16xi1>, vector<16xi32>
        %parallel_loop3A_1664 = arith.cmpf olt, %parallel_loop3A_1409, %parallel_loop3A_1662 : vector<16xf32>
        %parallel_loop3A_1665 = arith.cmpf olt, %parallel_loop3A_1409, %parallel_loop3A_1659 : vector<16xf32>
        %parallel_loop3A_1666 = arith.cmpf olt, %parallel_loop3A_1409, %parallel_loop3A_1655 : vector<16xf32>
        %parallel_loop3A_1667 = arith.cmpf olt, %parallel_loop3A_1409, %parallel_loop3A_1651 : vector<16xf32>
        %parallel_loop3A_1668 = arith.select %parallel_loop3A_1666, %parallel_loop3A_1655, %parallel_loop3A_1409 : vector<16xi1>, vector<16xf32>
        %parallel_loop3A_1669 = arith.select %parallel_loop3A_1667, %parallel_loop3A_1668, %parallel_loop3A_1651 : vector<16xi1>, vector<16xf32>
        %parallel_loop3A_1670 = arith.select %parallel_loop3A_1666, %parallel_loop3A_1657, %parallel_loop3A_1398 : vector<16xi1>, vector<16xi32>
        %parallel_loop3A_1671 = arith.select %parallel_loop3A_1667, %parallel_loop3A_1670, %parallel_loop3A_1653 : vector<16xi1>, vector<16xi32>
        %parallel_loop3A_1672 = arith.select %parallel_loop3A_1665, %parallel_loop3A_1659, %parallel_loop3A_1409 : vector<16xi1>, vector<16xf32>
        %parallel_loop3A_1673 = arith.select %parallel_loop3A_1666, %parallel_loop3A_1672, %parallel_loop3A_1655 : vector<16xi1>, vector<16xf32>
        %parallel_loop3A_1674 = arith.select %parallel_loop3A_1665, %parallel_loop3A_1661, %parallel_loop3A_1398 : vector<16xi1>, vector<16xi32>
        %parallel_loop3A_1675 = arith.select %parallel_loop3A_1666, %parallel_loop3A_1674, %parallel_loop3A_1657 : vector<16xi1>, vector<16xi32>
        %parallel_loop3A_1676 = arith.select %parallel_loop3A_1664, %parallel_loop3A_1662, %parallel_loop3A_1409 : vector<16xi1>, vector<16xf32>
        %parallel_loop3A_1677 = arith.select %parallel_loop3A_1665, %parallel_loop3A_1676, %parallel_loop3A_1659 : vector<16xi1>, vector<16xf32>
        %parallel_loop3A_1678 = arith.select %parallel_loop3A_1664, %parallel_loop3A_1663, %parallel_loop3A_1398 : vector<16xi1>, vector<16xi32>
        %parallel_loop3A_1679 = arith.select %parallel_loop3A_1665, %parallel_loop3A_1678, %parallel_loop3A_1661 : vector<16xi1>, vector<16xi32>
        %parallel_loop3A_1680 = arith.select %parallel_loop3A_1664, %parallel_loop3A_1409, %parallel_loop3A_1662 : vector<16xi1>, vector<16xf32>
        %parallel_loop3A_1681 = arith.select %parallel_loop3A_1664, %parallel_loop3A_1398, %parallel_loop3A_1663 : vector<16xi1>, vector<16xi32>
        %parallel_loop3A_1682 = arith.cmpf olt, %parallel_loop3A_1423, %parallel_loop3A_1680 : vector<16xf32>
        %parallel_loop3A_1683 = arith.cmpf olt, %parallel_loop3A_1423, %parallel_loop3A_1677 : vector<16xf32>
        %parallel_loop3A_1684 = arith.cmpf olt, %parallel_loop3A_1423, %parallel_loop3A_1673 : vector<16xf32>
        %parallel_loop3A_1685 = arith.cmpf olt, %parallel_loop3A_1423, %parallel_loop3A_1669 : vector<16xf32>
        %parallel_loop3A_1686 = arith.select %parallel_loop3A_1684, %parallel_loop3A_1673, %parallel_loop3A_1423 : vector<16xi1>, vector<16xf32>
        %parallel_loop3A_1687 = arith.select %parallel_loop3A_1685, %parallel_loop3A_1686, %parallel_loop3A_1669 : vector<16xi1>, vector<16xf32>
        %parallel_loop3A_1688 = arith.select %parallel_loop3A_1684, %parallel_loop3A_1675, %parallel_loop3A_1412 : vector<16xi1>, vector<16xi32>
        %parallel_loop3A_1689 = arith.select %parallel_loop3A_1685, %parallel_loop3A_1688, %parallel_loop3A_1671 : vector<16xi1>, vector<16xi32>
        %parallel_loop3A_1690 = arith.select %parallel_loop3A_1683, %parallel_loop3A_1677, %parallel_loop3A_1423 : vector<16xi1>, vector<16xf32>
        %parallel_loop3A_1691 = arith.select %parallel_loop3A_1684, %parallel_loop3A_1690, %parallel_loop3A_1673 : vector<16xi1>, vector<16xf32>
        %parallel_loop3A_1692 = arith.select %parallel_loop3A_1683, %parallel_loop3A_1679, %parallel_loop3A_1412 : vector<16xi1>, vector<16xi32>
        %parallel_loop3A_1693 = arith.select %parallel_loop3A_1684, %parallel_loop3A_1692, %parallel_loop3A_1675 : vector<16xi1>, vector<16xi32>
        %parallel_loop3A_1694 = arith.select %parallel_loop3A_1682, %parallel_loop3A_1680, %parallel_loop3A_1423 : vector<16xi1>, vector<16xf32>
        %parallel_loop3A_1695 = arith.select %parallel_loop3A_1683, %parallel_loop3A_1694, %parallel_loop3A_1677 : vector<16xi1>, vector<16xf32>
        %parallel_loop3A_1696 = arith.select %parallel_loop3A_1682, %parallel_loop3A_1681, %parallel_loop3A_1412 : vector<16xi1>, vector<16xi32>
        %parallel_loop3A_1697 = arith.select %parallel_loop3A_1683, %parallel_loop3A_1696, %parallel_loop3A_1679 : vector<16xi1>, vector<16xi32>
        %parallel_loop3A_1698 = arith.select %parallel_loop3A_1682, %parallel_loop3A_1423, %parallel_loop3A_1680 : vector<16xi1>, vector<16xf32>
        %parallel_loop3A_1699 = arith.select %parallel_loop3A_1682, %parallel_loop3A_1412, %parallel_loop3A_1681 : vector<16xi1>, vector<16xi32>
        %parallel_loop3A_1700 = arith.cmpf olt, %parallel_loop3A_1437, %parallel_loop3A_1698 : vector<16xf32>
        %parallel_loop3A_1701 = arith.cmpf olt, %parallel_loop3A_1437, %parallel_loop3A_1695 : vector<16xf32>
        %parallel_loop3A_1702 = arith.cmpf olt, %parallel_loop3A_1437, %parallel_loop3A_1691 : vector<16xf32>
        %parallel_loop3A_1703 = arith.cmpf olt, %parallel_loop3A_1437, %parallel_loop3A_1687 : vector<16xf32>
        %parallel_loop3A_1704 = arith.select %parallel_loop3A_1702, %parallel_loop3A_1691, %parallel_loop3A_1437 : vector<16xi1>, vector<16xf32>
        %parallel_loop3A_1705 = arith.select %parallel_loop3A_1703, %parallel_loop3A_1704, %parallel_loop3A_1687 : vector<16xi1>, vector<16xf32>
        %parallel_loop3A_1706 = arith.select %parallel_loop3A_1702, %parallel_loop3A_1693, %parallel_loop3A_1426 : vector<16xi1>, vector<16xi32>
        %parallel_loop3A_1707 = arith.select %parallel_loop3A_1703, %parallel_loop3A_1706, %parallel_loop3A_1689 : vector<16xi1>, vector<16xi32>
        %parallel_loop3A_1708 = arith.select %parallel_loop3A_1701, %parallel_loop3A_1695, %parallel_loop3A_1437 : vector<16xi1>, vector<16xf32>
        %parallel_loop3A_1709 = arith.select %parallel_loop3A_1702, %parallel_loop3A_1708, %parallel_loop3A_1691 : vector<16xi1>, vector<16xf32>
        %parallel_loop3A_1710 = arith.select %parallel_loop3A_1701, %parallel_loop3A_1697, %parallel_loop3A_1426 : vector<16xi1>, vector<16xi32>
        %parallel_loop3A_1711 = arith.select %parallel_loop3A_1702, %parallel_loop3A_1710, %parallel_loop3A_1693 : vector<16xi1>, vector<16xi32>
        %parallel_loop3A_1712 = arith.select %parallel_loop3A_1700, %parallel_loop3A_1698, %parallel_loop3A_1437 : vector<16xi1>, vector<16xf32>
        %parallel_loop3A_1713 = arith.select %parallel_loop3A_1701, %parallel_loop3A_1712, %parallel_loop3A_1695 : vector<16xi1>, vector<16xf32>
        %parallel_loop3A_1714 = arith.select %parallel_loop3A_1700, %parallel_loop3A_1699, %parallel_loop3A_1426 : vector<16xi1>, vector<16xi32>
        %parallel_loop3A_1715 = arith.select %parallel_loop3A_1701, %parallel_loop3A_1714, %parallel_loop3A_1697 : vector<16xi1>, vector<16xi32>
        %parallel_loop3A_1716 = arith.select %parallel_loop3A_1700, %parallel_loop3A_1437, %parallel_loop3A_1698 : vector<16xi1>, vector<16xf32>
        %parallel_loop3A_1717 = arith.select %parallel_loop3A_1700, %parallel_loop3A_1426, %parallel_loop3A_1699 : vector<16xi1>, vector<16xi32>
        %parallel_loop3A_1718 = arith.cmpf olt, %parallel_loop3A_1451, %parallel_loop3A_1716 : vector<16xf32>
        %parallel_loop3A_1719 = arith.cmpf olt, %parallel_loop3A_1451, %parallel_loop3A_1713 : vector<16xf32>
        %parallel_loop3A_1720 = arith.cmpf olt, %parallel_loop3A_1451, %parallel_loop3A_1709 : vector<16xf32>
        %parallel_loop3A_1721 = arith.cmpf olt, %parallel_loop3A_1451, %parallel_loop3A_1705 : vector<16xf32>
        %parallel_loop3A_1722 = arith.select %parallel_loop3A_1720, %parallel_loop3A_1709, %parallel_loop3A_1451 : vector<16xi1>, vector<16xf32>
        %parallel_loop3A_1723 = arith.select %parallel_loop3A_1721, %parallel_loop3A_1722, %parallel_loop3A_1705 : vector<16xi1>, vector<16xf32>
        %parallel_loop3A_1724 = arith.select %parallel_loop3A_1720, %parallel_loop3A_1711, %parallel_loop3A_1440 : vector<16xi1>, vector<16xi32>
        %parallel_loop3A_1725 = arith.select %parallel_loop3A_1721, %parallel_loop3A_1724, %parallel_loop3A_1707 : vector<16xi1>, vector<16xi32>
        %parallel_loop3A_1726 = arith.select %parallel_loop3A_1719, %parallel_loop3A_1713, %parallel_loop3A_1451 : vector<16xi1>, vector<16xf32>
        %parallel_loop3A_1727 = arith.select %parallel_loop3A_1720, %parallel_loop3A_1726, %parallel_loop3A_1709 : vector<16xi1>, vector<16xf32>
        %parallel_loop3A_1728 = arith.select %parallel_loop3A_1719, %parallel_loop3A_1715, %parallel_loop3A_1440 : vector<16xi1>, vector<16xi32>
        %parallel_loop3A_1729 = arith.select %parallel_loop3A_1720, %parallel_loop3A_1728, %parallel_loop3A_1711 : vector<16xi1>, vector<16xi32>
        %parallel_loop3A_1730 = arith.select %parallel_loop3A_1718, %parallel_loop3A_1716, %parallel_loop3A_1451 : vector<16xi1>, vector<16xf32>
        %parallel_loop3A_1731 = arith.select %parallel_loop3A_1719, %parallel_loop3A_1730, %parallel_loop3A_1713 : vector<16xi1>, vector<16xf32>
        %parallel_loop3A_1732 = arith.select %parallel_loop3A_1718, %parallel_loop3A_1717, %parallel_loop3A_1440 : vector<16xi1>, vector<16xi32>
        %parallel_loop3A_1733 = arith.select %parallel_loop3A_1719, %parallel_loop3A_1732, %parallel_loop3A_1715 : vector<16xi1>, vector<16xi32>
        %parallel_loop3A_1734 = arith.select %parallel_loop3A_1718, %parallel_loop3A_1451, %parallel_loop3A_1716 : vector<16xi1>, vector<16xf32>
        %parallel_loop3A_1735 = arith.select %parallel_loop3A_1718, %parallel_loop3A_1440, %parallel_loop3A_1717 : vector<16xi1>, vector<16xi32>
        %parallel_loop3A_1736 = arith.cmpf olt, %parallel_loop3A_1465, %parallel_loop3A_1734 : vector<16xf32>
        %parallel_loop3A_1737 = arith.cmpf olt, %parallel_loop3A_1465, %parallel_loop3A_1731 : vector<16xf32>
        %parallel_loop3A_1738 = arith.cmpf olt, %parallel_loop3A_1465, %parallel_loop3A_1727 : vector<16xf32>
        %parallel_loop3A_1739 = arith.cmpf olt, %parallel_loop3A_1465, %parallel_loop3A_1723 : vector<16xf32>
        %parallel_loop3A_1740 = arith.select %parallel_loop3A_1738, %parallel_loop3A_1727, %parallel_loop3A_1465 : vector<16xi1>, vector<16xf32>
        %parallel_loop3A_1741 = arith.select %parallel_loop3A_1739, %parallel_loop3A_1740, %parallel_loop3A_1723 : vector<16xi1>, vector<16xf32>
        %parallel_loop3A_1742 = arith.select %parallel_loop3A_1738, %parallel_loop3A_1729, %parallel_loop3A_1454 : vector<16xi1>, vector<16xi32>
        %parallel_loop3A_1743 = arith.select %parallel_loop3A_1739, %parallel_loop3A_1742, %parallel_loop3A_1725 : vector<16xi1>, vector<16xi32>
        %parallel_loop3A_1744 = arith.select %parallel_loop3A_1737, %parallel_loop3A_1731, %parallel_loop3A_1465 : vector<16xi1>, vector<16xf32>
        %parallel_loop3A_1745 = arith.select %parallel_loop3A_1738, %parallel_loop3A_1744, %parallel_loop3A_1727 : vector<16xi1>, vector<16xf32>
        %parallel_loop3A_1746 = arith.select %parallel_loop3A_1737, %parallel_loop3A_1733, %parallel_loop3A_1454 : vector<16xi1>, vector<16xi32>
        %parallel_loop3A_1747 = arith.select %parallel_loop3A_1738, %parallel_loop3A_1746, %parallel_loop3A_1729 : vector<16xi1>, vector<16xi32>
        %parallel_loop3A_1748 = arith.select %parallel_loop3A_1736, %parallel_loop3A_1734, %parallel_loop3A_1465 : vector<16xi1>, vector<16xf32>
        %parallel_loop3A_1749 = arith.select %parallel_loop3A_1737, %parallel_loop3A_1748, %parallel_loop3A_1731 : vector<16xi1>, vector<16xf32>
        %parallel_loop3A_1750 = arith.select %parallel_loop3A_1736, %parallel_loop3A_1735, %parallel_loop3A_1454 : vector<16xi1>, vector<16xi32>
        %parallel_loop3A_1751 = arith.select %parallel_loop3A_1737, %parallel_loop3A_1750, %parallel_loop3A_1733 : vector<16xi1>, vector<16xi32>
        %parallel_loop3A_1752 = arith.select %parallel_loop3A_1736, %parallel_loop3A_1465, %parallel_loop3A_1734 : vector<16xi1>, vector<16xf32>
        %parallel_loop3A_1753 = arith.select %parallel_loop3A_1736, %parallel_loop3A_1454, %parallel_loop3A_1735 : vector<16xi1>, vector<16xi32>
        scf.yield %parallel_loop3A_1752, %parallel_loop3A_1749, %parallel_loop3A_1745, %parallel_loop3A_1741, %parallel_loop3A_1753, %parallel_loop3A_1751, %parallel_loop3A_1747, %parallel_loop3A_1743 : vector<16xf32>, vector<16xf32>, vector<16xf32>, vector<16xf32>, vector<16xi32>, vector<16xi32>, vector<16xi32>, vector<16xi32>
      } {sc.loop_unroll_factor = 2 : i64, sc.parallel_access}
      %get3A_652 = arith.index_cast %add3A_20 : i32 to index
      %get3A_653 = tpu.vector_load %arg10[%get3A_652] {strides = array<i32>} : memref<4096xf32, #tpu.memory_space<vmem>>, vector<16xf32>,
      %get3A_654 = arith.index_cast %add3A_20 : i32 to index
      %get3A_655 = tpu.vector_load %arg11[%get3A_654] {strides = array<i32>} : memref<4096xf32, #tpu.memory_space<vmem>>, vector<16xf32>,
      %mul3A_656 = arith.constant 16 : i32
      %mul3A_657 = arith.muli %scan3A_16, %mul3A_656 : i32
      %add3A_658 = vector.broadcast %mul3A_657 : i32 to vector<16xi32>
      %add3A_659 = arith.addi %add3A_658, %iota3A : vector<16xi32>
      %gather3A = tpu.vector_load_idx %arg8[%parallel_loop3A_651#4] : memref<4096xf32, #tpu.memory_space<vmem>>[vector<16xi32>], vector<16xf32>,
      %sub3A_660 = arith.subf %gather3A, %get3A_23 : vector<16xf32>
      %gather3A_661 = tpu.vector_load_idx %arg9[%parallel_loop3A_651#4] : memref<4096xf32, #tpu.memory_space<vmem>>[vector<16xi32>], vector<16xf32>,
      %sub3A_662 = arith.subf %gather3A_661, %get3A_25 : vector<16xf32>
      %gather3A_663 = tpu.vector_load_idx %arg10[%parallel_loop3A_651#4] : memref<4096xf32, #tpu.memory_space<vmem>>[vector<16xi32>], vector<16xf32>,
      %sub3A_664 = arith.subf %gather3A_663, %get3A_653 : vector<16xf32>
      %gather3A_665 = tpu.vector_load_idx %arg11[%parallel_loop3A_651#4] : memref<4096xf32, #tpu.memory_space<vmem>>[vector<16xi32>], vector<16xf32>,
      %sub3A_666 = arith.subf %gather3A_665, %get3A_655 : vector<16xf32>
      %gather3A_667 = tpu.vector_load_idx %arg8[%parallel_loop3A_651#5] : memref<4096xf32, #tpu.memory_space<vmem>>[vector<16xi32>], vector<16xf32>,
      %sub3A_668 = arith.subf %gather3A_667, %get3A_23 : vector<16xf32>
      %gather3A_669 = tpu.vector_load_idx %arg9[%parallel_loop3A_651#5] : memref<4096xf32, #tpu.memory_space<vmem>>[vector<16xi32>], vector<16xf32>,
      %sub3A_670 = arith.subf %gather3A_669, %get3A_25 : vector<16xf32>
      %gather3A_671 = tpu.vector_load_idx %arg10[%parallel_loop3A_651#5] : memref<4096xf32, #tpu.memory_space<vmem>>[vector<16xi32>], vector<16xf32>,
      %sub3A_672 = arith.subf %gather3A_671, %get3A_653 : vector<16xf32>
      %gather3A_673 = tpu.vector_load_idx %arg11[%parallel_loop3A_651#5] : memref<4096xf32, #tpu.memory_space<vmem>>[vector<16xi32>], vector<16xf32>,
      %sub3A_674 = arith.subf %gather3A_673, %get3A_655 : vector<16xf32>
      %gather3A_675 = tpu.vector_load_idx %arg8[%parallel_loop3A_651#6] : memref<4096xf32, #tpu.memory_space<vmem>>[vector<16xi32>], vector<16xf32>,
      %sub3A_676 = arith.subf %gather3A_675, %get3A_23 : vector<16xf32>
      %gather3A_677 = tpu.vector_load_idx %arg9[%parallel_loop3A_651#6] : memref<4096xf32, #tpu.memory_space<vmem>>[vector<16xi32>], vector<16xf32>,
      %sub3A_678 = arith.subf %gather3A_677, %get3A_25 : vector<16xf32>
      %gather3A_679 = tpu.vector_load_idx %arg10[%parallel_loop3A_651#6] : memref<4096xf32, #tpu.memory_space<vmem>>[vector<16xi32>], vector<16xf32>,
      %sub3A_680 = arith.subf %gather3A_679, %get3A_653 : vector<16xf32>
      %gather3A_681 = tpu.vector_load_idx %arg11[%parallel_loop3A_651#6] : memref<4096xf32, #tpu.memory_space<vmem>>[vector<16xi32>], vector<16xf32>,
      %sub3A_682 = arith.subf %gather3A_681, %get3A_655 : vector<16xf32>
      %gather3A_683 = tpu.vector_load_idx %arg8[%parallel_loop3A_651#7] : memref<4096xf32, #tpu.memory_space<vmem>>[vector<16xi32>], vector<16xf32>,
      %sub3A_684 = arith.subf %gather3A_683, %get3A_23 : vector<16xf32>
      %gather3A_685 = tpu.vector_load_idx %arg9[%parallel_loop3A_651#7] : memref<4096xf32, #tpu.memory_space<vmem>>[vector<16xi32>], vector<16xf32>,
      %sub3A_686 = arith.subf %gather3A_685, %get3A_25 : vector<16xf32>
      %gather3A_687 = tpu.vector_load_idx %arg10[%parallel_loop3A_651#7] : memref<4096xf32, #tpu.memory_space<vmem>>[vector<16xi32>], vector<16xf32>,
      %sub3A_688 = arith.subf %gather3A_687, %get3A_653 : vector<16xf32>
      %gather3A_689 = tpu.vector_load_idx %arg11[%parallel_loop3A_651#7] : memref<4096xf32, #tpu.memory_space<vmem>>[vector<16xi32>], vector<16xf32>,
      %sub3A_690 = arith.subf %gather3A_689, %get3A_655 : vector<16xf32>
      %broadcast_in_dim3A_691 = arith.constant 8 : i32
      %broadcast_in_dim3A_692 = vector.broadcast %broadcast_in_dim3A_691 : i32 to vector<16xi32>
      %gather3A_693 = tpu.vector_load_idx %arg12[%broadcast_in_dim3A_692] : memref<48xf32, #tpu.memory_space<vmem>>[vector<16xi32>], vector<16xf32>,
      %broadcast_in_dim3A_694 = arith.constant 16 : i32
      %broadcast_in_dim3A_695 = vector.broadcast %broadcast_in_dim3A_694 : i32 to vector<16xi32>
      %gather3A_696 = tpu.vector_load_idx %arg12[%broadcast_in_dim3A_695] : memref<48xf32, #tpu.memory_space<vmem>>[vector<16xi32>], vector<16xf32>,
      %broadcast_in_dim3A_697 = arith.constant 24 : i32
      %broadcast_in_dim3A_698 = vector.broadcast %broadcast_in_dim3A_697 : i32 to vector<16xi32>
      %gather3A_699 = tpu.vector_load_idx %arg12[%broadcast_in_dim3A_698] : memref<48xf32, #tpu.memory_space<vmem>>[vector<16xi32>], vector<16xf32>,
      %broadcast_in_dim3A_700 = arith.constant 32 : i32
      %broadcast_in_dim3A_701 = vector.broadcast %broadcast_in_dim3A_700 : i32 to vector<16xi32>
      %gather3A_702 = tpu.vector_load_idx %arg12[%broadcast_in_dim3A_701] : memref<48xf32, #tpu.memory_space<vmem>>[vector<16xi32>], vector<16xf32>,
      %broadcast_in_dim3A_703 = arith.constant 40 : i32
      %broadcast_in_dim3A_704 = vector.broadcast %broadcast_in_dim3A_703 : i32 to vector<16xi32>
      %gather3A_705 = tpu.vector_load_idx %arg12[%broadcast_in_dim3A_704] : memref<48xf32, #tpu.memory_space<vmem>>[vector<16xi32>], vector<16xf32>,
      %mul3A_706 = arith.mulf %sub3A_660, %gather3A_693 : vector<16xf32>
      %mul3A_707 = arith.mulf %sub3A_662, %gather3A_696 : vector<16xf32>
      %add3A_708 = arith.addf %mul3A_706, %mul3A_707 : vector<16xf32>
      %mul3A_709 = arith.mulf %sub3A_664, %gather3A_699 : vector<16xf32>
      %add3A_710 = arith.addf %add3A_708, %mul3A_709 : vector<16xf32>
      %mul3A_711 = arith.mulf %sub3A_666, %gather3A_702 : vector<16xf32>
      %add3A_712 = arith.addf %add3A_710, %mul3A_711 : vector<16xf32>
      %add3A_713 = arith.addf %add3A_712, %gather3A_705 : vector<16xf32>
      %max3A = arith.constant 0.000000e+00 : f32
      %max3A_714 = vector.broadcast %max3A : f32 to vector<16xf32>
      %max3A_715 = arith.maximumf %add3A_713, %max3A_714 : vector<16xf32>
      %broadcast_in_dim3A_716 = arith.constant 0 : i32
      %broadcast_in_dim3A_717 = vector.broadcast %broadcast_in_dim3A_716 : i32 to vector<16xi32>
      tpu.vector_store_idx %arg13[%add3A_659, %broadcast_in_dim3A_717], %max3A_715 : memref<128x32xf32, #tpu.memory_space<vmem>>[vector<16xi32>, vector<16xi32>], vector<16xf32>,
      %mul3A_718 = arith.mulf %sub3A_668, %gather3A_693 : vector<16xf32>
      %mul3A_719 = arith.mulf %sub3A_670, %gather3A_696 : vector<16xf32>
      %add3A_720 = arith.addf %mul3A_718, %mul3A_719 : vector<16xf32>
      %mul3A_721 = arith.mulf %sub3A_672, %gather3A_699 : vector<16xf32>
      %add3A_722 = arith.addf %add3A_720, %mul3A_721 : vector<16xf32>
      %mul3A_723 = arith.mulf %sub3A_674, %gather3A_702 : vector<16xf32>
      %add3A_724 = arith.addf %add3A_722, %mul3A_723 : vector<16xf32>
      %add3A_725 = arith.addf %add3A_724, %gather3A_705 : vector<16xf32>
      %max3A_726 = arith.constant 0.000000e+00 : f32
      %max3A_727 = vector.broadcast %max3A_726 : f32 to vector<16xf32>
      %max3A_728 = arith.maximumf %add3A_725, %max3A_727 : vector<16xf32>
      %broadcast_in_dim3A_729 = arith.constant 8 : i32
      %broadcast_in_dim3A_730 = vector.broadcast %broadcast_in_dim3A_729 : i32 to vector<16xi32>
      tpu.vector_store_idx %arg13[%add3A_659, %broadcast_in_dim3A_730], %max3A_728 : memref<128x32xf32, #tpu.memory_space<vmem>>[vector<16xi32>, vector<16xi32>], vector<16xf32>,
      %mul3A_731 = arith.mulf %sub3A_676, %gather3A_693 : vector<16xf32>
      %mul3A_732 = arith.mulf %sub3A_678, %gather3A_696 : vector<16xf32>
      %add3A_733 = arith.addf %mul3A_731, %mul3A_732 : vector<16xf32>
      %mul3A_734 = arith.mulf %sub3A_680, %gather3A_699 : vector<16xf32>
      %add3A_735 = arith.addf %add3A_733, %mul3A_734 : vector<16xf32>
      %mul3A_736 = arith.mulf %sub3A_682, %gather3A_702 : vector<16xf32>
      %add3A_737 = arith.addf %add3A_735, %mul3A_736 : vector<16xf32>
      %add3A_738 = arith.addf %add3A_737, %gather3A_705 : vector<16xf32>
      %max3A_739 = arith.constant 0.000000e+00 : f32
      %max3A_740 = vector.broadcast %max3A_739 : f32 to vector<16xf32>
      %max3A_741 = arith.maximumf %add3A_738, %max3A_740 : vector<16xf32>
      %broadcast_in_dim3A_742 = arith.constant 16 : i32
      %broadcast_in_dim3A_743 = vector.broadcast %broadcast_in_dim3A_742 : i32 to vector<16xi32>
      tpu.vector_store_idx %arg13[%add3A_659, %broadcast_in_dim3A_743], %max3A_741 : memref<128x32xf32, #tpu.memory_space<vmem>>[vector<16xi32>, vector<16xi32>], vector<16xf32>,
      %mul3A_744 = arith.mulf %sub3A_684, %gather3A_693 : vector<16xf32>
      %mul3A_745 = arith.mulf %sub3A_686, %gather3A_696 : vector<16xf32>
      %add3A_746 = arith.addf %mul3A_744, %mul3A_745 : vector<16xf32>
      %mul3A_747 = arith.mulf %sub3A_688, %gather3A_699 : vector<16xf32>
      %add3A_748 = arith.addf %add3A_746, %mul3A_747 : vector<16xf32>
      %mul3A_749 = arith.mulf %sub3A_690, %gather3A_702 : vector<16xf32>
      %add3A_750 = arith.addf %add3A_748, %mul3A_749 : vector<16xf32>
      %add3A_751 = arith.addf %add3A_750, %gather3A_705 : vector<16xf32>
      %max3A_752 = arith.constant 0.000000e+00 : f32
      %max3A_753 = vector.broadcast %max3A_752 : f32 to vector<16xf32>
      %max3A_754 = arith.maximumf %add3A_751, %max3A_753 : vector<16xf32>
      %broadcast_in_dim3A_755 = arith.constant 24 : i32
      %broadcast_in_dim3A_756 = vector.broadcast %broadcast_in_dim3A_755 : i32 to vector<16xi32>
      tpu.vector_store_idx %arg13[%add3A_659, %broadcast_in_dim3A_756], %max3A_754 : memref<128x32xf32, #tpu.memory_space<vmem>>[vector<16xi32>, vector<16xi32>], vector<16xf32>,
      %broadcast_in_dim3A_757 = arith.constant 9 : i32
      %broadcast_in_dim3A_758 = vector.broadcast %broadcast_in_dim3A_757 : i32 to vector<16xi32>
      %gather3A_759 = tpu.vector_load_idx %arg12[%broadcast_in_dim3A_758] : memref<48xf32, #tpu.memory_space<vmem>>[vector<16xi32>], vector<16xf32>,
      %broadcast_in_dim3A_760 = arith.constant 17 : i32
      %broadcast_in_dim3A_761 = vector.broadcast %broadcast_in_dim3A_760 : i32 to vector<16xi32>
      %gather3A_762 = tpu.vector_load_idx %arg12[%broadcast_in_dim3A_761] : memref<48xf32, #tpu.memory_space<vmem>>[vector<16xi32>], vector<16xf32>,
      %broadcast_in_dim3A_763 = arith.constant 25 : i32
      %broadcast_in_dim3A_764 = vector.broadcast %broadcast_in_dim3A_763 : i32 to vector<16xi32>
      %gather3A_765 = tpu.vector_load_idx %arg12[%broadcast_in_dim3A_764] : memref<48xf32, #tpu.memory_space<vmem>>[vector<16xi32>], vector<16xf32>,
      %broadcast_in_dim3A_766 = arith.constant 33 : i32
      %broadcast_in_dim3A_767 = vector.broadcast %broadcast_in_dim3A_766 : i32 to vector<16xi32>
      %gather3A_768 = tpu.vector_load_idx %arg12[%broadcast_in_dim3A_767] : memref<48xf32, #tpu.memory_space<vmem>>[vector<16xi32>], vector<16xf32>,
      %broadcast_in_dim3A_769 = arith.constant 41 : i32
      %broadcast_in_dim3A_770 = vector.broadcast %broadcast_in_dim3A_769 : i32 to vector<16xi32>
      %gather3A_771 = tpu.vector_load_idx %arg12[%broadcast_in_dim3A_770] : memref<48xf32, #tpu.memory_space<vmem>>[vector<16xi32>], vector<16xf32>,
      %mul3A_772 = arith.mulf %sub3A_660, %gather3A_759 : vector<16xf32>
      %mul3A_773 = arith.mulf %sub3A_662, %gather3A_762 : vector<16xf32>
      %add3A_774 = arith.addf %mul3A_772, %mul3A_773 : vector<16xf32>
      %mul3A_775 = arith.mulf %sub3A_664, %gather3A_765 : vector<16xf32>
      %add3A_776 = arith.addf %add3A_774, %mul3A_775 : vector<16xf32>
      %mul3A_777 = arith.mulf %sub3A_666, %gather3A_768 : vector<16xf32>
      %add3A_778 = arith.addf %add3A_776, %mul3A_777 : vector<16xf32>
      %add3A_779 = arith.addf %add3A_778, %gather3A_771 : vector<16xf32>
      %max3A_780 = arith.constant 0.000000e+00 : f32
      %max3A_781 = vector.broadcast %max3A_780 : f32 to vector<16xf32>
      %max3A_782 = arith.maximumf %add3A_779, %max3A_781 : vector<16xf32>
      %broadcast_in_dim3A_783 = arith.constant 1 : i32
      %broadcast_in_dim3A_784 = vector.broadcast %broadcast_in_dim3A_783 : i32 to vector<16xi32>
      tpu.vector_store_idx %arg13[%add3A_659, %broadcast_in_dim3A_784], %max3A_782 : memref<128x32xf32, #tpu.memory_space<vmem>>[vector<16xi32>, vector<16xi32>], vector<16xf32>,
      %mul3A_785 = arith.mulf %sub3A_668, %gather3A_759 : vector<16xf32>
      %mul3A_786 = arith.mulf %sub3A_670, %gather3A_762 : vector<16xf32>
      %add3A_787 = arith.addf %mul3A_785, %mul3A_786 : vector<16xf32>
      %mul3A_788 = arith.mulf %sub3A_672, %gather3A_765 : vector<16xf32>
      %add3A_789 = arith.addf %add3A_787, %mul3A_788 : vector<16xf32>
      %mul3A_790 = arith.mulf %sub3A_674, %gather3A_768 : vector<16xf32>
      %add3A_791 = arith.addf %add3A_789, %mul3A_790 : vector<16xf32>
      %add3A_792 = arith.addf %add3A_791, %gather3A_771 : vector<16xf32>
      %max3A_793 = arith.constant 0.000000e+00 : f32
      %max3A_794 = vector.broadcast %max3A_793 : f32 to vector<16xf32>
      %max3A_795 = arith.maximumf %add3A_792, %max3A_794 : vector<16xf32>
      %broadcast_in_dim3A_796 = arith.constant 9 : i32
      %broadcast_in_dim3A_797 = vector.broadcast %broadcast_in_dim3A_796 : i32 to vector<16xi32>
      tpu.vector_store_idx %arg13[%add3A_659, %broadcast_in_dim3A_797], %max3A_795 : memref<128x32xf32, #tpu.memory_space<vmem>>[vector<16xi32>, vector<16xi32>], vector<16xf32>,
      %mul3A_798 = arith.mulf %sub3A_676, %gather3A_759 : vector<16xf32>
      %mul3A_799 = arith.mulf %sub3A_678, %gather3A_762 : vector<16xf32>
      %add3A_800 = arith.addf %mul3A_798, %mul3A_799 : vector<16xf32>
      %mul3A_801 = arith.mulf %sub3A_680, %gather3A_765 : vector<16xf32>
      %add3A_802 = arith.addf %add3A_800, %mul3A_801 : vector<16xf32>
      %mul3A_803 = arith.mulf %sub3A_682, %gather3A_768 : vector<16xf32>
      %add3A_804 = arith.addf %add3A_802, %mul3A_803 : vector<16xf32>
      %add3A_805 = arith.addf %add3A_804, %gather3A_771 : vector<16xf32>
      %max3A_806 = arith.constant 0.000000e+00 : f32
      %max3A_807 = vector.broadcast %max3A_806 : f32 to vector<16xf32>
      %max3A_808 = arith.maximumf %add3A_805, %max3A_807 : vector<16xf32>
      %broadcast_in_dim3A_809 = arith.constant 17 : i32
      %broadcast_in_dim3A_810 = vector.broadcast %broadcast_in_dim3A_809 : i32 to vector<16xi32>
      tpu.vector_store_idx %arg13[%add3A_659, %broadcast_in_dim3A_810], %max3A_808 : memref<128x32xf32, #tpu.memory_space<vmem>>[vector<16xi32>, vector<16xi32>], vector<16xf32>,
      %mul3A_811 = arith.mulf %sub3A_684, %gather3A_759 : vector<16xf32>
      %mul3A_812 = arith.mulf %sub3A_686, %gather3A_762 : vector<16xf32>
      %add3A_813 = arith.addf %mul3A_811, %mul3A_812 : vector<16xf32>
      %mul3A_814 = arith.mulf %sub3A_688, %gather3A_765 : vector<16xf32>
      %add3A_815 = arith.addf %add3A_813, %mul3A_814 : vector<16xf32>
      %mul3A_816 = arith.mulf %sub3A_690, %gather3A_768 : vector<16xf32>
      %add3A_817 = arith.addf %add3A_815, %mul3A_816 : vector<16xf32>
      %add3A_818 = arith.addf %add3A_817, %gather3A_771 : vector<16xf32>
      %max3A_819 = arith.constant 0.000000e+00 : f32
      %max3A_820 = vector.broadcast %max3A_819 : f32 to vector<16xf32>
      %max3A_821 = arith.maximumf %add3A_818, %max3A_820 : vector<16xf32>
      %broadcast_in_dim3A_822 = arith.constant 25 : i32
      %broadcast_in_dim3A_823 = vector.broadcast %broadcast_in_dim3A_822 : i32 to vector<16xi32>
      tpu.vector_store_idx %arg13[%add3A_659, %broadcast_in_dim3A_823], %max3A_821 : memref<128x32xf32, #tpu.memory_space<vmem>>[vector<16xi32>, vector<16xi32>], vector<16xf32>,
      %broadcast_in_dim3A_824 = arith.constant 10 : i32
      %broadcast_in_dim3A_825 = vector.broadcast %broadcast_in_dim3A_824 : i32 to vector<16xi32>
      %gather3A_826 = tpu.vector_load_idx %arg12[%broadcast_in_dim3A_825] : memref<48xf32, #tpu.memory_space<vmem>>[vector<16xi32>], vector<16xf32>,
      %broadcast_in_dim3A_827 = arith.constant 18 : i32
      %broadcast_in_dim3A_828 = vector.broadcast %broadcast_in_dim3A_827 : i32 to vector<16xi32>
      %gather3A_829 = tpu.vector_load_idx %arg12[%broadcast_in_dim3A_828] : memref<48xf32, #tpu.memory_space<vmem>>[vector<16xi32>], vector<16xf32>,
      %broadcast_in_dim3A_830 = arith.constant 26 : i32
      %broadcast_in_dim3A_831 = vector.broadcast %broadcast_in_dim3A_830 : i32 to vector<16xi32>
      %gather3A_832 = tpu.vector_load_idx %arg12[%broadcast_in_dim3A_831] : memref<48xf32, #tpu.memory_space<vmem>>[vector<16xi32>], vector<16xf32>,
      %broadcast_in_dim3A_833 = arith.constant 34 : i32
      %broadcast_in_dim3A_834 = vector.broadcast %broadcast_in_dim3A_833 : i32 to vector<16xi32>
      %gather3A_835 = tpu.vector_load_idx %arg12[%broadcast_in_dim3A_834] : memref<48xf32, #tpu.memory_space<vmem>>[vector<16xi32>], vector<16xf32>,
      %broadcast_in_dim3A_836 = arith.constant 42 : i32
      %broadcast_in_dim3A_837 = vector.broadcast %broadcast_in_dim3A_836 : i32 to vector<16xi32>
      %gather3A_838 = tpu.vector_load_idx %arg12[%broadcast_in_dim3A_837] : memref<48xf32, #tpu.memory_space<vmem>>[vector<16xi32>], vector<16xf32>,
      %mul3A_839 = arith.mulf %sub3A_660, %gather3A_826 : vector<16xf32>
      %mul3A_840 = arith.mulf %sub3A_662, %gather3A_829 : vector<16xf32>
      %add3A_841 = arith.addf %mul3A_839, %mul3A_840 : vector<16xf32>
      %mul3A_842 = arith.mulf %sub3A_664, %gather3A_832 : vector<16xf32>
      %add3A_843 = arith.addf %add3A_841, %mul3A_842 : vector<16xf32>
      %mul3A_844 = arith.mulf %sub3A_666, %gather3A_835 : vector<16xf32>
      %add3A_845 = arith.addf %add3A_843, %mul3A_844 : vector<16xf32>
      %add3A_846 = arith.addf %add3A_845, %gather3A_838 : vector<16xf32>
      %max3A_847 = arith.constant 0.000000e+00 : f32
      %max3A_848 = vector.broadcast %max3A_847 : f32 to vector<16xf32>
      %max3A_849 = arith.maximumf %add3A_846, %max3A_848 : vector<16xf32>
      %broadcast_in_dim3A_850 = arith.constant 2 : i32
      %broadcast_in_dim3A_851 = vector.broadcast %broadcast_in_dim3A_850 : i32 to vector<16xi32>
      tpu.vector_store_idx %arg13[%add3A_659, %broadcast_in_dim3A_851], %max3A_849 : memref<128x32xf32, #tpu.memory_space<vmem>>[vector<16xi32>, vector<16xi32>], vector<16xf32>,
      %mul3A_852 = arith.mulf %sub3A_668, %gather3A_826 : vector<16xf32>
      %mul3A_853 = arith.mulf %sub3A_670, %gather3A_829 : vector<16xf32>
      %add3A_854 = arith.addf %mul3A_852, %mul3A_853 : vector<16xf32>
      %mul3A_855 = arith.mulf %sub3A_672, %gather3A_832 : vector<16xf32>
      %add3A_856 = arith.addf %add3A_854, %mul3A_855 : vector<16xf32>
      %mul3A_857 = arith.mulf %sub3A_674, %gather3A_835 : vector<16xf32>
      %add3A_858 = arith.addf %add3A_856, %mul3A_857 : vector<16xf32>
      %add3A_859 = arith.addf %add3A_858, %gather3A_838 : vector<16xf32>
      %max3A_860 = arith.constant 0.000000e+00 : f32
      %max3A_861 = vector.broadcast %max3A_860 : f32 to vector<16xf32>
      %max3A_862 = arith.maximumf %add3A_859, %max3A_861 : vector<16xf32>
      %broadcast_in_dim3A_863 = arith.constant 10 : i32
      %broadcast_in_dim3A_864 = vector.broadcast %broadcast_in_dim3A_863 : i32 to vector<16xi32>
      tpu.vector_store_idx %arg13[%add3A_659, %broadcast_in_dim3A_864], %max3A_862 : memref<128x32xf32, #tpu.memory_space<vmem>>[vector<16xi32>, vector<16xi32>], vector<16xf32>,
      %mul3A_865 = arith.mulf %sub3A_676, %gather3A_826 : vector<16xf32>
      %mul3A_866 = arith.mulf %sub3A_678, %gather3A_829 : vector<16xf32>
      %add3A_867 = arith.addf %mul3A_865, %mul3A_866 : vector<16xf32>
      %mul3A_868 = arith.mulf %sub3A_680, %gather3A_832 : vector<16xf32>
      %add3A_869 = arith.addf %add3A_867, %mul3A_868 : vector<16xf32>
      %mul3A_870 = arith.mulf %sub3A_682, %gather3A_835 : vector<16xf32>
      %add3A_871 = arith.addf %add3A_869, %mul3A_870 : vector<16xf32>
      %add3A_872 = arith.addf %add3A_871, %gather3A_838 : vector<16xf32>
      %max3A_873 = arith.constant 0.000000e+00 : f32
      %max3A_874 = vector.broadcast %max3A_873 : f32 to vector<16xf32>
      %max3A_875 = arith.maximumf %add3A_872, %max3A_874 : vector<16xf32>
      %broadcast_in_dim3A_876 = arith.constant 18 : i32
      %broadcast_in_dim3A_877 = vector.broadcast %broadcast_in_dim3A_876 : i32 to vector<16xi32>
      tpu.vector_store_idx %arg13[%add3A_659, %broadcast_in_dim3A_877], %max3A_875 : memref<128x32xf32, #tpu.memory_space<vmem>>[vector<16xi32>, vector<16xi32>], vector<16xf32>,
      %mul3A_878 = arith.mulf %sub3A_684, %gather3A_826 : vector<16xf32>
      %mul3A_879 = arith.mulf %sub3A_686, %gather3A_829 : vector<16xf32>
      %add3A_880 = arith.addf %mul3A_878, %mul3A_879 : vector<16xf32>
      %mul3A_881 = arith.mulf %sub3A_688, %gather3A_832 : vector<16xf32>
      %add3A_882 = arith.addf %add3A_880, %mul3A_881 : vector<16xf32>
      %mul3A_883 = arith.mulf %sub3A_690, %gather3A_835 : vector<16xf32>
      %add3A_884 = arith.addf %add3A_882, %mul3A_883 : vector<16xf32>
      %add3A_885 = arith.addf %add3A_884, %gather3A_838 : vector<16xf32>
      %max3A_886 = arith.constant 0.000000e+00 : f32
      %max3A_887 = vector.broadcast %max3A_886 : f32 to vector<16xf32>
      %max3A_888 = arith.maximumf %add3A_885, %max3A_887 : vector<16xf32>
      %broadcast_in_dim3A_889 = arith.constant 26 : i32
      %broadcast_in_dim3A_890 = vector.broadcast %broadcast_in_dim3A_889 : i32 to vector<16xi32>
      tpu.vector_store_idx %arg13[%add3A_659, %broadcast_in_dim3A_890], %max3A_888 : memref<128x32xf32, #tpu.memory_space<vmem>>[vector<16xi32>, vector<16xi32>], vector<16xf32>,
      %broadcast_in_dim3A_891 = arith.constant 11 : i32
      %broadcast_in_dim3A_892 = vector.broadcast %broadcast_in_dim3A_891 : i32 to vector<16xi32>
      %gather3A_893 = tpu.vector_load_idx %arg12[%broadcast_in_dim3A_892] : memref<48xf32, #tpu.memory_space<vmem>>[vector<16xi32>], vector<16xf32>,
      %broadcast_in_dim3A_894 = arith.constant 19 : i32
      %broadcast_in_dim3A_895 = vector.broadcast %broadcast_in_dim3A_894 : i32 to vector<16xi32>
      %gather3A_896 = tpu.vector_load_idx %arg12[%broadcast_in_dim3A_895] : memref<48xf32, #tpu.memory_space<vmem>>[vector<16xi32>], vector<16xf32>,
      %broadcast_in_dim3A_897 = arith.constant 27 : i32
      %broadcast_in_dim3A_898 = vector.broadcast %broadcast_in_dim3A_897 : i32 to vector<16xi32>
      %gather3A_899 = tpu.vector_load_idx %arg12[%broadcast_in_dim3A_898] : memref<48xf32, #tpu.memory_space<vmem>>[vector<16xi32>], vector<16xf32>,
      %broadcast_in_dim3A_900 = arith.constant 35 : i32
      %broadcast_in_dim3A_901 = vector.broadcast %broadcast_in_dim3A_900 : i32 to vector<16xi32>
      %gather3A_902 = tpu.vector_load_idx %arg12[%broadcast_in_dim3A_901] : memref<48xf32, #tpu.memory_space<vmem>>[vector<16xi32>], vector<16xf32>,
      %broadcast_in_dim3A_903 = arith.constant 43 : i32
      %broadcast_in_dim3A_904 = vector.broadcast %broadcast_in_dim3A_903 : i32 to vector<16xi32>
      %gather3A_905 = tpu.vector_load_idx %arg12[%broadcast_in_dim3A_904] : memref<48xf32, #tpu.memory_space<vmem>>[vector<16xi32>], vector<16xf32>,
      %mul3A_906 = arith.mulf %sub3A_660, %gather3A_893 : vector<16xf32>
      %mul3A_907 = arith.mulf %sub3A_662, %gather3A_896 : vector<16xf32>
      %add3A_908 = arith.addf %mul3A_906, %mul3A_907 : vector<16xf32>
      %mul3A_909 = arith.mulf %sub3A_664, %gather3A_899 : vector<16xf32>
      %add3A_910 = arith.addf %add3A_908, %mul3A_909 : vector<16xf32>
      %mul3A_911 = arith.mulf %sub3A_666, %gather3A_902 : vector<16xf32>
      %add3A_912 = arith.addf %add3A_910, %mul3A_911 : vector<16xf32>
      %add3A_913 = arith.addf %add3A_912, %gather3A_905 : vector<16xf32>
      %max3A_914 = arith.constant 0.000000e+00 : f32
      %max3A_915 = vector.broadcast %max3A_914 : f32 to vector<16xf32>
      %max3A_916 = arith.maximumf %add3A_913, %max3A_915 : vector<16xf32>
      %broadcast_in_dim3A_917 = arith.constant 3 : i32
      %broadcast_in_dim3A_918 = vector.broadcast %broadcast_in_dim3A_917 : i32 to vector<16xi32>
      tpu.vector_store_idx %arg13[%add3A_659, %broadcast_in_dim3A_918], %max3A_916 : memref<128x32xf32, #tpu.memory_space<vmem>>[vector<16xi32>, vector<16xi32>], vector<16xf32>,
      %mul3A_919 = arith.mulf %sub3A_668, %gather3A_893 : vector<16xf32>
      %mul3A_920 = arith.mulf %sub3A_670, %gather3A_896 : vector<16xf32>
      %add3A_921 = arith.addf %mul3A_919, %mul3A_920 : vector<16xf32>
      %mul3A_922 = arith.mulf %sub3A_672, %gather3A_899 : vector<16xf32>
      %add3A_923 = arith.addf %add3A_921, %mul3A_922 : vector<16xf32>
      %mul3A_924 = arith.mulf %sub3A_674, %gather3A_902 : vector<16xf32>
      %add3A_925 = arith.addf %add3A_923, %mul3A_924 : vector<16xf32>
      %add3A_926 = arith.addf %add3A_925, %gather3A_905 : vector<16xf32>
      %max3A_927 = arith.constant 0.000000e+00 : f32
      %max3A_928 = vector.broadcast %max3A_927 : f32 to vector<16xf32>
      %max3A_929 = arith.maximumf %add3A_926, %max3A_928 : vector<16xf32>
      %broadcast_in_dim3A_930 = arith.constant 11 : i32
      %broadcast_in_dim3A_931 = vector.broadcast %broadcast_in_dim3A_930 : i32 to vector<16xi32>
      tpu.vector_store_idx %arg13[%add3A_659, %broadcast_in_dim3A_931], %max3A_929 : memref<128x32xf32, #tpu.memory_space<vmem>>[vector<16xi32>, vector<16xi32>], vector<16xf32>,
      %mul3A_932 = arith.mulf %sub3A_676, %gather3A_893 : vector<16xf32>
      %mul3A_933 = arith.mulf %sub3A_678, %gather3A_896 : vector<16xf32>
      %add3A_934 = arith.addf %mul3A_932, %mul3A_933 : vector<16xf32>
      %mul3A_935 = arith.mulf %sub3A_680, %gather3A_899 : vector<16xf32>
      %add3A_936 = arith.addf %add3A_934, %mul3A_935 : vector<16xf32>
      %mul3A_937 = arith.mulf %sub3A_682, %gather3A_902 : vector<16xf32>
      %add3A_938 = arith.addf %add3A_936, %mul3A_937 : vector<16xf32>
      %add3A_939 = arith.addf %add3A_938, %gather3A_905 : vector<16xf32>
      %max3A_940 = arith.constant 0.000000e+00 : f32
      %max3A_941 = vector.broadcast %max3A_940 : f32 to vector<16xf32>
      %max3A_942 = arith.maximumf %add3A_939, %max3A_941 : vector<16xf32>
      %broadcast_in_dim3A_943 = arith.constant 19 : i32
      %broadcast_in_dim3A_944 = vector.broadcast %broadcast_in_dim3A_943 : i32 to vector<16xi32>
      tpu.vector_store_idx %arg13[%add3A_659, %broadcast_in_dim3A_944], %max3A_942 : memref<128x32xf32, #tpu.memory_space<vmem>>[vector<16xi32>, vector<16xi32>], vector<16xf32>,
      %mul3A_945 = arith.mulf %sub3A_684, %gather3A_893 : vector<16xf32>
      %mul3A_946 = arith.mulf %sub3A_686, %gather3A_896 : vector<16xf32>
      %add3A_947 = arith.addf %mul3A_945, %mul3A_946 : vector<16xf32>
      %mul3A_948 = arith.mulf %sub3A_688, %gather3A_899 : vector<16xf32>
      %add3A_949 = arith.addf %add3A_947, %mul3A_948 : vector<16xf32>
      %mul3A_950 = arith.mulf %sub3A_690, %gather3A_902 : vector<16xf32>
      %add3A_951 = arith.addf %add3A_949, %mul3A_950 : vector<16xf32>
      %add3A_952 = arith.addf %add3A_951, %gather3A_905 : vector<16xf32>
      %max3A_953 = arith.constant 0.000000e+00 : f32
      %max3A_954 = vector.broadcast %max3A_953 : f32 to vector<16xf32>
      %max3A_955 = arith.maximumf %add3A_952, %max3A_954 : vector<16xf32>
      %broadcast_in_dim3A_956 = arith.constant 27 : i32
      %broadcast_in_dim3A_957 = vector.broadcast %broadcast_in_dim3A_956 : i32 to vector<16xi32>
      tpu.vector_store_idx %arg13[%add3A_659, %broadcast_in_dim3A_957], %max3A_955 : memref<128x32xf32, #tpu.memory_space<vmem>>[vector<16xi32>, vector<16xi32>], vector<16xf32>,
      %broadcast_in_dim3A_958 = arith.constant 12 : i32
      %broadcast_in_dim3A_959 = vector.broadcast %broadcast_in_dim3A_958 : i32 to vector<16xi32>
      %gather3A_960 = tpu.vector_load_idx %arg12[%broadcast_in_dim3A_959] : memref<48xf32, #tpu.memory_space<vmem>>[vector<16xi32>], vector<16xf32>,
      %broadcast_in_dim3A_961 = arith.constant 20 : i32
      %broadcast_in_dim3A_962 = vector.broadcast %broadcast_in_dim3A_961 : i32 to vector<16xi32>
      %gather3A_963 = tpu.vector_load_idx %arg12[%broadcast_in_dim3A_962] : memref<48xf32, #tpu.memory_space<vmem>>[vector<16xi32>], vector<16xf32>,
      %broadcast_in_dim3A_964 = arith.constant 28 : i32
      %broadcast_in_dim3A_965 = vector.broadcast %broadcast_in_dim3A_964 : i32 to vector<16xi32>
      %gather3A_966 = tpu.vector_load_idx %arg12[%broadcast_in_dim3A_965] : memref<48xf32, #tpu.memory_space<vmem>>[vector<16xi32>], vector<16xf32>,
      %broadcast_in_dim3A_967 = arith.constant 36 : i32
      %broadcast_in_dim3A_968 = vector.broadcast %broadcast_in_dim3A_967 : i32 to vector<16xi32>
      %gather3A_969 = tpu.vector_load_idx %arg12[%broadcast_in_dim3A_968] : memref<48xf32, #tpu.memory_space<vmem>>[vector<16xi32>], vector<16xf32>,
      %broadcast_in_dim3A_970 = arith.constant 44 : i32
      %broadcast_in_dim3A_971 = vector.broadcast %broadcast_in_dim3A_970 : i32 to vector<16xi32>
      %gather3A_972 = tpu.vector_load_idx %arg12[%broadcast_in_dim3A_971] : memref<48xf32, #tpu.memory_space<vmem>>[vector<16xi32>], vector<16xf32>,
      %mul3A_973 = arith.mulf %sub3A_660, %gather3A_960 : vector<16xf32>
      %mul3A_974 = arith.mulf %sub3A_662, %gather3A_963 : vector<16xf32>
      %add3A_975 = arith.addf %mul3A_973, %mul3A_974 : vector<16xf32>
      %mul3A_976 = arith.mulf %sub3A_664, %gather3A_966 : vector<16xf32>
      %add3A_977 = arith.addf %add3A_975, %mul3A_976 : vector<16xf32>
      %mul3A_978 = arith.mulf %sub3A_666, %gather3A_969 : vector<16xf32>
      %add3A_979 = arith.addf %add3A_977, %mul3A_978 : vector<16xf32>
      %add3A_980 = arith.addf %add3A_979, %gather3A_972 : vector<16xf32>
      %max3A_981 = arith.constant 0.000000e+00 : f32
      %max3A_982 = vector.broadcast %max3A_981 : f32 to vector<16xf32>
      %max3A_983 = arith.maximumf %add3A_980, %max3A_982 : vector<16xf32>
      %broadcast_in_dim3A_984 = arith.constant 4 : i32
      %broadcast_in_dim3A_985 = vector.broadcast %broadcast_in_dim3A_984 : i32 to vector<16xi32>
      tpu.vector_store_idx %arg13[%add3A_659, %broadcast_in_dim3A_985], %max3A_983 : memref<128x32xf32, #tpu.memory_space<vmem>>[vector<16xi32>, vector<16xi32>], vector<16xf32>,
      %mul3A_986 = arith.mulf %sub3A_668, %gather3A_960 : vector<16xf32>
      %mul3A_987 = arith.mulf %sub3A_670, %gather3A_963 : vector<16xf32>
      %add3A_988 = arith.addf %mul3A_986, %mul3A_987 : vector<16xf32>
      %mul3A_989 = arith.mulf %sub3A_672, %gather3A_966 : vector<16xf32>
      %add3A_990 = arith.addf %add3A_988, %mul3A_989 : vector<16xf32>
      %mul3A_991 = arith.mulf %sub3A_674, %gather3A_969 : vector<16xf32>
      %add3A_992 = arith.addf %add3A_990, %mul3A_991 : vector<16xf32>
      %add3A_993 = arith.addf %add3A_992, %gather3A_972 : vector<16xf32>
      %max3A_994 = arith.constant 0.000000e+00 : f32
      %max3A_995 = vector.broadcast %max3A_994 : f32 to vector<16xf32>
      %max3A_996 = arith.maximumf %add3A_993, %max3A_995 : vector<16xf32>
      %broadcast_in_dim3A_997 = arith.constant 12 : i32
      %broadcast_in_dim3A_998 = vector.broadcast %broadcast_in_dim3A_997 : i32 to vector<16xi32>
      tpu.vector_store_idx %arg13[%add3A_659, %broadcast_in_dim3A_998], %max3A_996 : memref<128x32xf32, #tpu.memory_space<vmem>>[vector<16xi32>, vector<16xi32>], vector<16xf32>,
      %mul3A_999 = arith.mulf %sub3A_676, %gather3A_960 : vector<16xf32>
      %mul3A_1000 = arith.mulf %sub3A_678, %gather3A_963 : vector<16xf32>
      %add3A_1001 = arith.addf %mul3A_999, %mul3A_1000 : vector<16xf32>
      %mul3A_1002 = arith.mulf %sub3A_680, %gather3A_966 : vector<16xf32>
      %add3A_1003 = arith.addf %add3A_1001, %mul3A_1002 : vector<16xf32>
      %mul3A_1004 = arith.mulf %sub3A_682, %gather3A_969 : vector<16xf32>
      %add3A_1005 = arith.addf %add3A_1003, %mul3A_1004 : vector<16xf32>
      %add3A_1006 = arith.addf %add3A_1005, %gather3A_972 : vector<16xf32>
      %max3A_1007 = arith.constant 0.000000e+00 : f32
      %max3A_1008 = vector.broadcast %max3A_1007 : f32 to vector<16xf32>
      %max3A_1009 = arith.maximumf %add3A_1006, %max3A_1008 : vector<16xf32>
      %broadcast_in_dim3A_1010 = arith.constant 20 : i32
      %broadcast_in_dim3A_1011 = vector.broadcast %broadcast_in_dim3A_1010 : i32 to vector<16xi32>
      tpu.vector_store_idx %arg13[%add3A_659, %broadcast_in_dim3A_1011], %max3A_1009 : memref<128x32xf32, #tpu.memory_space<vmem>>[vector<16xi32>, vector<16xi32>], vector<16xf32>,
      %mul3A_1012 = arith.mulf %sub3A_684, %gather3A_960 : vector<16xf32>
      %mul3A_1013 = arith.mulf %sub3A_686, %gather3A_963 : vector<16xf32>
      %add3A_1014 = arith.addf %mul3A_1012, %mul3A_1013 : vector<16xf32>
      %mul3A_1015 = arith.mulf %sub3A_688, %gather3A_966 : vector<16xf32>
      %add3A_1016 = arith.addf %add3A_1014, %mul3A_1015 : vector<16xf32>
      %mul3A_1017 = arith.mulf %sub3A_690, %gather3A_969 : vector<16xf32>
      %add3A_1018 = arith.addf %add3A_1016, %mul3A_1017 : vector<16xf32>
      %add3A_1019 = arith.addf %add3A_1018, %gather3A_972 : vector<16xf32>
      %max3A_1020 = arith.constant 0.000000e+00 : f32
      %max3A_1021 = vector.broadcast %max3A_1020 : f32 to vector<16xf32>
      %max3A_1022 = arith.maximumf %add3A_1019, %max3A_1021 : vector<16xf32>
      %broadcast_in_dim3A_1023 = arith.constant 28 : i32
      %broadcast_in_dim3A_1024 = vector.broadcast %broadcast_in_dim3A_1023 : i32 to vector<16xi32>
      tpu.vector_store_idx %arg13[%add3A_659, %broadcast_in_dim3A_1024], %max3A_1022 : memref<128x32xf32, #tpu.memory_space<vmem>>[vector<16xi32>, vector<16xi32>], vector<16xf32>,
      %broadcast_in_dim3A_1025 = arith.constant 13 : i32
      %broadcast_in_dim3A_1026 = vector.broadcast %broadcast_in_dim3A_1025 : i32 to vector<16xi32>
      %gather3A_1027 = tpu.vector_load_idx %arg12[%broadcast_in_dim3A_1026] : memref<48xf32, #tpu.memory_space<vmem>>[vector<16xi32>], vector<16xf32>,
      %broadcast_in_dim3A_1028 = arith.constant 21 : i32
      %broadcast_in_dim3A_1029 = vector.broadcast %broadcast_in_dim3A_1028 : i32 to vector<16xi32>
      %gather3A_1030 = tpu.vector_load_idx %arg12[%broadcast_in_dim3A_1029] : memref<48xf32, #tpu.memory_space<vmem>>[vector<16xi32>], vector<16xf32>,
      %broadcast_in_dim3A_1031 = arith.constant 29 : i32
      %broadcast_in_dim3A_1032 = vector.broadcast %broadcast_in_dim3A_1031 : i32 to vector<16xi32>
      %gather3A_1033 = tpu.vector_load_idx %arg12[%broadcast_in_dim3A_1032] : memref<48xf32, #tpu.memory_space<vmem>>[vector<16xi32>], vector<16xf32>,
      %broadcast_in_dim3A_1034 = arith.constant 37 : i32
      %broadcast_in_dim3A_1035 = vector.broadcast %broadcast_in_dim3A_1034 : i32 to vector<16xi32>
      %gather3A_1036 = tpu.vector_load_idx %arg12[%broadcast_in_dim3A_1035] : memref<48xf32, #tpu.memory_space<vmem>>[vector<16xi32>], vector<16xf32>,
      %broadcast_in_dim3A_1037 = arith.constant 45 : i32
      %broadcast_in_dim3A_1038 = vector.broadcast %broadcast_in_dim3A_1037 : i32 to vector<16xi32>
      %gather3A_1039 = tpu.vector_load_idx %arg12[%broadcast_in_dim3A_1038] : memref<48xf32, #tpu.memory_space<vmem>>[vector<16xi32>], vector<16xf32>,
      %mul3A_1040 = arith.mulf %sub3A_660, %gather3A_1027 : vector<16xf32>
      %mul3A_1041 = arith.mulf %sub3A_662, %gather3A_1030 : vector<16xf32>
      %add3A_1042 = arith.addf %mul3A_1040, %mul3A_1041 : vector<16xf32>
      %mul3A_1043 = arith.mulf %sub3A_664, %gather3A_1033 : vector<16xf32>
      %add3A_1044 = arith.addf %add3A_1042, %mul3A_1043 : vector<16xf32>
      %mul3A_1045 = arith.mulf %sub3A_666, %gather3A_1036 : vector<16xf32>
      %add3A_1046 = arith.addf %add3A_1044, %mul3A_1045 : vector<16xf32>
      %add3A_1047 = arith.addf %add3A_1046, %gather3A_1039 : vector<16xf32>
      %max3A_1048 = arith.constant 0.000000e+00 : f32
      %max3A_1049 = vector.broadcast %max3A_1048 : f32 to vector<16xf32>
      %max3A_1050 = arith.maximumf %add3A_1047, %max3A_1049 : vector<16xf32>
      %broadcast_in_dim3A_1051 = arith.constant 5 : i32
      %broadcast_in_dim3A_1052 = vector.broadcast %broadcast_in_dim3A_1051 : i32 to vector<16xi32>
      tpu.vector_store_idx %arg13[%add3A_659, %broadcast_in_dim3A_1052], %max3A_1050 : memref<128x32xf32, #tpu.memory_space<vmem>>[vector<16xi32>, vector<16xi32>], vector<16xf32>,
      %mul3A_1053 = arith.mulf %sub3A_668, %gather3A_1027 : vector<16xf32>
      %mul3A_1054 = arith.mulf %sub3A_670, %gather3A_1030 : vector<16xf32>
      %add3A_1055 = arith.addf %mul3A_1053, %mul3A_1054 : vector<16xf32>
      %mul3A_1056 = arith.mulf %sub3A_672, %gather3A_1033 : vector<16xf32>
      %add3A_1057 = arith.addf %add3A_1055, %mul3A_1056 : vector<16xf32>
      %mul3A_1058 = arith.mulf %sub3A_674, %gather3A_1036 : vector<16xf32>
      %add3A_1059 = arith.addf %add3A_1057, %mul3A_1058 : vector<16xf32>
      %add3A_1060 = arith.addf %add3A_1059, %gather3A_1039 : vector<16xf32>
      %max3A_1061 = arith.constant 0.000000e+00 : f32
      %max3A_1062 = vector.broadcast %max3A_1061 : f32 to vector<16xf32>
      %max3A_1063 = arith.maximumf %add3A_1060, %max3A_1062 : vector<16xf32>
      %broadcast_in_dim3A_1064 = arith.constant 13 : i32
      %broadcast_in_dim3A_1065 = vector.broadcast %broadcast_in_dim3A_1064 : i32 to vector<16xi32>
      tpu.vector_store_idx %arg13[%add3A_659, %broadcast_in_dim3A_1065], %max3A_1063 : memref<128x32xf32, #tpu.memory_space<vmem>>[vector<16xi32>, vector<16xi32>], vector<16xf32>,
      %mul3A_1066 = arith.mulf %sub3A_676, %gather3A_1027 : vector<16xf32>
      %mul3A_1067 = arith.mulf %sub3A_678, %gather3A_1030 : vector<16xf32>
      %add3A_1068 = arith.addf %mul3A_1066, %mul3A_1067 : vector<16xf32>
      %mul3A_1069 = arith.mulf %sub3A_680, %gather3A_1033 : vector<16xf32>
      %add3A_1070 = arith.addf %add3A_1068, %mul3A_1069 : vector<16xf32>
      %mul3A_1071 = arith.mulf %sub3A_682, %gather3A_1036 : vector<16xf32>
      %add3A_1072 = arith.addf %add3A_1070, %mul3A_1071 : vector<16xf32>
      %add3A_1073 = arith.addf %add3A_1072, %gather3A_1039 : vector<16xf32>
      %max3A_1074 = arith.constant 0.000000e+00 : f32
      %max3A_1075 = vector.broadcast %max3A_1074 : f32 to vector<16xf32>
      %max3A_1076 = arith.maximumf %add3A_1073, %max3A_1075 : vector<16xf32>
      %broadcast_in_dim3A_1077 = arith.constant 21 : i32
      %broadcast_in_dim3A_1078 = vector.broadcast %broadcast_in_dim3A_1077 : i32 to vector<16xi32>
      tpu.vector_store_idx %arg13[%add3A_659, %broadcast_in_dim3A_1078], %max3A_1076 : memref<128x32xf32, #tpu.memory_space<vmem>>[vector<16xi32>, vector<16xi32>], vector<16xf32>,
      %mul3A_1079 = arith.mulf %sub3A_684, %gather3A_1027 : vector<16xf32>
      %mul3A_1080 = arith.mulf %sub3A_686, %gather3A_1030 : vector<16xf32>
      %add3A_1081 = arith.addf %mul3A_1079, %mul3A_1080 : vector<16xf32>
      %mul3A_1082 = arith.mulf %sub3A_688, %gather3A_1033 : vector<16xf32>
      %add3A_1083 = arith.addf %add3A_1081, %mul3A_1082 : vector<16xf32>
      %mul3A_1084 = arith.mulf %sub3A_690, %gather3A_1036 : vector<16xf32>
      %add3A_1085 = arith.addf %add3A_1083, %mul3A_1084 : vector<16xf32>
      %add3A_1086 = arith.addf %add3A_1085, %gather3A_1039 : vector<16xf32>
      %max3A_1087 = arith.constant 0.000000e+00 : f32
      %max3A_1088 = vector.broadcast %max3A_1087 : f32 to vector<16xf32>
      %max3A_1089 = arith.maximumf %add3A_1086, %max3A_1088 : vector<16xf32>
      %broadcast_in_dim3A_1090 = arith.constant 29 : i32
      %broadcast_in_dim3A_1091 = vector.broadcast %broadcast_in_dim3A_1090 : i32 to vector<16xi32>
      tpu.vector_store_idx %arg13[%add3A_659, %broadcast_in_dim3A_1091], %max3A_1089 : memref<128x32xf32, #tpu.memory_space<vmem>>[vector<16xi32>, vector<16xi32>], vector<16xf32>,
      %broadcast_in_dim3A_1092 = arith.constant 14 : i32
      %broadcast_in_dim3A_1093 = vector.broadcast %broadcast_in_dim3A_1092 : i32 to vector<16xi32>
      %gather3A_1094 = tpu.vector_load_idx %arg12[%broadcast_in_dim3A_1093] : memref<48xf32, #tpu.memory_space<vmem>>[vector<16xi32>], vector<16xf32>,
      %broadcast_in_dim3A_1095 = arith.constant 22 : i32
      %broadcast_in_dim3A_1096 = vector.broadcast %broadcast_in_dim3A_1095 : i32 to vector<16xi32>
      %gather3A_1097 = tpu.vector_load_idx %arg12[%broadcast_in_dim3A_1096] : memref<48xf32, #tpu.memory_space<vmem>>[vector<16xi32>], vector<16xf32>,
      %broadcast_in_dim3A_1098 = arith.constant 30 : i32
      %broadcast_in_dim3A_1099 = vector.broadcast %broadcast_in_dim3A_1098 : i32 to vector<16xi32>
      %gather3A_1100 = tpu.vector_load_idx %arg12[%broadcast_in_dim3A_1099] : memref<48xf32, #tpu.memory_space<vmem>>[vector<16xi32>], vector<16xf32>,
      %broadcast_in_dim3A_1101 = arith.constant 38 : i32
      %broadcast_in_dim3A_1102 = vector.broadcast %broadcast_in_dim3A_1101 : i32 to vector<16xi32>
      %gather3A_1103 = tpu.vector_load_idx %arg12[%broadcast_in_dim3A_1102] : memref<48xf32, #tpu.memory_space<vmem>>[vector<16xi32>], vector<16xf32>,
      %broadcast_in_dim3A_1104 = arith.constant 46 : i32
      %broadcast_in_dim3A_1105 = vector.broadcast %broadcast_in_dim3A_1104 : i32 to vector<16xi32>
      %gather3A_1106 = tpu.vector_load_idx %arg12[%broadcast_in_dim3A_1105] : memref<48xf32, #tpu.memory_space<vmem>>[vector<16xi32>], vector<16xf32>,
      %mul3A_1107 = arith.mulf %sub3A_660, %gather3A_1094 : vector<16xf32>
      %mul3A_1108 = arith.mulf %sub3A_662, %gather3A_1097 : vector<16xf32>
      %add3A_1109 = arith.addf %mul3A_1107, %mul3A_1108 : vector<16xf32>
      %mul3A_1110 = arith.mulf %sub3A_664, %gather3A_1100 : vector<16xf32>
      %add3A_1111 = arith.addf %add3A_1109, %mul3A_1110 : vector<16xf32>
      %mul3A_1112 = arith.mulf %sub3A_666, %gather3A_1103 : vector<16xf32>
      %add3A_1113 = arith.addf %add3A_1111, %mul3A_1112 : vector<16xf32>
      %add3A_1114 = arith.addf %add3A_1113, %gather3A_1106 : vector<16xf32>
      %max3A_1115 = arith.constant 0.000000e+00 : f32
      %max3A_1116 = vector.broadcast %max3A_1115 : f32 to vector<16xf32>
      %max3A_1117 = arith.maximumf %add3A_1114, %max3A_1116 : vector<16xf32>
      %broadcast_in_dim3A_1118 = arith.constant 6 : i32
      %broadcast_in_dim3A_1119 = vector.broadcast %broadcast_in_dim3A_1118 : i32 to vector<16xi32>
      tpu.vector_store_idx %arg13[%add3A_659, %broadcast_in_dim3A_1119], %max3A_1117 : memref<128x32xf32, #tpu.memory_space<vmem>>[vector<16xi32>, vector<16xi32>], vector<16xf32>,
      %mul3A_1120 = arith.mulf %sub3A_668, %gather3A_1094 : vector<16xf32>
      %mul3A_1121 = arith.mulf %sub3A_670, %gather3A_1097 : vector<16xf32>
      %add3A_1122 = arith.addf %mul3A_1120, %mul3A_1121 : vector<16xf32>
      %mul3A_1123 = arith.mulf %sub3A_672, %gather3A_1100 : vector<16xf32>
      %add3A_1124 = arith.addf %add3A_1122, %mul3A_1123 : vector<16xf32>
      %mul3A_1125 = arith.mulf %sub3A_674, %gather3A_1103 : vector<16xf32>
      %add3A_1126 = arith.addf %add3A_1124, %mul3A_1125 : vector<16xf32>
      %add3A_1127 = arith.addf %add3A_1126, %gather3A_1106 : vector<16xf32>
      %max3A_1128 = arith.constant 0.000000e+00 : f32
      %max3A_1129 = vector.broadcast %max3A_1128 : f32 to vector<16xf32>
      %max3A_1130 = arith.maximumf %add3A_1127, %max3A_1129 : vector<16xf32>
      %broadcast_in_dim3A_1131 = arith.constant 14 : i32
      %broadcast_in_dim3A_1132 = vector.broadcast %broadcast_in_dim3A_1131 : i32 to vector<16xi32>
      tpu.vector_store_idx %arg13[%add3A_659, %broadcast_in_dim3A_1132], %max3A_1130 : memref<128x32xf32, #tpu.memory_space<vmem>>[vector<16xi32>, vector<16xi32>], vector<16xf32>,
      %mul3A_1133 = arith.mulf %sub3A_676, %gather3A_1094 : vector<16xf32>
      %mul3A_1134 = arith.mulf %sub3A_678, %gather3A_1097 : vector<16xf32>
      %add3A_1135 = arith.addf %mul3A_1133, %mul3A_1134 : vector<16xf32>
      %mul3A_1136 = arith.mulf %sub3A_680, %gather3A_1100 : vector<16xf32>
      %add3A_1137 = arith.addf %add3A_1135, %mul3A_1136 : vector<16xf32>
      %mul3A_1138 = arith.mulf %sub3A_682, %gather3A_1103 : vector<16xf32>
      %add3A_1139 = arith.addf %add3A_1137, %mul3A_1138 : vector<16xf32>
      %add3A_1140 = arith.addf %add3A_1139, %gather3A_1106 : vector<16xf32>
      %max3A_1141 = arith.constant 0.000000e+00 : f32
      %max3A_1142 = vector.broadcast %max3A_1141 : f32 to vector<16xf32>
      %max3A_1143 = arith.maximumf %add3A_1140, %max3A_1142 : vector<16xf32>
      %broadcast_in_dim3A_1144 = arith.constant 22 : i32
      %broadcast_in_dim3A_1145 = vector.broadcast %broadcast_in_dim3A_1144 : i32 to vector<16xi32>
      tpu.vector_store_idx %arg13[%add3A_659, %broadcast_in_dim3A_1145], %max3A_1143 : memref<128x32xf32, #tpu.memory_space<vmem>>[vector<16xi32>, vector<16xi32>], vector<16xf32>,
      %mul3A_1146 = arith.mulf %sub3A_684, %gather3A_1094 : vector<16xf32>
      %mul3A_1147 = arith.mulf %sub3A_686, %gather3A_1097 : vector<16xf32>
      %add3A_1148 = arith.addf %mul3A_1146, %mul3A_1147 : vector<16xf32>
      %mul3A_1149 = arith.mulf %sub3A_688, %gather3A_1100 : vector<16xf32>
      %add3A_1150 = arith.addf %add3A_1148, %mul3A_1149 : vector<16xf32>
      %mul3A_1151 = arith.mulf %sub3A_690, %gather3A_1103 : vector<16xf32>
      %add3A_1152 = arith.addf %add3A_1150, %mul3A_1151 : vector<16xf32>
      %add3A_1153 = arith.addf %add3A_1152, %gather3A_1106 : vector<16xf32>
      %max3A_1154 = arith.constant 0.000000e+00 : f32
      %max3A_1155 = vector.broadcast %max3A_1154 : f32 to vector<16xf32>
      %max3A_1156 = arith.maximumf %add3A_1153, %max3A_1155 : vector<16xf32>
      %broadcast_in_dim3A_1157 = arith.constant 30 : i32
      %broadcast_in_dim3A_1158 = vector.broadcast %broadcast_in_dim3A_1157 : i32 to vector<16xi32>
      tpu.vector_store_idx %arg13[%add3A_659, %broadcast_in_dim3A_1158], %max3A_1156 : memref<128x32xf32, #tpu.memory_space<vmem>>[vector<16xi32>, vector<16xi32>], vector<16xf32>,
      %broadcast_in_dim3A_1159 = arith.constant 15 : i32
      %broadcast_in_dim3A_1160 = vector.broadcast %broadcast_in_dim3A_1159 : i32 to vector<16xi32>
      %gather3A_1161 = tpu.vector_load_idx %arg12[%broadcast_in_dim3A_1160] : memref<48xf32, #tpu.memory_space<vmem>>[vector<16xi32>], vector<16xf32>,
      %broadcast_in_dim3A_1162 = arith.constant 23 : i32
      %broadcast_in_dim3A_1163 = vector.broadcast %broadcast_in_dim3A_1162 : i32 to vector<16xi32>
      %gather3A_1164 = tpu.vector_load_idx %arg12[%broadcast_in_dim3A_1163] : memref<48xf32, #tpu.memory_space<vmem>>[vector<16xi32>], vector<16xf32>,
      %broadcast_in_dim3A_1165 = arith.constant 31 : i32
      %broadcast_in_dim3A_1166 = vector.broadcast %broadcast_in_dim3A_1165 : i32 to vector<16xi32>
      %gather3A_1167 = tpu.vector_load_idx %arg12[%broadcast_in_dim3A_1166] : memref<48xf32, #tpu.memory_space<vmem>>[vector<16xi32>], vector<16xf32>,
      %broadcast_in_dim3A_1168 = arith.constant 39 : i32
      %broadcast_in_dim3A_1169 = vector.broadcast %broadcast_in_dim3A_1168 : i32 to vector<16xi32>
      %gather3A_1170 = tpu.vector_load_idx %arg12[%broadcast_in_dim3A_1169] : memref<48xf32, #tpu.memory_space<vmem>>[vector<16xi32>], vector<16xf32>,
      %broadcast_in_dim3A_1171 = arith.constant 47 : i32
      %broadcast_in_dim3A_1172 = vector.broadcast %broadcast_in_dim3A_1171 : i32 to vector<16xi32>
      %gather3A_1173 = tpu.vector_load_idx %arg12[%broadcast_in_dim3A_1172] : memref<48xf32, #tpu.memory_space<vmem>>[vector<16xi32>], vector<16xf32>,
      %mul3A_1174 = arith.mulf %sub3A_660, %gather3A_1161 : vector<16xf32>
      %mul3A_1175 = arith.mulf %sub3A_662, %gather3A_1164 : vector<16xf32>
      %add3A_1176 = arith.addf %mul3A_1174, %mul3A_1175 : vector<16xf32>
      %mul3A_1177 = arith.mulf %sub3A_664, %gather3A_1167 : vector<16xf32>
      %add3A_1178 = arith.addf %add3A_1176, %mul3A_1177 : vector<16xf32>
      %mul3A_1179 = arith.mulf %sub3A_666, %gather3A_1170 : vector<16xf32>
      %add3A_1180 = arith.addf %add3A_1178, %mul3A_1179 : vector<16xf32>
      %add3A_1181 = arith.addf %add3A_1180, %gather3A_1173 : vector<16xf32>
      %max3A_1182 = arith.constant 0.000000e+00 : f32
      %max3A_1183 = vector.broadcast %max3A_1182 : f32 to vector<16xf32>
      %max3A_1184 = arith.maximumf %add3A_1181, %max3A_1183 : vector<16xf32>
      %broadcast_in_dim3A_1185 = arith.constant 7 : i32
      %broadcast_in_dim3A_1186 = vector.broadcast %broadcast_in_dim3A_1185 : i32 to vector<16xi32>
      tpu.vector_store_idx %arg13[%add3A_659, %broadcast_in_dim3A_1186], %max3A_1184 : memref<128x32xf32, #tpu.memory_space<vmem>>[vector<16xi32>, vector<16xi32>], vector<16xf32>,
      %mul3A_1187 = arith.mulf %sub3A_668, %gather3A_1161 : vector<16xf32>
      %mul3A_1188 = arith.mulf %sub3A_670, %gather3A_1164 : vector<16xf32>
      %add3A_1189 = arith.addf %mul3A_1187, %mul3A_1188 : vector<16xf32>
      %mul3A_1190 = arith.mulf %sub3A_672, %gather3A_1167 : vector<16xf32>
      %add3A_1191 = arith.addf %add3A_1189, %mul3A_1190 : vector<16xf32>
      %mul3A_1192 = arith.mulf %sub3A_674, %gather3A_1170 : vector<16xf32>
      %add3A_1193 = arith.addf %add3A_1191, %mul3A_1192 : vector<16xf32>
      %add3A_1194 = arith.addf %add3A_1193, %gather3A_1173 : vector<16xf32>
      %max3A_1195 = arith.constant 0.000000e+00 : f32
      %max3A_1196 = vector.broadcast %max3A_1195 : f32 to vector<16xf32>
      %max3A_1197 = arith.maximumf %add3A_1194, %max3A_1196 : vector<16xf32>
      %broadcast_in_dim3A_1198 = arith.constant 15 : i32
      %broadcast_in_dim3A_1199 = vector.broadcast %broadcast_in_dim3A_1198 : i32 to vector<16xi32>
      tpu.vector_store_idx %arg13[%add3A_659, %broadcast_in_dim3A_1199], %max3A_1197 : memref<128x32xf32, #tpu.memory_space<vmem>>[vector<16xi32>, vector<16xi32>], vector<16xf32>,
      %mul3A_1200 = arith.mulf %sub3A_676, %gather3A_1161 : vector<16xf32>
      %mul3A_1201 = arith.mulf %sub3A_678, %gather3A_1164 : vector<16xf32>
      %add3A_1202 = arith.addf %mul3A_1200, %mul3A_1201 : vector<16xf32>
      %mul3A_1203 = arith.mulf %sub3A_680, %gather3A_1167 : vector<16xf32>
      %add3A_1204 = arith.addf %add3A_1202, %mul3A_1203 : vector<16xf32>
      %mul3A_1205 = arith.mulf %sub3A_682, %gather3A_1170 : vector<16xf32>
      %add3A_1206 = arith.addf %add3A_1204, %mul3A_1205 : vector<16xf32>
      %add3A_1207 = arith.addf %add3A_1206, %gather3A_1173 : vector<16xf32>
      %max3A_1208 = arith.constant 0.000000e+00 : f32
      %max3A_1209 = vector.broadcast %max3A_1208 : f32 to vector<16xf32>
      %max3A_1210 = arith.maximumf %add3A_1207, %max3A_1209 : vector<16xf32>
      %broadcast_in_dim3A_1211 = arith.constant 23 : i32
      %broadcast_in_dim3A_1212 = vector.broadcast %broadcast_in_dim3A_1211 : i32 to vector<16xi32>
      tpu.vector_store_idx %arg13[%add3A_659, %broadcast_in_dim3A_1212], %max3A_1210 : memref<128x32xf32, #tpu.memory_space<vmem>>[vector<16xi32>, vector<16xi32>], vector<16xf32>,
      %mul3A_1213 = arith.mulf %sub3A_684, %gather3A_1161 : vector<16xf32>
      %mul3A_1214 = arith.mulf %sub3A_686, %gather3A_1164 : vector<16xf32>
      %add3A_1215 = arith.addf %mul3A_1213, %mul3A_1214 : vector<16xf32>
      %mul3A_1216 = arith.mulf %sub3A_688, %gather3A_1167 : vector<16xf32>
      %add3A_1217 = arith.addf %add3A_1215, %mul3A_1216 : vector<16xf32>
      %mul3A_1218 = arith.mulf %sub3A_690, %gather3A_1170 : vector<16xf32>
      %add3A_1219 = arith.addf %add3A_1217, %mul3A_1218 : vector<16xf32>
      %add3A_1220 = arith.addf %add3A_1219, %gather3A_1173 : vector<16xf32>
      %max3A_1221 = arith.constant 0.000000e+00 : f32
      %max3A_1222 = vector.broadcast %max3A_1221 : f32 to vector<16xf32>
      %max3A_1223 = arith.maximumf %add3A_1220, %max3A_1222 : vector<16xf32>
      %broadcast_in_dim3A_1224 = arith.constant 31 : i32
      %broadcast_in_dim3A_1225 = vector.broadcast %broadcast_in_dim3A_1224 : i32 to vector<16xi32>
      tpu.vector_store_idx %arg13[%add3A_659, %broadcast_in_dim3A_1225], %max3A_1223 : memref<128x32xf32, #tpu.memory_space<vmem>>[vector<16xi32>, vector<16xi32>], vector<16xf32>,
      %scan3A_1226 = arith.constant 0 : i32
      scf.yield %scan3A_1226 : i32
    }
    %scan3A_15 = arith.constant 8 : i32
    "tpu.region"() ({
      %run_scoped3A = tpu.sem_alloc : memref<!tpu.dma_semaphore, #tpu.memory_space<semaphore_mem>>
      %dma_start3A = arith.constant 0 : i32
      %dma_start3A_16 = tpu.memref_slice %arg7[%mul3A_2, %dma_start3A] : memref<4096x32xf32, #tpu.memory_space<hbm>> -> memref<128x32xf32, #tpu.memory_space<hbm>>
      %dma_start3A_17 = arith.constant 0 : i32
      %dma_start3A_18 = tpu.memref_slice %arg7[%mul3A_2, %dma_start3A_17] : memref<4096x32xf32, #tpu.memory_space<hbm>> -> memref<128x32xf32, #tpu.memory_space<hbm>>
      tpu.enqueue_dma source(%arg13 : memref<128x32xf32, #tpu.memory_space<vmem>>) target(%dma_start3A_18 : memref<128x32xf32, #tpu.memory_space<hbm>>) target_semaphore(%run_scoped3A : memref<!tpu.dma_semaphore, #tpu.memory_space<semaphore_mem>>)
      %dma_wait3A = arith.constant 0 : i32
      %dma_wait3A_19 = tpu.memref_slice %arg7[%mul3A_2, %dma_wait3A] : memref<4096x32xf32, #tpu.memory_space<hbm>> -> memref<128x32xf32, #tpu.memory_space<hbm>>
      %dma_wait3A_20 = arith.constant 0 : i32
      %dma_wait3A_21 = tpu.memref_slice %arg7[%mul3A_2, %dma_wait3A_20] : memref<4096x32xf32, #tpu.memory_space<hbm>> -> memref<128x32xf32, #tpu.memory_space<hbm>>
      tpu.wait_dma2 semaphore(%run_scoped3A : memref<!tpu.dma_semaphore, #tpu.memory_space<semaphore_mem>>) src(%arg13 : memref<128x32xf32, #tpu.memory_space<vmem>>) dst(%dma_wait3A_21 : memref<128x32xf32, #tpu.memory_space<hbm>>)
      tpu.yield
    }) : () -> ()
    return
  }
}

</mosaic_0001>

<sc_bundles>
// kernel: _nn_pool.3.cloned.1.call-start
scs
__scs_entry_jumppad:
0x0: {  	(pc) =	sbr.rel $0x88, $3  }
0x1: {  	(tag) =	ssettag $0x0;
	lr =	simm.s32 $0x1  }
0x2: {  	[smem:$0x3F9C] =	sst lr;
	_ =	strace $0xD0000000  }
0x3: {  	_ = 	snop  }
0x4: {  	_ = 	snop  }
0x5: {  	_ = 	snop  }
0x6: {  	_ = 	snop  }
0x7: {  	_ = 	snop  }
__scs_overlays_trampoline_lowered:
0x8: {  	[smem:$0x3FAB] =	sst s0  }
0x9: {  	[smem:$0x3FAC] =	sst s1  }
0xa: {  	[smem:$0x3FAD] =	sst s2  }
0xb: {  	[smem:$0x3FAE] =	sst s3  }
0xc: {  	[smem:$0x3FAF] =	sst s4  }
0xd: {  	[smem:$0x3FB0] =	sst s5  }
0xe: {  	[smem:$0x3FB1] =	sst s6  }
0xf: {  	[smem:$0x3FB2] =	sst s7  }
0x10: {  	[smem:$0x3FB3] =	sst s8  }
0x11: {  	[smem:$0x3FB4] =	sst s9;
	s0 =	simm.s32 @!p0 $0x0  }
0x12: {  	s1 =	sld [smem:$0x3F9A];
	s0 =	simm.s32 @p0 $0x1  }
0x13: {  	[smem:$0x3FB5] =	sst s0;
	s0 =	simm.s32 @!p1 $0x0  }
0x14: {  	s2 =	sld [smem:$0x3F99];
	s0 =	simm.s32 @p1 $0x1  }
0x15: {  	[smem:$0x3FB6] =	sst s0;
	s0 =	simm.s32 @!p2 $0x0  }
0x16: {  	s3 =	sld [smem:$0x3FDB];
	s0 =	simm.s32 @p2 $0x1  }
0x17: {  	s4 =	simm.s32 $0x1BF5;
	[smem:$0x3FB8] =	sst s0  }
0x18: {  	s0 =	sld [smem:$0x3F9B];
	_ =	swait.ge [sflag:s4], $0x0  }
0x19: {  	s7 =	sld [smem:$0x3F9C]  }
0x1a: {  	s8 =	sadd.s32 $0xFFFFE003, lr  }
0x1b: {  	s9 =	sadd.s32 $0xFFFFFEF7, lr;
	s5 =	simm.s32 $0xFFFFFFFF;
	p2 =	slt.u32 s8, $0xFFFFF086  }
0x1c: {  	p1 =	slt.u32 s9, $0xF7A;
	s5 =	simm.s32 @!p2 $0x0  }
0x1d: {  	s5 =	simm.s32 @p1 $0x1;
	p0 =	seq.s32 s7, s2  }
0x1e: {  	s7 =	smul.u32 @!p0 $0xF7A, s2;
	p2 =	seq.s32 @!p0 s5, $0x0  }
0x1f: {  	s9 =	smul.u32 $0xF7A, s1;
	s8 =	simm.s32 @!p0 $0x1BF5;
	p2 =	por !p2, p0  }
0x20: {  	[sflag:s8] =	ssyncset.s32 @!p0 $0xFFFFF086;
	s6 =	sadd.s32 @!p0 s3, s7;
	s7 =	simm.s32 @!p0 $0x108  }
0x21: {  	s3 =	sadd.s32 s3, s9;
	s6 =	sadd.s32 @!p0 $0x88, s6;
	s7 =	simm.s32 @p2 $0x1082  }
0x22: {  	[simem:s7], [sflag:s8] =	dma.local @!p0 [hbm:s6], $0xF7A  }
0x23: {  	s9 =	sor.u32 $0xD0000000, s2;
	s6 =	simm.s32 $0x108;
	_ =	swait.ge @!p0 [sflag:s8], $0x0  }
0x24: {  	s3 =	sadd.s32 $0x88, s3;
	s6 =	simm.s32 @!p1 $0x1082;
	[sflag:s4] =	ssyncset.s32 $0xFFFFF086  }
0x25: {  	[simem:s6], [sflag:s4] =	dma.local [hbm:s3], $0xF7A  }
0x26: {  	[smem:$0x3F9C] =	sst s1;
	(tag) =	ssettag s2;
	_ =	strace s9  }
0x27: {  	s1 =	sld [smem:$0x3FAC]  }
0x28: {  	s2 =	sld [smem:$0x3FAD]  }
0x29: {  	s4 =	sld [smem:$0x3FAF]  }
0x2a: {  	p0 =	seq.s32 s5, $0x0;
	s5 =	sld [smem:$0x3FB0]  }
0x2b: {  	s6 =	sld [smem:$0x3FB1]  }
0x2c: {  	s7 =	sld [smem:$0x3FB2]  }
0x2d: {  	s3 =	simm.s32 $0x108;
	s8 =	sld [smem:$0x3FB3]  }
0x2e: {  	s3 =	simm.s32 @!p0 $0x1082;
	s9 =	sld [smem:$0x3FB4]  }
0x2f: {  	lr =	sadd.s32 s0, s3;
	s0 =	sld [smem:$0x3FAB]  }
0x30: {  	s3 =	sld [smem:$0x3FAE]  }
0x31: {  	[smem:$0x3FB7] =	sst s10  }
0x32: {  	s10 =	sld [smem:$0x3FB5];
	_ =	sdelay $0x3  }
0x33: {  	p0 =	seq.s32 s10, $0x1;
	s10 =	sld [smem:$0x3FB7];
	_ =	sdelay $0x3  }
0x34: {  	[smem:$0x3FB7] =	sst s10  }
0x35: {  	s10 =	sld [smem:$0x3FB6];
	_ =	sdelay $0x3  }
0x36: {  	p1 =	seq.s32 s10, $0x1;
	s10 =	sld [smem:$0x3FB7];
	_ =	sdelay $0x3  }
0x37: {  	[smem:$0x3FB7] =	sst s10  }
0x38: {  	s10 =	sld [smem:$0x3FB8]  }
0x39: {  	_ = 	snop;
	(pc) =	sbr.ind lr, $3  }
0x3a: {  	_ = 	snop  }
0x3b: {  	_ = 	snop  }
0x3c: {  	p2 =	seq.s32 s10, $0x1;
	s10 =	sld [smem:$0x3FB7]  }
0x3d: {  	_ =	shalt  }
0x3e: {  	_ =	shalt  }
0x3f: {  	_ =	shalt  }
0x40: {  	_ =	shalt  }
0x41: {  	_ =	shalt  }
0x42: {  	_ =	shalt  }
0x43: {  	_ =	shalt  }
0x44: {  	_ =	shalt  }
0x45: {  	_ =	shalt  }
0x46: {  	_ =	shalt  }
0x47: {  	_ =	shalt  }
0x48: {  	_ =	shalt  }
0x49: {  	_ =	shalt  }
0x4a: {  	_ =	shalt  }
0x4b: {  	_ =	shalt  }
0x4c: {  	_ =	shalt  }
0x4d: {  	_ =	shalt  }
0x4e: {  	_ =	shalt  }
0x4f: {  	_ =	shalt  }
0x50: {  	_ =	shalt  }
0x51: {  	_ =	shalt  }
0x52: {  	_ =	shalt  }
0x53: {  	_ =	shalt  }
0x54: {  	_ =	shalt  }
0x55: {  	_ =	shalt  }
0x56: {  	_ =	shalt  }
0x57: {  	_ =	shalt  }
0x58: {  	_ =	shalt  }
0x59: {  	_ =	shalt  }
0x5a: {  	_ =	shalt  }
0x5b: {  	_ =	shalt  }
0x5c: {  	_ =	shalt  }
0x5d: {  	_ =	shalt  }
0x5e: {  	_ =	shalt  }
0x5f: {  	_ =	shalt  }
0x60: {  	_ =	shalt  }
0x61: {  	_ =	shalt  }
0x62: {  	_ =	shalt  }
0x63: {  	_ =	shalt  }
0x64: {  	_ =	shalt  }
0x65: {  	_ =	shalt  }
0x66: {  	_ =	shalt  }
0x67: {  	_ =	shalt  }
0x68: {  	_ =	shalt  }
0x69: {  	_ =	shalt  }
0x6a: {  	_ =	shalt  }
0x6b: {  	_ =	shalt  }
0x6c: {  	_ =	shalt  }
0x6d: {  	_ =	shalt  }
0x6e: {  	_ =	shalt  }
0x6f: {  	_ =	shalt  }
0x70: {  	_ =	shalt  }
0x71: {  	_ =	shalt  }
0x72: {  	_ =	shalt  }
0x73: {  	_ =	shalt  }
0x74: {  	_ =	shalt  }
0x75: {  	_ =	shalt  }
0x76: {  	_ =	shalt  }
0x77: {  	_ =	shalt  }
0x78: {  	_ =	shalt  }
0x79: {  	_ =	shalt  }
0x7a: {  	_ =	shalt  }
0x7b: {  	_ =	shalt  }
0x7c: {  	_ =	shalt  }
0x7d: {  	_ =	shalt  }
0x7e: {  	_ =	shalt  }
0x7f: {  	_ =	shalt  }
0x80: {  	_ =	shalt  }
0x81: {  	_ =	shalt  }
0x82: {  	_ =	shalt  }
0x83: {  	_ =	shalt  }
0x84: {  	_ =	shalt  }
0x85: {  	_ =	shalt  }
0x86: {  	_ =	shalt  }
0x87: {  	_ =	shalt  }
.Lfunc_end0:
.L_simem_size_0:
called_computation_lowered:
.L_overlay_start_0:
0x88: {  	s2 =	sld [smem:$0x3FD9]  }
0x89: {  	s3 =	sld [smem:$0x3FFE];
	_ =	sdelay $0x1  }
0x8a: {  	s1 =	srdreg.scid  }
0x8b: {  	s0 =	sand.u32 $0x1, s1  }
0x8c: {  	s17 =	sshll.u32 s0, $0xA;
	s2 =	sadd.s32 s3, s2  }
0x8d: {  	s2 =	sadd.s32 s2, s17  }
0x8e: {  	[smem:$0x3FC3] =	sst s2  }
0x8f: {  	_ = 	snop  }
0x90: {  	s2 =	sld [smem:$0x3FC9]  }
0x91: {  	s18 =	sld [smem:$0x3FC8]  }
0x92: {  	s4 =	sld [smem:$0x3FC7]  }
0x93: {  	s5 =	sld [smem:$0x3FC6]  }
0x94: {  	s6 =	sld [smem:$0x3FC5];
	(tm) =	ssettm $0x1  }
0x95: {  	s7 =	sld [smem:$0x3FFB];
	_ =	sdelay $0x3  }
0x96: {  	_ =	strace s7  }
0x97: {  	s7 =	sld [smem:$0x3FFC];
	_ =	sdelay $0x3  }
0x98: {  	_ =	strace s7  }
0x99: {  	s7 =	sld [smem:$0x3FFD];
	_ =	sdelay $0x3  }
0x9a: {  	_ =	strace s7  }
0x9b: {  	_ =	strace $0x8FFFFFFF  }
0x9c: {  	s19 =	sld [smem:$0x3FDB];
	_ =	sdelay $0x1  }
0x9d: {  	s8 =	simm.s32 $_scs_section_size  }
0x9e: {  	s9 =	simm.s32 $_size__tile_overlayer_lowered;
	s10 =	simm.s32 $_tile_overlayer_lowered  }
0x9f: {  	s22 =	simm.s32 $0x1BFF;
	s21 =	sshll.u32 s10, $0x1;
	s7 =	sadd.s32 s8, s19  }
0xa0: {  	s11 =	simm.s32 $0x0;
	s20 =	sshll.u32 s9, $0x1;
	s9 =	sadd.s32 s21, s7  }
0xa1: {  	[timem:s11], [sflag:s22] =	dma.local [hbm:s9], s20  }
0xa2: {  	_ =	swait.ge [sflag:s22], s20  }
0xa3: {  	s8 =	ssub.s32 $0x0, s20;
	[sflag:s22] =	ssyncset.done $0x0  }
0xa4: {  	[sflag:s22] =	ssyncadd.s32 s8;
	_ =	sdelay $0x1  }
0xa5: {  	s23 =	simm.s32 $0x1B8B  }
0xa6: {  	_ =	swait.ge [sflag:s23], $0x1  }
0xa7: {  	[sflag:s23] =	ssyncset.done $0x0  }
0xa8: {  	s25 =	simm.s32 $0x1B8E;
	s24 =	sld [smem:$0x3FFE];
	[sflag:s23] =	ssyncadd.s32 $0xFFFFFFFF  }
0xa9: {  	s26 =	simm.s32 $execute0_lowered;
	[smem:$0x3FD2] =	sst s25  }
0xaa: {  	s9 =	sshll.u32 s26, $0x1;
	_ =	strace $0x80000046;
	[dreg:$0x1] =	wrdreg $0xFFFFFFFF  }
0xab: {  	s28 =	simm.s32 $_size_execute0_lowered;
	s7 =	sadd.s32 s7, s9;
	[dreg:$0x0] =	wrdreg $0x0  }
0xac: {  	s9 =	sshll.u32 s28, $0x1;
	[dreg:$0x2] =	wrdreg s7  }
0xad: {  	[dreg:$0x3] =	wrdreg s9  }
0xae: {  	[dreg:$0x4] =	wrdreg $0xC0  }
0xaf: {  	_ =	task [dreg:s11], $0x5FFFF  }
0xb0: {  	[dreg:$0x1] =	wrdreg $0xFFFFFFFF  }
0xb1: {  	[dreg:$0x0] =	wrdreg $0x60  }
0xb2: {  	[dreg:$0x2] =	wrdreg s2  }
0xb3: {  	[dreg:$0x3] =	wrdreg s18  }
0xb4: {  	[dreg:$0x4] =	wrdreg s4  }
0xb5: {  	[dreg:$0x5] =	wrdreg s5  }
0xb6: {  	[dreg:$0x6] =	wrdreg s6  }
0xb7: {  	[dreg:$0x7] =	wrdreg s24  }
0xb8: {  	[dreg:$0x8] =	wrdreg $0x9  }
0xb9: {  	_ =	task.clear_ibuf [dreg:s11], $0x9FFFF;
	_ =	strace $0x90000046  }
0xba: {  	s29 =	simm.s32 $0x9;
	_ =	strace $0x80000048  }
0xbb: {  	_ =	swait.ge [sflag:s29], $0x1  }
0xbc: {  	[sflag:s29] =	ssyncadd.s32 $0xFFFFFFFF  }
0xbd: {  	_ =	strace $0x90000048  }
0xbe: {  	_ =	sfence  }
0xbf: {  	s30 =	sld [smem:$0x0];
	_ =	sdelay $0x2  }
0xc0: {  	s31 =	sshll.u32 s1, $0xD;
	s1 =	sshrl.u32 s1, $0x2  }
0xc1: {  	s3 =	sand.u32 $0x4000, s31;
	s1 =	sadd.s32 s1, s30  }
0xc2: {  	s0 =	sor.u32 s3, s0;
	s1 =	sshll.u32 s1, $0x11  }
0xc3: {  	s0 =	sor.u32 s1, s0  }
0xc4: {  	s0 =	sadd.s32 $0x8F2B, s0  }
0xc5: {  	[sflag:s0] =	ssyncadd.remote.s32 $0x1  }
0xc6: {  	_ =	sfence.sel $0xFFFF  }
0xc7: {  	[dreg:$0x0] =	wrdreg $0xFFFFFFFF;
	(pc) =	sbr.abs _section_cstart, $3  }
0xc8: {  	[dreg:$0x1] =	wrdreg $0xFFFFFFFF  }
0xc9: {  	_ =	task.clear_ibuf [dreg:s11], $0x2FFFF;
	_ =	strace $0x9FFFFFFF  }
0xca: {  	(tm) =	ssettm $0x7FFFFFFF  }
0xcb: {  	_ =	shalt  }
tec
execute0_lowered:
.L_overlay_start_1:
0x0: {  	(tag) =	ssettag $0x1  }
0x1: {  	s0 =	rddreg [dreg:$0x5]  }
0x2: {  	s1 =	srdreg.scid;
	s5 =	stileid.u32  }
0x3: {  	s7 =	simm.s32 $0x0;
	s1 =	sand.u32 $0x1, s1;
	s2 =	sshll.u32 s5, $0x8  }
0x4: {  	[smem:$0x7FF] =	sst s7;
	s5 =	sshll.u32 s5, $0xA;
	s3 =	sshll.u32 s1, $0x7  }
0x5: {  	_ =	strace $0x80000047;
	s22 =	ssub.s32 $0x2, s1;
	s1 =	sshll.u32 s1, $0x9  }
0x6: {  	s6 =	sor.u32 s3, s2;
	s4 =	sshrl.u32 s22, $0x1;
	s1 =	sor.u32 s1, s5  }
0x7: {  	s3 =	simm.s32 $0x1000;
	s28 =	sor.u32 $0x2F, s6;
	[dreg:$0x7] =	wrdreg s6  }
0x8: {  	s2 =	sshll.u32 s6, $0x4;
	s26 =	sshrl.u32 s6, $0x4;
	[dreg:$0xb] =	wrdreg s28  }
0x9: {  	s23 =	ssub.s32 s22, s4;
	s31 =	sor.u32 $0xF, s6;
	[dreg:$0xa] =	wrdreg s26  }
0xa: {  	s25 =	sor.u32 $0x80, s1;
	s30 =	sshrl.u32 s1, $0x2;
	[dreg:$0x10] =	wrdreg s31  }
0xb: {  	v0 =	vlaneseq.u32;
	s1 =	simm.s32 $0x1;
	s24 =	smax.u32 s23, $0x1;
	[dreg:$0xf] =	wrdreg s30  }
0xc: {  	v23 =	vimm.s32 $0x1C;
	v24 =	vimm.s32 $0x24;
	v25 =	vimm.s32 $0x2C;
	s0 =	sadd.s32 s2, s0;
	s29 =	sadd.s32 $0xFFFFFFFF, s26;
	[dreg:$0x9] =	wrdreg s24  }
.Ltmp0:
0xd: {  	v26 =	vimm.s32 $0xD;
	v27 =	vimm.s32 $0x15;
	v28 =	vimm.s32 $0x1D;
	s0 =	sadd.s32 $0x400, s0;
	[dreg:$0xe] =	wrdreg s29;
	(pc) =	sbr.rel .LBB2_1-.Ltmp0, $4  }
0xe: {  	v29 =	vimm.s32 $0x25;
	v30 =	vimm.s32 $0x2D;
	v31 =	vimm.s32 $0xE;
	s4 =	simm.s32 $0x2000;
	[dreg:$0x8] =	wrdreg s0;
	s0 =	sshrl.u32 s25, $0x2  }
0xf: {  	v32 =	vimm.s32 $0x16;
	v33 =	vimm.s32 $0x1E;
	v34 =	vimm.s32 $0x26;
	s22 =	simm.s32 $0x3000;
	[dreg:$0xc] =	wrdreg s0;
	s0 =	sor.u32 $0x1000, s0  }
0x10: {  	v35 =	vimm.s32 $0x2E;
	v36 =	vimm.s32 $0xF;
	v37 =	vimm.s32 $0x17;
	s23 =	simm.s32 $0x4000;
	[dreg:$0xd] =	wrdreg s0;
	s0 =	sor.u32 $0x1000, s30  }
0x11: {  	v38 =	vimm.s32 $0x1F;
	v39 =	vimm.s32 $0x27;
	v40 =	vimm.s32 $0x2F;
	s2 =	simm.s32 $0x0;
	s24 =	simm.s32 $0x4080;
	[dreg:$0x11] =	wrdreg s0  }
.LBB2_14:
0x12: {  	s0 =	rddreg [dreg:$0x8];
	s1 =	simm.s32 $0x1  }
0x13: {  	[hbm4b:s0+s7] =	stream.linear.scatter [tilespmem:s24], [sflag:$0x1], $0x4000, $0x38;
	[tilespmem:$0x8080] =	vst v63  }
0x14: {  	_ =	swait.ge [sflag:s1], $0x4000  }
0x15: {  	s2 =	rddreg [dreg:$0x12]  }
0x16: {  	s31 =	rddreg [dreg:$0x9];
	s2 =	sadd.s32 $0x1, s2  }
0x17: {  	p0 =	sne.s32 s2, s31  }
.Ltmp1:
0x18: {  	_ = 	snop;
	(pc) =	sbr.rel @!p0 .LBB2_15-.Ltmp1, $3  }
0x19: {  	_ =	sdelay $0x1  }
0x1a: {  	[sflag:s1] =	ssyncset.done $0x0  }
0x1b: {  	[sflag:s1] =	ssyncadd.s32 $0xFFFFC000  }
.LBB2_1:
0x1c: {  	[dreg:$0x12] =	wrdreg s2  }
0x1d: {  	s0 =	rddreg [dreg:$0x0]  }
0x1e: {  	[tilespmem:s7], [sflag:$0x1] =	stream.linear.gather [hbm4b:s0+s7], $0x1000, $0x38;
	[tilespmem:$0x8080] =	vst v63  }
0x1f: {  	_ =	swait.ge [sflag:s1], $0x1000  }
0x20: {  	[sflag:s1] =	ssyncset.done $0x0  }
0x21: {  	[sflag:s1] =	ssyncadd.s32 $0xFFFFF000  }
0x22: {  	s28 =	rddreg [dreg:$0x1]  }
0x23: {  	[tilespmem:s3], [sflag:$0x1] =	stream.linear.gather [hbm4b:s28+s7], $0x1000, $0x38;
	[tilespmem:$0x8080] =	vst v63  }
0x24: {  	_ =	swait.ge [sflag:s1], $0x1000  }
0x25: {  	[sflag:s1] =	ssyncset.done $0x0  }
0x26: {  	[sflag:s1] =	ssyncadd.s32 $0xFFFFF000  }
0x27: {  	s29 =	rddreg [dreg:$0x2]  }
0x28: {  	[tilespmem:s4], [sflag:$0x1] =	stream.linear.gather [hbm4b:s29+s7], $0x1000, $0x38;
	[tilespmem:$0x8080] =	vst v63  }
0x29: {  	_ =	swait.ge [sflag:s1], $0x1000  }
0x2a: {  	[sflag:s1] =	ssyncset.done $0x0  }
0x2b: {  	[sflag:s1] =	ssyncadd.s32 $0xFFFFF000  }
0x2c: {  	s30 =	rddreg [dreg:$0x3]  }
0x2d: {  	[tilespmem:s22], [sflag:$0x1] =	stream.linear.gather [hbm4b:s30+s7], $0x1000, $0x38;
	[tilespmem:$0x8080] =	vst v63  }
0x2e: {  	_ =	swait.ge [sflag:s1], $0x1000  }
0x2f: {  	[sflag:s1] =	ssyncset.done $0x0  }
0x30: {  	[sflag:s1] =	ssyncadd.s32 $0xFFFFF000  }
0x31: {  	s31 =	rddreg [dreg:$0x4]  }
0x32: {  	[tilespmem:s23], [sflag:$0x1] =	stream.linear.gather [hbm4b:s31+s7], $0x80, $0x38;
	[tilespmem:$0x8080] =	vst v63  }
0x33: {  	_ =	swait.ge [sflag:s1], $0x80  }
0x34: {  	[sflag:s1] =	ssyncset.done $0x0  }
0x35: {  	s0 =	simm.s32 $0x0;
	[sflag:s1] =	ssyncadd.s32 $0xFFFFFF80  }
0x36: {  	v1 =	vld [tilespmem:s0+$0x0]  }
0x37: {  	v2 =	vld [tilespmem:s0+$0x1000]  }
0x38: {  	s1 =	simm.s32 $0x40;
	v3 =	vld [tilespmem:s0+$0x2000]  }
.LBB2_2:
0x39: {  	p0 =	sne.s32 s1, $0x3FC0;
	v4 =	vld [tilespmem:s0+$0x3000];
	_ =	sdelay $0x2  }
.Ltmp2:
0x3a: {  	(pc) =	sbr.rel @p0 .LBB2_2-.Ltmp2, $4  }
0x3b: {  	s2 =	sshra.s32 s1, $0x2;
	v3 =	vsub.f32 v1, v3  }
0x3c: {  	v1 =	vld [tilespmem:s2+$0x0];
	v4 =	vsub.f32 v2, v4  }
0x3d: {  	v2 =	vld [tilespmem:s2+$0x1000];
	[tilespmem:s0+$0x2000] =	vst v3  }
0x3e: {  	s1 =	sadd.s32 $0x40, s1;
	v3 =	vld [tilespmem:s2+$0x2000];
	[tilespmem:s0+$0x3000] =	vst v4;
	s0 =	smov.u32 s2  }
0x3f: {  	v4 =	vld [tilespmem:s0+$0x3000];
	s28 =	rddreg [dreg:$0x11]  }
0x40: {  	s29 =	rddreg [dreg:$0xf]  }
0x41: {  	s30 =	rddreg [dreg:$0x10]  }
.Ltmp3:
0x42: {  	s31 =	rddreg [dreg:$0xe];
	(pc) =	sbr.rel .LBB2_4-.Ltmp3, $4  }
0x43: {  	s13 =	rddreg [dreg:$0xc];
	v1 =	vsub.f32 v1, v3  }
0x44: {  	s14 =	rddreg [dreg:$0xd];
	v2 =	vsub.f32 v2, v4  }
0x45: {  	s12 =	rddreg [dreg:$0xb];
	[tilespmem:s0+$0x2000] =	vst v1  }
0x46: {  	s26 =	simm.s32 $0x0;
	s11 =	rddreg [dreg:$0xa];
	[tilespmem:s0+$0x3000] =	vst v2  }
.LBB2_13:
0x47: {  	_ =	sdelay $0x1  }
0x48: {  	v1 =	vld [tilespmem:s3+$0x2000]  }
0x49: {  	v2 =	vld [tilespmem:s3+$0x3000]  }
0x4a: {  	v3 =	vld.idx.msk [tilespmem:v48+s7+$0x0], $0xffff  }
0x4b: {  	v6 =	vld.idx.msk [tilespmem:v48+s22+$0x0], $0xffff  }
0x4c: {  	v7 =	vld.idx.msk [tilespmem:v46+s7+$0x0], $0xffff  }
0x4d: {  	v10 =	vld.idx.msk [tilespmem:v46+s22+$0x0], $0xffff  }
0x4e: {  	v11 =	vld.idx.msk [tilespmem:v43+s7+$0x0], $0xffff  }
0x4f: {  	v14 =	vld.idx.msk [tilespmem:v43+s22+$0x0], $0xffff  }
0x50: {  	v15 =	vld.idx.msk [tilespmem:v45+s7+$0x0], $0xffff  }
0x51: {  	s0 =	simm.s32 $0x1000;
	v61 =	vld.idx.msk [tilespmem:v45+s22+$0x0], $0xffff  }
0x52: {  	s1 =	simm.s32 $0x2000;
	v4 =	vld.idx.msk [tilespmem:v48+s0+$0x0], $0xffff  }
0x53: {  	v16 =	vimm.s32 $0x8;
	v5 =	vld.idx.msk [tilespmem:v48+s1+$0x0], $0xffff  }
0x54: {  	v17 =	vimm.s32 $0x10;
	v8 =	vld.idx.msk [tilespmem:v46+s0+$0x0], $0xffff  }
0x55: {  	v9 =	vld.idx.msk [tilespmem:v46+s1+$0x0], $0xffff  }
0x56: {  	v59 =	vimm.s32 $0x18;
	v12 =	vld.idx.msk [tilespmem:v43+s0+$0x0], $0xffff  }
0x57: {  	v13 =	vld.idx.msk [tilespmem:v43+s1+$0x0], $0xffff  }
0x58: {  	v60 =	vimm.s32 $0x20;
	v16 =	vld.idx.msk [tilespmem:v16+s23+$0x0], $0xffff  }
0x59: {  	v17 =	vld.idx.msk [tilespmem:v17+s23+$0x0], $0xffff  }
0x5a: {  	v48 =	vsub.f32 v3, v41;
	v3 =	vld.idx.msk [tilespmem:v45+s0+$0x0], $0xffff;
	v43 =	vsub.f32 v6, v2  }
0x5b: {  	v51 =	vsub.f32 v7, v41;
	v49 =	vsub.f32 v4, v42;
	v4 =	vld.idx.msk [tilespmem:v59+s23+$0x0], $0xffff  }
0x5c: {  	v44 =	vsub.f32 v10, v2;
	v6 =	vld.idx.msk [tilespmem:v45+s1+$0x0], $0xffff;
	v54 =	vsub.f32 v11, v41  }
0x5d: {  	v18 =	vmov s2;
	v45 =	vsub.f32 v14, v2;
	v46 =	vsub.f32 v5, v1;
	v5 =	vld.idx.msk [tilespmem:v60+s23+$0x0], $0xffff  }
0x5e: {  	v57 =	vsub.f32 v15, v41;
	v62 =	vmul.f32 v16, v48;
	v63 =	vmul.f32 v17, v49  }
0x5f: {  	v41 =	vsub.f32 v61, v2;
	v15 =	vimm.s32 $0x28;
	v52 =	vsub.f32 v8, v42  }
0x60: {  	v50 =	vsub.f32 v9, v1;
	v19 =	vmul.f32 v4, v46;
	v8 =	vadd.f32 v63, v62  }
0x61: {  	v53 =	vsub.f32 v12, v42;
	v55 =	vsub.f32 v3, v42;
	v59 =	vmul.f32 v16, v51  }
0x62: {  	v60 =	vmul.f32 v17, v52;
	v3 =	vmul.f32 v5, v43;
	v8 =	vadd.f32 v19, v8  }
0x63: {  	v10 =	vshll.u32 v18, $0x7;
	v47 =	vsub.f32 v13, v1;
	v42 =	vsub.f32 v6, v1  }
0x64: {  	v2 =	vadd.f32 v60, v59;
	v1 =	vadd.f32 v3, v8;
	v3 =	vmul.f32 v4, v50  }
0x65: {  	v61 =	vmul.u32 $0x80, v0;
	v62 =	vmul.f32 v16, v54;
	v63 =	vmul.f32 v17, v53  }
0x66: {  	v9 =	vld.idx.msk [tilespmem:v15+s23+$0x0], $0xffff;
	v2 =	vadd.f32 v3, v2;
	v3 =	vmul.f32 v16, v57;
	v16 =	vmul.f32 v17, v55  }
0x67: {  	v56 =	vor.u32 v61, v10;
	v18 =	vmul.f32 v4, v47;
	v7 =	vadd.f32 v63, v62  }
0x68: {  	v4 =	vmul.f32 v4, v42;
	v17 =	vmul.f32 v5, v44;
	v3 =	vadd.f32 v16, v3  }
0x69: {  	v58 =	vmul.f32 v5, v45;
	v59 =	vor.u32 $0x8, v56;
	v19 =	vadd.f32 v18, v7  }
0x6a: {  	v60 =	vmul.f32 v5, v41;
	v2 =	vadd.f32 v17, v2;
	v3 =	vadd.f32 v4, v3  }
0x6b: {  	v62 =	vor.u32 $0x10, v56;
	v1 =	vadd.f32 v1, v9;
	v61 =	vadd.f32 v58, v19  }
0x6c: {  	v63 =	vor.u32 $0x18, v56;
	v2 =	vadd.f32 v2, v9;
	v3 =	vadd.f32 v60, v3  }
0x6d: {  	v1 =	vmax.f32 v1, $0.0e+00;
	v5 =	vadd.f32 v61, v9  }
0x6e: {  	[tilespmem:v56+s24+$0x0] =	vst.idx.msk $0xffff, v1;
	v1 =	vmax.f32 v2, $0.0e+00;
	v2 =	vadd.f32 v3, v9;
	v3 =	vimm.s32 $0x19  }
0x6f: {  	[tilespmem:v59+s24+$0x0] =	vst.idx.msk $0xffff, v1;
	v1 =	vmax.f32 v5, $0.0e+00;
	v9 =	vimm.s32 $0x21  }
0x70: {  	[tilespmem:v62+s24+$0x0] =	vst.idx.msk $0xffff, v1;
	v1 =	vmax.f32 v2, $0.0e+00;
	v2 =	vimm.s32 $0x11  }
0x71: {  	[tilespmem:v63+s24+$0x0] =	vst.idx.msk $0xffff, v1;
	v1 =	vimm.s32 $0x9;
	_ =	sdelay $0x1  }
0x72: {  	v3 =	vld.idx.msk [tilespmem:v3+s23+$0x0], $0xffff  }
0x73: {  	v4 =	vld.idx.msk [tilespmem:v9+s23+$0x0], $0xffff  }
0x74: {  	v2 =	vld.idx.msk [tilespmem:v2+s23+$0x0], $0xffff  }
0x75: {  	v1 =	vld.idx.msk [tilespmem:v1+s23+$0x0], $0xffff;
	_ =	sdelay $0x2  }
0x76: {  	v19 =	vimm.s32 $0x29;
	v12 =	vmul.f32 v3, v46;
	v15 =	vmul.f32 v4, v43  }
0x77: {  	v16 =	vmul.f32 v3, v50;
	v58 =	vmul.f32 v4, v44  }
0x78: {  	v60 =	vor.u32 $0x1, v56;
	v11 =	vmul.f32 v2, v49;
	v10 =	vmul.f32 v1, v48  }
0x79: {  	v62 =	vor.u32 $0x9, v56;
	v14 =	vmul.f32 v2, v52;
	v13 =	vmul.f32 v1, v51  }
0x7a: {  	v18 =	vmul.f32 v2, v53;
	v17 =	vmul.f32 v1, v54;
	v5 =	vadd.f32 v11, v10  }
0x7b: {  	v2 =	vmul.f32 v2, v55;
	v1 =	vmul.f32 v1, v57;
	v7 =	vadd.f32 v14, v13;
	v10 =	vld.idx.msk [tilespmem:v19+s23+$0x0], $0xffff  }
0x7c: {  	v59 =	vmul.f32 v3, v47;
	v6 =	vadd.f32 v18, v17;
	v5 =	vadd.f32 v12, v5  }
0x7d: {  	v1 =	vadd.f32 v2, v1;
	v2 =	vmul.f32 v3, v42;
	v7 =	vadd.f32 v16, v7  }
0x7e: {  	v61 =	vmul.f32 v4, v45;
	v6 =	vadd.f32 v59, v6;
	v5 =	vadd.f32 v15, v5  }
0x7f: {  	v1 =	vadd.f32 v2, v1;
	v2 =	vmul.f32 v4, v41;
	v3 =	vadd.f32 v58, v7  }
0x80: {  	v12 =	vor.u32 $0x11, v56;
	v9 =	vadd.f32 v61, v6;
	v63 =	vadd.f32 v5, v10  }
0x81: {  	v1 =	vadd.f32 v2, v1;
	v2 =	vor.u32 $0x19, v56;
	v3 =	vadd.f32 v3, v10  }
0x82: {  	v5 =	vadd.f32 v9, v10;
	v4 =	vmax.f32 v63, $0.0e+00  }
0x83: {  	v1 =	vadd.f32 v1, v10;
	v3 =	vmax.f32 v3, $0.0e+00;
	[tilespmem:v60+s24+$0x0] =	vst.idx.msk $0xffff, v4  }
0x84: {  	v13 =	vimm.s32 $0x22;
	[tilespmem:v62+s24+$0x0] =	vst.idx.msk $0xffff, v3;
	v3 =	vmax.f32 v5, $0.0e+00  }
0x85: {  	v1 =	vmax.f32 v1, $0.0e+00;
	[tilespmem:v12+s24+$0x0] =	vst.idx.msk $0xffff, v3;
	v3 =	vimm.s32 $0x1A  }
0x86: {  	[tilespmem:v2+s24+$0x0] =	vst.idx.msk $0xffff, v1;
	v1 =	vimm.s32 $0xA  }
0x87: {  	v2 =	vimm.s32 $0x12;
	_ =	sdelay $0x1  }
0x88: {  	v4 =	vld.idx.msk [tilespmem:v13+s23+$0x0], $0xffff  }
0x89: {  	v3 =	vld.idx.msk [tilespmem:v3+s23+$0x0], $0xffff  }
0x8a: {  	v1 =	vld.idx.msk [tilespmem:v1+s23+$0x0], $0xffff  }
0x8b: {  	v2 =	vld.idx.msk [tilespmem:v2+s23+$0x0], $0xffff;
	_ =	sdelay $0x1  }
0x8c: {  	v19 =	vmul.f32 v4, v43  }
0x8d: {  	v61 =	vimm.s32 $0x2A;
	v62 =	vmul.f32 v4, v44;
	v13 =	vmul.f32 v4, v45  }
0x8e: {  	v16 =	vmul.f32 v3, v46;
	v58 =	vmul.f32 v3, v50  }
0x8f: {  	v14 =	vmul.f32 v1, v48;
	v15 =	vmul.f32 v2, v49  }
0x90: {  	v12 =	vor.u32 $0x2, v56;
	v17 =	vmul.f32 v1, v51;
	v18 =	vmul.f32 v2, v52  }
0x91: {  	v59 =	vmul.f32 v1, v54;
	v60 =	vmul.f32 v2, v53;
	v5 =	vadd.f32 v15, v14  }
0x92: {  	v10 =	vld.idx.msk [tilespmem:v61+s23+$0x0], $0xffff;
	v1 =	vmul.f32 v1, v57;
	v2 =	vmul.f32 v2, v55;
	v7 =	vadd.f32 v18, v17  }
0x93: {  	v63 =	vmul.f32 v3, v47;
	v6 =	vadd.f32 v60, v59;
	v5 =	vadd.f32 v16, v5  }
0x94: {  	v1 =	vadd.f32 v2, v1;
	v2 =	vmul.f32 v3, v42;
	v7 =	vadd.f32 v58, v7  }
0x95: {  	v14 =	vor.u32 $0xA, v56;
	v6 =	vadd.f32 v63, v6;
	v5 =	vadd.f32 v19, v5  }
0x96: {  	v1 =	vadd.f32 v2, v1;
	v2 =	vmul.f32 v4, v41;
	v3 =	vadd.f32 v62, v7  }
0x97: {  	v17 =	vor.u32 $0x12, v56;
	v16 =	vadd.f32 v13, v6;
	v15 =	vadd.f32 v5, v10  }
0x98: {  	v1 =	vadd.f32 v2, v1;
	v2 =	vor.u32 $0x1A, v56;
	v3 =	vadd.f32 v3, v10  }
0x99: {  	v5 =	vadd.f32 v16, v10;
	v4 =	vmax.f32 v15, $0.0e+00  }
0x9a: {  	v1 =	vadd.f32 v1, v10;
	v3 =	vmax.f32 v3, $0.0e+00;
	[tilespmem:v12+s24+$0x0] =	vst.idx.msk $0xffff, v4  }
0x9b: {  	v18 =	vimm.s32 $0x23;
	[tilespmem:v14+s24+$0x0] =	vst.idx.msk $0xffff, v3;
	v3 =	vmax.f32 v5, $0.0e+00  }
0x9c: {  	v1 =	vmax.f32 v1, $0.0e+00;
	[tilespmem:v17+s24+$0x0] =	vst.idx.msk $0xffff, v3;
	v3 =	vimm.s32 $0x1B  }
0x9d: {  	[tilespmem:v2+s24+$0x0] =	vst.idx.msk $0xffff, v1;
	v1 =	vimm.s32 $0xB  }
0x9e: {  	v2 =	vimm.s32 $0x13;
	_ =	sdelay $0x1  }
0x9f: {  	v4 =	vld.idx.msk [tilespmem:v18+s23+$0x0], $0xffff  }
0xa0: {  	v3 =	vld.idx.msk [tilespmem:v3+s23+$0x0], $0xffff  }
0xa1: {  	v1 =	vld.idx.msk [tilespmem:v1+s23+$0x0], $0xffff  }
0xa2: {  	v2 =	vld.idx.msk [tilespmem:v2+s23+$0x0], $0xffff;
	_ =	sdelay $0x1  }
0xa3: {  	v62 =	vmul.f32 v4, v43  }
0xa4: {  	v14 =	vimm.s32 $0x2B;
	v15 =	vmul.f32 v4, v44;
	v18 =	vmul.f32 v4, v45  }
0xa5: {  	v59 =	vmul.f32 v3, v46;
	v63 =	vmul.f32 v3, v50  }
0xa6: {  	v19 =	vmul.f32 v1, v48;
	v58 =	vmul.f32 v2, v49  }
0xa7: {  	v17 =	vor.u32 $0x3, v56;
	v60 =	vmul.f32 v1, v51;
	v61 =	vmul.f32 v2, v52  }
0xa8: {  	v12 =	vmul.f32 v1, v54;
	v13 =	vmul.f32 v2, v53;
	v5 =	vadd.f32 v58, v19  }
0xa9: {  	v10 =	vld.idx.msk [tilespmem:v14+s23+$0x0], $0xffff;
	v1 =	vmul.f32 v1, v57;
	v2 =	vmul.f32 v2, v55;
	v7 =	vadd.f32 v61, v60  }
0xaa: {  	v16 =	vmul.f32 v3, v47;
	v6 =	vadd.f32 v13, v12;
	v5 =	vadd.f32 v59, v5  }
0xab: {  	v1 =	vadd.f32 v2, v1;
	v2 =	vmul.f32 v3, v42;
	v7 =	vadd.f32 v63, v7  }
0xac: {  	v19 =	vor.u32 $0xB, v56;
	v6 =	vadd.f32 v16, v6;
	v5 =	vadd.f32 v62, v5  }
0xad: {  	v1 =	vadd.f32 v2, v1;
	v2 =	vmul.f32 v4, v41;
	v3 =	vadd.f32 v15, v7  }
0xae: {  	v60 =	vor.u32 $0x13, v56;
	v59 =	vadd.f32 v18, v6;
	v58 =	vadd.f32 v5, v10  }
0xaf: {  	v1 =	vadd.f32 v2, v1;
	v2 =	vor.u32 $0x1B, v56;
	v3 =	vadd.f32 v3, v10  }
0xb0: {  	v5 =	vadd.f32 v59, v10;
	v4 =	vmax.f32 v58, $0.0e+00  }
0xb1: {  	v1 =	vadd.f32 v1, v10;
	v3 =	vmax.f32 v3, $0.0e+00;
	[tilespmem:v17+s24+$0x0] =	vst.idx.msk $0xffff, v4  }
0xb2: {  	[tilespmem:v19+s24+$0x0] =	vst.idx.msk $0xffff, v3;
	v3 =	vmax.f32 v5, $0.0e+00  }
0xb3: {  	v1 =	vmax.f32 v1, $0.0e+00;
	[tilespmem:v60+s24+$0x0] =	vst.idx.msk $0xffff, v3  }
0xb4: {  	[tilespmem:v2+s24+$0x0] =	vst.idx.msk $0xffff, v1;
	v1 =	vimm.s32 $0xC  }
0xb5: {  	v2 =	vimm.s32 $0x14;
	_ =	sdelay $0x1  }
0xb6: {  	v3 =	vld.idx.msk [tilespmem:v23+s23+$0x0], $0xffff  }
0xb7: {  	v4 =	vld.idx.msk [tilespmem:v24+s23+$0x0], $0xffff  }
0xb8: {  	v1 =	vld.idx.msk [tilespmem:v1+s23+$0x0], $0xffff  }
0xb9: {  	v2 =	vld.idx.msk [tilespmem:v2+s23+$0x0], $0xffff;
	_ =	sdelay $0x1  }
0xba: {  	v63 =	vmul.f32 v3, v46  }
0xbb: {  	v14 =	vmul.f32 v4, v43;
	v15 =	vmul.f32 v3, v50  }
0xbc: {  	v19 =	vmul.f32 v4, v44;
	v58 =	vmul.f32 v3, v47  }
0xbd: {  	v61 =	vmul.f32 v1, v48;
	v62 =	vmul.f32 v2, v49  }
0xbe: {  	v59 =	vor.u32 $0x4, v56;
	v12 =	vmul.f32 v1, v51;
	v13 =	vmul.f32 v2, v52  }
0xbf: {  	v16 =	vmul.f32 v1, v54;
	v17 =	vmul.f32 v2, v53;
	v5 =	vadd.f32 v62, v61  }
0xc0: {  	v18 =	vld.idx.msk [tilespmem:v25+s23+$0x0], $0xffff;
	v1 =	vmul.f32 v1, v57;
	v2 =	vmul.f32 v2, v55;
	v7 =	vadd.f32 v13, v12  }
0xc1: {  	v60 =	vmul.f32 v4, v45;
	v6 =	vadd.f32 v17, v16;
	v5 =	vadd.f32 v63, v5  }
0xc2: {  	v1 =	vadd.f32 v2, v1;
	v2 =	vmul.f32 v3, v42;
	v7 =	vadd.f32 v15, v7  }
0xc3: {  	v61 =	vor.u32 $0xC, v56;
	v6 =	vadd.f32 v58, v6;
	v5 =	vadd.f32 v14, v5  }
0xc4: {  	v1 =	vadd.f32 v2, v1;
	v2 =	vmul.f32 v4, v41;
	v3 =	vadd.f32 v19, v7  }
0xc5: {  	v9 =	vor.u32 $0x14, v56;
	v63 =	vadd.f32 v60, v6;
	v62 =	vadd.f32 v5, v18  }
0xc6: {  	v1 =	vadd.f32 v2, v1;
	v2 =	vor.u32 $0x1C, v56;
	v3 =	vadd.f32 v3, v18  }
0xc7: {  	v5 =	vadd.f32 v63, v18;
	v4 =	vmax.f32 v62, $0.0e+00  }
0xc8: {  	v1 =	vadd.f32 v1, v18;
	v3 =	vmax.f32 v3, $0.0e+00;
	[tilespmem:v59+s24+$0x0] =	vst.idx.msk $0xffff, v4  }
0xc9: {  	[tilespmem:v61+s24+$0x0] =	vst.idx.msk $0xffff, v3;
	v3 =	vmax.f32 v5, $0.0e+00  }
0xca: {  	v1 =	vmax.f32 v1, $0.0e+00;
	[tilespmem:v9+s24+$0x0] =	vst.idx.msk $0xffff, v3  }
0xcb: {  	[tilespmem:v2+s24+$0x0] =	vst.idx.msk $0xffff, v1  }
0xcc: {  	v1 =	vld.idx.msk [tilespmem:v26+s23+$0x0], $0xffff  }
0xcd: {  	v2 =	vld.idx.msk [tilespmem:v27+s23+$0x0], $0xffff  }
0xce: {  	v3 =	vld.idx.msk [tilespmem:v28+s23+$0x0], $0xffff  }
0xcf: {  	v4 =	vld.idx.msk [tilespmem:v29+s23+$0x0], $0xffff;
	_ =	sdelay $0x2  }
0xd0: {  	v11 =	vmul.f32 v1, v48;
	v12 =	vmul.f32 v2, v49  }
0xd1: {  	v13 =	vmul.f32 v3, v46;
	v14 =	vmul.f32 v1, v51  }
0xd2: {  	v63 =	vor.u32 $0xD, v56;
	v15 =	vmul.f32 v2, v52;
	v16 =	vmul.f32 v4, v43  }
0xd3: {  	v61 =	vor.u32 $0x5, v56;
	v17 =	vmul.f32 v3, v50;
	v18 =	vmul.f32 v1, v54  }
0xd4: {  	v19 =	vmul.f32 v2, v53;
	v1 =	vmul.f32 v1, v57;
	v5 =	vadd.f32 v12, v11  }
0xd5: {  	v58 =	vld.idx.msk [tilespmem:v30+s23+$0x0], $0xffff;
	v2 =	vmul.f32 v2, v55;
	v59 =	vmul.f32 v4, v44;
	v7 =	vadd.f32 v15, v14  }
0xd6: {  	v60 =	vmul.f32 v3, v47;
	v6 =	vadd.f32 v19, v18;
	v5 =	vadd.f32 v13, v5  }
0xd7: {  	v1 =	vadd.f32 v2, v1;
	v2 =	vmul.f32 v3, v42;
	v7 =	vadd.f32 v17, v7  }
0xd8: {  	v62 =	vmul.f32 v4, v45;
	v6 =	vadd.f32 v60, v6;
	v5 =	vadd.f32 v16, v5  }
0xd9: {  	v1 =	vadd.f32 v2, v1;
	v2 =	vmul.f32 v4, v41;
	v3 =	vadd.f32 v59, v7  }
0xda: {  	v14 =	vor.u32 $0x15, v56;
	v13 =	vadd.f32 v62, v6;
	v12 =	vadd.f32 v5, v58  }
0xdb: {  	v1 =	vadd.f32 v2, v1;
	v2 =	vor.u32 $0x1D, v56;
	v3 =	vadd.f32 v3, v58  }
0xdc: {  	v5 =	vadd.f32 v13, v58;
	v4 =	vmax.f32 v12, $0.0e+00  }
0xdd: {  	v1 =	vadd.f32 v1, v58;
	v3 =	vmax.f32 v3, $0.0e+00;
	[tilespmem:v61+s24+$0x0] =	vst.idx.msk $0xffff, v4  }
0xde: {  	[tilespmem:v63+s24+$0x0] =	vst.idx.msk $0xffff, v3;
	v3 =	vmax.f32 v5, $0.0e+00  }
0xdf: {  	v1 =	vmax.f32 v1, $0.0e+00;
	[tilespmem:v14+s24+$0x0] =	vst.idx.msk $0xffff, v3  }
0xe0: {  	[tilespmem:v2+s24+$0x0] =	vst.idx.msk $0xffff, v1  }
0xe1: {  	v1 =	vld.idx.msk [tilespmem:v31+s23+$0x0], $0xffff  }
0xe2: {  	v2 =	vld.idx.msk [tilespmem:v32+s23+$0x0], $0xffff  }
0xe3: {  	v3 =	vld.idx.msk [tilespmem:v33+s23+$0x0], $0xffff  }
0xe4: {  	v4 =	vld.idx.msk [tilespmem:v34+s23+$0x0], $0xffff;
	_ =	sdelay $0x2  }
0xe5: {  	v15 =	vmul.f32 v1, v48;
	v16 =	vmul.f32 v2, v49  }
0xe6: {  	v17 =	vmul.f32 v1, v51;
	v18 =	vmul.f32 v2, v52  }
0xe7: {  	v19 =	vmul.f32 v3, v46;
	v58 =	vmul.f32 v4, v43  }
0xe8: {  	v59 =	vmul.f32 v3, v50;
	v60 =	vmul.f32 v4, v44  }
0xe9: {  	v61 =	vmul.f32 v1, v54;
	v62 =	vmul.f32 v2, v53  }
0xea: {  	v1 =	vmul.f32 v1, v57;
	v2 =	vmul.f32 v2, v55;
	v5 =	vadd.f32 v16, v15  }
0xeb: {  	v63 =	vld.idx.msk [tilespmem:v35+s23+$0x0], $0xffff;
	v12 =	vmul.f32 v3, v47;
	v13 =	vmul.f32 v4, v45;
	v7 =	vadd.f32 v18, v17  }
0xec: {  	v4 =	vmul.f32 v4, v41;
	v6 =	vadd.f32 v62, v61;
	v5 =	vadd.f32 v19, v5  }
0xed: {  	v1 =	vadd.f32 v2, v1;
	v2 =	vmul.f32 v3, v42;
	v7 =	vadd.f32 v59, v7  }
0xee: {  	v3 =	vor.u32 $0x6, v56;
	v6 =	vadd.f32 v12, v6;
	v5 =	vadd.f32 v58, v5  }
0xef: {  	v1 =	vadd.f32 v2, v1;
	v2 =	vor.u32 $0xE, v56;
	v7 =	vadd.f32 v60, v7  }
0xf0: {  	v14 =	vor.u32 $0x16, v56;
	v6 =	vadd.f32 v13, v6;
	v5 =	vadd.f32 v5, v63  }
0xf1: {  	v15 =	vor.u32 $0x1E, v56;
	v1 =	vadd.f32 v4, v1;
	v7 =	vadd.f32 v7, v63  }
0xf2: {  	v6 =	vadd.f32 v6, v63;
	v5 =	vmax.f32 v5, $0.0e+00  }
0xf3: {  	v1 =	vadd.f32 v1, v63;
	[tilespmem:v3+s24+$0x0] =	vst.idx.msk $0xffff, v5;
	v3 =	vmax.f32 v7, $0.0e+00  }
0xf4: {  	[tilespmem:v2+s24+$0x0] =	vst.idx.msk $0xffff, v3;
	v2 =	vmax.f32 v6, $0.0e+00  }
0xf5: {  	v1 =	vmax.f32 v1, $0.0e+00;
	[tilespmem:v14+s24+$0x0] =	vst.idx.msk $0xffff, v2  }
0xf6: {  	[tilespmem:v15+s24+$0x0] =	vst.idx.msk $0xffff, v1  }
0xf7: {  	v1 =	vld.idx.msk [tilespmem:v36+s23+$0x0], $0xffff  }
0xf8: {  	v2 =	vld.idx.msk [tilespmem:v37+s23+$0x0], $0xffff;
	_ =	sdelay $0x1  }
0xf9: {  	v3 =	vld.idx.msk [tilespmem:v38+s23+$0x0], $0xffff;
	_ =	sdelay $0x1  }
0xfa: {  	v4 =	vld.idx.msk [tilespmem:v39+s23+$0x0], $0xffff  }
0xfb: {  	v16 =	vmul.f32 v1, v48;
	v17 =	vmul.f32 v2, v49  }
0xfc: {  	v18 =	vmul.f32 v1, v51;
	v19 =	vmul.f32 v2, v52  }
0xfd: {  	v61 =	vor.u32 $0xF, v56;
	v48 =	vmul.f32 v3, v46;
	v49 =	vmul.f32 v1, v54  }
0xfe: {  	v59 =	vor.u32 $0x7, v56;
	v1 =	vmul.f32 v1, v57;
	v51 =	vmul.f32 v3, v50  }
0xff: {  	v52 =	vmul.f32 v4, v43;
	v53 =	vmul.f32 v2, v53;
	v5 =	vadd.f32 v17, v16  }
0x100: {  	v2 =	vmul.f32 v2, v55;
	v54 =	vld.idx.msk [tilespmem:v40+s23+$0x0], $0xffff;
	v55 =	vmul.f32 v4, v44;
	v7 =	vadd.f32 v19, v18  }
0x101: {  	v58 =	vmul.f32 v3, v47;
	v57 =	vadd.f32 v53, v49;
	v5 =	vadd.f32 v48, v5  }
0x102: {  	v1 =	vadd.f32 v2, v1;
	v2 =	vmul.f32 v3, v42;
	v7 =	vadd.f32 v51, v7  }
0x103: {  	v60 =	vmul.f32 v4, v45;
	v3 =	vadd.f32 v58, v57;
	v5 =	vadd.f32 v52, v5  }
0x104: {  	v1 =	vadd.f32 v2, v1;
	v2 =	vmul.f32 v4, v41;
	v7 =	vadd.f32 v55, v7  }
0x105: {  	s26 =	sadd.s32 $0x1, s26;
	v62 =	vor.u32 $0x17, v56;
	v3 =	vadd.f32 v60, v3;
	v5 =	vadd.f32 v5, v54  }
0x106: {  	p0 =	sne.s32 s26, $0x8;
	v63 =	vor.u32 $0x1F, v56;
	v1 =	vadd.f32 v2, v1;
	v2 =	vadd.f32 v7, v54  }
.Ltmp4:
0x107: {  	v3 =	vadd.f32 v3, v54;
	v5 =	vmax.f32 v5, $0.0e+00;
	(pc) =	sbr.rel @!p0 .LBB2_14-.Ltmp4, $4  }
0x108: {  	s3 =	simm.s32 $0x1000;
	v1 =	vadd.f32 v1, v54;
	v2 =	vmax.f32 v2, $0.0e+00;
	[tilespmem:v59+s24+$0x0] =	vst.idx.msk $0xffff, v5  }
0x109: {  	s4 =	simm.s32 $0x2000;
	s11 =	sadd.s32 $0x1, s11;
	s12 =	sadd.s32 $0x10, s12;
	[tilespmem:v61+s24+$0x0] =	vst.idx.msk $0xffff, v2;
	v2 =	vmax.f32 v3, $0.0e+00  }
0x10a: {  	s14 =	sadd.s32 $0x10, s14;
	s13 =	sadd.s32 $0x10, s13;
	s31 =	sadd.s32 $0x1, s31;
	v1 =	vmax.f32 v1, $0.0e+00;
	[tilespmem:v62+s24+$0x0] =	vst.idx.msk $0xffff, v2  }
0x10b: {  	s30 =	sadd.s32 $0x10, s30;
	s29 =	sadd.s32 $0x10, s29;
	s28 =	sadd.s32 $0x10, s28;
	[tilespmem:v63+s24+$0x0] =	vst.idx.msk $0xffff, v1  }
.LBB2_4:
0x10c: {  	s2 =	sshll.u32 s26, $0x4;
	s0 =	rddreg [dreg:$0x7]  }
0x10d: {  	s3 =	sor.u32 s0, s2  }
0x10e: {  	s4 =	sshrl.u32 s3, $0x4  }
0x10f: {  	s9 =	sand.u32 $0xFE, s4  }
0x110: {  	p0 =	seq.s32 s9, $0x0  }
.Ltmp5:
0x111: {  	_ = 	snop;
	(pc) =	sbr.rel @p0 .LBB2_5-.Ltmp5, $3  }
0x112: {  	_ =	sdelay $0x1  }
0x113: {  	v41 =	vld [tilespmem:s3+$0x0]  }
0x114: {  	v42 =	vld [tilespmem:s3+$0x1000]  }
0x115: {  	v48 =	vimm.f32 $+Inf;
	v49 =	vimm.s32 $0x0  }
0x116: {  	s10 =	simm.s32 $0x0;
	v44 =	vimm.s32 $0x0;
	v45 =	vimm.s32 $0x0;
	v43 =	vimm.s32 $0x0  }
0x117: {  	s0 =	simm.s32 $0x1F;
	s6 =	simm.s32 $0x1010;
	s15 =	simm.s32 $0x10;
	v50 =	vimm.f32 $+Inf;
	v47 =	vimm.f32 $+Inf;
	v46 =	vimm.f32 $+Inf  }
.LBB2_17:
0x118: {  	v9 =	vld [tilespmem:s15+$0xFFFFFFF0]  }
0x119: {  	v10 =	vld [tilespmem:s6+$0xFFFFFFF0];
	_ =	sdelay $0x4  }
0x11a: {  	v1 =	vbroadcast v9, $0x0;
	v2 =	vbroadcast v10, $0x0  }
0x11b: {  	v3 =	vbroadcast v9, $0x1;
	v4 =	vbroadcast v10, $0x1  }
0x11c: {  	v5 =	vbroadcast v9, $0x2;
	v6 =	vbroadcast v10, $0x2  }
0x11d: {  	v7 =	vbroadcast v9, $0x3;
	v53 =	vbroadcast v9, $0x4  }
0x11e: {  	v8 =	vbroadcast v10, $0x4;
	v12 =	vbroadcast v9, $0x5  }
0x11f: {  	v13 =	vbroadcast v10, $0x5;
	v56 =	vbroadcast v10, $0x6  }
0x120: {  	v57 =	vbroadcast v10, $0x7;
	v58 =	vbroadcast v9, $0x8  }
0x121: {  	v15 =	vbroadcast v10, $0x8;
	v59 =	vbroadcast v9, $0x9;
	v1 =	vsub.f32 v1, v41  }
0x122: {  	v60 =	vbroadcast v10, $0x9;
	v2 =	vsub.f32 v2, v42;
	v3 =	vsub.f32 v3, v41  }
0x123: {  	v61 =	vbroadcast v9, $0xA;
	v4 =	vsub.f32 v4, v42;
	v5 =	vsub.f32 v5, v41  }
0x124: {  	v17 =	vbroadcast v10, $0xA;
	v6 =	vsub.f32 v6, v42;
	v52 =	vsub.f32 v7, v41  }
0x125: {  	v18 =	vbroadcast v9, $0xB;
	v7 =	vsub.f32 v53, v41;
	v8 =	vsub.f32 v8, v42  }
0x126: {  	v51 =	vbroadcast v10, $0xB;
	v12 =	vsub.f32 v12, v41;
	v13 =	vsub.f32 v13, v42  }
0x127: {  	v15 =	vsub.f32 v15, v42;
	v1 =	vmul.f32 v1, v1;
	v2 =	vmul.f32 v2, v2  }
0x128: {  	v17 =	vsub.f32 v17, v42;
	v3 =	vmul.f32 v3, v3;
	v4 =	vmul.f32 v4, v4  }
0x129: {  	v18 =	vsub.f32 v18, v41;
	v5 =	vmul.f32 v5, v5;
	v54 =	vmul.f32 v8, v8  }
0x12a: {  	v51 =	vsub.f32 v51, v42;
	v55 =	vmul.f32 v13, v13;
	v62 =	vmul.f32 v17, v17  }
0x12b: {  	v13 =	vsub.f32 v58, v41;
	v63 =	vmul.f32 v18, v18;
	v58 =	vbroadcast v9, $0xC  }
0x12c: {  	v11 =	vadd.f32 v2, v1;
	v1 =	vmul.f32 v6, v6;
	v2 =	vbroadcast v10, $0x3  }
0x12d: {  	v6 =	vmul.f32 v52, v52;
	v14 =	vadd.f32 v4, v3;
	v3 =	vmul.f32 v7, v7  }
0x12e: {  	v4 =	vsub.f32 v57, v42;
	v57 =	vmul.f32 v51, v51;
	v2 =	vsub.f32 v2, v42  }
0x12f: {  	v52 =	vbroadcast v10, $0xE;
	v8 =	vadd.f32 v1, v5;
	v1 =	vmul.f32 v12, v12  }
0x130: {  	v12 =	vsub.f32 v56, v42;
	v16 =	vmul.f32 v4, v4;
	v2 =	vmul.f32 v2, v2  }
0x131: {  	v52 =	vsub.f32 v52, v42;
	vm0 =	vlt.f32 v11, v50;
	vm1 =	vlt.f32 v11, v48  }
0x132: {  	vm2 =	vlt.f32 v11, v47;
	v7 =	vadd.f32 v2, v6;
	v2 =	vbroadcast v9, $0x6  }
0x133: {  	vm12 =	vlt.f32 v11, v46;
	v19 =	vsel vm0, v50, v11;
	v12 =	vmul.f32 v12, v12  }
0x134: {  	v6 =	vadd.f32 v54, v3;
	v3 =	vbroadcast v9, $0x7;
	v2 =	vsub.f32 v2, v41  }
0x135: {  	v5 =	vadd.f32 v55, v1;
	v1 =	vmul.f32 v13, v13;
	v13 =	vsub.f32 v59, v41  }
0x136: {  	s1 =	sadd.s32 $0xFFFFFFE1, s0;
	v59 =	vbroadcast v10, $0xC;
	v3 =	vsub.f32 v3, v41;
	v2 =	vmul.f32 v2, v2  }
0x137: {  	v56 =	vnsel vm0, s1, v44;
	v18 =	vmul.f32 v52, v52;
	v13 =	vmul.f32 v13, v13  }
0x138: {  	v54 =	vadd.f32 v57, v63;
	v3 =	vmul.f32 v3, v3;
	v4 =	vadd.f32 v12, v2  }
0x139: {  	v2 =	vmul.f32 v15, v15;
	v12 =	vsub.f32 v60, v42;
	v15 =	vsub.f32 v61, v41  }
0x13a: {  	v3 =	vadd.f32 v16, v3;
	v61 =	vbroadcast v10, $0xD;
	v10 =	vbroadcast v10, $0xF  }
0x13b: {  	v12 =	vmul.f32 v12, v12;
	v15 =	vmul.f32 v15, v15;
	v2 =	vadd.f32 v2, v1  }
0x13c: {  	v57 =	vsel vm2, v47, v11;
	v16 =	vsub.f32 v61, v42;
	v10 =	vsub.f32 v10, v42  }
0x13d: {  	v60 =	vbroadcast v9, $0xD;
	v1 =	vadd.f32 v12, v13;
	v55 =	vadd.f32 v62, v15  }
0x13e: {  	v12 =	vsub.f32 v58, v41;
	v13 =	vsub.f32 v59, v42;
	v62 =	vbroadcast v9, $0xE  }
0x13f: {  	v15 =	vsub.f32 v60, v41;
	v16 =	vmul.f32 v16, v16;
	v9 =	vbroadcast v9, $0xF  }
0x140: {  	v10 =	vmul.f32 v10, v10;
	v58 =	vnsel vm2, s1, v45;
	v59 =	vsel vm12, v46, v11  }
0x141: {  	v60 =	vnsel vm12, s1, v43;
	v11 =	vsel vm12, v11, v46;
	v61 =	vsel vm2, v59, v47  }
0x142: {  	vm14 =	vlt.f32 v14, v11;
	v12 =	vmul.f32 v12, v12;
	v13 =	vmul.f32 v13, v13  }
0x143: {  	v51 =	vsub.f32 v62, v41;
	v15 =	vmul.f32 v15, v15;
	vm3 =	vlt.f32 v14, v61  }
0x144: {  	v9 =	vsub.f32 v9, v41;
	v62 =	vsel vm2, v60, v45;
	v47 =	vsel vm3, v61, v14  }
0x145: {  	v63 =	vmul.f32 v51, v51;
	v53 =	vadd.f32 v13, v12;
	v52 =	vadd.f32 v16, v15  }
0x146: {  	s20 =	sadd.s32 $0xFFFFFFE2, s0;
	v9 =	vmul.f32 v9, v9;
	v12 =	vsel vm1, v19, v48;
	v13 =	vsel vm1, v56, v49  }
0x147: {  	v15 =	vsel vm0, v57, v50;
	v16 =	vsel vm0, v58, v44;
	v48 =	vnsel vm3, s20, v62  }
0x148: {  	v49 =	vsel vm14, v11, v14;
	v11 =	vsel vm14, v14, v11;
	vm13 =	vlt.f32 v14, v15  }
0x149: {  	vm15 =	vlt.f32 v14, v12;
	vm6 =	vlt.f32 v8, v11;
	v51 =	vadd.f32 v18, v63  }
0x14a: {  	v44 =	vadd.f32 v10, v9;
	v63 =	vsel vm12, s1, v43;
	v45 =	vsel vm13, v15, v14  }
0x14b: {  	v46 =	vnsel vm13, s20, v16;
	v15 =	vsel vm13, v47, v15;
	v16 =	vsel vm13, v48, v16  }
0x14c: {  	v9 =	vsel vm3, v49, v61;
	v61 =	vsel vm6, v11, v8;
	v12 =	vsel vm15, v45, v12  }
0x14d: {  	v13 =	vsel vm15, v46, v13;
	v50 =	vnsel vm14, s20, v63;
	v56 =	vsel vm14, s20, v63  }
0x14e: {  	s21 =	sadd.s32 $0xFFFFFFE3, s0;
	vm7 =	vlt.f32 v8, v9;
	vm8 =	vlt.f32 v8, v15;
	v10 =	vsel vm3, v50, v62  }
0x14f: {  	vm9 =	vlt.f32 v8, v12;
	v57 =	vsel vm8, v15, v8;
	v58 =	vnsel vm8, s21, v16  }
0x150: {  	v59 =	vsel vm7, v9, v8;
	v62 =	vnsel vm6, s21, v56;
	v9 =	vsel vm7, v61, v9  }
0x151: {  	v8 =	vsel vm6, v8, v11;
	v63 =	vsel vm6, s21, v56;
	v12 =	vsel vm9, v57, v12  }
0x152: {  	v13 =	vsel vm9, v58, v13;
	v15 =	vsel vm8, v59, v15;
	v60 =	vnsel vm7, s21, v10  }
0x153: {  	v10 =	vsel vm7, v62, v10;
	vm11 =	vlt.f32 v7, v8;
	vm13 =	vlt.f32 v7, v9  }
0x154: {  	s25 =	sadd.s32 $0xFFFFFFE4, s0;
	v16 =	vsel vm8, v60, v16;
	vm10 =	vlt.f32 v7, v15;
	vm12 =	vlt.f32 v7, v12  }
0x155: {  	v43 =	vsel vm13, v9, v7;
	v45 =	vnsel vm13, s25, v10;
	v47 =	vsel vm11, v8, v7  }
0x156: {  	v48 =	vnsel vm11, s25, v63;
	v50 =	vsel vm11, s25, v63;
	v18 =	vsel vm10, v15, v7  }
0x157: {  	v19 =	vnsel vm10, s25, v16;
	v14 =	vsel vm10, v43, v15;
	v46 =	vsel vm10, v45, v16  }
0x158: {  	v9 =	vsel vm13, v47, v9;
	v7 =	vsel vm11, v7, v8;
	v49 =	vsel vm13, v48, v10  }
0x159: {  	v12 =	vsel vm12, v18, v12;
	v13 =	vsel vm12, v19, v13;
	vm14 =	vlt.f32 v6, v7  }
0x15a: {  	s5 =	sadd.s32 $0xFFFFFFE5, s0;
	vm15 =	vlt.f32 v6, v9;
	vm6 =	vlt.f32 v6, v14;
	vm7 =	vlt.f32 v6, v12  }
0x15b: {  	v56 =	vsel vm6, v14, v6;
	v57 =	vnsel vm6, s5, v46;
	v58 =	vsel vm15, v9, v6  }
0x15c: {  	v61 =	vnsel vm15, s5, v49;
	v62 =	vsel vm14, v7, v6;
	v63 =	vnsel vm14, s5, v50  }
0x15d: {  	v6 =	vsel vm14, v6, v7;
	v18 =	vsel vm14, s5, v50;
	v11 =	vsel vm7, v56, v12  }
0x15e: {  	v59 =	vsel vm7, v57, v13;
	v60 =	vsel vm6, v58, v14;
	v14 =	vsel vm6, v61, v46  }
0x15f: {  	v9 =	vsel vm15, v62, v9;
	v8 =	vsel vm15, v63, v49;
	vm9 =	vlt.f32 v5, v6  }
0x160: {  	s8 =	sadd.s32 $0xFFFFFFE6, s0;
	vm8 =	vlt.f32 v5, v60;
	vm10 =	vlt.f32 v5, v11;
	vm11 =	vlt.f32 v5, v9  }
0x161: {  	v48 =	vsel vm9, v6, v5;
	v49 =	vnsel vm9, s8, v18;
	v7 =	vsel vm9, s8, v18  }
0x162: {  	v19 =	vsel vm8, v60, v5;
	v43 =	vnsel vm8, s8, v14;
	v45 =	vsel vm11, v9, v5  }
0x163: {  	v46 =	vnsel vm11, s8, v8;
	v9 =	vsel vm11, v48, v9;
	v5 =	vsel vm9, v5, v6  }
0x164: {  	v50 =	vsel vm11, v49, v8;
	v10 =	vsel vm10, v19, v11;
	v11 =	vsel vm10, v43, v59  }
0x165: {  	v12 =	vsel vm8, v45, v60;
	v47 =	vsel vm8, v46, v14;
	vm12 =	vlt.f32 v4, v5  }
0x166: {  	s16 =	sadd.s32 $0xFFFFFFE7, s0;
	vm13 =	vlt.f32 v4, v9;
	vm14 =	vlt.f32 v4, v12;
	vm15 =	vlt.f32 v4, v10  }
0x167: {  	v58 =	vsel vm13, v9, v4;
	v61 =	vnsel vm13, s16, v50;
	v62 =	vsel vm12, v5, v4  }
0x168: {  	v63 =	vnsel vm12, s16, v7;
	v18 =	vsel vm12, s16, v7;
	v56 =	vsel vm14, v12, v4  }
0x169: {  	v57 =	vnsel vm14, s16, v47;
	v60 =	vsel vm14, v58, v12;
	v12 =	vsel vm14, v61, v47  }
0x16a: {  	v9 =	vsel vm13, v62, v9;
	v6 =	vsel vm13, v63, v50;
	v4 =	vsel vm12, v4, v5  }
0x16b: {  	v8 =	vsel vm15, v56, v10;
	v59 =	vsel vm15, v57, v11;
	vm6 =	vlt.f32 v3, v60  }
0x16c: {  	s17 =	sadd.s32 $0xFFFFFFE8, s0;
	vm7 =	vlt.f32 v3, v4;
	vm9 =	vlt.f32 v3, v9;
	vm8 =	vlt.f32 v3, v8  }
0x16d: {  	v19 =	vsel vm6, v60, v3;
	v43 =	vnsel vm6, s17, v12;
	v45 =	vsel vm9, v9, v3  }
0x16e: {  	v46 =	vnsel vm9, s17, v6;
	v48 =	vsel vm7, v4, v3;
	v49 =	vnsel vm7, s17, v18  }
0x16f: {  	v3 =	vsel vm7, v3, v4;
	v5 =	vsel vm7, s17, v18;
	v7 =	vsel vm8, v19, v8  }
0x170: {  	v8 =	vsel vm8, v43, v59;
	v10 =	vsel vm6, v45, v60;
	v47 =	vsel vm6, v46, v12  }
0x171: {  	v9 =	vsel vm9, v48, v9;
	v50 =	vsel vm9, v49, v6;
	vm10 =	vlt.f32 v2, v3  }
0x172: {  	s18 =	sadd.s32 $0xFFFFFFE9, s0;
	vm11 =	vlt.f32 v2, v9;
	vm12 =	vlt.f32 v2, v10;
	vm13 =	vlt.f32 v2, v7  }
0x173: {  	v62 =	vsel vm10, v3, v2;
	v63 =	vnsel vm10, s18, v5;
	v56 =	vsel vm12, v10, v2  }
0x174: {  	v57 =	vnsel vm12, s18, v47;
	v58 =	vsel vm11, v9, v2;
	v61 =	vnsel vm11, s18, v50  }
0x175: {  	v9 =	vsel vm11, v62, v9;
	v4 =	vsel vm11, v63, v50;
	v2 =	vsel vm10, v2, v3  }
0x176: {  	v3 =	vsel vm10, s18, v5;
	v6 =	vsel vm13, v56, v7;
	v59 =	vsel vm13, v57, v8  }
0x177: {  	v60 =	vsel vm12, v58, v10;
	v10 =	vsel vm12, v61, v47;
	vm15 =	vlt.f32 v1, v2  }
0x178: {  	s19 =	sadd.s32 $0xFFFFFFEA, s0;
	vm7 =	vlt.f32 v1, v9;
	vm14 =	vlt.f32 v1, v60;
	vm6 =	vlt.f32 v1, v6  }
0x179: {  	v13 =	vsel vm7, v9, v1;
	v14 =	vnsel vm7, s19, v4;
	v16 =	vsel vm15, v2, v1  }
0x17a: {  	v17 =	vnsel vm15, s19, v3;
	v3 =	vsel vm15, s19, v3;
	v11 =	vsel vm14, v60, v1  }
0x17b: {  	v12 =	vnsel vm14, s19, v10;
	v7 =	vsel vm14, v13, v60;
	v15 =	vsel vm14, v14, v10  }
0x17c: {  	v9 =	vsel vm7, v16, v9;
	v1 =	vsel vm15, v1, v2;
	v2 =	vsel vm7, v17, v4  }
0x17d: {  	v5 =	vsel vm6, v11, v6;
	v6 =	vsel vm6, v12, v59;
	vm8 =	vlt.f32 v55, v1  }
0x17e: {  	s20 =	sadd.s32 $0xFFFFFFEB, s0;
	vm9 =	vlt.f32 v55, v9;
	vm10 =	vlt.f32 v55, v7;
	vm11 =	vlt.f32 v55, v5  }
0x17f: {  	v18 =	vsel vm10, v7, v55;
	v19 =	vnsel vm10, s20, v15;
	v43 =	vsel vm9, v9, v55  }
0x180: {  	v47 =	vnsel vm9, s20, v2;
	v48 =	vsel vm8, v1, v55;
	v49 =	vnsel vm8, s20, v3  }
0x181: {  	v1 =	vsel vm8, v55, v1;
	v3 =	vsel vm8, s20, v3;
	v4 =	vsel vm11, v18, v5  }
0x182: {  	v45 =	vsel vm11, v19, v6;
	v46 =	vsel vm10, v43, v7;
	v7 =	vsel vm10, v47, v15  }
0x183: {  	v50 =	vsel vm9, v48, v9;
	v2 =	vsel vm9, v49, v2;
	vm13 =	vlt.f32 v54, v1  }
0x184: {  	s21 =	sadd.s32 $0xFFFFFFEC, s0;
	vm12 =	vlt.f32 v54, v46;
	vm14 =	vlt.f32 v54, v4;
	vm15 =	vlt.f32 v54, v50  }
0x185: {  	v59 =	vsel vm13, v1, v54;
	v60 =	vnsel vm13, s21, v3;
	v1 =	vsel vm13, v54, v1  }
0x186: {  	v3 =	vsel vm13, s21, v3;
	v55 =	vsel vm12, v46, v54;
	v56 =	vnsel vm12, s21, v7  }
0x187: {  	v57 =	vsel vm15, v50, v54;
	v58 =	vnsel vm15, s21, v2;
	v8 =	vsel vm15, v59, v50  }
0x188: {  	v2 =	vsel vm15, v60, v2;
	vm6 =	vlt.f32 v53, v1;
	v4 =	vsel vm14, v55, v4  }
0x189: {  	s25 =	sadd.s32 $0xFFFFFFED, s0;
	v5 =	vsel vm14, v56, v45;
	v6 =	vsel vm12, v57, v46;
	v7 =	vsel vm12, v58, v7  }
0x18a: {  	vm7 =	vlt.f32 v53, v8;
	v12 =	vsel vm6, v1, v53;
	v13 =	vnsel vm6, s25, v3  }
0x18b: {  	v1 =	vsel vm6, v53, v1;
	v3 =	vsel vm6, s25, v3;
	vm8 =	vlt.f32 v53, v6  }
0x18c: {  	vm9 =	vlt.f32 v53, v4;
	v62 =	vsel vm7, v8, v53;
	v63 =	vnsel vm7, s25, v2  }
0x18d: {  	v8 =	vsel vm7, v12, v8;
	v2 =	vsel vm7, v13, v2;
	vm11 =	vlt.f32 v52, v1  }
0x18e: {  	v61 =	vsel vm8, v6, v53;
	v10 =	vnsel vm8, s25, v7;
	v6 =	vsel vm8, v62, v6  }
0x18f: {  	s5 =	sadd.s32 $0xFFFFFFEE, s0;
	v7 =	vsel vm8, v63, v7;
	vm13 =	vlt.f32 v52, v8;
	v18 =	vsel vm11, v1, v52  }
0x190: {  	v19 =	vnsel vm11, s5, v3;
	v1 =	vsel vm11, v52, v1;
	v3 =	vsel vm11, s5, v3  }
0x191: {  	v4 =	vsel vm9, v61, v4;
	v5 =	vsel vm9, v10, v5;
	vm10 =	vlt.f32 v52, v6  }
0x192: {  	v16 =	vsel vm13, v8, v52;
	v17 =	vnsel vm13, s5, v2;
	v8 =	vsel vm13, v18, v8  }
0x193: {  	v2 =	vsel vm13, v19, v2;
	vm14 =	vlt.f32 v51, v1;
	vm12 =	vlt.f32 v52, v4  }
0x194: {  	v14 =	vsel vm10, v6, v52;
	v15 =	vnsel vm10, s5, v7;
	v6 =	vsel vm10, v16, v6  }
0x195: {  	s8 =	sadd.s32 $0xFFFFFFEF, s0;
	v7 =	vsel vm10, v17, v7;
	vm15 =	vlt.f32 v51, v8;
	v47 =	vsel vm14, v1, v51  }
0x196: {  	v13 =	vld [tilespmem:s15+$0x0];
	v48 =	vnsel vm14, s8, v3;
	v1 =	vsel vm14, v51, v1;
	v12 =	vsel vm14, s8, v3  }
0x197: {  	v4 =	vsel vm12, v14, v4;
	v5 =	vsel vm12, v15, v5;
	vm6 =	vlt.f32 v51, v6  }
0x198: {  	v45 =	vsel vm15, v8, v51;
	v46 =	vnsel vm15, s8, v2;
	v49 =	vsel vm15, v47, v8  }
0x199: {  	v2 =	vsel vm15, v48, v2;
	vm9 =	vlt.f32 v44, v1;
	vm7 =	vlt.f32 v51, v4  }
0x19a: {  	v43 =	vsel vm6, v6, v51;
	v10 =	vnsel vm6, s8, v7;
	v6 =	vsel vm6, v45, v6  }
0x19b: {  	v15 =	vld [tilespmem:s6+$0x0];
	v7 =	vsel vm6, v46, v7;
	vm11 =	vlt.f32 v44, v49;
	v50 =	vbroadcast v13, $0x0  }
0x19c: {  	v17 =	vsel vm9, v44, v1;
	v53 =	vbroadcast v13, $0x2;
	v55 =	vbroadcast v13, $0x3  }
0x19d: {  	v59 =	vbroadcast v13, $0x6;
	v63 =	vbroadcast v13, $0x8;
	v4 =	vsel vm7, v43, v4  }
0x19e: {  	v5 =	vsel vm7, v10, v5;
	vm8 =	vlt.f32 v44, v6;
	vm10 =	vlt.f32 v44, v4  }
0x19f: {  	s16 =	sadd.s32 $0xFFFFFFF0, s0;
	v3 =	vsel vm8, v6, v44;
	v61 =	vsub.f32 v59, v41;
	v43 =	vsub.f32 v63, v41  }
0x1a0: {  	v9 =	vsel vm10, v3, v4;
	v3 =	vnsel vm8, s16, v7;
	v51 =	vbroadcast v15, $0x0  }
0x1a1: {  	v4 =	vsub.f32 v50, v41;
	v52 =	vbroadcast v15, $0x1;
	v54 =	vbroadcast v15, $0x2  }
0x1a2: {  	v8 =	vsel vm10, v3, v5;
	v56 =	vbroadcast v15, $0x3;
	v58 =	vbroadcast v15, $0x5  }
0x1a3: {  	v3 =	vsel vm11, v49, v44;
	v60 =	vbroadcast v15, $0x6;
	v62 =	vbroadcast v15, $0x7  }
0x1a4: {  	v48 =	vbroadcast v15, $0x8;
	v10 =	vsel vm8, v3, v6;
	v3 =	vnsel vm11, s16, v2  }
0x1a5: {  	v59 =	vbroadcast v15, $0xB;
	v11 =	vsel vm8, v3, v7;
	v5 =	vsub.f32 v51, v42  }
0x1a6: {  	v3 =	vsel vm9, v1, v44;
	v6 =	vsub.f32 v54, v42;
	v7 =	vsub.f32 v55, v41  }
0x1a7: {  	v18 =	vsub.f32 v56, v42;
	v44 =	vsub.f32 v48, v42;
	v56 =	vbroadcast v13, $0xA  }
0x1a8: {  	v14 =	vsel vm11, v3, v49;
	v3 =	vnsel vm9, s16, v12;
	v49 =	vbroadcast v13, $0x9  }
0x1a9: {  	v16 =	vsel vm11, v3, v2;
	v2 =	vmul.f32 v4, v4;
	v3 =	vbroadcast v13, $0x1  }
0x1aa: {  	v1 =	vmul.f32 v5, v5;
	v4 =	vsub.f32 v52, v42;
	v5 =	vsub.f32 v53, v41  }
0x1ab: {  	v57 =	vmul.f32 v18, v18;
	v18 =	vsub.f32 v60, v42;
	v52 =	vbroadcast v15, $0x9  }
0x1ac: {  	v53 =	vmul.f32 v44, v44;
	v60 =	vbroadcast v13, $0xC;
	v44 =	vsub.f32 v59, v42  }
0x1ad: {  	v59 =	vbroadcast v13, $0xE;
	v45 =	vsub.f32 v49, v41;
	v3 =	vsub.f32 v3, v41  }
0x1ae: {  	v4 =	vmul.f32 v4, v4;
	v50 =	vadd.f32 v1, v2;
	v1 =	vmul.f32 v5, v5  }
0x1af: {  	v2 =	vmul.f32 v6, v6;
	v46 =	vsub.f32 v52, v42;
	v44 =	vmul.f32 v44, v44  }
0x1b0: {  	v12 =	vsel vm9, s16, v12;
	v54 =	vmul.f32 v45, v45;
	v3 =	vmul.f32 v3, v3  }
0x1b1: {  	v55 =	vmul.f32 v46, v46;
	v46 =	vsub.f32 v60, v41;
	v60 =	vbroadcast v15, $0xE  }
0x1b2: {  	s17 =	sadd.s32 $0xFFFFFFF1, s0;
	vm12 =	vlt.f32 v50, v10;
	vm13 =	vlt.f32 v50, v9;
	vm14 =	vlt.f32 v50, v14  }
0x1b3: {  	vm15 =	vlt.f32 v50, v17;
	v19 =	vnsel vm12, s17, v11;
	v51 =	vadd.f32 v4, v3  }
0x1b4: {  	v3 =	vmul.f32 v7, v7;
	v7 =	vadd.f32 v2, v1;
	v1 =	vbroadcast v13, $0x4  }
0x1b5: {  	v2 =	vbroadcast v15, $0x4;
	v4 =	vsub.f32 v58, v42;
	v49 =	vadd.f32 v55, v54  }
0x1b6: {  	v58 =	vbroadcast v13, $0xB;
	v63 =	vmul.f32 v46, v46;
	v46 =	vsub.f32 v59, v41  }
0x1b7: {  	v52 =	vsub.f32 v60, v42;
	v6 =	vadd.f32 v57, v3;
	v3 =	vbroadcast v13, $0x5  }
0x1b8: {  	v8 =	vsel vm13, v19, v8;
	v1 =	vsub.f32 v1, v41;
	v2 =	vsub.f32 v2, v42  }
0x1b9: {  	v54 =	vsel vm15, v17, v50;
	v57 =	vbroadcast v15, $0xA;
	v3 =	vsub.f32 v3, v41  }
0x1ba: {  	v55 =	vsel vm14, v54, v14;
	v1 =	vmul.f32 v1, v1;
	v2 =	vmul.f32 v2, v2  }
0x1bb: {  	v4 =	vmul.f32 v4, v4;
	vm7 =	vlt.f32 v51, v55;
	v3 =	vmul.f32 v3, v3  }
0x1bc: {  	v45 =	vsub.f32 v57, v42;
	v5 =	vadd.f32 v2, v1;
	v2 =	vbroadcast v13, $0x7  }
0x1bd: {  	v1 =	vmul.f32 v61, v61;
	v61 =	vbroadcast v15, $0xC;
	v4 =	vadd.f32 v4, v3  }
0x1be: {  	v3 =	vmul.f32 v18, v18;
	v2 =	vsub.f32 v2, v41;
	v18 =	vsub.f32 v62, v42  }
0x1bf: {  	v60 =	vsel vm7, v55, v51;
	v45 =	vmul.f32 v45, v45;
	v62 =	vsub.f32 v61, v42  }
0x1c0: {  	v2 =	vmul.f32 v2, v2;
	v18 =	vmul.f32 v18, v18;
	v3 =	vadd.f32 v3, v1  }
0x1c1: {  	v1 =	vmul.f32 v43, v43;
	v43 =	vsub.f32 v56, v41;
	v56 =	vbroadcast v13, $0xD  }
0x1c2: {  	v57 =	vmul.f32 v62, v62;
	v13 =	vbroadcast v13, $0xF;
	v2 =	vadd.f32 v18, v2  }
0x1c3: {  	v62 =	vmul.f32 v46, v46;
	v1 =	vadd.f32 v53, v1;
	v18 =	vsub.f32 v58, v41  }
0x1c4: {  	v43 =	vmul.f32 v43, v43;
	v58 =	vbroadcast v15, $0xD;
	v53 =	vnsel vm14, s17, v16  }
0x1c5: {  	v15 =	vbroadcast v15, $0xF;
	v13 =	vsub.f32 v13, v41;
	v11 =	vsel vm12, v53, v11  }
0x1c6: {  	v18 =	vmul.f32 v18, v18;
	v48 =	vadd.f32 v45, v43;
	v45 =	vsub.f32 v56, v41  }
0x1c7: {  	v15 =	vsub.f32 v15, v42;
	v13 =	vmul.f32 v13, v13;
	v56 =	vnsel vm15, s17, v12  }
0x1c8: {  	v12 =	vsel vm15, s17, v12;
	v47 =	vadd.f32 v44, v18;
	v44 =	vsub.f32 v58, v42  }
0x1c9: {  	v61 =	vmul.f32 v45, v45;
	v45 =	vadd.f32 v57, v63;
	v63 =	vmul.f32 v52, v52  }
0x1ca: {  	v15 =	vmul.f32 v15, v15;
	v18 =	vsel vm12, v10, v50;
	v52 =	vsel vm14, v14, v50  }
0x1cb: {  	v14 =	vsel vm14, v56, v16;
	v57 =	vsel vm15, v50, v17;
	v9 =	vsel vm13, v18, v9  }
0x1cc: {  	v10 =	vsel vm12, v52, v10;
	vm6 =	vlt.f32 v51, v57;
	v44 =	vmul.f32 v44, v44  }
0x1cd: {  	s18 =	sadd.s32 $0xFFFFFFF2, s0;
	v43 =	vadd.f32 v63, v62;
	v46 =	vadd.f32 v15, v13;
	vm8 =	vlt.f32 v51, v10  }
0x1ce: {  	vm9 =	vlt.f32 v51, v9;
	v62 =	vsel vm6, v57, v51;
	v63 =	vnsel vm6, s18, v12  }
0x1cf: {  	v15 =	vsel vm6, v51, v57;
	v12 =	vsel vm6, s18, v12;
	v58 =	vsel vm8, v10, v51  }
0x1d0: {  	v59 =	vnsel vm8, s18, v11;
	v10 =	vsel vm8, v60, v10;
	v13 =	vsel vm7, v62, v55  }
0x1d1: {  	vm10 =	vlt.f32 v7, v15;
	v44 =	vadd.f32 v44, v61;
	v9 =	vsel vm9, v58, v9  }
0x1d2: {  	v8 =	vsel vm9, v59, v8;
	v61 =	vnsel vm7, s18, v14;
	v14 =	vsel vm7, v63, v14  }
0x1d3: {  	s19 =	sadd.s32 $0xFFFFFFF3, s0;
	vm11 =	vlt.f32 v7, v13;
	vm12 =	vlt.f32 v7, v10;
	v54 =	vsel vm10, v15, v7  }
0x1d4: {  	v55 =	vnsel vm10, s19, v12;
	v12 =	vsel vm10, s19, v12;
	v11 =	vsel vm8, v61, v11  }
0x1d5: {  	vm13 =	vlt.f32 v7, v9;
	v50 =	vsel vm12, v10, v7;
	v52 =	vsel vm11, v13, v7  }
0x1d6: {  	v53 =	vnsel vm11, s19, v14;
	v13 =	vsel vm11, v54, v13;
	v14 =	vsel vm11, v55, v14  }
0x1d7: {  	v7 =	vsel vm10, v7, v15;
	v51 =	vnsel vm12, s19, v11;
	v9 =	vsel vm13, v50, v9  }
0x1d8: {  	v10 =	vsel vm12, v52, v10;
	v11 =	vsel vm12, v53, v11;
	vm14 =	vlt.f32 v6, v7  }
0x1d9: {  	s20 =	sadd.s32 $0xFFFFFFF4, s0;
	vm15 =	vlt.f32 v6, v13;
	v8 =	vsel vm13, v51, v8;
	vm6 =	vlt.f32 v6, v10  }
0x1da: {  	vm7 =	vlt.f32 v6, v9;
	v58 =	vsel vm15, v13, v6;
	v59 =	vnsel vm15, s20, v14  }
0x1db: {  	v60 =	vsel vm14, v7, v6;
	v61 =	vnsel vm14, s20, v12;
	v62 =	vsel vm14, s20, v12  }
0x1dc: {  	v56 =	vsel vm6, v10, v6;
	v57 =	vnsel vm6, s20, v11;
	v10 =	vsel vm6, v58, v10  }
0x1dd: {  	v11 =	vsel vm6, v59, v11;
	v13 =	vsel vm15, v60, v13;
	v14 =	vsel vm15, v61, v14  }
0x1de: {  	v6 =	vsel vm14, v6, v7;
	v9 =	vsel vm7, v56, v9;
	v8 =	vsel vm7, v57, v8  }
0x1df: {  	s21 =	sadd.s32 $0xFFFFFFF5, s0;
	vm8 =	vlt.f32 v5, v6;
	vm9 =	vlt.f32 v5, v13;
	vm10 =	vlt.f32 v5, v10  }
0x1e0: {  	vm11 =	vlt.f32 v5, v9;
	v63 =	vsel vm10, v10, v5;
	v18 =	vnsel vm10, s21, v11  }
0x1e1: {  	v19 =	vsel vm9, v13, v5;
	v50 =	vnsel vm9, s21, v14;
	v51 =	vsel vm8, v6, v5  }
0x1e2: {  	v53 =	vnsel vm8, s21, v62;
	v5 =	vsel vm8, v5, v6;
	v54 =	vsel vm8, s21, v62  }
0x1e3: {  	v9 =	vsel vm11, v63, v9;
	v8 =	vsel vm11, v18, v8;
	v10 =	vsel vm10, v19, v10  }
0x1e4: {  	v11 =	vsel vm10, v50, v11;
	v52 =	vsel vm9, v51, v13;
	v13 =	vsel vm9, v53, v14  }
0x1e5: {  	s25 =	sadd.s32 $0xFFFFFFF6, s0;
	vm12 =	vlt.f32 v4, v5;
	vm13 =	vlt.f32 v4, v52;
	vm14 =	vlt.f32 v4, v10  }
0x1e6: {  	vm15 =	vlt.f32 v4, v9;
	v59 =	vsel vm12, v5, v4;
	v61 =	vnsel vm12, s25, v54  }
0x1e7: {  	v62 =	vsel vm12, s25, v54;
	v55 =	vsel vm14, v10, v4;
	v56 =	vnsel vm14, s25, v11  }
0x1e8: {  	v57 =	vsel vm13, v52, v4;
	v58 =	vnsel vm13, s25, v13;
	v60 =	vsel vm13, v59, v52  }
0x1e9: {  	v12 =	vsel vm13, v61, v13;
	v4 =	vsel vm12, v4, v5;
	v7 =	vsel vm15, v55, v9  }
0x1ea: {  	v8 =	vsel vm15, v56, v8;
	v9 =	vsel vm14, v57, v10;
	v10 =	vsel vm14, v58, v11  }
0x1eb: {  	s5 =	sadd.s32 $0xFFFFFFF7, s0;
	vm6 =	vlt.f32 v3, v4;
	vm7 =	vlt.f32 v3, v60;
	vm8 =	vlt.f32 v3, v9  }
0x1ec: {  	vm9 =	vlt.f32 v3, v7;
	v18 =	vsel vm7, v60, v3;
	v19 =	vnsel vm7, s5, v12  }
0x1ed: {  	v50 =	vsel vm6, v4, v3;
	v52 =	vnsel vm6, s5, v62;
	v53 =	vsel vm6, s5, v62  }
0x1ee: {  	v63 =	vsel vm8, v9, v3;
	v16 =	vnsel vm8, s5, v10;
	v51 =	vsel vm7, v50, v60  }
0x1ef: {  	v11 =	vsel vm7, v52, v12;
	v3 =	vsel vm6, v3, v4;
	v6 =	vsel vm9, v63, v7  }
0x1f0: {  	v17 =	vsel vm9, v16, v8;
	v8 =	vsel vm8, v18, v9;
	v9 =	vsel vm8, v19, v10  }
0x1f1: {  	s8 =	sadd.s32 $0xFFFFFFF8, s0;
	vm10 =	vlt.f32 v2, v3;
	vm11 =	vlt.f32 v2, v51;
	vm12 =	vlt.f32 v2, v8  }
0x1f2: {  	vm13 =	vlt.f32 v2, v6;
	v57 =	vsel vm11, v51, v2;
	v58 =	vnsel vm11, s8, v11  }
0x1f3: {  	v59 =	vsel vm10, v3, v2;
	v61 =	vnsel vm10, s8, v53;
	v54 =	vsel vm12, v8, v2  }
0x1f4: {  	v55 =	vnsel vm12, s8, v9;
	v7 =	vsel vm12, v57, v8;
	v8 =	vsel vm12, v58, v9  }
0x1f5: {  	v60 =	vsel vm11, v59, v51;
	v10 =	vsel vm11, v61, v11;
	v2 =	vsel vm10, v2, v3  }
0x1f6: {  	v3 =	vsel vm10, s8, v53;
	v5 =	vsel vm13, v54, v6;
	v56 =	vsel vm13, v55, v17  }
0x1f7: {  	s16 =	sadd.s32 $0xFFFFFFF9, s0;
	vm14 =	vlt.f32 v1, v2;
	vm15 =	vlt.f32 v1, v60;
	vm6 =	vlt.f32 v1, v7  }
0x1f8: {  	vm7 =	vlt.f32 v1, v5;
	v62 =	vsel vm6, v7, v1;
	v63 =	vnsel vm6, s16, v8  }
0x1f9: {  	v13 =	vsel vm15, v60, v1;
	v14 =	vnsel vm15, s16, v10;
	v15 =	vsel vm14, v2, v1  }
0x1fa: {  	v17 =	vnsel vm14, s16, v3;
	v1 =	vsel vm14, v1, v2;
	v2 =	vsel vm14, s16, v3  }
0x1fb: {  	v4 =	vsel vm7, v62, v5;
	v12 =	vsel vm7, v63, v56;
	v6 =	vsel vm6, v13, v7  }
0x1fc: {  	v7 =	vsel vm6, v14, v8;
	v16 =	vsel vm15, v15, v60;
	v9 =	vsel vm15, v17, v10  }
0x1fd: {  	s17 =	sadd.s32 $0xFFFFFFFA, s0;
	vm8 =	vlt.f32 v49, v1;
	vm9 =	vlt.f32 v49, v16;
	vm10 =	vlt.f32 v49, v6  }
0x1fe: {  	vm11 =	vlt.f32 v49, v4;
	v52 =	vsel vm8, v1, v49;
	v54 =	vnsel vm8, s17, v2  }
0x1ff: {  	v1 =	vsel vm8, v49, v1;
	v2 =	vsel vm8, s17, v2;
	v3 =	vsel vm10, v6, v49  }
0x200: {  	v18 =	vnsel vm10, s17, v7;
	v50 =	vsel vm9, v16, v49;
	v51 =	vnsel vm9, s17, v9  }
0x201: {  	v53 =	vsel vm9, v52, v16;
	v8 =	vsel vm9, v54, v9;
	vm12 =	vlt.f32 v48, v1  }
0x202: {  	v3 =	vsel vm11, v3, v4;
	v19 =	vsel vm11, v18, v12;
	v5 =	vsel vm10, v50, v6  }
0x203: {  	s18 =	sadd.s32 $0xFFFFFFFB, s0;
	v6 =	vsel vm10, v51, v7;
	vm13 =	vlt.f32 v48, v53;
	v59 =	vsel vm12, v1, v48  }
0x204: {  	v60 =	vnsel vm12, s18, v2;
	v1 =	vsel vm12, v48, v1;
	v2 =	vsel vm12, s18, v2  }
0x205: {  	vm14 =	vlt.f32 v48, v5;
	vm15 =	vlt.f32 v48, v3;
	v57 =	vsel vm13, v53, v48  }
0x206: {  	v58 =	vnsel vm13, s18, v8;
	v7 =	vsel vm13, v59, v53;
	v8 =	vsel vm13, v60, v8  }
0x207: {  	vm6 =	vlt.f32 v47, v1;
	v55 =	vsel vm14, v5, v48;
	v56 =	vnsel vm14, s18, v6  }
0x208: {  	s19 =	sadd.s32 $0xFFFFFFFC, s0;
	v5 =	vsel vm14, v57, v5;
	v6 =	vsel vm14, v58, v6;
	vm7 =	vlt.f32 v47, v7  }
0x209: {  	v13 =	vsel vm6, v1, v47;
	v14 =	vnsel vm6, s19, v2;
	v1 =	vsel vm6, v47, v1  }
0x20a: {  	v2 =	vsel vm6, s19, v2;
	v3 =	vsel vm15, v55, v3;
	v4 =	vsel vm15, v56, v19  }
0x20b: {  	vm8 =	vlt.f32 v47, v5;
	v63 =	vsel vm7, v7, v47;
	v12 =	vnsel vm7, s19, v8  }
0x20c: {  	v7 =	vsel vm7, v13, v7;
	v8 =	vsel vm7, v14, v8;
	vm10 =	vlt.f32 v45, v1  }
0x20d: {  	vm9 =	vlt.f32 v47, v3;
	v61 =	vsel vm8, v5, v47;
	v62 =	vnsel vm8, s19, v6  }
0x20e: {  	s20 =	sadd.s32 $0xFFFFFFFD, s0;
	v5 =	vsel vm8, v63, v5;
	v6 =	vsel vm8, v12, v6;
	vm11 =	vlt.f32 v45, v7  }
0x20f: {  	v19 =	vsel vm10, v1, v45;
	v47 =	vnsel vm10, s20, v2;
	v1 =	vsel vm10, v45, v1  }
0x210: {  	v2 =	vsel vm10, s20, v2;
	v3 =	vsel vm9, v61, v3;
	v4 =	vsel vm9, v62, v4  }
0x211: {  	vm12 =	vlt.f32 v45, v5;
	v17 =	vsel vm11, v7, v45;
	v18 =	vnsel vm11, s20, v8  }
0x212: {  	v7 =	vsel vm11, v19, v7;
	v8 =	vsel vm11, v47, v8;
	vm14 =	vlt.f32 v44, v1  }
0x213: {  	vm13 =	vlt.f32 v45, v3;
	v15 =	vsel vm12, v5, v45;
	v16 =	vnsel vm12, s20, v6  }
0x214: {  	s21 =	sadd.s32 $0xFFFFFFFE, s0;
	v5 =	vsel vm12, v17, v5;
	v6 =	vsel vm12, v18, v6;
	vm15 =	vlt.f32 v44, v7  }
0x215: {  	v52 =	vsel vm14, v1, v44;
	v53 =	vnsel vm14, s21, v2;
	v1 =	vsel vm14, v44, v1  }
0x216: {  	v2 =	vsel vm14, s21, v2;
	v3 =	vsel vm13, v15, v3;
	v4 =	vsel vm13, v16, v4  }
0x217: {  	vm6 =	vlt.f32 v44, v5;
	v50 =	vsel vm15, v7, v44;
	v51 =	vnsel vm15, s21, v8  }
0x218: {  	v7 =	vsel vm15, v52, v7;
	v8 =	vsel vm15, v53, v8;
	vm8 =	vlt.f32 v43, v1  }
0x219: {  	vm7 =	vlt.f32 v44, v3;
	v48 =	vsel vm6, v5, v44;
	v49 =	vnsel vm6, s21, v6  }
0x21a: {  	s25 =	sadd.s32 $0xFFFFFFFF, s0;
	v5 =	vsel vm6, v50, v5;
	v6 =	vsel vm6, v51, v6;
	vm9 =	vlt.f32 v43, v7  }
0x21b: {  	v58 =	vsel vm8, v1, v43;
	v59 =	vnsel vm8, s25, v2;
	v1 =	vsel vm8, v43, v1  }
0x21c: {  	v2 =	vsel vm8, s25, v2;
	v3 =	vsel vm7, v48, v3;
	v4 =	vsel vm7, v49, v4  }
0x21d: {  	vm10 =	vlt.f32 v43, v5;
	v56 =	vsel vm9, v7, v43;
	v57 =	vnsel vm9, s25, v8  }
0x21e: {  	v7 =	vsel vm9, v58, v7;
	v8 =	vsel vm9, v59, v8;
	vm14 =	vlt.f32 v46, v1  }
0x21f: {  	vm11 =	vlt.f32 v43, v3;
	v54 =	vsel vm10, v5, v43;
	v55 =	vnsel vm10, s25, v6  }
0x220: {  	s10 =	sadd.s32 $0x2, s10;
	v5 =	vsel vm10, v56, v5;
	v6 =	vsel vm10, v57, v6;
	vm15 =	vlt.f32 v46, v7  }
0x221: {  	p0 =	slt.u32 s10, s9;
	v63 =	vnsel vm14, s0, v2;
	v43 =	vsel vm14, s0, v2;
	v3 =	vsel vm11, v54, v3  }
.Ltmp6:
0x222: {  	v4 =	vsel vm11, v55, v4;
	vm12 =	vlt.f32 v46, v5;
	v61 =	vsel vm15, v7, v46;
	(pc) =	sbr.rel @p0 .LBB2_17-.Ltmp6, $4  }
0x223: {  	v62 =	vnsel vm15, s0, v8;
	vm13 =	vlt.f32 v46, v3;
	v60 =	vsel vm12, v5, v46  }
0x224: {  	v45 =	vsel vm15, v63, v8;
	v48 =	vsel vm13, v60, v3;
	v3 =	vnsel vm12, s0, v6  }
0x225: {  	v50 =	vsel vm12, v61, v5;
	v49 =	vsel vm13, v3, v4;
	v3 =	vsel vm14, v1, v46  }
0x226: {  	s15 =	sadd.s32 $0x20, s15;
	s6 =	sadd.s32 $0x20, s6;
	v44 =	vsel vm12, v62, v6;
	s0 =	sadd.s32 $0x20, s0;
	v46 =	vsel vm14, v46, v1;
	v47 =	vsel vm15, v3, v7  }
.Ltmp7:
0x227: {  	_ = 	snop;
	(pc) =	sbr.rel .LBB2_6-.Ltmp7, $1  }
0x228: {  	_ =	sdelay $0x3  }
.LBB2_5:
0x229: {  	v43 =	vimm.s32 $0x0;
	v46 =	vimm.f32 $+Inf  }
0x22a: {  	v47 =	vimm.f32 $+Inf;
	v50 =	vimm.f32 $+Inf;
	v48 =	vimm.f32 $+Inf  }
0x22b: {  	v45 =	vimm.s32 $0x0;
	v44 =	vimm.s32 $0x0;
	v49 =	vimm.s32 $0x0  }
.LBB2_6:
0x22c: {  	p0 =	seq.s32 s9, s4  }
.Ltmp8:
0x22d: {  	_ = 	snop;
	(pc) =	sbr.rel @p0 .LBB2_9-.Ltmp8, $1  }
0x22e: {  	_ =	sdelay $0x3  }
0x22f: {  	s0 =	sshll.u32 s11, $0x4  }
0x230: {  	s1 =	sand.u32 $0xFFFFFFE0, s0;
	s0 =	sand.u32 $0x3FFFFFE0, s0  }
0x231: {  	s6 =	sor.u32 $0xF, s1;
	s10 =	sadd.s32 $0x1000, s0  }
.LBB2_8:
0x232: {  	v9 =	vld [tilespmem:s0+$0x0]  }
0x233: {  	v10 =	vld [tilespmem:s10+$0x0];
	_ =	sdelay $0x3  }
0x234: {  	v1 =	vbroadcast v9, $0x0  }
0x235: {  	v2 =	vbroadcast v10, $0x0;
	v3 =	vbroadcast v9, $0x1  }
0x236: {  	v4 =	vbroadcast v10, $0x1;
	v5 =	vbroadcast v9, $0x2  }
0x237: {  	v6 =	vbroadcast v10, $0x2;
	v7 =	vbroadcast v9, $0x3  }
0x238: {  	v8 =	vbroadcast v10, $0x3;
	v51 =	vbroadcast v10, $0x4  }
0x239: {  	v52 =	vbroadcast v9, $0x5;
	v53 =	vbroadcast v10, $0x5  }
0x23a: {  	v54 =	vbroadcast v9, $0x6;
	v13 =	vbroadcast v10, $0x6  }
0x23b: {  	v55 =	vbroadcast v10, $0x7;
	v56 =	vbroadcast v9, $0x8  }
0x23c: {  	v57 =	vbroadcast v10, $0x8;
	v16 =	vbroadcast v9, $0x9  }
0x23d: {  	v17 =	vbroadcast v10, $0x9;
	v59 =	vbroadcast v9, $0xA  }
0x23e: {  	v60 =	vbroadcast v10, $0xA;
	v1 =	vsub.f32 v1, v41;
	v2 =	vsub.f32 v2, v42  }
0x23f: {  	v61 =	vbroadcast v9, $0xB;
	v3 =	vsub.f32 v3, v41;
	v4 =	vsub.f32 v4, v42  }
0x240: {  	v62 =	vbroadcast v10, $0xB;
	v5 =	vsub.f32 v5, v41;
	v6 =	vsub.f32 v6, v42  }
0x241: {  	v63 =	vbroadcast v9, $0xC;
	v7 =	vsub.f32 v7, v41;
	v8 =	vsub.f32 v8, v42  }
0x242: {  	v14 =	vsub.f32 v54, v41;
	v1 =	vmul.f32 v1, v1;
	v2 =	vmul.f32 v2, v2  }
0x243: {  	v17 =	vsub.f32 v17, v42;
	v3 =	vmul.f32 v3, v3;
	v4 =	vmul.f32 v4, v4  }
0x244: {  	v13 =	vsub.f32 v13, v42;
	v5 =	vmul.f32 v5, v5;
	v6 =	vmul.f32 v6, v6  }
0x245: {  	v58 =	vmul.f32 v17, v17;
	v17 =	vsub.f32 v60, v42;
	v60 =	vbroadcast v10, $0xD  }
0x246: {  	v11 =	vadd.f32 v2, v1;
	v1 =	vmul.f32 v7, v7;
	v2 =	vmul.f32 v8, v8  }
0x247: {  	v12 =	vadd.f32 v4, v3;
	v3 =	vbroadcast v9, $0x4;
	v8 =	vadd.f32 v6, v5  }
0x248: {  	v4 =	vsub.f32 v51, v42;
	v5 =	vsub.f32 v52, v41;
	v51 =	vbroadcast v10, $0xC  }
0x249: {  	v6 =	vsub.f32 v53, v42;
	v17 =	vmul.f32 v17, v17;
	v53 =	vbroadcast v9, $0xD  }
0x24a: {  	v16 =	vsub.f32 v16, v41;
	v52 =	vbroadcast v10, $0xE;
	v10 =	vbroadcast v10, $0xF  }
0x24b: {  	v3 =	vsub.f32 v3, v41;
	v4 =	vmul.f32 v4, v4;
	v5 =	vmul.f32 v5, v5  }
0x24c: {  	v15 =	vmul.f32 v6, v6;
	v7 =	vadd.f32 v2, v1;
	v1 =	vmul.f32 v14, v14  }
0x24d: {  	v2 =	vbroadcast v9, $0x7;
	v14 =	vsub.f32 v57, v42;
	v51 =	vsub.f32 v51, v42  }
0x24e: {  	v52 =	vsub.f32 v52, v42;
	v10 =	vsub.f32 v10, v42;
	v3 =	vmul.f32 v3, v3  }
0x24f: {  	vm0 =	vlt.f32 v11, v50;
	vm1 =	vlt.f32 v11, v48;
	vm2 =	vlt.f32 v11, v47  }
0x250: {  	vm3 =	vlt.f32 v11, v46;
	v2 =	vsub.f32 v2, v41;
	v6 =	vadd.f32 v4, v3  }
0x251: {  	v3 =	vmul.f32 v13, v13;
	v4 =	vsub.f32 v55, v42;
	v13 =	vsub.f32 v56, v41  }
0x252: {  	v19 =	vsel vm3, v46, v11;
	v14 =	vmul.f32 v14, v14;
	v2 =	vmul.f32 v2, v2  }
0x253: {  	v5 =	vadd.f32 v15, v5;
	v18 =	vmul.f32 v4, v4;
	v13 =	vmul.f32 v13, v13  }
0x254: {  	v4 =	vadd.f32 v3, v1;
	v1 =	vmul.f32 v16, v16;
	v16 =	vsub.f32 v59, v41  }
0x255: {  	v10 =	vmul.f32 v10, v10;
	v3 =	vadd.f32 v18, v2;
	v2 =	vadd.f32 v14, v13  }
0x256: {  	v59 =	vmul.f32 v51, v51;
	v13 =	vsub.f32 v61, v41;
	v14 =	vsub.f32 v62, v42  }
0x257: {  	v16 =	vmul.f32 v16, v16;
	v18 =	vsub.f32 v63, v41;
	v61 =	vbroadcast v9, $0xE  }
0x258: {  	v1 =	vadd.f32 v58, v1;
	v9 =	vbroadcast v9, $0xF;
	v63 =	vmul.f32 v52, v52  }
0x259: {  	v15 =	vmul.f32 v18, v18;
	v56 =	vadd.f32 v17, v16;
	v18 =	vsub.f32 v53, v41  }
0x25a: {  	v13 =	vmul.f32 v13, v13;
	v17 =	vsub.f32 v60, v42;
	v51 =	vsub.f32 v61, v41  }
0x25b: {  	s1 =	sadd.s32 $0xFFFFFFF1, s6;
	v14 =	vmul.f32 v14, v14;
	v9 =	vsub.f32 v9, v41;
	v18 =	vmul.f32 v18, v18  }
0x25c: {  	v16 =	vnsel vm0, s1, v44;
	v17 =	vmul.f32 v17, v17;
	v62 =	vmul.f32 v51, v51  }
0x25d: {  	v55 =	vadd.f32 v14, v13;
	v54 =	vadd.f32 v59, v15;
	v9 =	vmul.f32 v9, v9  }
0x25e: {  	v15 =	vsel vm0, v50, v11;
	v53 =	vadd.f32 v17, v18;
	v52 =	vadd.f32 v63, v62  }
0x25f: {  	v51 =	vadd.f32 v10, v9;
	v9 =	vsel vm1, v15, v48;
	v10 =	vsel vm1, v16, v49  }
0x260: {  	v17 =	vsel vm2, v47, v11;
	v18 =	vnsel vm2, s1, v45;
	v15 =	vsel vm2, v19, v47  }
0x261: {  	v11 =	vsel vm3, v11, v46;
	v13 =	vsel vm0, v17, v50;
	v14 =	vsel vm0, v18, v44  }
0x262: {  	v44 =	vnsel vm3, s1, v43;
	vm6 =	vlt.f32 v12, v11;
	vm7 =	vlt.f32 v12, v15  }
0x263: {  	vm9 =	vlt.f32 v12, v9;
	v16 =	vsel vm2, v44, v45;
	v45 =	vsel vm3, s1, v43  }
0x264: {  	s19 =	sadd.s32 $0xFFFFFFF2, s6;
	vm8 =	vlt.f32 v12, v13;
	v48 =	vsel vm7, v15, v12;
	v50 =	vsel vm6, v11, v12  }
0x265: {  	v11 =	vsel vm6, v12, v11;
	v46 =	vsel vm8, v13, v12;
	v47 =	vnsel vm8, s19, v14  }
0x266: {  	v13 =	vsel vm8, v48, v13;
	v49 =	vnsel vm7, s19, v16;
	v15 =	vsel vm7, v50, v15  }
0x267: {  	v57 =	vnsel vm6, s19, v45;
	v58 =	vsel vm6, s19, v45;
	vm10 =	vlt.f32 v8, v11  }
0x268: {  	v9 =	vsel vm9, v46, v9;
	v10 =	vsel vm9, v47, v10;
	v14 =	vsel vm8, v49, v14  }
0x269: {  	s20 =	sadd.s32 $0xFFFFFFF3, s6;
	v16 =	vsel vm7, v57, v16;
	vm11 =	vlt.f32 v8, v15;
	vm12 =	vlt.f32 v8, v13  }
0x26a: {  	v63 =	vsel vm10, v11, v8;
	v43 =	vnsel vm10, s20, v58;
	v44 =	vsel vm10, s20, v58  }
0x26b: {  	vm13 =	vlt.f32 v8, v9;
	v59 =	vsel vm12, v13, v8;
	v60 =	vnsel vm12, s20, v14  }
0x26c: {  	v61 =	vsel vm11, v15, v8;
	v62 =	vnsel vm11, s20, v16;
	v15 =	vsel vm11, v63, v15  }
0x26d: {  	v16 =	vsel vm11, v43, v16;
	v8 =	vsel vm10, v8, v11;
	v9 =	vsel vm13, v59, v9  }
0x26e: {  	v10 =	vsel vm13, v60, v10;
	v13 =	vsel vm12, v61, v13;
	v14 =	vsel vm12, v62, v14  }
0x26f: {  	s21 =	sadd.s32 $0xFFFFFFF4, s6;
	vm14 =	vlt.f32 v7, v8;
	vm15 =	vlt.f32 v7, v15;
	vm6 =	vlt.f32 v7, v13  }
0x270: {  	vm7 =	vlt.f32 v7, v9;
	v47 =	vsel vm15, v15, v7;
	v48 =	vnsel vm15, s21, v16  }
0x271: {  	v49 =	vsel vm14, v8, v7;
	v57 =	vnsel vm14, s21, v44;
	v58 =	vsel vm14, s21, v44  }
0x272: {  	v45 =	vsel vm6, v13, v7;
	v46 =	vnsel vm6, s21, v14;
	v12 =	vsel vm6, v47, v13  }
0x273: {  	v13 =	vsel vm6, v48, v14;
	v50 =	vsel vm15, v49, v15;
	v15 =	vsel vm15, v57, v16  }
0x274: {  	v7 =	vsel vm14, v7, v8;
	v9 =	vsel vm7, v45, v9;
	v10 =	vsel vm7, v46, v10  }
0x275: {  	s25 =	sadd.s32 $0xFFFFFFF5, s6;
	vm8 =	vlt.f32 v6, v7;
	vm9 =	vlt.f32 v6, v50;
	vm10 =	vlt.f32 v6, v12  }
0x276: {  	vm11 =	vlt.f32 v6, v9;
	v59 =	vsel vm10, v12, v6;
	v60 =	vnsel vm10, s25, v13  }
0x277: {  	v61 =	vsel vm9, v50, v6;
	v62 =	vnsel vm9, s25, v15;
	v63 =	vsel vm8, v7, v6  }
0x278: {  	v19 =	vnsel vm8, s25, v58;
	v6 =	vsel vm8, v6, v7;
	v43 =	vsel vm8, s25, v58  }
0x279: {  	v9 =	vsel vm11, v59, v9;
	v10 =	vsel vm11, v60, v10;
	v11 =	vsel vm10, v61, v12  }
0x27a: {  	v12 =	vsel vm10, v62, v13;
	v18 =	vsel vm9, v63, v50;
	v14 =	vsel vm9, v19, v15  }
0x27b: {  	s5 =	sadd.s32 $0xFFFFFFF6, s6;
	vm12 =	vlt.f32 v5, v6;
	vm13 =	vlt.f32 v5, v18;
	vm14 =	vlt.f32 v5, v11  }
0x27c: {  	vm15 =	vlt.f32 v5, v9;
	v49 =	vsel vm12, v6, v5;
	v57 =	vnsel vm12, s5, v43  }
0x27d: {  	v58 =	vsel vm12, s5, v43;
	v44 =	vsel vm14, v11, v5;
	v45 =	vnsel vm14, s5, v12  }
0x27e: {  	v47 =	vsel vm13, v18, v5;
	v48 =	vnsel vm13, s5, v14;
	v50 =	vsel vm13, v49, v18  }
0x27f: {  	v13 =	vsel vm13, v57, v14;
	v5 =	vsel vm12, v5, v6;
	v8 =	vsel vm15, v44, v9  }
0x280: {  	v46 =	vsel vm15, v45, v10;
	v10 =	vsel vm14, v47, v11;
	v11 =	vsel vm14, v48, v12  }
0x281: {  	s8 =	sadd.s32 $0xFFFFFFF7, s6;
	vm6 =	vlt.f32 v4, v5;
	vm7 =	vlt.f32 v4, v50;
	vm8 =	vlt.f32 v4, v10  }
0x282: {  	vm9 =	vlt.f32 v4, v8;
	v62 =	vsel vm7, v50, v4;
	v63 =	vnsel vm7, s8, v13  }
0x283: {  	v16 =	vsel vm6, v5, v4;
	v18 =	vnsel vm6, s8, v58;
	v19 =	vsel vm6, s8, v58  }
0x284: {  	v59 =	vsel vm8, v10, v4;
	v60 =	vnsel vm8, s8, v11;
	v9 =	vsel vm8, v62, v10  }
0x285: {  	v10 =	vsel vm8, v63, v11;
	v17 =	vsel vm7, v16, v50;
	v12 =	vsel vm7, v18, v13  }
0x286: {  	v4 =	vsel vm6, v4, v5;
	v7 =	vsel vm9, v59, v8;
	v61 =	vsel vm9, v60, v46  }
0x287: {  	s15 =	sadd.s32 $0xFFFFFFF8, s6;
	vm10 =	vlt.f32 v3, v4;
	vm11 =	vlt.f32 v3, v17;
	vm12 =	vlt.f32 v3, v9  }
0x288: {  	vm13 =	vlt.f32 v3, v7;
	v43 =	vsel vm12, v9, v3;
	v44 =	vnsel vm12, s15, v10  }
0x289: {  	v46 =	vsel vm11, v17, v3;
	v47 =	vnsel vm11, s15, v12;
	v48 =	vsel vm10, v4, v3  }
0x28a: {  	v50 =	vnsel vm10, s15, v19;
	v3 =	vsel vm10, v3, v4;
	v57 =	vsel vm10, s15, v19  }
0x28b: {  	v6 =	vsel vm13, v43, v7;
	v45 =	vsel vm13, v44, v61;
	v8 =	vsel vm12, v46, v9  }
0x28c: {  	v9 =	vsel vm12, v47, v10;
	v49 =	vsel vm11, v48, v17;
	v11 =	vsel vm11, v50, v12  }
0x28d: {  	s16 =	sadd.s32 $0xFFFFFFF9, s6;
	vm14 =	vlt.f32 v2, v3;
	vm15 =	vlt.f32 v2, v49;
	vm6 =	vlt.f32 v2, v8  }
0x28e: {  	vm7 =	vlt.f32 v2, v6;
	v63 =	vsel vm14, v3, v2;
	v17 =	vnsel vm14, s16, v57  }
0x28f: {  	v58 =	vsel vm6, v8, v2;
	v59 =	vnsel vm6, s16, v9;
	v61 =	vsel vm15, v49, v2  }
0x290: {  	v62 =	vnsel vm15, s16, v11;
	v16 =	vsel vm15, v63, v49;
	v10 =	vsel vm15, v17, v11  }
0x291: {  	v2 =	vsel vm14, v2, v3;
	v3 =	vsel vm14, s16, v57;
	v5 =	vsel vm7, v58, v6  }
0x292: {  	v60 =	vsel vm7, v59, v45;
	v7 =	vsel vm6, v61, v8;
	v8 =	vsel vm6, v62, v9  }
0x293: {  	s17 =	sadd.s32 $0xFFFFFFFA, s6;
	vm8 =	vlt.f32 v1, v2;
	vm9 =	vlt.f32 v1, v16;
	vm10 =	vlt.f32 v1, v7  }
0x294: {  	vm11 =	vlt.f32 v1, v5;
	v44 =	vsel vm9, v16, v1;
	v45 =	vnsel vm9, s17, v10  }
0x295: {  	v46 =	vsel vm8, v2, v1;
	v48 =	vnsel vm8, s17, v3;
	v18 =	vsel vm10, v7, v1  }
0x296: {  	v19 =	vnsel vm10, s17, v8;
	v6 =	vsel vm10, v44, v7;
	v7 =	vsel vm10, v45, v8  }
0x297: {  	v47 =	vsel vm9, v46, v16;
	v9 =	vsel vm9, v48, v10;
	v1 =	vsel vm8, v1, v2  }
0x298: {  	v2 =	vsel vm8, s17, v3;
	v4 =	vsel vm11, v18, v5;
	v43 =	vsel vm11, v19, v60  }
0x299: {  	s18 =	sadd.s32 $0xFFFFFFFB, s6;
	vm12 =	vlt.f32 v56, v1;
	vm13 =	vlt.f32 v56, v47;
	vm14 =	vlt.f32 v56, v6  }
0x29a: {  	vm15 =	vlt.f32 v56, v4;
	v3 =	vsel vm14, v6, v56;
	v49 =	vnsel vm14, s18, v7  }
0x29b: {  	v57 =	vsel vm13, v47, v56;
	v58 =	vnsel vm13, s18, v9;
	v59 =	vsel vm12, v1, v56  }
0x29c: {  	v61 =	vnsel vm12, s18, v2;
	v1 =	vsel vm12, v56, v1;
	v2 =	vsel vm12, s18, v2  }
0x29d: {  	v3 =	vsel vm15, v3, v4;
	v50 =	vsel vm15, v49, v43;
	v5 =	vsel vm14, v57, v6  }
0x29e: {  	v6 =	vsel vm14, v58, v7;
	v60 =	vsel vm13, v59, v47;
	v8 =	vsel vm13, v61, v9  }
0x29f: {  	s19 =	sadd.s32 $0xFFFFFFFC, s6;
	vm6 =	vlt.f32 v55, v1;
	vm7 =	vlt.f32 v55, v60;
	vm8 =	vlt.f32 v55, v5  }
0x2a0: {  	vm9 =	vlt.f32 v55, v3;
	v14 =	vsel vm6, v1, v55;
	v15 =	vnsel vm6, s19, v2  }
0x2a1: {  	v1 =	vsel vm6, v55, v1;
	v2 =	vsel vm6, s19, v2;
	v62 =	vsel vm8, v5, v55  }
0x2a2: {  	v63 =	vnsel vm8, s19, v6;
	v12 =	vsel vm7, v60, v55;
	v13 =	vnsel vm7, s19, v8  }
0x2a3: {  	v7 =	vsel vm7, v14, v60;
	v8 =	vsel vm7, v15, v8;
	vm10 =	vlt.f32 v54, v1  }
0x2a4: {  	v3 =	vsel vm9, v62, v3;
	v4 =	vsel vm9, v63, v50;
	v5 =	vsel vm8, v12, v5  }
0x2a5: {  	s20 =	sadd.s32 $0xFFFFFFFD, s6;
	v6 =	vsel vm8, v13, v6;
	vm11 =	vlt.f32 v54, v7;
	v43 =	vsel vm10, v1, v54  }
0x2a6: {  	v44 =	vnsel vm10, s20, v2;
	v1 =	vsel vm10, v54, v1;
	v2 =	vsel vm10, s20, v2  }
0x2a7: {  	vm12 =	vlt.f32 v54, v5;
	vm13 =	vlt.f32 v54, v3;
	v18 =	vsel vm11, v7, v54  }
0x2a8: {  	v19 =	vnsel vm11, s20, v8;
	v7 =	vsel vm11, v43, v7;
	v8 =	vsel vm11, v44, v8  }
0x2a9: {  	vm14 =	vlt.f32 v53, v1;
	v16 =	vsel vm12, v5, v54;
	v17 =	vnsel vm12, s20, v6  }
0x2aa: {  	s21 =	sadd.s32 $0xFFFFFFFE, s6;
	v5 =	vsel vm12, v18, v5;
	v6 =	vsel vm12, v19, v6;
	vm15 =	vlt.f32 v53, v7  }
0x2ab: {  	v49 =	vsel vm14, v1, v53;
	v50 =	vnsel vm14, s21, v2;
	v1 =	vsel vm14, v53, v1  }
0x2ac: {  	v2 =	vsel vm14, s21, v2;
	v3 =	vsel vm13, v16, v3;
	v4 =	vsel vm13, v17, v4  }
0x2ad: {  	vm6 =	vlt.f32 v53, v5;
	v47 =	vsel vm15, v7, v53;
	v48 =	vnsel vm15, s21, v8  }
0x2ae: {  	v7 =	vsel vm15, v49, v7;
	v8 =	vsel vm15, v50, v8;
	vm8 =	vlt.f32 v52, v1  }
0x2af: {  	vm7 =	vlt.f32 v53, v3;
	v45 =	vsel vm6, v5, v53;
	v46 =	vnsel vm6, s21, v6  }
0x2b0: {  	s25 =	sadd.s32 $0xFFFFFFFF, s6;
	v5 =	vsel vm6, v47, v5;
	v6 =	vsel vm6, v48, v6;
	vm9 =	vlt.f32 v52, v7  }
0x2b1: {  	v58 =	vsel vm8, v1, v52;
	v59 =	vnsel vm8, s25, v2;
	v1 =	vsel vm8, v52, v1  }
0x2b2: {  	v2 =	vsel vm8, s25, v2;
	v3 =	vsel vm7, v45, v3;
	v4 =	vsel vm7, v46, v4  }
0x2b3: {  	vm10 =	vlt.f32 v52, v5;
	v56 =	vsel vm9, v7, v52;
	v57 =	vnsel vm9, s25, v8  }
0x2b4: {  	v7 =	vsel vm9, v58, v7;
	v8 =	vsel vm9, v59, v8;
	vm14 =	vlt.f32 v51, v1  }
0x2b5: {  	vm11 =	vlt.f32 v52, v3;
	v54 =	vsel vm10, v5, v52;
	v55 =	vnsel vm10, s25, v6  }
0x2b6: {  	s9 =	sadd.s32 $0x1, s9;
	v5 =	vsel vm10, v56, v5;
	v6 =	vsel vm10, v57, v6;
	vm15 =	vlt.f32 v51, v7  }
0x2b7: {  	p0 =	slt.u32 s9, s4;
	v63 =	vnsel vm14, s6, v2;
	v43 =	vsel vm14, s6, v2;
	v46 =	vsel vm14, v51, v1  }
.Ltmp9:
0x2b8: {  	v3 =	vsel vm11, v54, v3;
	v4 =	vsel vm11, v55, v4;
	vm12 =	vlt.f32 v51, v5;
	(pc) =	sbr.rel @p0 .LBB2_8-.Ltmp9, $4  }
0x2b9: {  	v61 =	vsel vm15, v7, v51;
	vm13 =	vlt.f32 v51, v3;
	v60 =	vsel vm12, v5, v51  }
0x2ba: {  	v62 =	vnsel vm15, s6, v8;
	v48 =	vsel vm13, v60, v3;
	v3 =	vnsel vm12, s6, v6  }
0x2bb: {  	v45 =	vsel vm15, v63, v8;
	v49 =	vsel vm13, v3, v4;
	v3 =	vsel vm14, v1, v51  }
0x2bc: {  	s0 =	sadd.s32 $0x10, s0;
	s10 =	sadd.s32 $0x10, s10;
	v50 =	vsel vm12, v61, v5;
	v44 =	vsel vm12, v62, v6;
	s6 =	sadd.s32 $0x10, s6;
	v47 =	vsel vm15, v3, v7  }
.LBB2_9:
0x2bd: {  	v1 =	vbroadcast v41, $0x0;
	v2 =	vbroadcast v42, $0x0  }
0x2be: {  	v3 =	vbroadcast v41, $0x1;
	v4 =	vbroadcast v42, $0x1  }
0x2bf: {  	v5 =	vbroadcast v41, $0x2;
	v6 =	vbroadcast v42, $0x2  }
0x2c0: {  	v13 =	vbroadcast v41, $0x3;
	v15 =	vbroadcast v42, $0x3  }
0x2c1: {  	v53 =	vbroadcast v42, $0x4;
	v54 =	vbroadcast v41, $0x5  }
0x2c2: {  	v55 =	vbroadcast v42, $0x5;
	v57 =	vbroadcast v41, $0x6  }
0x2c3: {  	v58 =	vbroadcast v42, $0x6;
	v59 =	vbroadcast v42, $0x7  }
0x2c4: {  	v60 =	vbroadcast v41, $0x8;
	v1 =	vsub.f32 v1, v41;
	v2 =	vsub.f32 v2, v42  }
0x2c5: {  	v14 =	vmov s3;
	v62 =	vbroadcast v41, $0x9;
	v63 =	vbroadcast v41, $0xA  }
0x2c6: {  	v51 =	vor.u32 s3, v0;
	v1 =	vmul.f32 v1, v1;
	v2 =	vmul.f32 v2, v2  }
0x2c7: {  	v19 =	vbroadcast v42, $0xA;
	v20 =	vbroadcast v41, $0xF;
	v3 =	vsub.f32 v3, v41  }
0x2c8: {  	s21 =	sor.u32 $0x1, s3;
	v21 =	vbroadcast v42, $0xF;
	v52 =	vadd.f32 v2, v1;
	v1 =	vsub.f32 v4, v42  }
0x2c9: {  	vm0 =	veq.s32 v0, $0x0;
	v17 =	vmov s21;
	v12 =	vsub.f32 v6, v42  }
0x2ca: {  	s20 =	sor.u32 $0x2, s3;
	v2 =	vmul.f32 v3, v3;
	v3 =	vsub.f32 v5, v41;
	v1 =	vmul.f32 v1, v1  }
0x2cb: {  	v16 =	vmov s20;
	v4 =	vmul.f32 v12, v12;
	v5 =	vsub.f32 v13, v41  }
0x2cc: {  	s19 =	sor.u32 $0x4, s3;
	v3 =	vmul.f32 v3, v3;
	v18 =	vadd.f32 v1, v2;
	v1 =	vsub.f32 v15, v42  }
0x2cd: {  	v10 =	vmov s19;
	v56 =	vsub.f32 v55, v42;
	v2 =	vbroadcast v41, $0x4  }
0x2ce: {  	s25 =	sor.u32 $0x5, s3;
	v15 =	vadd.f32 v4, v3;
	v3 =	vmul.f32 v5, v5;
	v1 =	vmul.f32 v1, v1  }
0x2cf: {  	s16 =	sor.u32 $0x6, s3;
	v9 =	vmov s25;
	v20 =	vsub.f32 v20, v41;
	v2 =	vsub.f32 v2, v41  }
0x2d0: {  	v6 =	vmov s16;
	v13 =	vadd.f32 v1, v3;
	v1 =	vsub.f32 v53, v42  }
0x2d1: {  	v21 =	vsub.f32 v21, v42;
	vm7 =	veq.s32 v17, v51;
	vm10 =	veq.s32 v16, v51  }
0x2d2: {  	v2 =	vmul.f32 v2, v2;
	v3 =	vsub.f32 v54, v41;
	v1 =	vmul.f32 v1, v1  }
0x2d3: {  	v20 =	vmul.f32 v20, v20;
	v4 =	vmul.f32 v56, v56;
	v5 =	vsub.f32 v57, v41  }
0x2d4: {  	s8 =	sor.u32 $0x3, s3;
	v3 =	vmul.f32 v3, v3;
	v11 =	vadd.f32 v1, v2;
	v1 =	vsub.f32 v58, v42  }
0x2d5: {  	v21 =	vmul.f32 v21, v21;
	v12 =	vmov s8;
	v2 =	vbroadcast v41, $0x7  }
0x2d6: {  	v8 =	vadd.f32 v4, v3;
	v3 =	vmul.f32 v5, v5;
	v1 =	vmul.f32 v1, v1  }
0x2d7: {  	vm14 =	veq.s32 v12, v51;
	v57 =	vbroadcast v42, $0xB;
	v2 =	vsub.f32 v2, v41  }
0x2d8: {  	v53 =	vbroadcast v42, $0x8;
	v7 =	vadd.f32 v1, v3;
	v1 =	vsub.f32 v59, v42  }
0x2d9: {  	v18 =	vsel vm7, $0x7F800000, v18;
	v15 =	vsel vm10, $0x7F800000, v15;
	v54 =	vbroadcast v42, $0x9  }
0x2da: {  	v61 =	vsub.f32 v53, v42;
	v2 =	vmul.f32 v2, v2;
	v1 =	vmul.f32 v1, v1  }
0x2db: {  	v53 =	vsub.f32 v62, v41;
	v62 =	vbroadcast v41, $0xB;
	v3 =	vsub.f32 v60, v41  }
0x2dc: {  	s5 =	sor.u32 $0x7, s3;
	v13 =	vsel vm14, $0x7F800000, v13;
	v5 =	vadd.f32 v1, v2;
	v1 =	vsub.f32 v54, v42  }
0x2dd: {  	s17 =	sor.u32 $0xA, s3;
	v4 =	vmov s5;
	v56 =	vmul.f32 v61, v61;
	v55 =	vmul.f32 v3, v3  }
0x2de: {  	v53 =	vmul.f32 v53, v53;
	v61 =	vmov s17;
	v1 =	vmul.f32 v1, v1  }
0x2df: {  	v58 =	vbroadcast v42, $0xC;
	v2 =	vadd.f32 v56, v55;
	v54 =	vsub.f32 v63, v41  }
0x2e0: {  	s15 =	sor.u32 $0xB, s3;
	v1 =	vadd.f32 v1, v53;
	v53 =	vsub.f32 v19, v42;
	v19 =	vbroadcast v41, $0xC  }
0x2e1: {  	v59 =	vmov s15;
	v55 =	vsub.f32 v62, v41;
	v56 =	vsub.f32 v57, v42  }
0x2e2: {  	v54 =	vmul.f32 v54, v54;
	v53 =	vmul.f32 v53, v53;
	v57 =	vsub.f32 v19, v41  }
0x2e3: {  	v60 =	vsub.f32 v58, v42;
	v55 =	vmul.f32 v55, v55;
	v56 =	vmul.f32 v56, v56  }
0x2e4: {  	v19 =	vbroadcast v41, $0xD;
	v62 =	vadd.f32 v53, v54;
	v54 =	vmul.f32 v57, v57  }
0x2e5: {  	v58 =	vadd.f32 v56, v55;
	v53 =	vmul.f32 v60, v60;
	v57 =	vbroadcast v42, $0xD  }
0x2e6: {  	s1 =	sor.u32 $0x8, s3;
	s18 =	sor.u32 $0x9, s3;
	v55 =	vsub.f32 v19, v41;
	v60 =	vbroadcast v41, $0xE;
	v19 =	vbroadcast v42, $0xE  }
0x2e7: {  	v3 =	vmov s1;
	v63 =	vmov s18;
	v57 =	vsub.f32 v57, v42  }
0x2e8: {  	s10 =	sor.u32 $0xC, s3;
	v22 =	vmul.f32 v55, v55;
	v55 =	vsub.f32 v60, v41;
	v19 =	vsub.f32 v19, v42  }
0x2e9: {  	s6 =	sor.u32 $0xE, s3;
	v56 =	vmov s10;
	v60 =	vadd.f32 v53, v54;
	v57 =	vmul.f32 v57, v57  }
0x2ea: {  	s9 =	sor.u32 $0xD, s3;
	v54 =	vmov s6;
	v53 =	vmul.f32 v55, v55;
	v19 =	vmul.f32 v19, v19  }
0x2eb: {  	v55 =	vmov s9;
	v57 =	vadd.f32 v57, v22;
	v22 =	vsel vm0, $0x7F800000, v52  }
0x2ec: {  	v53 =	vadd.f32 v19, v53;
	v52 =	vadd.f32 v21, v20;
	vm0 =	vlt.f32 v22, v50  }
0x2ed: {  	vm1 =	vlt.f32 v22, v47;
	vm2 =	vlt.f32 v22, v48;
	vm6 =	vlt.f32 v22, v46  }
0x2ee: {  	v19 =	vsel vm0, v50, v22;
	v20 =	vsel vm0, v44, v14;
	v21 =	vsel vm1, v47, v22  }
0x2ef: {  	s0 =	sor.u32 $0xF, s3;
	v19 =	vsel vm2, v19, v48;
	v20 =	vsel vm2, v20, v49;
	v21 =	vsel vm0, v21, v50  }
0x2f0: {  	v49 =	vsel vm1, v45, v14;
	v48 =	vmov s0;
	v50 =	vsel vm6, v43, v14  }
0x2f1: {  	v14 =	vsel vm6, v14, v43;
	v44 =	vsel vm0, v49, v44;
	v49 =	vsel vm6, v46, v22  }
0x2f2: {  	v17 =	vsel vm1, v50, v45;
	v22 =	vsel vm6, v22, v46;
	vm0 =	vlt.f32 v18, v21  }
0x2f3: {  	vm9 =	vlt.f32 v18, v19;
	v47 =	vsel vm1, v49, v47;
	vm8 =	vlt.f32 v18, v22  }
0x2f4: {  	v46 =	vsel vm0, v21, v18;
	v49 =	vnsel vm0, s21, v44;
	vm3 =	vlt.f32 v18, v47  }
0x2f5: {  	v19 =	vsel vm9, v46, v19;
	v20 =	vsel vm9, v49, v20;
	v49 =	vsel vm8, v22, v18  }
0x2f6: {  	v46 =	vsel vm8, v18, v22;
	v50 =	vsel vm3, v47, v18;
	v45 =	vnsel vm3, s21, v17  }
0x2f7: {  	vm13 =	vlt.f32 v15, v19;
	v21 =	vsel vm0, v50, v21;
	v43 =	vsel vm0, v45, v44  }
0x2f8: {  	v44 =	vsel vm3, v49, v47;
	v50 =	vnsel vm8, s21, v14;
	v14 =	vsel vm8, s21, v14  }
0x2f9: {  	vm0 =	vlt.f32 v15, v46;
	vm8 =	veq.s32 v10, v51;
	v45 =	vsel vm3, v50, v17  }
0x2fa: {  	vm11 =	vlt.f32 v15, v21;
	vm12 =	vlt.f32 v15, v44;
	v11 =	vsel vm8, $0x7F800000, v11  }
0x2fb: {  	v47 =	vsel vm11, v21, v15;
	v49 =	vnsel vm11, s20, v43;
	v22 =	vsel vm12, v44, v15  }
0x2fc: {  	v18 =	vsel vm13, v47, v19;
	v19 =	vsel vm13, v49, v20;
	v20 =	vsel vm11, v22, v21  }
0x2fd: {  	v21 =	vnsel vm12, s20, v45;
	v22 =	vsel vm0, v46, v15;
	v15 =	vsel vm0, v15, v46  }
0x2fe: {  	v21 =	vsel vm11, v21, v43;
	v50 =	vsel vm12, v22, v44;
	v22 =	vnsel vm0, s20, v14  }
0x2ff: {  	vm1 =	vlt.f32 v13, v20;
	v14 =	vsel vm0, s20, v14;
	vm15 =	vlt.f32 v13, v18  }
0x300: {  	vm6 =	vlt.f32 v13, v15;
	v16 =	vsel vm12, v22, v45;
	v45 =	vsel vm1, v20, v13  }
0x301: {  	vm7 =	vlt.f32 v13, v50;
	v46 =	vnsel vm1, s8, v21;
	vm12 =	veq.s32 v9, v51  }
0x302: {  	v17 =	vsel vm15, v45, v18;
	v22 =	vsel vm7, v50, v13;
	v47 =	vnsel vm7, s8, v16  }
0x303: {  	v18 =	vsel vm15, v46, v19;
	v8 =	vsel vm12, $0x7F800000, v8;
	v49 =	vsel vm1, v22, v20  }
0x304: {  	v20 =	vsel vm1, v47, v21;
	v21 =	vsel vm6, v15, v13;
	v22 =	vnsel vm6, s8, v14  }
0x305: {  	v13 =	vsel vm6, v13, v15;
	v14 =	vsel vm6, s8, v14;
	vm10 =	vlt.f32 v11, v17  }
0x306: {  	vm6 =	veq.s32 v6, v51;
	v50 =	vsel vm7, v21, v50;
	v43 =	vsel vm7, v22, v16  }
0x307: {  	vm0 =	vlt.f32 v11, v49;
	vm9 =	vlt.f32 v11, v13;
	v7 =	vsel vm6, $0x7F800000, v7  }
0x308: {  	v44 =	vsel vm0, v49, v11;
	vm11 =	vlt.f32 v11, v50;
	v45 =	vnsel vm0, s19, v20  }
0x309: {  	v15 =	vsel vm10, v44, v17;
	v16 =	vsel vm10, v45, v18;
	v46 =	vsel vm11, v50, v11  }
0x30a: {  	v47 =	vnsel vm11, s19, v43;
	v44 =	vsel vm9, s19, v14;
	vm10 =	veq.s32 v4, v51  }
0x30b: {  	v17 =	vsel vm0, v46, v49;
	v18 =	vsel vm0, v47, v20;
	v49 =	vsel vm9, v13, v11  }
0x30c: {  	v11 =	vsel vm9, v11, v13;
	vm15 =	vlt.f32 v8, v15;
	v5 =	vsel vm10, $0x7F800000, v5  }
0x30d: {  	v10 =	vsel vm11, v49, v50;
	v50 =	vnsel vm9, s19, v14;
	vm0 =	vlt.f32 v8, v11  }
0x30e: {  	vm13 =	vlt.f32 v8, v17;
	v43 =	vsel vm11, v50, v43;
	vm14 =	vlt.f32 v8, v10  }
0x30f: {  	v45 =	vsel vm13, v17, v8;
	v46 =	vnsel vm13, s25, v18;
	v50 =	vsel vm0, v11, v8  }
0x310: {  	v19 =	vnsel vm0, s25, v44;
	v13 =	vsel vm15, v45, v15;
	v47 =	vsel vm14, v10, v8  }
0x311: {  	v14 =	vsel vm15, v46, v16;
	v49 =	vnsel vm14, s25, v43;
	v6 =	vsel vm14, v50, v10  }
0x312: {  	v9 =	vsel vm14, v19, v43;
	v8 =	vsel vm0, v8, v11;
	v43 =	vsel vm0, s25, v44  }
0x313: {  	vm14 =	veq.s32 v3, v51;
	v15 =	vsel vm13, v47, v17;
	v16 =	vsel vm13, v49, v18  }
0x314: {  	vm7 =	vlt.f32 v7, v13;
	vm8 =	vlt.f32 v7, v8;
	vm9 =	vlt.f32 v7, v6  }
0x315: {  	v2 =	vsel vm14, $0x7F800000, v2;
	vm1 =	vlt.f32 v7, v15;
	v46 =	vsel vm9, v6, v7  }
0x316: {  	v47 =	vnsel vm9, s16, v9;
	v49 =	vsel vm8, v8, v7;
	v50 =	vnsel vm8, s16, v43  }
0x317: {  	v43 =	vsel vm8, s16, v43;
	v44 =	vsel vm1, v15, v7;
	v45 =	vnsel vm1, s16, v16  }
0x318: {  	v18 =	vsel vm9, v49, v6;
	v19 =	vsel vm9, v50, v9;
	v7 =	vsel vm8, v7, v8  }
0x319: {  	vm8 =	veq.s32 v63, v51;
	v11 =	vsel vm7, v44, v13;
	v12 =	vsel vm7, v45, v14  }
0x31a: {  	v13 =	vsel vm1, v46, v15;
	v14 =	vsel vm1, v47, v16;
	vm11 =	vlt.f32 v5, v7  }
0x31b: {  	vm13 =	vlt.f32 v5, v18;
	v1 =	vsel vm8, $0x7F800000, v1;
	vm0 =	vlt.f32 v5, v13  }
0x31c: {  	vm12 =	vlt.f32 v5, v11;
	v46 =	vsel vm13, v18, v5;
	v47 =	vnsel vm13, s5, v19  }
0x31d: {  	v49 =	vsel vm11, v7, v5;
	v50 =	vnsel vm11, s5, v43;
	v44 =	vsel vm0, v13, v5  }
0x31e: {  	v45 =	vnsel vm0, s5, v14;
	v4 =	vsel vm13, v49, v18;
	v3 =	vsel vm13, v50, v19  }
0x31f: {  	v5 =	vsel vm11, v5, v7;
	v9 =	vsel vm12, v44, v11;
	v10 =	vsel vm12, v45, v12  }
0x320: {  	v11 =	vsel vm0, v46, v13;
	v12 =	vsel vm0, v47, v14;
	v14 =	vsel vm11, s5, v43  }
0x321: {  	vm0 =	vlt.f32 v2, v5;
	vm6 =	vlt.f32 v2, v4;
	vm12 =	veq.s32 v61, v51  }
0x322: {  	vm15 =	vlt.f32 v2, v11;
	vm7 =	vlt.f32 v2, v9;
	v17 =	vsel vm6, v4, v2  }
0x323: {  	v18 =	vnsel vm6, s1, v3;
	v19 =	vsel vm0, v5, v2;
	v43 =	vnsel vm0, s1, v14  }
0x324: {  	v44 =	vsel vm0, s1, v14;
	v14 =	vsel vm12, $0x7F800000, v62;
	v15 =	vsel vm15, v11, v2  }
0x325: {  	v16 =	vnsel vm15, s1, v12;
	v4 =	vsel vm6, v19, v4;
	v3 =	vsel vm6, v43, v3  }
0x326: {  	v2 =	vsel vm0, v2, v5;
	vm6 =	veq.s32 v59, v51;
	v7 =	vsel vm7, v15, v9  }
0x327: {  	v8 =	vsel vm7, v16, v10;
	v9 =	vsel vm15, v17, v11;
	v10 =	vsel vm15, v18, v12  }
0x328: {  	vm10 =	vlt.f32 v1, v2;
	vm11 =	vlt.f32 v1, v4;
	vm1 =	vlt.f32 v1, v9  }
0x329: {  	vm9 =	vlt.f32 v1, v7;
	v47 =	vsel vm11, v4, v1;
	v49 =	vnsel vm11, s18, v3  }
0x32a: {  	v12 =	vsel vm10, v2, v1;
	v13 =	vnsel vm10, s18, v44;
	v45 =	vsel vm1, v9, v1  }
0x32b: {  	v46 =	vnsel vm1, s18, v10;
	v50 =	vsel vm1, v47, v9;
	v63 =	vsel vm1, v49, v10  }
0x32c: {  	v4 =	vsel vm11, v12, v4;
	v3 =	vsel vm11, v13, v3;
	v1 =	vsel vm10, v1, v2  }
0x32d: {  	v2 =	vsel vm10, s18, v44;
	v44 =	vsel vm6, $0x7F800000, v58;
	vm10 =	veq.s32 v56, v51  }
0x32e: {  	v6 =	vsel vm9, v45, v7;
	v7 =	vsel vm9, v46, v8;
	vm0 =	vlt.f32 v14, v50  }
0x32f: {  	vm13 =	vlt.f32 v14, v1;
	vm15 =	vlt.f32 v14, v4;
	v59 =	vsel vm10, $0x7F800000, v60  }
0x330: {  	vm14 =	vlt.f32 v14, v6;
	v15 =	vsel vm0, v50, v14;
	v16 =	vnsel vm0, s17, v63  }
0x331: {  	v17 =	vsel vm15, v4, v14;
	v11 =	vnsel vm15, s17, v3;
	v19 =	vsel vm13, v1, v14  }
0x332: {  	v43 =	vnsel vm13, s17, v2;
	v1 =	vsel vm13, v14, v1;
	v2 =	vsel vm13, s17, v2  }
0x333: {  	v5 =	vsel vm14, v15, v6;
	v6 =	vsel vm14, v16, v7;
	v7 =	vsel vm0, v17, v50  }
0x334: {  	v18 =	vsel vm0, v11, v63;
	v4 =	vsel vm15, v19, v4;
	v3 =	vsel vm15, v43, v3  }
0x335: {  	vm0 =	vlt.f32 v44, v1;
	vm14 =	veq.s32 v55, v51;
	vm7 =	vlt.f32 v44, v7  }
0x336: {  	vm8 =	vlt.f32 v44, v4;
	vm9 =	vlt.f32 v44, v5;
	v50 =	vsel vm0, v1, v44  }
0x337: {  	v58 =	vnsel vm0, s15, v2;
	v1 =	vsel vm0, v44, v1;
	v2 =	vsel vm0, s15, v2  }
0x338: {  	v17 =	vsel vm14, $0x7F800000, v57;
	v45 =	vsel vm7, v7, v44;
	v46 =	vnsel vm7, s15, v18  }
0x339: {  	v47 =	vsel vm8, v4, v44;
	v49 =	vnsel vm8, s15, v3;
	v4 =	vsel vm8, v50, v4  }
0x33a: {  	v3 =	vsel vm8, v58, v3;
	vm12 =	vlt.f32 v59, v1;
	vm8 =	veq.s32 v54, v51  }
0x33b: {  	v5 =	vsel vm9, v45, v5;
	v6 =	vsel vm9, v46, v6;
	v7 =	vsel vm7, v47, v7  }
0x33c: {  	v8 =	vsel vm7, v49, v18;
	vm13 =	vlt.f32 v59, v4;
	v15 =	vsel vm12, v1, v59  }
0x33d: {  	v16 =	vnsel vm12, s10, v2;
	v1 =	vsel vm12, v59, v1;
	v2 =	vsel vm12, s10, v2  }
0x33e: {  	v47 =	vsel vm8, $0x7F800000, v53;
	vm12 =	veq.s32 v48, v51;
	vm1 =	vlt.f32 v59, v7  }
0x33f: {  	vm11 =	vlt.f32 v59, v5;
	v62 =	vsel vm13, v4, v59;
	v63 =	vnsel vm13, s10, v3  }
0x340: {  	v4 =	vsel vm13, v15, v4;
	v3 =	vsel vm13, v16, v3;
	vm15 =	vlt.f32 v17, v1  }
0x341: {  	v57 =	vsel vm12, $0x7F800000, v52;
	v60 =	vsel vm1, v7, v59;
	v61 =	vnsel vm1, s10, v8  }
0x342: {  	v7 =	vsel vm1, v62, v7;
	v8 =	vsel vm1, v63, v8;
	vm7 =	vlt.f32 v17, v4  }
0x343: {  	v45 =	vsel vm15, v1, v17;
	v46 =	vnsel vm15, s9, v2;
	v1 =	vsel vm15, v17, v1  }
0x344: {  	v2 =	vsel vm15, s9, v2;
	v5 =	vsel vm11, v60, v5;
	v6 =	vsel vm11, v61, v6  }
0x345: {  	vm0 =	vlt.f32 v17, v7;
	v43 =	vsel vm7, v4, v17;
	v44 =	vnsel vm7, s9, v3  }
0x346: {  	v4 =	vsel vm7, v45, v4;
	v3 =	vsel vm7, v46, v3;
	vm6 =	vlt.f32 v17, v5  }
0x347: {  	v18 =	vsel vm0, v7, v17;
	v19 =	vnsel vm0, s9, v8;
	v7 =	vsel vm0, v43, v7  }
0x348: {  	v8 =	vsel vm0, v44, v8;
	vm0 =	vlt.f32 v47, v1;
	vm10 =	vlt.f32 v47, v4  }
0x349: {  	v5 =	vsel vm6, v18, v5;
	v6 =	vsel vm6, v19, v6;
	vm9 =	vlt.f32 v47, v7  }
0x34a: {  	v53 =	vsel vm10, v4, v47;
	v54 =	vnsel vm10, s6, v3;
	v55 =	vsel vm0, v1, v47  }
0x34b: {  	v56 =	vnsel vm0, s6, v2;
	v1 =	vsel vm0, v47, v1;
	v2 =	vsel vm0, s6, v2  }
0x34c: {  	vm11 =	vlt.f32 v47, v5;
	v49 =	vsel vm9, v7, v47;
	v50 =	vnsel vm9, s6, v8  }
0x34d: {  	s9 =	sor.u32 $0xFFFFFF01, s4;
	v7 =	vsel vm9, v53, v7;
	v8 =	vsel vm9, v54, v8;
	v4 =	vsel vm10, v55, v4  }
0x34e: {  	s10 =	sadd.s32 $0x1, s4;
	s4 =	ssub.s32 s4, s9;
	v3 =	vsel vm10, v56, v3;
	vm13 =	vlt.f32 v57, v1;
	v5 =	vsel vm11, v49, v5  }
0x34f: {  	p0 =	sge.u32 s10, s4;
	v6 =	vsel vm11, v50, v6;
	vm1 =	vlt.f32 v57, v4;
	vm14 =	vlt.f32 v57, v7  }
.Ltmp10:
0x350: {  	v62 =	vsel vm13, v1, v57;
	v63 =	vnsel vm13, s0, v2;
	v51 =	vsel vm13, v57, v1;
	(pc) =	sbr.rel @p0 .LBB2_10-.Ltmp10, $4  }
0x351: {  	v48 =	vsel vm13, s0, v2;
	vm15 =	vlt.f32 v57, v5;
	v58 =	vsel vm14, v7, v57  }
0x352: {  	v59 =	vnsel vm14, s0, v8;
	v60 =	vsel vm1, v4, v57;
	v61 =	vnsel vm1, s0, v3  }
0x353: {  	v49 =	vsel vm1, v62, v4;
	v46 =	vsel vm1, v63, v3;
	v44 =	vsel vm15, v58, v5  }
0x354: {  	s15 =	smov.u32 s12;
	s6 =	smov.u32 s14;
	s0 =	smov.u32 s13;
	v45 =	vsel vm15, v59, v6;
	v47 =	vsel vm14, v60, v7;
	v43 =	vsel vm14, v61, v8  }
.LBB2_18:
0x355: {  	v9 =	vld [tilespmem:s0+$0xFFFFFFF0]  }
0x356: {  	v10 =	vld [tilespmem:s6+$0xFFFFFFF0];
	_ =	sdelay $0x3  }
0x357: {  	v1 =	vbroadcast v9, $0x0  }
0x358: {  	v2 =	vbroadcast v10, $0x0;
	v3 =	vbroadcast v9, $0x1  }
0x359: {  	v4 =	vbroadcast v10, $0x1;
	v5 =	vbroadcast v9, $0x2  }
0x35a: {  	v6 =	vbroadcast v10, $0x2;
	v7 =	vbroadcast v9, $0x3  }
0x35b: {  	v54 =	vbroadcast v9, $0x4;
	v8 =	vbroadcast v10, $0x4  }
0x35c: {  	v12 =	vbroadcast v9, $0x5;
	v13 =	vbroadcast v10, $0x5  }
0x35d: {  	v57 =	vbroadcast v10, $0x6;
	v58 =	vbroadcast v10, $0x7  }
0x35e: {  	v59 =	vbroadcast v9, $0x8;
	v15 =	vbroadcast v10, $0x8  }
0x35f: {  	v60 =	vbroadcast v9, $0x9;
	v61 =	vbroadcast v10, $0x9  }
0x360: {  	v62 =	vbroadcast v9, $0xA;
	v1 =	vsub.f32 v1, v41;
	v2 =	vsub.f32 v2, v42  }
0x361: {  	v17 =	vbroadcast v10, $0xA;
	v3 =	vsub.f32 v3, v41;
	v4 =	vsub.f32 v4, v42  }
0x362: {  	v18 =	vbroadcast v9, $0xB;
	v5 =	vsub.f32 v5, v41;
	v6 =	vsub.f32 v6, v42  }
0x363: {  	v19 =	vbroadcast v10, $0xB;
	v53 =	vsub.f32 v7, v41;
	v7 =	vsub.f32 v54, v41  }
0x364: {  	v20 =	vbroadcast v10, $0xE;
	v8 =	vsub.f32 v8, v42;
	v12 =	vsub.f32 v12, v41  }
0x365: {  	v13 =	vsub.f32 v13, v42;
	v15 =	vsub.f32 v15, v42;
	v1 =	vmul.f32 v1, v1  }
0x366: {  	v17 =	vsub.f32 v17, v42;
	v2 =	vmul.f32 v2, v2;
	v3 =	vmul.f32 v3, v3  }
0x367: {  	v18 =	vsub.f32 v18, v41;
	v4 =	vmul.f32 v4, v4;
	v5 =	vmul.f32 v5, v5  }
0x368: {  	v19 =	vsub.f32 v19, v42;
	v55 =	vmul.f32 v8, v8;
	v56 =	vmul.f32 v13, v13  }
0x369: {  	v13 =	vsub.f32 v59, v41;
	v63 =	vmul.f32 v17, v17;
	v50 =	vmul.f32 v18, v18  }
0x36a: {  	v59 =	vbroadcast v10, $0xC;
	v11 =	vadd.f32 v2, v1;
	v2 =	vbroadcast v10, $0x3  }
0x36b: {  	v20 =	vsub.f32 v20, v42;
	v1 =	vmul.f32 v6, v6;
	v6 =	vmul.f32 v53, v53  }
0x36c: {  	v14 =	vadd.f32 v4, v3;
	v3 =	vmul.f32 v7, v7;
	v2 =	vsub.f32 v2, v42  }
0x36d: {  	v4 =	vsub.f32 v58, v42;
	v58 =	vbroadcast v9, $0xC;
	v8 =	vadd.f32 v1, v5  }
0x36e: {  	v1 =	vmul.f32 v12, v12;
	v12 =	vsub.f32 v57, v42;
	v2 =	vmul.f32 v2, v2  }
0x36f: {  	v16 =	vmul.f32 v4, v4;
	v57 =	vmul.f32 v19, v19;
	vm0 =	vlt.f32 v11, v47  }
0x370: {  	vm1 =	vlt.f32 v11, v44;
	v7 =	vadd.f32 v2, v6;
	v2 =	vbroadcast v9, $0x6  }
0x371: {  	vm2 =	vlt.f32 v11, v49;
	vm12 =	vlt.f32 v11, v51;
	v12 =	vmul.f32 v12, v12  }
0x372: {  	v6 =	vadd.f32 v55, v3;
	v3 =	vbroadcast v9, $0x7;
	v2 =	vsub.f32 v2, v41  }
0x373: {  	v5 =	vadd.f32 v56, v1;
	v1 =	vmul.f32 v13, v13;
	v13 =	vsub.f32 v60, v41  }
0x374: {  	v60 =	vbroadcast v9, $0xD;
	v3 =	vsub.f32 v3, v41;
	v2 =	vmul.f32 v2, v2  }
0x375: {  	v54 =	vadd.f32 v57, v50;
	v50 =	vmul.f32 v20, v20;
	v13 =	vmul.f32 v13, v13  }
0x376: {  	v3 =	vmul.f32 v3, v3;
	v4 =	vadd.f32 v12, v2;
	v2 =	vmul.f32 v15, v15  }
0x377: {  	v12 =	vsub.f32 v61, v42;
	v15 =	vsub.f32 v62, v41;
	v61 =	vbroadcast v10, $0xD  }
0x378: {  	v3 =	vadd.f32 v16, v3;
	v62 =	vbroadcast v9, $0xE;
	v9 =	vbroadcast v9, $0xF  }
0x379: {  	v10 =	vbroadcast v10, $0xF;
	v12 =	vmul.f32 v12, v12;
	v2 =	vadd.f32 v2, v1  }
0x37a: {  	v15 =	vmul.f32 v15, v15;
	v16 =	vsub.f32 v61, v42;
	v19 =	vsub.f32 v62, v41  }
0x37b: {  	s1 =	sadd.s32 $0xFFFFFFE1, s15;
	v56 =	vsel vm0, v47, v11;
	v9 =	vsub.f32 v9, v41;
	v10 =	vsub.f32 v10, v42  }
0x37c: {  	v57 =	vnsel vm0, s1, v43;
	v1 =	vadd.f32 v12, v13;
	v55 =	vadd.f32 v63, v15  }
0x37d: {  	v61 =	vnsel vm12, s1, v48;
	v12 =	vsub.f32 v58, v41;
	v13 =	vsub.f32 v59, v42  }
0x37e: {  	v15 =	vsub.f32 v60, v41;
	v16 =	vmul.f32 v16, v16;
	v63 =	vmul.f32 v19, v19  }
0x37f: {  	v9 =	vmul.f32 v9, v9;
	v10 =	vmul.f32 v10, v10;
	v58 =	vsel vm2, v49, v11  }
0x380: {  	v59 =	vnsel vm2, s1, v46;
	v60 =	vsel vm12, v51, v11;
	v11 =	vsel vm12, v11, v51  }
0x381: {  	v62 =	vsel vm2, v60, v49;
	vm14 =	vlt.f32 v14, v11;
	v12 =	vmul.f32 v12, v12  }
0x382: {  	v13 =	vmul.f32 v13, v13;
	v15 =	vmul.f32 v15, v15;
	v50 =	vadd.f32 v50, v63  }
0x383: {  	v63 =	vsel vm2, v61, v46;
	v49 =	vsel vm14, v11, v14;
	v11 =	vsel vm14, v14, v11  }
0x384: {  	vm3 =	vlt.f32 v14, v62;
	vm6 =	vlt.f32 v8, v11;
	v53 =	vadd.f32 v13, v12  }
0x385: {  	v52 =	vadd.f32 v16, v15;
	v12 =	vsel vm1, v56, v44;
	v13 =	vsel vm1, v57, v45  }
0x386: {  	s20 =	sadd.s32 $0xFFFFFFE2, s15;
	v15 =	vsel vm0, v58, v47;
	v16 =	vsel vm0, v59, v43;
	v43 =	vadd.f32 v10, v9  }
0x387: {  	v44 =	vsel vm12, s1, v48;
	v47 =	vsel vm3, v62, v14;
	v48 =	vnsel vm3, s20, v63  }
0x388: {  	v9 =	vsel vm3, v49, v62;
	v61 =	vsel vm6, v11, v8;
	vm13 =	vlt.f32 v14, v15  }
0x389: {  	vm15 =	vlt.f32 v14, v12;
	v51 =	vnsel vm14, s20, v44;
	v56 =	vsel vm14, s20, v44  }
0x38a: {  	vm7 =	vlt.f32 v8, v9;
	v45 =	vsel vm13, v15, v14;
	v46 =	vnsel vm13, s20, v16  }
0x38b: {  	s21 =	sadd.s32 $0xFFFFFFE3, s15;
	v15 =	vsel vm13, v47, v15;
	v16 =	vsel vm13, v48, v16;
	v10 =	vsel vm3, v51, v63  }
0x38c: {  	v59 =	vsel vm7, v9, v8;
	v62 =	vnsel vm6, s21, v56;
	v9 =	vsel vm7, v61, v9  }
0x38d: {  	v63 =	vsel vm6, s21, v56;
	v12 =	vsel vm15, v45, v12;
	v13 =	vsel vm15, v46, v13  }
0x38e: {  	vm8 =	vlt.f32 v8, v15;
	v60 =	vnsel vm7, s21, v10;
	v10 =	vsel vm7, v62, v10  }
0x38f: {  	vm13 =	vlt.f32 v7, v9;
	vm9 =	vlt.f32 v8, v12;
	v57 =	vsel vm8, v15, v8  }
0x390: {  	s25 =	sadd.s32 $0xFFFFFFE4, s15;
	v58 =	vnsel vm8, s21, v16;
	v15 =	vsel vm8, v59, v15;
	v16 =	vsel vm8, v60, v16  }
0x391: {  	v8 =	vsel vm6, v8, v11;
	v44 =	vsel vm13, v9, v7;
	v45 =	vnsel vm13, s25, v10  }
0x392: {  	v12 =	vsel vm9, v57, v12;
	v13 =	vsel vm9, v58, v13;
	vm10 =	vlt.f32 v7, v15  }
0x393: {  	vm11 =	vlt.f32 v7, v8;
	vm12 =	vlt.f32 v7, v12;
	v18 =	vsel vm10, v15, v7  }
0x394: {  	v19 =	vnsel vm10, s25, v16;
	v14 =	vsel vm10, v44, v15;
	v46 =	vsel vm10, v45, v16  }
0x395: {  	v47 =	vsel vm11, v8, v7;
	v48 =	vnsel vm11, s25, v63;
	v7 =	vsel vm11, v7, v8  }
0x396: {  	v51 =	vsel vm11, s25, v63;
	v12 =	vsel vm12, v18, v12;
	v13 =	vsel vm12, v19, v13  }
0x397: {  	v9 =	vsel vm13, v47, v9;
	v49 =	vsel vm13, v48, v10;
	vm14 =	vlt.f32 v6, v7  }
0x398: {  	s5 =	sadd.s32 $0xFFFFFFE5, s15;
	vm6 =	vlt.f32 v6, v14;
	vm15 =	vlt.f32 v6, v9;
	vm7 =	vlt.f32 v6, v12  }
0x399: {  	v56 =	vsel vm6, v14, v6;
	v57 =	vnsel vm6, s5, v46;
	v62 =	vsel vm14, v7, v6  }
0x39a: {  	v63 =	vnsel vm14, s5, v51;
	v44 =	vsel vm14, s5, v51;
	v58 =	vsel vm15, v9, v6  }
0x39b: {  	v11 =	vsel vm7, v56, v12;
	v59 =	vsel vm7, v57, v13;
	v61 =	vnsel vm15, s5, v49  }
0x39c: {  	v9 =	vsel vm15, v62, v9;
	v8 =	vsel vm15, v63, v49;
	v6 =	vsel vm14, v6, v7  }
0x39d: {  	v60 =	vsel vm6, v58, v14;
	v14 =	vsel vm6, v61, v46;
	vm9 =	vlt.f32 v5, v6  }
0x39e: {  	s8 =	sadd.s32 $0xFFFFFFE6, s15;
	vm10 =	vlt.f32 v5, v11;
	vm11 =	vlt.f32 v5, v9;
	vm8 =	vlt.f32 v5, v60  }
0x39f: {  	v47 =	vsel vm11, v9, v5;
	v48 =	vnsel vm11, s8, v8;
	v51 =	vsel vm9, v6, v5  }
0x3a0: {  	v56 =	vnsel vm9, s8, v44;
	v7 =	vsel vm9, s8, v44;
	v45 =	vsel vm8, v60, v5  }
0x3a1: {  	v46 =	vnsel vm8, s8, v14;
	v12 =	vsel vm8, v47, v60;
	v49 =	vsel vm8, v48, v14  }
0x3a2: {  	v9 =	vsel vm11, v51, v9;
	v5 =	vsel vm9, v5, v6;
	v57 =	vsel vm11, v56, v8  }
0x3a3: {  	v10 =	vsel vm10, v45, v11;
	v11 =	vsel vm10, v46, v59;
	vm12 =	vlt.f32 v4, v5  }
0x3a4: {  	s16 =	sadd.s32 $0xFFFFFFE7, s15;
	vm13 =	vlt.f32 v4, v9;
	vm14 =	vlt.f32 v4, v12;
	vm15 =	vlt.f32 v4, v10  }
0x3a5: {  	v58 =	vsel vm14, v12, v4;
	v59 =	vnsel vm14, s16, v49;
	v60 =	vsel vm13, v9, v4  }
0x3a6: {  	v63 =	vnsel vm13, s16, v57;
	v18 =	vsel vm12, v5, v4;
	v19 =	vnsel vm12, s16, v7  }
0x3a7: {  	v4 =	vsel vm12, v4, v5;
	v44 =	vsel vm12, s16, v7;
	v8 =	vsel vm15, v58, v10  }
0x3a8: {  	v61 =	vsel vm15, v59, v11;
	v62 =	vsel vm14, v60, v12;
	v12 =	vsel vm14, v63, v49  }
0x3a9: {  	v9 =	vsel vm13, v18, v9;
	v6 =	vsel vm13, v19, v57;
	vm7 =	vlt.f32 v3, v4  }
0x3aa: {  	s17 =	sadd.s32 $0xFFFFFFE8, s15;
	vm6 =	vlt.f32 v3, v62;
	vm8 =	vlt.f32 v3, v8;
	vm9 =	vlt.f32 v3, v9  }
0x3ab: {  	v51 =	vsel vm7, v4, v3;
	v56 =	vnsel vm7, s17, v44;
	v5 =	vsel vm7, s17, v44  }
0x3ac: {  	v45 =	vsel vm6, v62, v3;
	v46 =	vnsel vm6, s17, v12;
	v47 =	vsel vm9, v9, v3  }
0x3ad: {  	v48 =	vnsel vm9, s17, v6;
	v9 =	vsel vm9, v51, v9;
	v3 =	vsel vm7, v3, v4  }
0x3ae: {  	v57 =	vsel vm9, v56, v6;
	v7 =	vsel vm8, v45, v8;
	v8 =	vsel vm8, v46, v61  }
0x3af: {  	v10 =	vsel vm6, v47, v62;
	v49 =	vsel vm6, v48, v12;
	vm10 =	vlt.f32 v2, v3  }
0x3b0: {  	s18 =	sadd.s32 $0xFFFFFFE9, s15;
	vm11 =	vlt.f32 v2, v9;
	vm12 =	vlt.f32 v2, v10;
	vm13 =	vlt.f32 v2, v7  }
0x3b1: {  	v60 =	vsel vm11, v9, v2;
	v63 =	vnsel vm11, s18, v57;
	v16 =	vsel vm10, v3, v2  }
0x3b2: {  	v17 =	vnsel vm10, s18, v5;
	v58 =	vsel vm12, v10, v2;
	v59 =	vnsel vm12, s18, v49  }
0x3b3: {  	v62 =	vsel vm12, v60, v10;
	v10 =	vsel vm12, v63, v49;
	v9 =	vsel vm11, v16, v9  }
0x3b4: {  	v4 =	vsel vm11, v17, v57;
	v2 =	vsel vm10, v2, v3;
	v3 =	vsel vm10, s18, v5  }
0x3b5: {  	v6 =	vsel vm13, v58, v7;
	v61 =	vsel vm13, v59, v8;
	vm14 =	vlt.f32 v1, v62  }
0x3b6: {  	s19 =	sadd.s32 $0xFFFFFFEA, s15;
	vm15 =	vlt.f32 v1, v2;
	vm7 =	vlt.f32 v1, v9;
	vm6 =	vlt.f32 v1, v6  }
0x3b7: {  	v18 =	vsel vm14, v62, v1;
	v19 =	vnsel vm14, s19, v10;
	v44 =	vsel vm7, v9, v1  }
0x3b8: {  	v45 =	vnsel vm7, s19, v4;
	v47 =	vsel vm15, v2, v1;
	v48 =	vnsel vm15, s19, v3  }
0x3b9: {  	v1 =	vsel vm15, v1, v2;
	v3 =	vsel vm15, s19, v3;
	v5 =	vsel vm6, v18, v6  }
0x3ba: {  	v6 =	vsel vm6, v19, v61;
	v7 =	vsel vm14, v44, v62;
	v46 =	vsel vm14, v45, v10  }
0x3bb: {  	v9 =	vsel vm7, v47, v9;
	v2 =	vsel vm7, v48, v4;
	vm8 =	vlt.f32 v55, v1  }
0x3bc: {  	s20 =	sadd.s32 $0xFFFFFFEB, s15;
	vm9 =	vlt.f32 v55, v9;
	vm10 =	vlt.f32 v55, v7;
	vm11 =	vlt.f32 v55, v5  }
0x3bd: {  	v60 =	vsel vm8, v1, v55;
	v61 =	vnsel vm8, s20, v3;
	v1 =	vsel vm8, v55, v1  }
0x3be: {  	v3 =	vsel vm8, s20, v3;
	v49 =	vsel vm10, v7, v55;
	v51 =	vnsel vm10, s20, v46  }
0x3bf: {  	v56 =	vsel vm9, v9, v55;
	v59 =	vnsel vm9, s20, v2;
	v62 =	vsel vm9, v60, v9  }
0x3c0: {  	v2 =	vsel vm9, v61, v2;
	vm13 =	vlt.f32 v54, v1;
	v4 =	vsel vm11, v49, v5  }
0x3c1: {  	s21 =	sadd.s32 $0xFFFFFFEC, s15;
	v57 =	vsel vm11, v51, v6;
	v58 =	vsel vm10, v56, v7;
	v7 =	vsel vm10, v59, v46  }
0x3c2: {  	vm15 =	vlt.f32 v54, v62;
	v15 =	vsel vm13, v1, v54;
	v16 =	vnsel vm13, s21, v3  }
0x3c3: {  	v1 =	vsel vm13, v54, v1;
	v3 =	vsel vm13, s21, v3;
	vm12 =	vlt.f32 v54, v58  }
0x3c4: {  	vm14 =	vlt.f32 v54, v4;
	v13 =	vsel vm15, v62, v54;
	v14 =	vnsel vm15, s21, v2  }
0x3c5: {  	v8 =	vsel vm15, v15, v62;
	v2 =	vsel vm15, v16, v2;
	vm6 =	vlt.f32 v53, v1  }
0x3c6: {  	v63 =	vsel vm12, v58, v54;
	v12 =	vnsel vm12, s21, v7;
	v6 =	vsel vm12, v13, v58  }
0x3c7: {  	s25 =	sadd.s32 $0xFFFFFFED, s15;
	v7 =	vsel vm12, v14, v7;
	vm7 =	vlt.f32 v53, v8;
	v44 =	vsel vm6, v1, v53  }
0x3c8: {  	v45 =	vnsel vm6, s25, v3;
	v1 =	vsel vm6, v53, v1;
	v3 =	vsel vm6, s25, v3  }
0x3c9: {  	v4 =	vsel vm14, v63, v4;
	v5 =	vsel vm14, v12, v57;
	vm8 =	vlt.f32 v53, v6  }
0x3ca: {  	v18 =	vsel vm7, v8, v53;
	v19 =	vnsel vm7, s25, v2;
	v8 =	vsel vm7, v44, v8  }
0x3cb: {  	v2 =	vsel vm7, v45, v2;
	vm11 =	vlt.f32 v52, v1;
	vm9 =	vlt.f32 v53, v4  }
0x3cc: {  	v17 =	vsel vm8, v6, v53;
	v10 =	vnsel vm8, s25, v7;
	v6 =	vsel vm8, v18, v6  }
0x3cd: {  	s5 =	sadd.s32 $0xFFFFFFEE, s15;
	v7 =	vsel vm8, v19, v7;
	vm13 =	vlt.f32 v52, v8;
	v51 =	vsel vm11, v1, v52  }
0x3ce: {  	v53 =	vnsel vm11, s5, v3;
	v1 =	vsel vm11, v52, v1;
	v3 =	vsel vm11, s5, v3  }
0x3cf: {  	v15 =	vld [tilespmem:s6+$0x0];
	v4 =	vsel vm9, v17, v4;
	v5 =	vsel vm9, v10, v5;
	vm10 =	vlt.f32 v52, v6  }
0x3d0: {  	v48 =	vsel vm13, v8, v52;
	v49 =	vnsel vm13, s5, v2;
	v8 =	vsel vm13, v51, v8  }
0x3d1: {  	v2 =	vsel vm13, v53, v2;
	vm14 =	vlt.f32 v50, v1;
	vm12 =	vlt.f32 v52, v4  }
0x3d2: {  	v46 =	vsel vm10, v6, v52;
	v47 =	vnsel vm10, s5, v7;
	v6 =	vsel vm10, v48, v6  }
0x3d3: {  	s8 =	sadd.s32 $0xFFFFFFEF, s15;
	v13 =	vld [tilespmem:s0+$0x0];
	v7 =	vsel vm10, v49, v7;
	vm15 =	vlt.f32 v50, v8;
	v57 =	vsel vm14, v1, v50  }
0x3d4: {  	v58 =	vnsel vm14, s8, v3;
	v61 =	vbroadcast v15, $0x0;
	v62 =	vbroadcast v15, $0x1  }
0x3d5: {  	v1 =	vsel vm14, v50, v1;
	v45 =	vbroadcast v15, $0x3;
	v49 =	vbroadcast v15, $0x6  }
0x3d6: {  	v12 =	vsel vm14, s8, v3;
	v22 =	vbroadcast v15, $0x8;
	v52 =	vbroadcast v15, $0x9  }
0x3d7: {  	v4 =	vsel vm12, v46, v4;
	v5 =	vsel vm12, v47, v5;
	vm6 =	vlt.f32 v50, v6  }
0x3d8: {  	v55 =	vsel vm15, v8, v50;
	v56 =	vnsel vm15, s8, v2;
	v60 =	vbroadcast v13, $0x0  }
0x3d9: {  	v59 =	vsel vm15, v57, v8;
	v63 =	vbroadcast v13, $0x2;
	v44 =	vbroadcast v13, $0x3  }
0x3da: {  	v2 =	vsel vm15, v58, v2;
	v47 =	vbroadcast v15, $0x5;
	v48 =	vbroadcast v13, $0x6  }
0x3db: {  	vm9 =	vlt.f32 v43, v1;
	v51 =	vbroadcast v13, $0x9;
	v57 =	vbroadcast v15, $0xC  }
0x3dc: {  	v58 =	vbroadcast v13, $0xD;
	vm7 =	vlt.f32 v50, v4;
	v54 =	vsel vm6, v6, v50  }
0x3dd: {  	v10 =	vnsel vm6, s8, v7;
	v6 =	vsel vm6, v55, v6;
	v7 =	vsel vm6, v56, v7  }
0x3de: {  	vm11 =	vlt.f32 v43, v59;
	v17 =	vsel vm9, v43, v1;
	v18 =	vsub.f32 v45, v42  }
0x3df: {  	v50 =	vbroadcast v15, $0x7;
	v22 =	vsub.f32 v22, v42;
	v55 =	vbroadcast v13, $0xB  }
0x3e0: {  	v56 =	vbroadcast v13, $0xC;
	v4 =	vsel vm7, v54, v4;
	v5 =	vsel vm7, v10, v5  }
0x3e1: {  	vm8 =	vlt.f32 v43, v6;
	v21 =	vsub.f32 v48, v41;
	v54 =	vbroadcast v15, $0xA  }
0x3e2: {  	s16 =	sadd.s32 $0xFFFFFFF0, s15;
	v45 =	vsub.f32 v57, v42;
	vm10 =	vlt.f32 v43, v4;
	v3 =	vsel vm8, v6, v43  }
0x3e3: {  	v46 =	vmul.f32 v18, v18;
	v9 =	vsel vm10, v3, v4;
	v3 =	vnsel vm8, s16, v7  }
0x3e4: {  	v18 =	vsub.f32 v49, v42;
	v8 =	vsel vm10, v3, v5;
	v3 =	vsel vm11, v59, v43  }
0x3e5: {  	v5 =	vsub.f32 v61, v42;
	v10 =	vsel vm8, v3, v6;
	v3 =	vnsel vm11, s16, v2  }
0x3e6: {  	v4 =	vsub.f32 v60, v41;
	v60 =	vbroadcast v13, $0xE;
	v11 =	vsel vm8, v3, v7  }
0x3e7: {  	v3 =	vsel vm9, v1, v43;
	v1 =	vmul.f32 v5, v5;
	v43 =	vbroadcast v15, $0x2  }
0x3e8: {  	v5 =	vsub.f32 v63, v41;
	v14 =	vsel vm11, v3, v59;
	v3 =	vnsel vm9, s16, v12  }
0x3e9: {  	v7 =	vsub.f32 v44, v41;
	v44 =	vsub.f32 v52, v42;
	v16 =	vsel vm11, v3, v2  }
0x3ea: {  	v2 =	vmul.f32 v4, v4;
	v3 =	vbroadcast v13, $0x1;
	v4 =	vsub.f32 v62, v42  }
0x3eb: {  	v61 =	vbroadcast v15, $0xE;
	v6 =	vsub.f32 v43, v42;
	v43 =	vsub.f32 v51, v41  }
0x3ec: {  	v59 =	vmul.f32 v45, v45;
	v12 =	vsel vm9, s16, v12;
	v3 =	vsub.f32 v3, v41  }
0x3ed: {  	v4 =	vmul.f32 v4, v4;
	v53 =	vmul.f32 v43, v43;
	v43 =	vsub.f32 v54, v42  }
0x3ee: {  	v19 =	vadd.f32 v1, v2;
	v1 =	vmul.f32 v5, v5;
	v2 =	vmul.f32 v6, v6  }
0x3ef: {  	v62 =	vsub.f32 v61, v42;
	v3 =	vmul.f32 v3, v3;
	v43 =	vmul.f32 v43, v43  }
0x3f0: {  	vm12 =	vlt.f32 v19, v10;
	vm13 =	vlt.f32 v19, v9;
	vm14 =	vlt.f32 v19, v14  }
0x3f1: {  	vm15 =	vlt.f32 v19, v17;
	v20 =	vadd.f32 v4, v3;
	v3 =	vmul.f32 v7, v7  }
0x3f2: {  	s17 =	sadd.s32 $0xFFFFFFF1, s15;
	v7 =	vadd.f32 v2, v1;
	v1 =	vbroadcast v13, $0x4;
	v2 =	vbroadcast v15, $0x4  }
0x3f3: {  	v49 =	vsel vm12, v10, v19;
	v51 =	vnsel vm12, s17, v11;
	v6 =	vadd.f32 v46, v3  }
0x3f4: {  	v3 =	vbroadcast v13, $0x5;
	v1 =	vsub.f32 v1, v41;
	v2 =	vsub.f32 v2, v42  }
0x3f5: {  	v52 =	vsel vm14, v14, v19;
	v54 =	vsel vm15, v17, v19;
	v4 =	vsub.f32 v47, v42  }
0x3f6: {  	v3 =	vsub.f32 v3, v41;
	v1 =	vmul.f32 v1, v1;
	v2 =	vmul.f32 v2, v2  }
0x3f7: {  	v57 =	vsel vm15, v19, v17;
	v9 =	vsel vm13, v49, v9;
	v4 =	vmul.f32 v4, v4  }
0x3f8: {  	v3 =	vmul.f32 v3, v3;
	v5 =	vadd.f32 v2, v1;
	v2 =	vbroadcast v13, $0x7  }
0x3f9: {  	v8 =	vsel vm13, v51, v8;
	v1 =	vmul.f32 v21, v21;
	v21 =	vbroadcast v13, $0x8  }
0x3fa: {  	v10 =	vsel vm12, v52, v10;
	v4 =	vadd.f32 v4, v3;
	v2 =	vsub.f32 v2, v41  }
0x3fb: {  	v3 =	vmul.f32 v18, v18;
	v18 =	vsub.f32 v50, v42;
	v21 =	vsub.f32 v21, v41  }
0x3fc: {  	vm6 =	vlt.f32 v20, v57;
	vm8 =	vlt.f32 v20, v10;
	v2 =	vmul.f32 v2, v2  }
0x3fd: {  	v18 =	vmul.f32 v18, v18;
	v3 =	vadd.f32 v3, v1;
	v1 =	vmul.f32 v21, v21  }
0x3fe: {  	vm9 =	vlt.f32 v20, v9;
	v21 =	vmul.f32 v22, v22;
	v22 =	vmul.f32 v44, v44  }
0x3ff: {  	v44 =	vsub.f32 v56, v41;
	v56 =	vnsel vm15, s17, v12;
	v12 =	vsel vm15, s17, v12  }
0x400: {  	v2 =	vadd.f32 v18, v2;
	v1 =	vadd.f32 v21, v1;
	v21 =	vbroadcast v13, $0xA  }
0x401: {  	v48 =	vadd.f32 v22, v53;
	v22 =	vbroadcast v15, $0xB;
	v18 =	vsub.f32 v55, v41  }
0x402: {  	v13 =	vbroadcast v13, $0xF;
	v53 =	vnsel vm14, s17, v16;
	v21 =	vsub.f32 v21, v41  }
0x403: {  	v55 =	vsel vm14, v54, v14;
	v14 =	vsel vm14, v56, v16;
	v22 =	vsub.f32 v22, v42  }
0x404: {  	v11 =	vsel vm12, v53, v11;
	v13 =	vsub.f32 v13, v41;
	v21 =	vmul.f32 v21, v21  }
0x405: {  	s18 =	sadd.s32 $0xFFFFFFF2, s15;
	vm7 =	vlt.f32 v20, v55;
	v18 =	vmul.f32 v18, v18;
	v22 =	vmul.f32 v22, v22  }
0x406: {  	v61 =	vnsel vm7, s18, v14;
	v13 =	vmul.f32 v13, v13;
	v47 =	vadd.f32 v43, v21  }
0x407: {  	v21 =	vmul.f32 v44, v44;
	v46 =	vadd.f32 v22, v18;
	v22 =	vbroadcast v15, $0xD  }
0x408: {  	v43 =	vsub.f32 v58, v41;
	v15 =	vbroadcast v15, $0xF;
	v58 =	vsel vm8, v10, v20  }
0x409: {  	v44 =	vsub.f32 v60, v41;
	v60 =	vsel vm7, v55, v20;
	v9 =	vsel vm9, v58, v9  }
0x40a: {  	v10 =	vsel vm8, v60, v10;
	v22 =	vsub.f32 v22, v42;
	v43 =	vmul.f32 v43, v43  }
0x40b: {  	v15 =	vsub.f32 v15, v42;
	v45 =	vadd.f32 v59, v21;
	v63 =	vmul.f32 v44, v44  }
0x40c: {  	v21 =	vmul.f32 v62, v62;
	v59 =	vnsel vm8, s18, v11;
	v62 =	vsel vm6, v57, v20  }
0x40d: {  	v11 =	vsel vm8, v61, v11;
	vm12 =	vlt.f32 v7, v10;
	vm13 =	vlt.f32 v7, v9  }
0x40e: {  	s19 =	sadd.s32 $0xFFFFFFF3, s15;
	v8 =	vsel vm9, v59, v8;
	v49 =	vsel vm12, v10, v7;
	v22 =	vmul.f32 v22, v22  }
0x40f: {  	v51 =	vnsel vm12, s19, v11;
	v15 =	vmul.f32 v15, v15;
	v9 =	vsel vm13, v49, v9  }
0x410: {  	v8 =	vsel vm13, v51, v8;
	v44 =	vadd.f32 v22, v43;
	v43 =	vadd.f32 v21, v63  }
0x411: {  	v50 =	vadd.f32 v15, v13;
	v13 =	vsel vm7, v62, v55;
	v63 =	vnsel vm6, s18, v12  }
0x412: {  	v15 =	vsel vm6, v20, v57;
	v12 =	vsel vm6, s18, v12;
	v14 =	vsel vm7, v63, v14  }
0x413: {  	vm10 =	vlt.f32 v7, v15;
	vm11 =	vlt.f32 v7, v13;
	vm7 =	vlt.f32 v6, v9  }
0x414: {  	v52 =	vsel vm11, v13, v7;
	v53 =	vnsel vm11, s19, v14;
	v54 =	vsel vm10, v15, v7  }
0x415: {  	v55 =	vnsel vm10, s19, v12;
	v7 =	vsel vm10, v7, v15;
	v12 =	vsel vm10, s19, v12  }
0x416: {  	v10 =	vsel vm12, v52, v10;
	v11 =	vsel vm12, v53, v11;
	v13 =	vsel vm11, v54, v13  }
0x417: {  	s20 =	sadd.s32 $0xFFFFFFF4, s15;
	v14 =	vsel vm11, v55, v14;
	vm14 =	vlt.f32 v6, v7;
	vm15 =	vlt.f32 v6, v13  }
0x418: {  	vm6 =	vlt.f32 v6, v10;
	v60 =	vsel vm14, v7, v6;
	v61 =	vnsel vm14, s20, v12  }
0x419: {  	v62 =	vsel vm14, s20, v12;
	v56 =	vsel vm6, v10, v6;
	v57 =	vnsel vm6, s20, v11  }
0x41a: {  	v58 =	vsel vm15, v13, v6;
	v59 =	vnsel vm15, s20, v14;
	v13 =	vsel vm15, v60, v13  }
0x41b: {  	v14 =	vsel vm15, v61, v14;
	v6 =	vsel vm14, v6, v7;
	v9 =	vsel vm7, v56, v9  }
0x41c: {  	v8 =	vsel vm7, v57, v8;
	v10 =	vsel vm6, v58, v10;
	v11 =	vsel vm6, v59, v11  }
0x41d: {  	s21 =	sadd.s32 $0xFFFFFFF5, s15;
	vm8 =	vlt.f32 v5, v6;
	vm9 =	vlt.f32 v5, v13;
	vm10 =	vlt.f32 v5, v10  }
0x41e: {  	vm11 =	vlt.f32 v5, v9;
	v19 =	vsel vm9, v13, v5;
	v49 =	vnsel vm9, s21, v14  }
0x41f: {  	v51 =	vsel vm8, v6, v5;
	v53 =	vnsel vm8, s21, v62;
	v54 =	vsel vm8, s21, v62  }
0x420: {  	v63 =	vsel vm10, v10, v5;
	v18 =	vnsel vm10, s21, v11;
	v10 =	vsel vm10, v19, v10  }
0x421: {  	v11 =	vsel vm10, v49, v11;
	v52 =	vsel vm9, v51, v13;
	v13 =	vsel vm9, v53, v14  }
0x422: {  	v5 =	vsel vm8, v5, v6;
	v9 =	vsel vm11, v63, v9;
	v8 =	vsel vm11, v18, v8  }
0x423: {  	s25 =	sadd.s32 $0xFFFFFFF6, s15;
	vm12 =	vlt.f32 v4, v5;
	vm13 =	vlt.f32 v4, v52;
	vm14 =	vlt.f32 v4, v10  }
0x424: {  	vm15 =	vlt.f32 v4, v9;
	v55 =	vsel vm14, v10, v4;
	v56 =	vnsel vm14, s25, v11  }
0x425: {  	v57 =	vsel vm13, v52, v4;
	v58 =	vnsel vm13, s25, v13;
	v59 =	vsel vm12, v5, v4  }
0x426: {  	v61 =	vnsel vm12, s25, v54;
	v4 =	vsel vm12, v4, v5;
	v62 =	vsel vm12, s25, v54  }
0x427: {  	v7 =	vsel vm15, v55, v9;
	v8 =	vsel vm15, v56, v8;
	v9 =	vsel vm14, v57, v10  }
0x428: {  	v10 =	vsel vm14, v58, v11;
	v60 =	vsel vm13, v59, v52;
	v12 =	vsel vm13, v61, v13  }
0x429: {  	s5 =	sadd.s32 $0xFFFFFFF7, s15;
	vm6 =	vlt.f32 v3, v4;
	vm7 =	vlt.f32 v3, v60;
	vm8 =	vlt.f32 v3, v9  }
0x42a: {  	vm9 =	vlt.f32 v3, v7;
	v49 =	vsel vm6, v4, v3;
	v52 =	vnsel vm6, s5, v62  }
0x42b: {  	v53 =	vsel vm6, s5, v62;
	v63 =	vsel vm8, v9, v3;
	v16 =	vnsel vm8, s5, v10  }
0x42c: {  	v18 =	vsel vm7, v60, v3;
	v19 =	vnsel vm7, s5, v12;
	v51 =	vsel vm7, v49, v60  }
0x42d: {  	v11 =	vsel vm7, v52, v12;
	v3 =	vsel vm6, v3, v4;
	v6 =	vsel vm9, v63, v7  }
0x42e: {  	v17 =	vsel vm9, v16, v8;
	v8 =	vsel vm8, v18, v9;
	v9 =	vsel vm8, v19, v10  }
0x42f: {  	s8 =	sadd.s32 $0xFFFFFFF8, s15;
	vm10 =	vlt.f32 v2, v3;
	vm11 =	vlt.f32 v2, v51;
	vm12 =	vlt.f32 v2, v8  }
0x430: {  	vm13 =	vlt.f32 v2, v6;
	v57 =	vsel vm11, v51, v2;
	v58 =	vnsel vm11, s8, v11  }
0x431: {  	v59 =	vsel vm10, v3, v2;
	v61 =	vnsel vm10, s8, v53;
	v54 =	vsel vm12, v8, v2  }
0x432: {  	v55 =	vnsel vm12, s8, v9;
	v7 =	vsel vm12, v57, v8;
	v8 =	vsel vm12, v58, v9  }
0x433: {  	v60 =	vsel vm11, v59, v51;
	v10 =	vsel vm11, v61, v11;
	v2 =	vsel vm10, v2, v3  }
0x434: {  	v3 =	vsel vm10, s8, v53;
	v5 =	vsel vm13, v54, v6;
	v56 =	vsel vm13, v55, v17  }
0x435: {  	s16 =	sadd.s32 $0xFFFFFFF9, s15;
	vm14 =	vlt.f32 v1, v2;
	vm15 =	vlt.f32 v1, v60;
	vm6 =	vlt.f32 v1, v7  }
0x436: {  	vm7 =	vlt.f32 v1, v5;
	v62 =	vsel vm6, v7, v1;
	v63 =	vnsel vm6, s16, v8  }
0x437: {  	v13 =	vsel vm15, v60, v1;
	v14 =	vnsel vm15, s16, v10;
	v15 =	vsel vm14, v2, v1  }
0x438: {  	v17 =	vnsel vm14, s16, v3;
	v1 =	vsel vm14, v1, v2;
	v2 =	vsel vm14, s16, v3  }
0x439: {  	v4 =	vsel vm7, v62, v5;
	v12 =	vsel vm7, v63, v56;
	v6 =	vsel vm6, v13, v7  }
0x43a: {  	v7 =	vsel vm6, v14, v8;
	v16 =	vsel vm15, v15, v60;
	v9 =	vsel vm15, v17, v10  }
0x43b: {  	s17 =	sadd.s32 $0xFFFFFFFA, s15;
	vm8 =	vlt.f32 v48, v1;
	vm9 =	vlt.f32 v48, v16;
	vm10 =	vlt.f32 v48, v6  }
0x43c: {  	vm11 =	vlt.f32 v48, v4;
	v52 =	vsel vm8, v1, v48;
	v54 =	vnsel vm8, s17, v2  }
0x43d: {  	v1 =	vsel vm8, v48, v1;
	v2 =	vsel vm8, s17, v2;
	v3 =	vsel vm10, v6, v48  }
0x43e: {  	v18 =	vnsel vm10, s17, v7;
	v49 =	vsel vm9, v16, v48;
	v51 =	vnsel vm9, s17, v9  }
0x43f: {  	v53 =	vsel vm9, v52, v16;
	v8 =	vsel vm9, v54, v9;
	vm12 =	vlt.f32 v47, v1  }
0x440: {  	v3 =	vsel vm11, v3, v4;
	v19 =	vsel vm11, v18, v12;
	v5 =	vsel vm10, v49, v6  }
0x441: {  	s18 =	sadd.s32 $0xFFFFFFFB, s15;
	v6 =	vsel vm10, v51, v7;
	vm13 =	vlt.f32 v47, v53;
	v59 =	vsel vm12, v1, v47  }
0x442: {  	v60 =	vnsel vm12, s18, v2;
	v1 =	vsel vm12, v47, v1;
	v2 =	vsel vm12, s18, v2  }
0x443: {  	vm14 =	vlt.f32 v47, v5;
	vm15 =	vlt.f32 v47, v3;
	v57 =	vsel vm13, v53, v47  }
0x444: {  	v58 =	vnsel vm13, s18, v8;
	v7 =	vsel vm13, v59, v53;
	v8 =	vsel vm13, v60, v8  }
0x445: {  	vm6 =	vlt.f32 v46, v1;
	v55 =	vsel vm14, v5, v47;
	v56 =	vnsel vm14, s18, v6  }
0x446: {  	s19 =	sadd.s32 $0xFFFFFFFC, s15;
	v5 =	vsel vm14, v57, v5;
	v6 =	vsel vm14, v58, v6;
	vm7 =	vlt.f32 v46, v7  }
0x447: {  	v13 =	vsel vm6, v1, v46;
	v14 =	vnsel vm6, s19, v2;
	v1 =	vsel vm6, v46, v1  }
0x448: {  	v2 =	vsel vm6, s19, v2;
	v3 =	vsel vm15, v55, v3;
	v4 =	vsel vm15, v56, v19  }
0x449: {  	vm8 =	vlt.f32 v46, v5;
	v63 =	vsel vm7, v7, v46;
	v12 =	vnsel vm7, s19, v8  }
0x44a: {  	v7 =	vsel vm7, v13, v7;
	v8 =	vsel vm7, v14, v8;
	vm10 =	vlt.f32 v45, v1  }
0x44b: {  	vm9 =	vlt.f32 v46, v3;
	v61 =	vsel vm8, v5, v46;
	v62 =	vnsel vm8, s19, v6  }
0x44c: {  	s20 =	sadd.s32 $0xFFFFFFFD, s15;
	v5 =	vsel vm8, v63, v5;
	v6 =	vsel vm8, v12, v6;
	vm11 =	vlt.f32 v45, v7  }
0x44d: {  	v19 =	vsel vm10, v1, v45;
	v46 =	vnsel vm10, s20, v2;
	v1 =	vsel vm10, v45, v1  }
0x44e: {  	v2 =	vsel vm10, s20, v2;
	v3 =	vsel vm9, v61, v3;
	v4 =	vsel vm9, v62, v4  }
0x44f: {  	vm12 =	vlt.f32 v45, v5;
	v17 =	vsel vm11, v7, v45;
	v18 =	vnsel vm11, s20, v8  }
0x450: {  	v7 =	vsel vm11, v19, v7;
	v8 =	vsel vm11, v46, v8;
	vm14 =	vlt.f32 v44, v1  }
0x451: {  	vm13 =	vlt.f32 v45, v3;
	v15 =	vsel vm12, v5, v45;
	v16 =	vnsel vm12, s20, v6  }
0x452: {  	s21 =	sadd.s32 $0xFFFFFFFE, s15;
	v5 =	vsel vm12, v17, v5;
	v6 =	vsel vm12, v18, v6;
	vm15 =	vlt.f32 v44, v7  }
0x453: {  	v52 =	vsel vm14, v1, v44;
	v53 =	vnsel vm14, s21, v2;
	v1 =	vsel vm14, v44, v1  }
0x454: {  	v2 =	vsel vm14, s21, v2;
	v3 =	vsel vm13, v15, v3;
	v4 =	vsel vm13, v16, v4  }
0x455: {  	vm6 =	vlt.f32 v44, v5;
	v49 =	vsel vm15, v7, v44;
	v51 =	vnsel vm15, s21, v8  }
0x456: {  	v7 =	vsel vm15, v52, v7;
	v8 =	vsel vm15, v53, v8;
	vm8 =	vlt.f32 v43, v1  }
0x457: {  	vm7 =	vlt.f32 v44, v3;
	v47 =	vsel vm6, v5, v44;
	v48 =	vnsel vm6, s21, v6  }
0x458: {  	s25 =	sadd.s32 $0xFFFFFFFF, s15;
	v5 =	vsel vm6, v49, v5;
	v6 =	vsel vm6, v51, v6;
	vm9 =	vlt.f32 v43, v7  }
0x459: {  	v58 =	vsel vm8, v1, v43;
	v59 =	vnsel vm8, s25, v2;
	v1 =	vsel vm8, v43, v1  }
0x45a: {  	v2 =	vsel vm8, s25, v2;
	v3 =	vsel vm7, v47, v3;
	v4 =	vsel vm7, v48, v4  }
0x45b: {  	vm10 =	vlt.f32 v43, v5;
	v56 =	vsel vm9, v7, v43;
	v57 =	vnsel vm9, s25, v8  }
0x45c: {  	v7 =	vsel vm9, v58, v7;
	v8 =	vsel vm9, v59, v8;
	vm14 =	vlt.f32 v50, v1  }
0x45d: {  	vm11 =	vlt.f32 v43, v3;
	v54 =	vsel vm10, v5, v43;
	v55 =	vnsel vm10, s25, v6  }
0x45e: {  	s10 =	sadd.s32 $0x2, s10;
	v5 =	vsel vm10, v56, v5;
	v6 =	vsel vm10, v57, v6;
	vm15 =	vlt.f32 v50, v7  }
0x45f: {  	p0 =	slt.u32 s10, s4;
	v63 =	vnsel vm14, s15, v2;
	v48 =	vsel vm14, s15, v2;
	v51 =	vsel vm14, v50, v1  }
.Ltmp11:
0x460: {  	v3 =	vsel vm11, v54, v3;
	v4 =	vsel vm11, v55, v4;
	vm12 =	vlt.f32 v50, v5;
	(pc) =	sbr.rel @p0 .LBB2_18-.Ltmp11, $4  }
0x461: {  	v61 =	vsel vm15, v7, v50;
	vm13 =	vlt.f32 v50, v3;
	v60 =	vsel vm12, v5, v50  }
0x462: {  	v62 =	vnsel vm15, s15, v8;
	v44 =	vsel vm13, v60, v3;
	v3 =	vnsel vm12, s15, v6  }
0x463: {  	v46 =	vsel vm15, v63, v8;
	v45 =	vsel vm13, v3, v4;
	v3 =	vsel vm14, v1, v50  }
0x464: {  	s6 =	sadd.s32 $0x20, s6;
	s0 =	sadd.s32 $0x20, s0;
	v47 =	vsel vm12, v61, v5;
	v43 =	vsel vm12, v62, v6;
	s15 =	sadd.s32 $0x20, s15;
	v49 =	vsel vm15, v3, v7  }
.LBB2_10:
0x465: {  	p0 =	sgt.u32 s4, $0xFF  }
.Ltmp12:
0x466: {  	_ = 	snop;
	(pc) =	sbr.rel @p0 .LBB2_13-.Ltmp12, $1  }
0x467: {  	_ =	sdelay $0x3  }
0x468: {  	s0 =	sshll.u32 s9, $0x6  }
0x469: {  	s4 =	sshll.u32 s9, $0x4;
	s1 =	ssub.s32 $0x0, s0  }
0x46a: {  	s10 =	smov.u32 s30;
	s0 =	ssub.s32 s31, s9;
	s1 =	sshra.s32 s1, $0x2  }
0x46b: {  	s4 =	ssub.s32 $0x0, s4;
	s6 =	sadd.s32 s1, s29;
	s9 =	sadd.s32 s1, s28  }
.LBB2_12:
0x46c: {  	v9 =	vld [tilespmem:s6+$0x0]  }
0x46d: {  	v10 =	vld [tilespmem:s9+$0x0];
	_ =	sdelay $0x3  }
0x46e: {  	v1 =	vbroadcast v9, $0x0  }
0x46f: {  	v2 =	vbroadcast v10, $0x0;
	v3 =	vbroadcast v9, $0x1  }
0x470: {  	v4 =	vbroadcast v10, $0x1;
	v5 =	vbroadcast v9, $0x2  }
0x471: {  	v6 =	vbroadcast v10, $0x2;
	v7 =	vbroadcast v9, $0x3  }
0x472: {  	v8 =	vbroadcast v10, $0x3;
	v50 =	vbroadcast v10, $0x4  }
0x473: {  	v52 =	vbroadcast v9, $0x5;
	v53 =	vbroadcast v10, $0x5  }
0x474: {  	v54 =	vbroadcast v9, $0x6;
	v13 =	vbroadcast v10, $0x6  }
0x475: {  	v55 =	vbroadcast v10, $0x7;
	v56 =	vbroadcast v9, $0x8  }
0x476: {  	v57 =	vbroadcast v10, $0x8;
	v16 =	vbroadcast v9, $0x9  }
0x477: {  	v17 =	vbroadcast v10, $0x9;
	v59 =	vbroadcast v9, $0xA  }
0x478: {  	v60 =	vbroadcast v10, $0xA;
	v61 =	vbroadcast v9, $0xB;
	v1 =	vsub.f32 v1, v41  }
0x479: {  	v62 =	vbroadcast v10, $0xB;
	v2 =	vsub.f32 v2, v42;
	v3 =	vsub.f32 v3, v41  }
0x47a: {  	v63 =	vbroadcast v9, $0xC;
	v4 =	vsub.f32 v4, v42;
	v5 =	vsub.f32 v5, v41  }
0x47b: {  	v19 =	vbroadcast v10, $0xC;
	v6 =	vsub.f32 v6, v42;
	v7 =	vsub.f32 v7, v41  }
0x47c: {  	v20 =	vbroadcast v10, $0xE;
	v8 =	vsub.f32 v8, v42;
	v14 =	vsub.f32 v54, v41  }
0x47d: {  	v13 =	vsub.f32 v13, v42;
	v16 =	vsub.f32 v16, v41;
	v1 =	vmul.f32 v1, v1  }
0x47e: {  	v17 =	vsub.f32 v17, v42;
	v2 =	vmul.f32 v2, v2;
	v3 =	vmul.f32 v3, v3  }
0x47f: {  	v19 =	vsub.f32 v19, v42;
	v4 =	vmul.f32 v4, v4;
	v5 =	vmul.f32 v5, v5  }
0x480: {  	v20 =	vsub.f32 v20, v42;
	v6 =	vmul.f32 v6, v6;
	v58 =	vmul.f32 v17, v17  }
0x481: {  	v17 =	vsub.f32 v60, v42;
	v60 =	vbroadcast v10, $0xD;
	v10 =	vbroadcast v10, $0xF  }
0x482: {  	v11 =	vadd.f32 v2, v1;
	v1 =	vmul.f32 v7, v7;
	v12 =	vadd.f32 v4, v3  }
0x483: {  	v2 =	vmul.f32 v8, v8;
	v8 =	vadd.f32 v6, v5;
	v4 =	vsub.f32 v50, v42  }
0x484: {  	v3 =	vbroadcast v9, $0x4;
	v5 =	vsub.f32 v52, v41;
	v6 =	vsub.f32 v53, v42  }
0x485: {  	v17 =	vmul.f32 v17, v17;
	v53 =	vbroadcast v9, $0xD;
	v10 =	vsub.f32 v10, v42  }
0x486: {  	v3 =	vsub.f32 v3, v41;
	v4 =	vmul.f32 v4, v4;
	v5 =	vmul.f32 v5, v5  }
0x487: {  	v15 =	vmul.f32 v6, v6;
	v7 =	vadd.f32 v2, v1;
	v1 =	vmul.f32 v14, v14  }
0x488: {  	v2 =	vbroadcast v9, $0x7;
	v14 =	vsub.f32 v57, v42;
	v3 =	vmul.f32 v3, v3  }
0x489: {  	v10 =	vmul.f32 v10, v10;
	vm0 =	vlt.f32 v11, v47;
	vm1 =	vlt.f32 v11, v44  }
0x48a: {  	vm2 =	vlt.f32 v11, v49;
	v2 =	vsub.f32 v2, v41;
	v6 =	vadd.f32 v4, v3  }
0x48b: {  	v3 =	vmul.f32 v13, v13;
	v4 =	vsub.f32 v55, v42;
	v13 =	vsub.f32 v56, v41  }
0x48c: {  	vm3 =	vlt.f32 v11, v51;
	v14 =	vmul.f32 v14, v14;
	v2 =	vmul.f32 v2, v2  }
0x48d: {  	v5 =	vadd.f32 v15, v5;
	v18 =	vmul.f32 v4, v4;
	v13 =	vmul.f32 v13, v13  }
0x48e: {  	v4 =	vadd.f32 v3, v1;
	v1 =	vmul.f32 v16, v16;
	v16 =	vsub.f32 v59, v41  }
0x48f: {  	v15 =	vsel vm0, v47, v11;
	v3 =	vadd.f32 v18, v2;
	v2 =	vadd.f32 v14, v13  }
0x490: {  	v59 =	vmul.f32 v19, v19;
	v13 =	vsub.f32 v61, v41;
	v14 =	vsub.f32 v62, v42  }
0x491: {  	v16 =	vmul.f32 v16, v16;
	v18 =	vsub.f32 v63, v41;
	v61 =	vbroadcast v9, $0xE  }
0x492: {  	v1 =	vadd.f32 v58, v1;
	v9 =	vbroadcast v9, $0xF;
	v63 =	vmul.f32 v20, v20  }
0x493: {  	v50 =	vmul.f32 v18, v18;
	v56 =	vadd.f32 v17, v16;
	v18 =	vsub.f32 v53, v41  }
0x494: {  	s15 =	sadd.s32 s10, s4;
	v13 =	vmul.f32 v13, v13;
	v17 =	vsub.f32 v60, v42;
	v19 =	vsub.f32 v61, v41  }
0x495: {  	s1 =	sadd.s32 $0xFFFFFFF1, s15;
	v14 =	vmul.f32 v14, v14;
	v9 =	vsub.f32 v9, v41;
	v18 =	vmul.f32 v18, v18  }
0x496: {  	v16 =	vnsel vm0, s1, v43;
	v17 =	vmul.f32 v17, v17;
	v62 =	vmul.f32 v19, v19  }
0x497: {  	v55 =	vadd.f32 v14, v13;
	v54 =	vadd.f32 v59, v50;
	v9 =	vmul.f32 v9, v9  }
0x498: {  	v19 =	vsel vm3, v51, v11;
	v53 =	vadd.f32 v17, v18;
	v52 =	vadd.f32 v63, v62  }
0x499: {  	v50 =	vadd.f32 v10, v9;
	v9 =	vsel vm1, v15, v44;
	v10 =	vsel vm1, v16, v45  }
0x49a: {  	v17 =	vsel vm2, v49, v11;
	v18 =	vnsel vm2, s1, v46;
	v15 =	vsel vm2, v19, v49  }
0x49b: {  	v44 =	vnsel vm3, s1, v48;
	v11 =	vsel vm3, v11, v51;
	v45 =	vsel vm3, s1, v48  }
0x49c: {  	v13 =	vsel vm0, v17, v47;
	v14 =	vsel vm0, v18, v43;
	v16 =	vsel vm2, v44, v46  }
0x49d: {  	s18 =	sadd.s32 $0xFFFFFFF2, s15;
	vm6 =	vlt.f32 v12, v11;
	vm7 =	vlt.f32 v12, v15;
	vm9 =	vlt.f32 v12, v9  }
0x49e: {  	vm8 =	vlt.f32 v12, v13;
	v48 =	vsel vm7, v15, v12;
	v49 =	vnsel vm7, s18, v16  }
0x49f: {  	v51 =	vsel vm6, v11, v12;
	v57 =	vnsel vm6, s18, v45;
	v11 =	vsel vm6, v12, v11  }
0x4a0: {  	v58 =	vsel vm6, s18, v45;
	v46 =	vsel vm8, v13, v12;
	v47 =	vnsel vm8, s18, v14  }
0x4a1: {  	v13 =	vsel vm8, v48, v13;
	v14 =	vsel vm8, v49, v14;
	v15 =	vsel vm7, v51, v15  }
0x4a2: {  	v16 =	vsel vm7, v57, v16;
	vm10 =	vlt.f32 v8, v11;
	v9 =	vsel vm9, v46, v9  }
0x4a3: {  	s19 =	sadd.s32 $0xFFFFFFF3, s15;
	v10 =	vsel vm9, v47, v10;
	vm11 =	vlt.f32 v8, v15;
	vm12 =	vlt.f32 v8, v13  }
0x4a4: {  	v63 =	vsel vm10, v11, v8;
	v43 =	vnsel vm10, s19, v58;
	v44 =	vsel vm10, s19, v58  }
0x4a5: {  	vm13 =	vlt.f32 v8, v9;
	v59 =	vsel vm12, v13, v8;
	v60 =	vnsel vm12, s19, v14  }
0x4a6: {  	v61 =	vsel vm11, v15, v8;
	v62 =	vnsel vm11, s19, v16;
	v15 =	vsel vm11, v63, v15  }
0x4a7: {  	v16 =	vsel vm11, v43, v16;
	v8 =	vsel vm10, v8, v11;
	v9 =	vsel vm13, v59, v9  }
0x4a8: {  	v10 =	vsel vm13, v60, v10;
	v13 =	vsel vm12, v61, v13;
	v14 =	vsel vm12, v62, v14  }
0x4a9: {  	s20 =	sadd.s32 $0xFFFFFFF4, s15;
	vm14 =	vlt.f32 v7, v8;
	vm15 =	vlt.f32 v7, v15;
	vm6 =	vlt.f32 v7, v13  }
0x4aa: {  	vm7 =	vlt.f32 v7, v9;
	v47 =	vsel vm15, v15, v7;
	v48 =	vnsel vm15, s20, v16  }
0x4ab: {  	v49 =	vsel vm14, v8, v7;
	v57 =	vnsel vm14, s20, v44;
	v58 =	vsel vm14, s20, v44  }
0x4ac: {  	v45 =	vsel vm6, v13, v7;
	v46 =	vnsel vm6, s20, v14;
	v12 =	vsel vm6, v47, v13  }
0x4ad: {  	v13 =	vsel vm6, v48, v14;
	v51 =	vsel vm15, v49, v15;
	v15 =	vsel vm15, v57, v16  }
0x4ae: {  	v7 =	vsel vm14, v7, v8;
	v9 =	vsel vm7, v45, v9;
	v10 =	vsel vm7, v46, v10  }
0x4af: {  	s21 =	sadd.s32 $0xFFFFFFF5, s15;
	vm8 =	vlt.f32 v6, v7;
	vm9 =	vlt.f32 v6, v51;
	vm10 =	vlt.f32 v6, v12  }
0x4b0: {  	vm11 =	vlt.f32 v6, v9;
	v59 =	vsel vm10, v12, v6;
	v60 =	vnsel vm10, s21, v13  }
0x4b1: {  	v61 =	vsel vm9, v51, v6;
	v62 =	vnsel vm9, s21, v15;
	v63 =	vsel vm8, v7, v6  }
0x4b2: {  	v44 =	vnsel vm8, s21, v58;
	v6 =	vsel vm8, v6, v7;
	v45 =	vsel vm8, s21, v58  }
0x4b3: {  	v9 =	vsel vm11, v59, v9;
	v10 =	vsel vm11, v60, v10;
	v11 =	vsel vm10, v61, v12  }
0x4b4: {  	v12 =	vsel vm10, v62, v13;
	v43 =	vsel vm9, v63, v51;
	v14 =	vsel vm9, v44, v15  }
0x4b5: {  	s25 =	sadd.s32 $0xFFFFFFF6, s15;
	vm12 =	vlt.f32 v5, v6;
	vm13 =	vlt.f32 v5, v43;
	vm14 =	vlt.f32 v5, v11  }
0x4b6: {  	vm15 =	vlt.f32 v5, v9;
	v57 =	vsel vm12, v6, v5;
	v59 =	vnsel vm12, s25, v45  }
0x4b7: {  	v60 =	vsel vm12, s25, v45;
	v46 =	vsel vm14, v11, v5;
	v47 =	vnsel vm14, s25, v12  }
0x4b8: {  	v49 =	vsel vm13, v43, v5;
	v51 =	vnsel vm13, s25, v14;
	v58 =	vsel vm13, v57, v43  }
0x4b9: {  	v13 =	vsel vm13, v59, v14;
	v5 =	vsel vm12, v5, v6;
	v8 =	vsel vm15, v46, v9  }
0x4ba: {  	v48 =	vsel vm15, v47, v10;
	v10 =	vsel vm14, v49, v11;
	v11 =	vsel vm14, v51, v12  }
0x4bb: {  	s5 =	sadd.s32 $0xFFFFFFF7, s15;
	vm6 =	vlt.f32 v4, v5;
	vm7 =	vlt.f32 v4, v58;
	vm8 =	vlt.f32 v4, v10  }
0x4bc: {  	vm9 =	vlt.f32 v4, v8;
	v15 =	vsel vm7, v58, v4;
	v16 =	vnsel vm7, s5, v13  }
0x4bd: {  	v17 =	vsel vm6, v5, v4;
	v19 =	vnsel vm6, s5, v60;
	v43 =	vsel vm6, s5, v60  }
0x4be: {  	v61 =	vsel vm8, v10, v4;
	v62 =	vnsel vm8, s5, v11;
	v9 =	vsel vm8, v15, v10  }
0x4bf: {  	v10 =	vsel vm8, v16, v11;
	v18 =	vsel vm7, v17, v58;
	v12 =	vsel vm7, v19, v13  }
0x4c0: {  	v4 =	vsel vm6, v4, v5;
	v7 =	vsel vm9, v61, v8;
	v63 =	vsel vm9, v62, v48  }
0x4c1: {  	s8 =	sadd.s32 $0xFFFFFFF8, s15;
	vm10 =	vlt.f32 v3, v4;
	vm11 =	vlt.f32 v3, v18;
	vm12 =	vlt.f32 v3, v9  }
0x4c2: {  	vm13 =	vlt.f32 v3, v7;
	v44 =	vsel vm12, v9, v3;
	v45 =	vnsel vm12, s8, v10  }
0x4c3: {  	v47 =	vsel vm11, v18, v3;
	v48 =	vnsel vm11, s8, v12;
	v49 =	vsel vm10, v4, v3  }
0x4c4: {  	v57 =	vnsel vm10, s8, v43;
	v3 =	vsel vm10, v3, v4;
	v58 =	vsel vm10, s8, v43  }
0x4c5: {  	v6 =	vsel vm13, v44, v7;
	v46 =	vsel vm13, v45, v63;
	v8 =	vsel vm12, v47, v9  }
0x4c6: {  	v9 =	vsel vm12, v48, v10;
	v51 =	vsel vm11, v49, v18;
	v11 =	vsel vm11, v57, v12  }
0x4c7: {  	s16 =	sadd.s32 $0xFFFFFFF9, s15;
	vm14 =	vlt.f32 v2, v3;
	vm15 =	vlt.f32 v2, v51;
	vm6 =	vlt.f32 v2, v8  }
0x4c8: {  	vm7 =	vlt.f32 v2, v6;
	v16 =	vsel vm14, v3, v2;
	v18 =	vnsel vm14, s16, v58  }
0x4c9: {  	v59 =	vsel vm6, v8, v2;
	v60 =	vnsel vm6, s16, v9;
	v62 =	vsel vm15, v51, v2  }
0x4ca: {  	v63 =	vnsel vm15, s16, v11;
	v17 =	vsel vm15, v16, v51;
	v10 =	vsel vm15, v18, v11  }
0x4cb: {  	v2 =	vsel vm14, v2, v3;
	v3 =	vsel vm14, s16, v58;
	v5 =	vsel vm7, v59, v6  }
0x4cc: {  	v61 =	vsel vm7, v60, v46;
	v7 =	vsel vm6, v62, v8;
	v8 =	vsel vm6, v63, v9  }
0x4cd: {  	s17 =	sadd.s32 $0xFFFFFFFA, s15;
	vm8 =	vlt.f32 v1, v2;
	vm9 =	vlt.f32 v1, v17;
	vm10 =	vlt.f32 v1, v7  }
0x4ce: {  	vm11 =	vlt.f32 v1, v5;
	v45 =	vsel vm9, v17, v1;
	v46 =	vnsel vm9, s17, v10  }
0x4cf: {  	v47 =	vsel vm8, v2, v1;
	v49 =	vnsel vm8, s17, v3;
	v19 =	vsel vm10, v7, v1  }
0x4d0: {  	v43 =	vnsel vm10, s17, v8;
	v6 =	vsel vm10, v45, v7;
	v7 =	vsel vm10, v46, v8  }
0x4d1: {  	v48 =	vsel vm9, v47, v17;
	v9 =	vsel vm9, v49, v10;
	v1 =	vsel vm8, v1, v2  }
0x4d2: {  	v2 =	vsel vm8, s17, v3;
	v4 =	vsel vm11, v19, v5;
	v44 =	vsel vm11, v43, v61  }
0x4d3: {  	s18 =	sadd.s32 $0xFFFFFFFB, s15;
	vm12 =	vlt.f32 v56, v1;
	vm13 =	vlt.f32 v56, v48;
	vm14 =	vlt.f32 v56, v6  }
0x4d4: {  	vm15 =	vlt.f32 v56, v4;
	v3 =	vsel vm14, v6, v56;
	v51 =	vnsel vm14, s18, v7  }
0x4d5: {  	v58 =	vsel vm13, v48, v56;
	v59 =	vnsel vm13, s18, v9;
	v60 =	vsel vm12, v1, v56  }
0x4d6: {  	v62 =	vnsel vm12, s18, v2;
	v1 =	vsel vm12, v56, v1;
	v2 =	vsel vm12, s18, v2  }
0x4d7: {  	v3 =	vsel vm15, v3, v4;
	v57 =	vsel vm15, v51, v44;
	v5 =	vsel vm14, v58, v6  }
0x4d8: {  	v6 =	vsel vm14, v59, v7;
	v61 =	vsel vm13, v60, v48;
	v8 =	vsel vm13, v62, v9  }
0x4d9: {  	s19 =	sadd.s32 $0xFFFFFFFC, s15;
	vm6 =	vlt.f32 v55, v1;
	vm7 =	vlt.f32 v55, v61;
	vm8 =	vlt.f32 v55, v5  }
0x4da: {  	vm9 =	vlt.f32 v55, v3;
	v15 =	vsel vm6, v1, v55;
	v16 =	vnsel vm6, s19, v2  }
0x4db: {  	v1 =	vsel vm6, v55, v1;
	v2 =	vsel vm6, s19, v2;
	v63 =	vsel vm8, v5, v55  }
0x4dc: {  	v12 =	vnsel vm8, s19, v6;
	v13 =	vsel vm7, v61, v55;
	v14 =	vnsel vm7, s19, v8  }
0x4dd: {  	v7 =	vsel vm7, v15, v61;
	v8 =	vsel vm7, v16, v8;
	vm10 =	vlt.f32 v54, v1  }
0x4de: {  	v3 =	vsel vm9, v63, v3;
	v4 =	vsel vm9, v12, v57;
	v5 =	vsel vm8, v13, v5  }
0x4df: {  	s20 =	sadd.s32 $0xFFFFFFFD, s15;
	v6 =	vsel vm8, v14, v6;
	vm11 =	vlt.f32 v54, v7;
	v44 =	vsel vm10, v1, v54  }
0x4e0: {  	v45 =	vnsel vm10, s20, v2;
	v1 =	vsel vm10, v54, v1;
	v2 =	vsel vm10, s20, v2  }
0x4e1: {  	vm12 =	vlt.f32 v54, v5;
	vm13 =	vlt.f32 v54, v3;
	v19 =	vsel vm11, v7, v54  }
0x4e2: {  	v43 =	vnsel vm11, s20, v8;
	v7 =	vsel vm11, v44, v7;
	v8 =	vsel vm11, v45, v8  }
0x4e3: {  	vm14 =	vlt.f32 v53, v1;
	v17 =	vsel vm12, v5, v54;
	v18 =	vnsel vm12, s20, v6  }
0x4e4: {  	s21 =	sadd.s32 $0xFFFFFFFE, s15;
	v5 =	vsel vm12, v19, v5;
	v6 =	vsel vm12, v43, v6;
	vm15 =	vlt.f32 v53, v7  }
0x4e5: {  	v51 =	vsel vm14, v1, v53;
	v54 =	vnsel vm14, s21, v2;
	v1 =	vsel vm14, v53, v1  }
0x4e6: {  	v2 =	vsel vm14, s21, v2;
	v3 =	vsel vm13, v17, v3;
	v4 =	vsel vm13, v18, v4  }
0x4e7: {  	vm6 =	vlt.f32 v53, v5;
	v48 =	vsel vm15, v7, v53;
	v49 =	vnsel vm15, s21, v8  }
0x4e8: {  	v7 =	vsel vm15, v51, v7;
	v8 =	vsel vm15, v54, v8;
	vm8 =	vlt.f32 v52, v1  }
0x4e9: {  	vm7 =	vlt.f32 v53, v3;
	v46 =	vsel vm6, v5, v53;
	v47 =	vnsel vm6, s21, v6  }
0x4ea: {  	s25 =	sadd.s32 $0xFFFFFFFF, s15;
	v5 =	vsel vm6, v48, v5;
	v6 =	vsel vm6, v49, v6;
	vm9 =	vlt.f32 v52, v7  }
0x4eb: {  	v59 =	vsel vm8, v1, v52;
	v60 =	vnsel vm8, s25, v2;
	v1 =	vsel vm8, v52, v1  }
0x4ec: {  	v2 =	vsel vm8, s25, v2;
	v3 =	vsel vm7, v46, v3;
	v4 =	vsel vm7, v47, v4  }
0x4ed: {  	vm10 =	vlt.f32 v52, v5;
	v57 =	vsel vm9, v7, v52;
	v58 =	vnsel vm9, s25, v8  }
0x4ee: {  	v7 =	vsel vm9, v59, v7;
	v8 =	vsel vm9, v60, v8;
	vm12 =	vlt.f32 v50, v1  }
0x4ef: {  	vm11 =	vlt.f32 v52, v3;
	v55 =	vsel vm10, v5, v52;
	v56 =	vnsel vm10, s25, v6  }
0x4f0: {  	s0 =	sadd.s32 $0x1, s0;
	v5 =	vsel vm10, v57, v5;
	v6 =	vsel vm10, v58, v6;
	vm13 =	vlt.f32 v50, v7  }
0x4f1: {  	p0 =	slt.u32 s0, $0xFF;
	v63 =	vsel vm12, v1, v50;
	v3 =	vsel vm11, v55, v3;
	vm14 =	vlt.f32 v50, v5  }
.Ltmp13:
0x4f2: {  	v51 =	vsel vm12, v50, v1;
	vm15 =	vlt.f32 v50, v3;
	v61 =	vsel vm14, v5, v50;
	(pc) =	sbr.rel @p0 .LBB2_12-.Ltmp13, $4  }
0x4f3: {  	v48 =	vsel vm12, s15, v2;
	v44 =	vsel vm15, v61, v3;
	v3 =	vsel vm13, v7, v50  }
0x4f4: {  	v4 =	vsel vm11, v56, v4;
	v47 =	vsel vm14, v3, v5;
	v3 =	vnsel vm13, s15, v8  }
0x4f5: {  	v62 =	vnsel vm14, s15, v6;
	v43 =	vsel vm14, v3, v6;
	v3 =	vnsel vm12, s15, v2  }
0x4f6: {  	s10 =	sadd.s32 $0x10, s10;
	s6 =	sadd.s32 $0x10, s6;
	s9 =	sadd.s32 $0x10, s9;
	v49 =	vsel vm13, v63, v7;
	v45 =	vsel vm15, v62, v4;
	v46 =	vsel vm13, v3, v8  }
.Ltmp14:
0x4f7: {  	_ = 	snop;
	(pc) =	sbr.rel .LBB2_13-.Ltmp14, $1  }
0x4f8: {  	_ =	sdelay $0x3  }
.LBB2_15:
0x4f9: {  	_ =	sfence.sel $0x180000  }
0x4fa: {  	[bflag:$0x0] =	sbarrier.arrive $0xFFFF  }
0x4fb: {  	_ =	strace $0x90000047  }
0x4fc: {  	s0 =	stileid.u32;
	[bflag:$0x2] =	sbarrier.arrive $0xFFFF  }
0x4fd: {  	p0 =	sne.s32 s0, $0x0;
	s0 =	rddreg [dreg:$0x6]  }
0x4fe: {  	s0 =	sadd.s32 @!p0 $0x100000, s0  }
0x4ff: {  	[sflag:s0] =	ssyncadd.tile.s32 @!p0 $0x1;
	_ =	shalt  }
.Lfunc_end2:
_tile_overlayer_lowered:
.L_overlay_start_2:
0x500: {  	(tag) =	ssettag $0x2  }
0x501: {  	s0 =	rddreg [dreg:$0x0];
	s2 =	stileid.u32  }
0x502: {  	s1 =	rddreg [dreg:$0x1];
	p0 =	sne.s32 s2, $0x0  }
0x503: {  	s3 =	rddreg [dreg:$0x2];
	[bflag:$0x3] =	sbarrier.arrive $0xFFFF;
	s2 =	simm.s32 @!p0 $0x1C01  }
0x504: {  	[timem:s3], [sflag:s2] =	dma.local @!p0 [hbm:s0], s1  }
0x505: {  	s0 =	simm.s32 @!p0 $0x1  }
0x506: {  	_ =	swait.ge @!p0 [sflag:s0], s1  }
0x507: {  	s1 =	ssub.s32 @!p0 $0x0, s1;
	[sflag:s0] =	ssyncset.done @!p0 $0x0  }
0x508: {  	[sflag:s0] =	ssyncadd.s32 @!p0 s1  }
0x509: {  	[bflag:$0x3] =	sbarrier.arrive $0xFFFF  }
0x50a: {  	_ =	shalt  }

</sc_bundles>
